<compile_context>
chip_gen: v7x
topology: tpu7x:2x2x1
jax: 0.10.2.dev20260603
libtpu: 0.0.44.dev20260713+nightly
codegen_flags: <defaults>
</compile_context>

<pallas_src>
import functools

import jax
import jax.numpy as jnp
from jax import lax
from jax.experimental import pallas as pl
from jax.experimental.pallas import tpu as pltpu
from jax.experimental.pallas import tpu_sc as plsc

NC = 2
NS = 16
NW = NC * NS
CH = 1000


_SC_PARAMS = pltpu.CompilerParams(use_tc_tiling_on_sc=False)


def _mesh():
    return plsc.VectorSubcoreMesh(core_axis_name="c", subcore_axis_name="s",
                                  num_cores=NC, num_subcores=NS)



def _sc_gather(table, idx):
    n, f = table.shape
    e = idx.shape[0]
    per_w = e // NW
    nch = per_w // CH

    @functools.partial(
        pl.kernel,
        out_type=jax.ShapeDtypeStruct((e, 128), jnp.float32),
        mesh=_mesh(),
        compiler_params=_SC_PARAMS,
        scratch_types=[
            pltpu.VMEM((CH,), jnp.int32),
            pltpu.VMEM((CH, f), jnp.float32),
            pltpu.SemaphoreType.DMA,
        ],
    )
    def gk(table_hbm, idx_hbm, out_hbm, idx_v, rows_v, sem):
        wid = lax.axis_index("s") * NC + lax.axis_index("c")
        base = wid * per_w
        for k in range(nch):
            off = base + k * CH
            pltpu.sync_copy(idx_hbm.at[pl.ds(off, CH)], idx_v)
            pltpu.async_copy(table_hbm.at[idx_v], rows_v, sem).wait()
            pltpu.sync_copy(rows_v, out_hbm.at[pl.ds(off, CH), pl.ds(0, f)])

    return gk(table, idx)


def _sc_scatter_update(msg48, dst, z):
    e = dst.shape[0]
    n = z.shape[0]
    nl = n // NC
    ntr = (nl + NS) // NS
    npad = ntr * NS
    per_t = e // NS
    ch = 1200
    nch = per_t // ch
    tail = per_t - nch * ch
    last = nl - (NS - 1) * ntr
    zeros = jnp.zeros((npad, 48), jnp.float32)

    @functools.partial(
        pl.kernel,
        out_type=jax.ShapeDtypeStruct((n, 32), jnp.float32),
        mesh=_mesh(),
        compiler_params=_SC_PARAMS,
        scratch_types=[
            pltpu.VMEM((ch, 48), jnp.float32),
            pltpu.VMEM((ch,), jnp.int32),
            pltpu.VMEM((tail, 48), jnp.float32),
            pltpu.VMEM((tail,), jnp.int32),
            pltpu.VMEM((ntr, 48), jnp.float32),
            pltpu.VMEM((ntr, 32), jnp.float32),
            pltpu.VMEM_SHARED((npad, 48), jnp.float32),
        ],
    )
    def sk(msg_hbm, dst_hbm, z_hbm, zeros_hbm, out_hbm,
           msg_v, idx_v, msgt_v, idxt_v, acc_t, z_t, acc_sh):
        c = lax.axis_index("c")
        s = lax.axis_index("s")
        lo = c * nl
        pltpu.sync_copy(zeros_hbm.at[pl.ds(s * ntr, ntr)],
                        acc_sh.at[pl.ds(s * ntr, ntr)])
        plsc.subcore_barrier()

        def remap(idx_ref, nvec):
            def one(v, carry):
                vec = idx_ref[pl.ds(v * 16, 16)]
                loc = vec - lo
                ok = (loc >= 0) & (loc < nl)
                trash = nl + (vec & 7)
                idx_ref[pl.ds(v * 16, 16)] = jnp.where(ok, loc, trash)
                return carry
            lax.fori_loop(0, nvec, one, 0)

        base = s * per_t
        for k in range(nch):
            off = base + k * ch
            pltpu.sync_copy(dst_hbm.at[pl.ds(off, ch)], idx_v)
            pltpu.sync_copy(msg_hbm.at[pl.ds(off, ch), pl.ds(0, 48)], msg_v)
            remap(idx_v, ch // 16)
            pltpu.sync_copy(msg_v, acc_sh.at[idx_v], add=True)
        off = base + nch * ch
        pltpu.sync_copy(dst_hbm.at[pl.ds(off, tail)], idxt_v)
        pltpu.sync_copy(msg_hbm.at[pl.ds(off, tail), pl.ds(0, 48)], msgt_v)
        remap(idxt_v, tail // 16)
        pltpu.sync_copy(msgt_v, acc_sh.at[idxt_v], add=True)
        plsc.subcore_barrier()

        row0 = s * ntr
        grow = lo + row0
        pltpu.sync_copy(acc_sh.at[pl.ds(row0, ntr)], acc_t)

        def upd(r, carry):
            degv = acc_t[r, pl.ds(32, 16)]
            dinv = 1.0 / jnp.maximum(degv, 1.0)
            for h in range(2):
                a = acc_t[r, pl.ds(h * 16, 16)]
                zz = z_t[r, pl.ds(h * 16, 16)]
                z_t[r, pl.ds(h * 16, 16)] = jnp.maximum(a * dinv + zz, 0.0)
            return carry

        @pl.when(s < NS - 1)
        def _():
            pltpu.sync_copy(z_hbm.at[pl.ds(grow, ntr)], z_t)
            lax.fori_loop(0, ntr, upd, 0)
            pltpu.sync_copy(z_t, out_hbm.at[pl.ds(grow, ntr)])

        @pl.when(s == NS - 1)
        def _():
            pltpu.sync_copy(z_hbm.at[pl.ds(grow, last)], z_t.at[pl.ds(0, last)])
            lax.fori_loop(0, last, upd, 0)
            pltpu.sync_copy(z_t.at[pl.ds(0, last)], out_hbm.at[pl.ds(grow, last)])

    return sk(msg48, dst, z, zeros)



def _tc_node_proj_z(h, w0, b0, wroot, bconv):
    n, d = h.shape
    f = w0.shape[1]
    bn = 2000

    def body(h_ref, w_ref, b_ref, wr_ref, bc_ref, o_ref, z_ref):
        acc = jnp.dot(h_ref[...], w_ref[...], preferred_element_type=jnp.float32)
        o = jnp.maximum(acc + b_ref[...], 0.0)
        o_ref[...] = o
        z_ref[...] = jnp.dot(o, wr_ref[...],
                             preferred_element_type=jnp.float32) + bc_ref[...]

    return pl.pallas_call(
        body,
        grid=(n // bn,),
        in_specs=[
            pl.BlockSpec((bn, d), lambda i: (i, 0)),
            pl.BlockSpec((d, f), lambda i: (0, 0)),
            pl.BlockSpec((1, f), lambda i: (0, 0)),
            pl.BlockSpec((f, f), lambda i: (0, 0)),
            pl.BlockSpec((1, f), lambda i: (0, 0)),
        ],
        out_specs=[
            pl.BlockSpec((bn, f), lambda i: (i, 0)),
            pl.BlockSpec((bn, f), lambda i: (i, 0)),
        ],
        out_shape=[
            jax.ShapeDtypeStruct((n, f), jnp.float32),
            jax.ShapeDtypeStruct((n, f), jnp.float32),
        ],
    )(h, w0, b0.reshape(1, f), wroot, bconv.reshape(1, f))


def _tc_z(out, wroot, bconv):
    n, f = out.shape
    bn = 2000

    def body(o_ref, wr_ref, bc_ref, z_ref):
        z_ref[...] = jnp.dot(o_ref[...], wr_ref[...],
                             preferred_element_type=jnp.float32) + bc_ref[...]

    return pl.pallas_call(
        body,
        grid=(n // bn,),
        in_specs=[
            pl.BlockSpec((bn, f), lambda i: (i, 0)),
            pl.BlockSpec((f, f), lambda i: (0, 0)),
            pl.BlockSpec((1, f), lambda i: (0, 0)),
        ],
        out_specs=pl.BlockSpec((bn, f), lambda i: (i, 0)),
        out_shape=jax.ShapeDtypeStruct((n, f), jnp.float32),
    )(out, wroot, bconv.reshape(1, f))


def _tc_edge_mlp(edge_attr, ws, bs, w1, b1):
    e, ng = edge_attr.shape
    k3 = ws.shape[1]
    hid = w1.shape[1]
    at = edge_attr.T
    be = 3200

    def body(a_ref, ws_ref, bs_ref, w1_ref, b1_ref, o_ref):
        ea = lax.dot_general(a_ref[...], ws_ref[...],
                             (((0,), (0,)), ((), ())),
                             preferred_element_type=jnp.float32)
        ea = jnp.maximum(ea + bs_ref[...], 0.0)
        t = jnp.dot(ea, w1_ref[...], preferred_element_type=jnp.float32)
        o_ref[...] = jnp.maximum(t + b1_ref[...], 0.0)

    return pl.pallas_call(
        body,
        grid=(e // be,),
        in_specs=[
            pl.BlockSpec((ng, be), lambda i: (0, i)),
            pl.BlockSpec((ng, k3), lambda i: (0, 0)),
            pl.BlockSpec((1, k3), lambda i: (0, 0)),
            pl.BlockSpec((k3, hid), lambda i: (0, 0)),
            pl.BlockSpec((1, hid), lambda i: (0, 0)),
        ],
        out_specs=pl.BlockSpec((be, hid), lambda i: (i, 0)),
        out_shape=jax.ShapeDtypeStruct((e, hid), jnp.float32),
    )(at, ws, bs.reshape(1, k3), w1, b1.reshape(1, hid))


def _tc_msg(t, xg, w2p, b2p, gmat):
    e, hid = t.shape
    nf = 32
    kk = nf * nf
    be = 4000
    def body(t_ref, x_ref, w2_ref, b2_ref, g_ref, o_ref):
        tb = t_ref[...].astype(jnp.bfloat16)
        we = jnp.dot(tb, w2_ref[...], preferred_element_type=jnp.float32)
        we = (we + b2_ref[...]).astype(jnp.bfloat16)
        x = x_ref[:, :nf]
        xt = jnp.tile(x.astype(jnp.bfloat16), (1, nf))
        m = xt * we
        res = jnp.dot(m, g_ref[...], preferred_element_type=jnp.float32)
        o_ref[:, :48] = jnp.concatenate(
            [res, jnp.ones((be, 16), jnp.float32)], axis=1)

    return pl.pallas_call(
        body,
        grid=(e // be,),
        in_specs=[
            pl.BlockSpec((be, hid), lambda i: (i, 0)),
            pl.BlockSpec((be, 128), lambda i: (i, 0)),
            pl.BlockSpec((hid, kk), lambda i: (0, 0)),
            pl.BlockSpec((1, kk), lambda i: (0, 0)),
            pl.BlockSpec((kk, nf), lambda i: (0, 0)),
        ],
        out_specs=pl.BlockSpec((be, 128), lambda i: (i, 0)),
        out_shape=jax.ShapeDtypeStruct((e, 128), jnp.float32),
    )(t, xg, w2p, b2p.reshape(1, kk), gmat)



def kernel(h, edge_index, edge_weight, edge_attr, data,
           W0, b0, Ws, bs, W1, b1, W2, b2, Wroot, bconv):
    nf = W0.shape[1]
    src = edge_index[0].astype(jnp.int32)
    dst = edge_index[1].astype(jnp.int32)

    hid = W1.shape[1]
    w2p = W2.reshape(hid, nf, nf).transpose(0, 2, 1).reshape(hid, nf * nf)
    w2p = w2p.astype(jnp.bfloat16)
    b2p = b2.reshape(nf, nf).T.reshape(nf * nf)
    gmat = jnp.repeat(jnp.eye(nf, dtype=jnp.bfloat16), nf, axis=0)

    out0, z0 = _tc_node_proj_z(h, W0, b0, Wroot, bconv)
    t = _tc_edge_mlp(edge_attr, Ws, bs, W1, b1)

    xg1 = _sc_gather(out0, src)
    msg1 = _tc_msg(t, xg1, w2p, b2p, gmat)
    out1 = _sc_scatter_update(msg1, dst, z0)

    z1 = _tc_z(out1, Wroot, bconv)
    xg2 = _sc_gather(out1, src)
    msg2 = _tc_msg(t, xg2, w2p, b2p, gmat)
    out2 = _sc_scatter_update(msg2, dst, z1)
    return out2

# --- scband reference (transcript-rebuilt; emitter-appended) ---
"""Pipeline reference for scband-cgcnn-interactions-78073915507063 (READ-ONLY COPY).

The authoritative reference and input builder live on the scoring server;
editing this copy changes nothing except your own understanding.
"""

import jax, jax.numpy as jnp
import numpy as np

N, E = 10000, 160000
D_IN, NG, NF, HID = 128, 16, 32, 128


def _glorot(key, fi, fo):
    return jax.random.normal(key, (fi, fo), dtype=jnp.float32) * (1.0 / np.sqrt(fi))


def setup_inputs(seed: int = 0):
    key = jax.random.key(seed)
    ks = jax.random.split(key, 16)
    inp = {}
    inp["h"] = jax.random.normal(ks[0], (N, D_IN), dtype=jnp.float32)
    inp["edge_index"] = jax.random.randint(ks[1], (2, E), 0, N)
    inp["edge_weight"] = jax.random.uniform(ks[2], (E,), dtype=jnp.float32)
    inp["edge_attr"] = jax.random.uniform(ks[3], (E, NG), dtype=jnp.float32)
    inp["data"] = jnp.zeros((1,), dtype=jnp.float32)
    inp["W0"] = _glorot(ks[4], D_IN, NF)
    inp["b0"] = jnp.zeros((NF,), jnp.float32)
    inp["Ws"] = _glorot(ks[5], NG, 3)
    inp["bs"] = jnp.zeros((3,), jnp.float32)
    inp["W1"] = _glorot(ks[6], 3, HID)
    inp["b1"] = jnp.zeros((HID,), jnp.float32)
    inp["W2"] = _glorot(ks[7], HID, NF * NF)
    inp["b2"] = jnp.zeros((NF * NF,), jnp.float32)
    inp["Wroot"] = _glorot(ks[8], NF, NF)
    inp["bconv"] = jnp.zeros((NF,), jnp.float32)
    return inp


def _forward(h, edge_weight, edge_attr, data, W0, b0, Ws, bs, W1, b1, W2, b2, Wroot, bconv, edge_index):
    # lin0 + relu
    out = jax.nn.relu(h @ W0 + b0)
    # short + relu (edge_attr transformed once, as in the torch forward)
    ea = jax.nn.relu(edge_attr @ Ws + bs)
    src = edge_index[0]
    dst = edge_index[1]
    # NNConv edge-conditioned filter: nn(edge_attr) -> [E, NF, NF]
    we = (jax.nn.relu(ea @ W1 + b1) @ W2 + b2).reshape(-1, NF, NF)
    n_nodes = h.shape[0]
    deg = jax.ops.segment_sum(jnp.ones((edge_index.shape[1],), jnp.float32), dst, num_segments=n_nodes)
    deg = jnp.maximum(deg, 1.0)
    for _ in range(2):  # n_conv = 2, same conv module reused
        msg = jnp.einsum('ei,eio->eo', out[src], we)
        agg = jax.ops.segment_sum(msg, dst, num_segments=n_nodes) / deg[:, None]
        # NNConv root weight + bias, then outer relu
        out = jax.nn.relu(agg + out @ Wroot + bconv)
    return out


def reference(h, edge_index, edge_weight, edge_attr, data, W0, b0, Ws, bs, W1, b1, W2, b2, Wroot, bconv):
    return _forward(h, edge_weight, edge_attr, data, W0, b0, Ws, bs, W1, b1, W2, b2, Wroot, bconv, edge_index)

if __name__ == "__main__":
    import jax
    _d = setup_inputs()
    print(jax.jit(kernel)(*tuple(_d.values())))

</pallas_src>

<mosaic_0001>
#map = affine_map<(d0, d1) -> (0, 0)>
#map1 = affine_map<(d0, d1) -> (0)>
module attributes {stable_mosaic.version = 14 : i64} {
  func.func @gk(%arg0: i32, %arg1: i32, %arg2: memref<10000x32xf32, #tpu.memory_space<hbm>>, %arg3: memref<160000xi32, #tpu.memory_space<hbm>>, %arg4: memref<160000x128xf32, #tpu.memory_space<hbm>>, %arg5: memref<1000xi32, #tpu.memory_space<vmem>>, %arg6: memref<1000x32xf32, #tpu.memory_space<vmem>>, %arg7: memref<!tpu.dma_semaphore, #tpu.memory_space<semaphore_mem>>) attributes {dimension_semantics = [#tpu.dimension_semantics<core_parallel>, #tpu.dimension_semantics<subcore_parallel>], iteration_bounds = array<i64: 2, 16>, scalar_prefetch = 0 : i64, scratch_operands = 3 : i64, tpu.core_type = #tpu.core_type<sc_vector_subcore>, window_params = [{transform_indices = #map}, {transform_indices = #map1}, {transform_indices = #map}]} {
    %mul3A = arith.constant 2 : i32
    %mul3A_0 = arith.muli %arg1, %mul3A : i32
    %add3A = arith.addi %mul3A_0, %arg0 : i32
    %mul3A_1 = arith.constant 5000 : i32
    %mul3A_2 = arith.muli %add3A, %mul3A_1 : i32
    %add3A_3 = arith.constant 0 : i32
    %add3A_4 = arith.addi %mul3A_2, %add3A_3 : i32
    "tpu.region"() ({
      %run_scoped3A = tpu.sem_alloc : memref<!tpu.dma_semaphore, #tpu.memory_space<semaphore_mem>>
      %dma_start3A_41 = tpu.memref_slice %arg3[%add3A_4] : memref<160000xi32, #tpu.memory_space<hbm>> -> memref<1000xi32, #tpu.memory_space<hbm>>
      %dma_start3A_42 = tpu.memref_slice %arg3[%add3A_4] : memref<160000xi32, #tpu.memory_space<hbm>> -> memref<1000xi32, #tpu.memory_space<hbm>>
      tpu.enqueue_dma source(%dma_start3A_42 : memref<1000xi32, #tpu.memory_space<hbm>>) target(%arg5 : memref<1000xi32, #tpu.memory_space<vmem>>) target_semaphore(%run_scoped3A : memref<!tpu.dma_semaphore, #tpu.memory_space<semaphore_mem>>)
      %dma_wait3A_43 = tpu.memref_slice %arg3[%add3A_4] : memref<160000xi32, #tpu.memory_space<hbm>> -> memref<1000xi32, #tpu.memory_space<hbm>>
      %dma_wait3A_44 = tpu.memref_slice %arg3[%add3A_4] : memref<160000xi32, #tpu.memory_space<hbm>> -> memref<1000xi32, #tpu.memory_space<hbm>>
      tpu.wait_dma2 semaphore(%run_scoped3A : memref<!tpu.dma_semaphore, #tpu.memory_space<semaphore_mem>>) src(%dma_wait3A_44 : memref<1000xi32, #tpu.memory_space<hbm>>) dst(%arg5 : memref<1000xi32, #tpu.memory_space<vmem>>)
      tpu.yield
    }) : () -> ()
    %dma_start3A = arith.constant 0 : i32
    %dma_start3A_5 = arith.constant 0 : i32
    %dma_start3A_6 = tpu.memref_slice %arg2[%dma_start3A, %dma_start3A_5] : memref<10000x32xf32, #tpu.memory_space<hbm>> -> memref<10000x32xf32, #tpu.memory_space<hbm>>
    tpu.enqueue_indirect_dma source(%dma_start3A_6 : memref<10000x32xf32, #tpu.memory_space<hbm>>) target(%arg6 : memref<1000x32xf32, #tpu.memory_space<vmem>>) offsets(%arg5 : memref<1000xi32, #tpu.memory_space<vmem>>) semaphore(%arg7 : memref<!tpu.dma_semaphore, #tpu.memory_space<semaphore_mem>>)
    %dma_wait3A = arith.constant 0 : i32
    %dma_wait3A_7 = arith.constant 0 : i32
    %dma_wait3A_8 = tpu.memref_slice %arg2[%dma_wait3A, %dma_wait3A_7] : memref<10000x32xf32, #tpu.memory_space<hbm>> -> memref<10000x32xf32, #tpu.memory_space<hbm>>
    tpu.wait_indirect_dma semaphore(%arg7 : memref<!tpu.dma_semaphore, #tpu.memory_space<semaphore_mem>>) src(%dma_wait3A_8 : memref<10000x32xf32, #tpu.memory_space<hbm>>) dst(%arg6 : memref<1000x32xf32, #tpu.memory_space<vmem>>)
    "tpu.region"() ({
      %run_scoped3A = tpu.sem_alloc : memref<!tpu.dma_semaphore, #tpu.memory_space<semaphore_mem>>
      %dma_start3A_41 = arith.constant 0 : i32
      %dma_start3A_42 = tpu.memref_slice %arg4[%add3A_4, %dma_start3A_41] : memref<160000x128xf32, #tpu.memory_space<hbm>> -> memref<1000x32xf32, #tpu.memory_space<hbm>>
      %dma_start3A_43 = arith.constant 0 : i32
      %dma_start3A_44 = tpu.memref_slice %arg4[%add3A_4, %dma_start3A_43] : memref<160000x128xf32, #tpu.memory_space<hbm>> -> memref<1000x32xf32, #tpu.memory_space<hbm>>
      tpu.enqueue_dma source(%arg6 : memref<1000x32xf32, #tpu.memory_space<vmem>>) target(%dma_start3A_44 : memref<1000x32xf32, #tpu.memory_space<hbm>>) target_semaphore(%run_scoped3A : memref<!tpu.dma_semaphore, #tpu.memory_space<semaphore_mem>>)
      %dma_wait3A_45 = arith.constant 0 : i32
      %dma_wait3A_46 = tpu.memref_slice %arg4[%add3A_4, %dma_wait3A_45] : memref<160000x128xf32, #tpu.memory_space<hbm>> -> memref<1000x32xf32, #tpu.memory_space<hbm>>
      %dma_wait3A_47 = arith.constant 0 : i32
      %dma_wait3A_48 = tpu.memref_slice %arg4[%add3A_4, %dma_wait3A_47] : memref<160000x128xf32, #tpu.memory_space<hbm>> -> memref<1000x32xf32, #tpu.memory_space<hbm>>
      tpu.wait_dma2 semaphore(%run_scoped3A : memref<!tpu.dma_semaphore, #tpu.memory_space<semaphore_mem>>) src(%arg6 : memref<1000x32xf32, #tpu.memory_space<vmem>>) dst(%dma_wait3A_48 : memref<1000x32xf32, #tpu.memory_space<hbm>>)
      tpu.yield
    }) : () -> ()
    %add3A_9 = arith.constant 1000 : i32
    %add3A_10 = arith.addi %mul3A_2, %add3A_9 : i32
    "tpu.region"() ({
      %run_scoped3A = tpu.sem_alloc : memref<!tpu.dma_semaphore, #tpu.memory_space<semaphore_mem>>
      %dma_start3A_41 = tpu.memref_slice %arg3[%add3A_10] : memref<160000xi32, #tpu.memory_space<hbm>> -> memref<1000xi32, #tpu.memory_space<hbm>>
      %dma_start3A_42 = tpu.memref_slice %arg3[%add3A_10] : memref<160000xi32, #tpu.memory_space<hbm>> -> memref<1000xi32, #tpu.memory_space<hbm>>
      tpu.enqueue_dma source(%dma_start3A_42 : memref<1000xi32, #tpu.memory_space<hbm>>) target(%arg5 : memref<1000xi32, #tpu.memory_space<vmem>>) target_semaphore(%run_scoped3A : memref<!tpu.dma_semaphore, #tpu.memory_space<semaphore_mem>>)
      %dma_wait3A_43 = tpu.memref_slice %arg3[%add3A_10] : memref<160000xi32, #tpu.memory_space<hbm>> -> memref<1000xi32, #tpu.memory_space<hbm>>
      %dma_wait3A_44 = tpu.memref_slice %arg3[%add3A_10] : memref<160000xi32, #tpu.memory_space<hbm>> -> memref<1000xi32, #tpu.memory_space<hbm>>
      tpu.wait_dma2 semaphore(%run_scoped3A : memref<!tpu.dma_semaphore, #tpu.memory_space<semaphore_mem>>) src(%dma_wait3A_44 : memref<1000xi32, #tpu.memory_space<hbm>>) dst(%arg5 : memref<1000xi32, #tpu.memory_space<vmem>>)
      tpu.yield
    }) : () -> ()
    %dma_start3A_11 = arith.constant 0 : i32
    %dma_start3A_12 = arith.constant 0 : i32
    %dma_start3A_13 = tpu.memref_slice %arg2[%dma_start3A_11, %dma_start3A_12] : memref<10000x32xf32, #tpu.memory_space<hbm>> -> memref<10000x32xf32, #tpu.memory_space<hbm>>
    tpu.enqueue_indirect_dma source(%dma_start3A_13 : memref<10000x32xf32, #tpu.memory_space<hbm>>) target(%arg6 : memref<1000x32xf32, #tpu.memory_space<vmem>>) offsets(%arg5 : memref<1000xi32, #tpu.memory_space<vmem>>) semaphore(%arg7 : memref<!tpu.dma_semaphore, #tpu.memory_space<semaphore_mem>>)
    %dma_wait3A_14 = arith.constant 0 : i32
    %dma_wait3A_15 = arith.constant 0 : i32
    %dma_wait3A_16 = tpu.memref_slice %arg2[%dma_wait3A_14, %dma_wait3A_15] : memref<10000x32xf32, #tpu.memory_space<hbm>> -> memref<10000x32xf32, #tpu.memory_space<hbm>>
    tpu.wait_indirect_dma semaphore(%arg7 : memref<!tpu.dma_semaphore, #tpu.memory_space<semaphore_mem>>) src(%dma_wait3A_16 : memref<10000x32xf32, #tpu.memory_space<hbm>>) dst(%arg6 : memref<1000x32xf32, #tpu.memory_space<vmem>>)
    "tpu.region"() ({
      %run_scoped3A = tpu.sem_alloc : memref<!tpu.dma_semaphore, #tpu.memory_space<semaphore_mem>>
      %dma_start3A_41 = arith.constant 0 : i32
      %dma_start3A_42 = tpu.memref_slice %arg4[%add3A_10, %dma_start3A_41] : memref<160000x128xf32, #tpu.memory_space<hbm>> -> memref<1000x32xf32, #tpu.memory_space<hbm>>
      %dma_start3A_43 = arith.constant 0 : i32
      %dma_start3A_44 = tpu.memref_slice %arg4[%add3A_10, %dma_start3A_43] : memref<160000x128xf32, #tpu.memory_space<hbm>> -> memref<1000x32xf32, #tpu.memory_space<hbm>>
      tpu.enqueue_dma source(%arg6 : memref<1000x32xf32, #tpu.memory_space<vmem>>) target(%dma_start3A_44 : memref<1000x32xf32, #tpu.memory_space<hbm>>) target_semaphore(%run_scoped3A : memref<!tpu.dma_semaphore, #tpu.memory_space<semaphore_mem>>)
      %dma_wait3A_45 = arith.constant 0 : i32
      %dma_wait3A_46 = tpu.memref_slice %arg4[%add3A_10, %dma_wait3A_45] : memref<160000x128xf32, #tpu.memory_space<hbm>> -> memref<1000x32xf32, #tpu.memory_space<hbm>>
      %dma_wait3A_47 = arith.constant 0 : i32
      %dma_wait3A_48 = tpu.memref_slice %arg4[%add3A_10, %dma_wait3A_47] : memref<160000x128xf32, #tpu.memory_space<hbm>> -> memref<1000x32xf32, #tpu.memory_space<hbm>>
      tpu.wait_dma2 semaphore(%run_scoped3A : memref<!tpu.dma_semaphore, #tpu.memory_space<semaphore_mem>>) src(%arg6 : memref<1000x32xf32, #tpu.memory_space<vmem>>) dst(%dma_wait3A_48 : memref<1000x32xf32, #tpu.memory_space<hbm>>)
      tpu.yield
    }) : () -> ()
    %add3A_17 = arith.constant 2000 : i32
    %add3A_18 = arith.addi %mul3A_2, %add3A_17 : i32
    "tpu.region"() ({
      %run_scoped3A = tpu.sem_alloc : memref<!tpu.dma_semaphore, #tpu.memory_space<semaphore_mem>>
      %dma_start3A_41 = tpu.memref_slice %arg3[%add3A_18] : memref<160000xi32, #tpu.memory_space<hbm>> -> memref<1000xi32, #tpu.memory_space<hbm>>
      %dma_start3A_42 = tpu.memref_slice %arg3[%add3A_18] : memref<160000xi32, #tpu.memory_space<hbm>> -> memref<1000xi32, #tpu.memory_space<hbm>>
      tpu.enqueue_dma source(%dma_start3A_42 : memref<1000xi32, #tpu.memory_space<hbm>>) target(%arg5 : memref<1000xi32, #tpu.memory_space<vmem>>) target_semaphore(%run_scoped3A : memref<!tpu.dma_semaphore, #tpu.memory_space<semaphore_mem>>)
      %dma_wait3A_43 = tpu.memref_slice %arg3[%add3A_18] : memref<160000xi32, #tpu.memory_space<hbm>> -> memref<1000xi32, #tpu.memory_space<hbm>>
      %dma_wait3A_44 = tpu.memref_slice %arg3[%add3A_18] : memref<160000xi32, #tpu.memory_space<hbm>> -> memref<1000xi32, #tpu.memory_space<hbm>>
      tpu.wait_dma2 semaphore(%run_scoped3A : memref<!tpu.dma_semaphore, #tpu.memory_space<semaphore_mem>>) src(%dma_wait3A_44 : memref<1000xi32, #tpu.memory_space<hbm>>) dst(%arg5 : memref<1000xi32, #tpu.memory_space<vmem>>)
      tpu.yield
    }) : () -> ()
    %dma_start3A_19 = arith.constant 0 : i32
    %dma_start3A_20 = arith.constant 0 : i32
    %dma_start3A_21 = tpu.memref_slice %arg2[%dma_start3A_19, %dma_start3A_20] : memref<10000x32xf32, #tpu.memory_space<hbm>> -> memref<10000x32xf32, #tpu.memory_space<hbm>>
    tpu.enqueue_indirect_dma source(%dma_start3A_21 : memref<10000x32xf32, #tpu.memory_space<hbm>>) target(%arg6 : memref<1000x32xf32, #tpu.memory_space<vmem>>) offsets(%arg5 : memref<1000xi32, #tpu.memory_space<vmem>>) semaphore(%arg7 : memref<!tpu.dma_semaphore, #tpu.memory_space<semaphore_mem>>)
    %dma_wait3A_22 = arith.constant 0 : i32
    %dma_wait3A_23 = arith.constant 0 : i32
    %dma_wait3A_24 = tpu.memref_slice %arg2[%dma_wait3A_22, %dma_wait3A_23] : memref<10000x32xf32, #tpu.memory_space<hbm>> -> memref<10000x32xf32, #tpu.memory_space<hbm>>
    tpu.wait_indirect_dma semaphore(%arg7 : memref<!tpu.dma_semaphore, #tpu.memory_space<semaphore_mem>>) src(%dma_wait3A_24 : memref<10000x32xf32, #tpu.memory_space<hbm>>) dst(%arg6 : memref<1000x32xf32, #tpu.memory_space<vmem>>)
    "tpu.region"() ({
      %run_scoped3A = tpu.sem_alloc : memref<!tpu.dma_semaphore, #tpu.memory_space<semaphore_mem>>
      %dma_start3A_41 = arith.constant 0 : i32
      %dma_start3A_42 = tpu.memref_slice %arg4[%add3A_18, %dma_start3A_41] : memref<160000x128xf32, #tpu.memory_space<hbm>> -> memref<1000x32xf32, #tpu.memory_space<hbm>>
      %dma_start3A_43 = arith.constant 0 : i32
      %dma_start3A_44 = tpu.memref_slice %arg4[%add3A_18, %dma_start3A_43] : memref<160000x128xf32, #tpu.memory_space<hbm>> -> memref<1000x32xf32, #tpu.memory_space<hbm>>
      tpu.enqueue_dma source(%arg6 : memref<1000x32xf32, #tpu.memory_space<vmem>>) target(%dma_start3A_44 : memref<1000x32xf32, #tpu.memory_space<hbm>>) target_semaphore(%run_scoped3A : memref<!tpu.dma_semaphore, #tpu.memory_space<semaphore_mem>>)
      %dma_wait3A_45 = arith.constant 0 : i32
      %dma_wait3A_46 = tpu.memref_slice %arg4[%add3A_18, %dma_wait3A_45] : memref<160000x128xf32, #tpu.memory_space<hbm>> -> memref<1000x32xf32, #tpu.memory_space<hbm>>
      %dma_wait3A_47 = arith.constant 0 : i32
      %dma_wait3A_48 = tpu.memref_slice %arg4[%add3A_18, %dma_wait3A_47] : memref<160000x128xf32, #tpu.memory_space<hbm>> -> memref<1000x32xf32, #tpu.memory_space<hbm>>
      tpu.wait_dma2 semaphore(%run_scoped3A : memref<!tpu.dma_semaphore, #tpu.memory_space<semaphore_mem>>) src(%arg6 : memref<1000x32xf32, #tpu.memory_space<vmem>>) dst(%dma_wait3A_48 : memref<1000x32xf32, #tpu.memory_space<hbm>>)
      tpu.yield
    }) : () -> ()
    %add3A_25 = arith.constant 3000 : i32
    %add3A_26 = arith.addi %mul3A_2, %add3A_25 : i32
    "tpu.region"() ({
      %run_scoped3A = tpu.sem_alloc : memref<!tpu.dma_semaphore, #tpu.memory_space<semaphore_mem>>
      %dma_start3A_41 = tpu.memref_slice %arg3[%add3A_26] : memref<160000xi32, #tpu.memory_space<hbm>> -> memref<1000xi32, #tpu.memory_space<hbm>>
      %dma_start3A_42 = tpu.memref_slice %arg3[%add3A_26] : memref<160000xi32, #tpu.memory_space<hbm>> -> memref<1000xi32, #tpu.memory_space<hbm>>
      tpu.enqueue_dma source(%dma_start3A_42 : memref<1000xi32, #tpu.memory_space<hbm>>) target(%arg5 : memref<1000xi32, #tpu.memory_space<vmem>>) target_semaphore(%run_scoped3A : memref<!tpu.dma_semaphore, #tpu.memory_space<semaphore_mem>>)
      %dma_wait3A_43 = tpu.memref_slice %arg3[%add3A_26] : memref<160000xi32, #tpu.memory_space<hbm>> -> memref<1000xi32, #tpu.memory_space<hbm>>
      %dma_wait3A_44 = tpu.memref_slice %arg3[%add3A_26] : memref<160000xi32, #tpu.memory_space<hbm>> -> memref<1000xi32, #tpu.memory_space<hbm>>
      tpu.wait_dma2 semaphore(%run_scoped3A : memref<!tpu.dma_semaphore, #tpu.memory_space<semaphore_mem>>) src(%dma_wait3A_44 : memref<1000xi32, #tpu.memory_space<hbm>>) dst(%arg5 : memref<1000xi32, #tpu.memory_space<vmem>>)
      tpu.yield
    }) : () -> ()
    %dma_start3A_27 = arith.constant 0 : i32
    %dma_start3A_28 = arith.constant 0 : i32
    %dma_start3A_29 = tpu.memref_slice %arg2[%dma_start3A_27, %dma_start3A_28] : memref<10000x32xf32, #tpu.memory_space<hbm>> -> memref<10000x32xf32, #tpu.memory_space<hbm>>
    tpu.enqueue_indirect_dma source(%dma_start3A_29 : memref<10000x32xf32, #tpu.memory_space<hbm>>) target(%arg6 : memref<1000x32xf32, #tpu.memory_space<vmem>>) offsets(%arg5 : memref<1000xi32, #tpu.memory_space<vmem>>) semaphore(%arg7 : memref<!tpu.dma_semaphore, #tpu.memory_space<semaphore_mem>>)
    %dma_wait3A_30 = arith.constant 0 : i32
    %dma_wait3A_31 = arith.constant 0 : i32
    %dma_wait3A_32 = tpu.memref_slice %arg2[%dma_wait3A_30, %dma_wait3A_31] : memref<10000x32xf32, #tpu.memory_space<hbm>> -> memref<10000x32xf32, #tpu.memory_space<hbm>>
    tpu.wait_indirect_dma semaphore(%arg7 : memref<!tpu.dma_semaphore, #tpu.memory_space<semaphore_mem>>) src(%dma_wait3A_32 : memref<10000x32xf32, #tpu.memory_space<hbm>>) dst(%arg6 : memref<1000x32xf32, #tpu.memory_space<vmem>>)
    "tpu.region"() ({
      %run_scoped3A = tpu.sem_alloc : memref<!tpu.dma_semaphore, #tpu.memory_space<semaphore_mem>>
      %dma_start3A_41 = arith.constant 0 : i32
      %dma_start3A_42 = tpu.memref_slice %arg4[%add3A_26, %dma_start3A_41] : memref<160000x128xf32, #tpu.memory_space<hbm>> -> memref<1000x32xf32, #tpu.memory_space<hbm>>
      %dma_start3A_43 = arith.constant 0 : i32
      %dma_start3A_44 = tpu.memref_slice %arg4[%add3A_26, %dma_start3A_43] : memref<160000x128xf32, #tpu.memory_space<hbm>> -> memref<1000x32xf32, #tpu.memory_space<hbm>>
      tpu.enqueue_dma source(%arg6 : memref<1000x32xf32, #tpu.memory_space<vmem>>) target(%dma_start3A_44 : memref<1000x32xf32, #tpu.memory_space<hbm>>) target_semaphore(%run_scoped3A : memref<!tpu.dma_semaphore, #tpu.memory_space<semaphore_mem>>)
      %dma_wait3A_45 = arith.constant 0 : i32
      %dma_wait3A_46 = tpu.memref_slice %arg4[%add3A_26, %dma_wait3A_45] : memref<160000x128xf32, #tpu.memory_space<hbm>> -> memref<1000x32xf32, #tpu.memory_space<hbm>>
      %dma_wait3A_47 = arith.constant 0 : i32
      %dma_wait3A_48 = tpu.memref_slice %arg4[%add3A_26, %dma_wait3A_47] : memref<160000x128xf32, #tpu.memory_space<hbm>> -> memref<1000x32xf32, #tpu.memory_space<hbm>>
      tpu.wait_dma2 semaphore(%run_scoped3A : memref<!tpu.dma_semaphore, #tpu.memory_space<semaphore_mem>>) src(%arg6 : memref<1000x32xf32, #tpu.memory_space<vmem>>) dst(%dma_wait3A_48 : memref<1000x32xf32, #tpu.memory_space<hbm>>)
      tpu.yield
    }) : () -> ()
    %add3A_33 = arith.constant 4000 : i32
    %add3A_34 = arith.addi %mul3A_2, %add3A_33 : i32
    "tpu.region"() ({
      %run_scoped3A = tpu.sem_alloc : memref<!tpu.dma_semaphore, #tpu.memory_space<semaphore_mem>>
      %dma_start3A_41 = tpu.memref_slice %arg3[%add3A_34] : memref<160000xi32, #tpu.memory_space<hbm>> -> memref<1000xi32, #tpu.memory_space<hbm>>
      %dma_start3A_42 = tpu.memref_slice %arg3[%add3A_34] : memref<160000xi32, #tpu.memory_space<hbm>> -> memref<1000xi32, #tpu.memory_space<hbm>>
      tpu.enqueue_dma source(%dma_start3A_42 : memref<1000xi32, #tpu.memory_space<hbm>>) target(%arg5 : memref<1000xi32, #tpu.memory_space<vmem>>) target_semaphore(%run_scoped3A : memref<!tpu.dma_semaphore, #tpu.memory_space<semaphore_mem>>)
      %dma_wait3A_43 = tpu.memref_slice %arg3[%add3A_34] : memref<160000xi32, #tpu.memory_space<hbm>> -> memref<1000xi32, #tpu.memory_space<hbm>>
      %dma_wait3A_44 = tpu.memref_slice %arg3[%add3A_34] : memref<160000xi32, #tpu.memory_space<hbm>> -> memref<1000xi32, #tpu.memory_space<hbm>>
      tpu.wait_dma2 semaphore(%run_scoped3A : memref<!tpu.dma_semaphore, #tpu.memory_space<semaphore_mem>>) src(%dma_wait3A_44 : memref<1000xi32, #tpu.memory_space<hbm>>) dst(%arg5 : memref<1000xi32, #tpu.memory_space<vmem>>)
      tpu.yield
    }) : () -> ()
    %dma_start3A_35 = arith.constant 0 : i32
    %dma_start3A_36 = arith.constant 0 : i32
    %dma_start3A_37 = tpu.memref_slice %arg2[%dma_start3A_35, %dma_start3A_36] : memref<10000x32xf32, #tpu.memory_space<hbm>> -> memref<10000x32xf32, #tpu.memory_space<hbm>>
    tpu.enqueue_indirect_dma source(%dma_start3A_37 : memref<10000x32xf32, #tpu.memory_space<hbm>>) target(%arg6 : memref<1000x32xf32, #tpu.memory_space<vmem>>) offsets(%arg5 : memref<1000xi32, #tpu.memory_space<vmem>>) semaphore(%arg7 : memref<!tpu.dma_semaphore, #tpu.memory_space<semaphore_mem>>)
    %dma_wait3A_38 = arith.constant 0 : i32
    %dma_wait3A_39 = arith.constant 0 : i32
    %dma_wait3A_40 = tpu.memref_slice %arg2[%dma_wait3A_38, %dma_wait3A_39] : memref<10000x32xf32, #tpu.memory_space<hbm>> -> memref<10000x32xf32, #tpu.memory_space<hbm>>
    tpu.wait_indirect_dma semaphore(%arg7 : memref<!tpu.dma_semaphore, #tpu.memory_space<semaphore_mem>>) src(%dma_wait3A_40 : memref<10000x32xf32, #tpu.memory_space<hbm>>) dst(%arg6 : memref<1000x32xf32, #tpu.memory_space<vmem>>)
    "tpu.region"() ({
      %run_scoped3A = tpu.sem_alloc : memref<!tpu.dma_semaphore, #tpu.memory_space<semaphore_mem>>
      %dma_start3A_41 = arith.constant 0 : i32
      %dma_start3A_42 = tpu.memref_slice %arg4[%add3A_34, %dma_start3A_41] : memref<160000x128xf32, #tpu.memory_space<hbm>> -> memref<1000x32xf32, #tpu.memory_space<hbm>>
      %dma_start3A_43 = arith.constant 0 : i32
      %dma_start3A_44 = tpu.memref_slice %arg4[%add3A_34, %dma_start3A_43] : memref<160000x128xf32, #tpu.memory_space<hbm>> -> memref<1000x32xf32, #tpu.memory_space<hbm>>
      tpu.enqueue_dma source(%arg6 : memref<1000x32xf32, #tpu.memory_space<vmem>>) target(%dma_start3A_44 : memref<1000x32xf32, #tpu.memory_space<hbm>>) target_semaphore(%run_scoped3A : memref<!tpu.dma_semaphore, #tpu.memory_space<semaphore_mem>>)
      %dma_wait3A_45 = arith.constant 0 : i32
      %dma_wait3A_46 = tpu.memref_slice %arg4[%add3A_34, %dma_wait3A_45] : memref<160000x128xf32, #tpu.memory_space<hbm>> -> memref<1000x32xf32, #tpu.memory_space<hbm>>
      %dma_wait3A_47 = arith.constant 0 : i32
      %dma_wait3A_48 = tpu.memref_slice %arg4[%add3A_34, %dma_wait3A_47] : memref<160000x128xf32, #tpu.memory_space<hbm>> -> memref<1000x32xf32, #tpu.memory_space<hbm>>
      tpu.wait_dma2 semaphore(%run_scoped3A : memref<!tpu.dma_semaphore, #tpu.memory_space<semaphore_mem>>) src(%arg6 : memref<1000x32xf32, #tpu.memory_space<vmem>>) dst(%dma_wait3A_48 : memref<1000x32xf32, #tpu.memory_space<hbm>>)
      tpu.yield
    }) : () -> ()
    return
  }
}

#map = affine_map<(d0, d1) -> (0, 0)>
#map1 = affine_map<(d0, d1) -> (0)>
module attributes {stable_mosaic.version = 14 : i64} {
  func.func @sk(%arg0: i32, %arg1: i32, %arg2: memref<160000x128xf32, #tpu.memory_space<hbm>>, %arg3: memref<160000xi32, #tpu.memory_space<hbm>>, %arg4: memref<10000x32xf32, #tpu.memory_space<hbm>>, %arg5: memref<5008x48xf32, #tpu.memory_space<hbm>>, %arg6: memref<10000x32xf32, #tpu.memory_space<hbm>>, %arg7: memref<1200x48xf32, #tpu.memory_space<vmem>>, %arg8: memref<1200xi32, #tpu.memory_space<vmem>>, %arg9: memref<400x48xf32, #tpu.memory_space<vmem>>, %arg10: memref<400xi32, #tpu.memory_space<vmem>>, %arg11: memref<313x48xf32, #tpu.memory_space<vmem>>, %arg12: memref<313x32xf32, #tpu.memory_space<vmem>>, %arg13: memref<5008x48xf32, #tpu.memory_space<vmem_shared>>) attributes {dimension_semantics = [#tpu.dimension_semantics<core_parallel>, #tpu.dimension_semantics<subcore_parallel>], iteration_bounds = array<i64: 2, 16>, scalar_prefetch = 0 : i64, scratch_operands = 7 : i64, tpu.core_type = #tpu.core_type<sc_vector_subcore>, window_params = [{transform_indices = #map}, {transform_indices = #map1}, {transform_indices = #map}, {transform_indices = #map}, {transform_indices = #map}]} {
    %mul3A = arith.constant 5000 : i32
    %mul3A_0 = arith.muli %arg0, %mul3A : i32
    %mul3A_1 = arith.constant 313 : i32
    %mul3A_2 = arith.muli %arg1, %mul3A_1 : i32
    %mul3A_3 = arith.constant 313 : i32
    %mul3A_4 = arith.muli %arg1, %mul3A_3 : i32
    "tpu.region"() ({
      %run_scoped3A = tpu.sem_alloc : memref<!tpu.dma_semaphore, #tpu.memory_space<semaphore_mem>>
      %dma_start3A = arith.constant 0 : i32
      %dma_start3A_87 = tpu.memref_slice %arg13[%mul3A_4, %dma_start3A] : memref<5008x48xf32, #tpu.memory_space<vmem_shared>> -> memref<313x48xf32, #tpu.memory_space<vmem_shared>>
      %dma_start3A_88 = arith.constant 0 : i32
      %dma_start3A_89 = tpu.memref_slice %arg5[%mul3A_2, %dma_start3A_88] : memref<5008x48xf32, #tpu.memory_space<hbm>> -> memref<313x48xf32, #tpu.memory_space<hbm>>
      tpu.enqueue_dma source(%dma_start3A_89 : memref<313x48xf32, #tpu.memory_space<hbm>>) target(%dma_start3A_87 : memref<313x48xf32, #tpu.memory_space<vmem_shared>>) target_semaphore(%run_scoped3A : memref<!tpu.dma_semaphore, #tpu.memory_space<semaphore_mem>>)
      %dma_wait3A = arith.constant 0 : i32
      %dma_wait3A_90 = tpu.memref_slice %arg13[%mul3A_4, %dma_wait3A] : memref<5008x48xf32, #tpu.memory_space<vmem_shared>> -> memref<313x48xf32, #tpu.memory_space<vmem_shared>>
      %dma_wait3A_91 = arith.constant 0 : i32
      %dma_wait3A_92 = tpu.memref_slice %arg5[%mul3A_2, %dma_wait3A_91] : memref<5008x48xf32, #tpu.memory_space<hbm>> -> memref<313x48xf32, #tpu.memory_space<hbm>>
      tpu.wait_dma2 semaphore(%run_scoped3A : memref<!tpu.dma_semaphore, #tpu.memory_space<semaphore_mem>>) src(%dma_wait3A_92 : memref<313x48xf32, #tpu.memory_space<hbm>>) dst(%dma_wait3A_90 : memref<313x48xf32, #tpu.memory_space<vmem_shared>>)
      tpu.yield
    }) : () -> ()
    %barrier3A = arith.constant 0 : index
    tpu.barrier barrier_id(%barrier3A)
    %mul3A_5 = arith.constant 10000 : i32
    %mul3A_6 = arith.muli %arg1, %mul3A_5 : i32
    %add3A = arith.constant 0 : i32
    %add3A_7 = arith.addi %mul3A_6, %add3A : i32
    "tpu.region"() ({
      %run_scoped3A = tpu.sem_alloc : memref<!tpu.dma_semaphore, #tpu.memory_space<semaphore_mem>>
      %dma_start3A = tpu.memref_slice %arg3[%add3A_7] : memref<160000xi32, #tpu.memory_space<hbm>> -> memref<1200xi32, #tpu.memory_space<hbm>>
      %dma_start3A_87 = tpu.memref_slice %arg3[%add3A_7] : memref<160000xi32, #tpu.memory_space<hbm>> -> memref<1200xi32, #tpu.memory_space<hbm>>
      tpu.enqueue_dma source(%dma_start3A_87 : memref<1200xi32, #tpu.memory_space<hbm>>) target(%arg8 : memref<1200xi32, #tpu.memory_space<vmem>>) target_semaphore(%run_scoped3A : memref<!tpu.dma_semaphore, #tpu.memory_space<semaphore_mem>>)
      %dma_wait3A = tpu.memref_slice %arg3[%add3A_7] : memref<160000xi32, #tpu.memory_space<hbm>> -> memref<1200xi32, #tpu.memory_space<hbm>>
      %dma_wait3A_88 = tpu.memref_slice %arg3[%add3A_7] : memref<160000xi32, #tpu.memory_space<hbm>> -> memref<1200xi32, #tpu.memory_space<hbm>>
      tpu.wait_dma2 semaphore(%run_scoped3A : memref<!tpu.dma_semaphore, #tpu.memory_space<semaphore_mem>>) src(%dma_wait3A_88 : memref<1200xi32, #tpu.memory_space<hbm>>) dst(%arg8 : memref<1200xi32, #tpu.memory_space<vmem>>)
      tpu.yield
    }) : () -> ()
    "tpu.region"() ({
      %run_scoped3A = tpu.sem_alloc : memref<!tpu.dma_semaphore, #tpu.memory_space<semaphore_mem>>
      %dma_start3A = arith.constant 0 : i32
      %dma_start3A_87 = tpu.memref_slice %arg2[%add3A_7, %dma_start3A] : memref<160000x128xf32, #tpu.memory_space<hbm>> -> memref<1200x48xf32, #tpu.memory_space<hbm>>
      %dma_start3A_88 = arith.constant 0 : i32
      %dma_start3A_89 = tpu.memref_slice %arg2[%add3A_7, %dma_start3A_88] : memref<160000x128xf32, #tpu.memory_space<hbm>> -> memref<1200x48xf32, #tpu.memory_space<hbm>>
      tpu.enqueue_dma source(%dma_start3A_89 : memref<1200x48xf32, #tpu.memory_space<hbm>>) target(%arg7 : memref<1200x48xf32, #tpu.memory_space<vmem>>) target_semaphore(%run_scoped3A : memref<!tpu.dma_semaphore, #tpu.memory_space<semaphore_mem>>)
      %dma_wait3A = arith.constant 0 : i32
      %dma_wait3A_90 = tpu.memref_slice %arg2[%add3A_7, %dma_wait3A] : memref<160000x128xf32, #tpu.memory_space<hbm>> -> memref<1200x48xf32, #tpu.memory_space<hbm>>
      %dma_wait3A_91 = arith.constant 0 : i32
      %dma_wait3A_92 = tpu.memref_slice %arg2[%add3A_7, %dma_wait3A_91] : memref<160000x128xf32, #tpu.memory_space<hbm>> -> memref<1200x48xf32, #tpu.memory_space<hbm>>
      tpu.wait_dma2 semaphore(%run_scoped3A : memref<!tpu.dma_semaphore, #tpu.memory_space<semaphore_mem>>) src(%dma_wait3A_92 : memref<1200x48xf32, #tpu.memory_space<hbm>>) dst(%arg7 : memref<1200x48xf32, #tpu.memory_space<vmem>>)
      tpu.yield
    }) : () -> ()
    %scan3A = arith.constant 0 : i32
    %scan3A_8 = arith.constant 0 : i32
    %scan3A_9 = arith.constant 75 : i32
    %scan3A_10 = arith.addi %scan3A_8, %scan3A_9 : i32
    %scan3A_11 = arith.constant 1 : i32
    scf.for %scan3A_87 = %scan3A_8 to %scan3A_10 step %scan3A_11  : i32 {
      %mul3A_88 = arith.constant 16 : i32
      %mul3A_89 = arith.muli %scan3A_87, %mul3A_88 : i32
      %get3A = arith.index_cast %mul3A_89 : i32 to index
      %get3A_90 = tpu.vector_load %arg8[%get3A] {strides = array<i32>} : memref<1200xi32, #tpu.memory_space<vmem>>, vector<16xi32>,
      %get3A_91 = vector.shape_cast %get3A_90 : vector<16xi32> to vector<16xi32>
      %sub3A = vector.broadcast %mul3A_0 : i32 to vector<16xi32>
      %sub3A_92 = arith.subi %get3A_91, %sub3A : vector<16xi32>
      %ge3A = arith.constant 0 : i32
      %ge3A_93 = vector.broadcast %ge3A : i32 to vector<16xi32>
      %ge3A_94 = arith.cmpi sge, %sub3A_92, %ge3A_93 : vector<16xi32>
      %lt3A_95 = arith.constant 5000 : i32
      %lt3A_96 = vector.broadcast %lt3A_95 : i32 to vector<16xi32>
      %lt3A_97 = arith.cmpi slt, %sub3A_92, %lt3A_96 : vector<16xi32>
      %and3A = arith.andi %ge3A_94, %lt3A_97 : vector<16xi1>
      %and3A_98 = arith.constant 7 : i32
      %and3A_99 = vector.broadcast %and3A_98 : i32 to vector<16xi32>
      %and3A_100 = arith.andi %get3A_91, %and3A_99 : vector<16xi32>
      %add3A_101 = arith.constant 5000 : i32
      %add3A_102 = vector.broadcast %add3A_101 : i32 to vector<16xi32>
      %add3A_103 = arith.addi %add3A_102, %and3A_100 : vector<16xi32>
      %select_n3A = arith.select %and3A, %sub3A_92, %add3A_103 : vector<16xi1>, vector<16xi32>
      %mul3A_104 = arith.constant 16 : i32
      %mul3A_105 = arith.muli %scan3A_87, %mul3A_104 : i32
      %swap3A = arith.index_cast %mul3A_105 : i32 to index
      %swap3A_106 = tpu.vector_load %arg8[%swap3A] {strides = array<i32>} : memref<1200xi32, #tpu.memory_space<vmem>>, vector<16xi32>,
      %swap3A_107 = vector.shape_cast %swap3A_106 : vector<16xi32> to vector<16xi32>
      %swap3A_108 = vector.shape_cast %select_n3A : vector<16xi32> to vector<16xi32>
      tpu.vector_store %arg8[%swap3A], %swap3A_108 {strides = array<i32>} : memref<1200xi32, #tpu.memory_space<vmem>>, vector<16xi32>,
    }
    %scan3A_12 = arith.constant 75 : i32
    "tpu.region"() ({
      %run_scoped3A = tpu.sem_alloc : memref<!tpu.dma_semaphore, #tpu.memory_space<semaphore_mem>>
      %dma_start3A = arith.constant 0 : i32
      %dma_start3A_87 = arith.constant 0 : i32
      %dma_start3A_88 = tpu.memref_slice %arg13[%dma_start3A, %dma_start3A_87] : memref<5008x48xf32, #tpu.memory_space<vmem_shared>> -> memref<5008x48xf32, #tpu.memory_space<vmem_shared>>
      tpu.enqueue_indirect_dma source(%arg7 : memref<1200x48xf32, #tpu.memory_space<vmem>>) target(%dma_start3A_88 : memref<5008x48xf32, #tpu.memory_space<vmem_shared>>) offsets(%arg8 : memref<1200xi32, #tpu.memory_space<vmem>>) semaphore(%run_scoped3A : memref<!tpu.dma_semaphore, #tpu.memory_space<semaphore_mem>>) {add = true}
      %dma_wait3A = arith.constant 0 : i32
      %dma_wait3A_89 = arith.constant 0 : i32
      %dma_wait3A_90 = tpu.memref_slice %arg13[%dma_wait3A, %dma_wait3A_89] : memref<5008x48xf32, #tpu.memory_space<vmem_shared>> -> memref<5008x48xf32, #tpu.memory_space<vmem_shared>>
      tpu.wait_indirect_dma semaphore(%run_scoped3A : memref<!tpu.dma_semaphore, #tpu.memory_space<semaphore_mem>>) src(%arg7 : memref<1200x48xf32, #tpu.memory_space<vmem>>) dst(%dma_wait3A_90 : memref<5008x48xf32, #tpu.memory_space<vmem_shared>>)
      tpu.yield
    }) : () -> ()
    %add3A_13 = arith.constant 1200 : i32
    %add3A_14 = arith.addi %mul3A_6, %add3A_13 : i32
    "tpu.region"() ({
      %run_scoped3A = tpu.sem_alloc : memref<!tpu.dma_semaphore, #tpu.memory_space<semaphore_mem>>
      %dma_start3A = tpu.memref_slice %arg3[%add3A_14] : memref<160000xi32, #tpu.memory_space<hbm>> -> memref<1200xi32, #tpu.memory_space<hbm>>
      %dma_start3A_87 = tpu.memref_slice %arg3[%add3A_14] : memref<160000xi32, #tpu.memory_space<hbm>> -> memref<1200xi32, #tpu.memory_space<hbm>>
      tpu.enqueue_dma source(%dma_start3A_87 : memref<1200xi32, #tpu.memory_space<hbm>>) target(%arg8 : memref<1200xi32, #tpu.memory_space<vmem>>) target_semaphore(%run_scoped3A : memref<!tpu.dma_semaphore, #tpu.memory_space<semaphore_mem>>)
      %dma_wait3A = tpu.memref_slice %arg3[%add3A_14] : memref<160000xi32, #tpu.memory_space<hbm>> -> memref<1200xi32, #tpu.memory_space<hbm>>
      %dma_wait3A_88 = tpu.memref_slice %arg3[%add3A_14] : memref<160000xi32, #tpu.memory_space<hbm>> -> memref<1200xi32, #tpu.memory_space<hbm>>
      tpu.wait_dma2 semaphore(%run_scoped3A : memref<!tpu.dma_semaphore, #tpu.memory_space<semaphore_mem>>) src(%dma_wait3A_88 : memref<1200xi32, #tpu.memory_space<hbm>>) dst(%arg8 : memref<1200xi32, #tpu.memory_space<vmem>>)
      tpu.yield
    }) : () -> ()
    "tpu.region"() ({
      %run_scoped3A = tpu.sem_alloc : memref<!tpu.dma_semaphore, #tpu.memory_space<semaphore_mem>>
      %dma_start3A = arith.constant 0 : i32
      %dma_start3A_87 = tpu.memref_slice %arg2[%add3A_14, %dma_start3A] : memref<160000x128xf32, #tpu.memory_space<hbm>> -> memref<1200x48xf32, #tpu.memory_space<hbm>>
      %dma_start3A_88 = arith.constant 0 : i32
      %dma_start3A_89 = tpu.memref_slice %arg2[%add3A_14, %dma_start3A_88] : memref<160000x128xf32, #tpu.memory_space<hbm>> -> memref<1200x48xf32, #tpu.memory_space<hbm>>
      tpu.enqueue_dma source(%dma_start3A_89 : memref<1200x48xf32, #tpu.memory_space<hbm>>) target(%arg7 : memref<1200x48xf32, #tpu.memory_space<vmem>>) target_semaphore(%run_scoped3A : memref<!tpu.dma_semaphore, #tpu.memory_space<semaphore_mem>>)
      %dma_wait3A = arith.constant 0 : i32
      %dma_wait3A_90 = tpu.memref_slice %arg2[%add3A_14, %dma_wait3A] : memref<160000x128xf32, #tpu.memory_space<hbm>> -> memref<1200x48xf32, #tpu.memory_space<hbm>>
      %dma_wait3A_91 = arith.constant 0 : i32
      %dma_wait3A_92 = tpu.memref_slice %arg2[%add3A_14, %dma_wait3A_91] : memref<160000x128xf32, #tpu.memory_space<hbm>> -> memref<1200x48xf32, #tpu.memory_space<hbm>>
      tpu.wait_dma2 semaphore(%run_scoped3A : memref<!tpu.dma_semaphore, #tpu.memory_space<semaphore_mem>>) src(%dma_wait3A_92 : memref<1200x48xf32, #tpu.memory_space<hbm>>) dst(%arg7 : memref<1200x48xf32, #tpu.memory_space<vmem>>)
      tpu.yield
    }) : () -> ()
    %scan3A_15 = arith.constant 0 : i32
    %scan3A_16 = arith.constant 0 : i32
    %scan3A_17 = arith.constant 75 : i32
    %scan3A_18 = arith.addi %scan3A_16, %scan3A_17 : i32
    %scan3A_19 = arith.constant 1 : i32
    scf.for %scan3A_87 = %scan3A_16 to %scan3A_18 step %scan3A_19  : i32 {
      %mul3A_88 = arith.constant 16 : i32
      %mul3A_89 = arith.muli %scan3A_87, %mul3A_88 : i32
      %get3A = arith.index_cast %mul3A_89 : i32 to index
      %get3A_90 = tpu.vector_load %arg8[%get3A] {strides = array<i32>} : memref<1200xi32, #tpu.memory_space<vmem>>, vector<16xi32>,
      %get3A_91 = vector.shape_cast %get3A_90 : vector<16xi32> to vector<16xi32>
      %sub3A = vector.broadcast %mul3A_0 : i32 to vector<16xi32>
      %sub3A_92 = arith.subi %get3A_91, %sub3A : vector<16xi32>
      %ge3A = arith.constant 0 : i32
      %ge3A_93 = vector.broadcast %ge3A : i32 to vector<16xi32>
      %ge3A_94 = arith.cmpi sge, %sub3A_92, %ge3A_93 : vector<16xi32>
      %lt3A_95 = arith.constant 5000 : i32
      %lt3A_96 = vector.broadcast %lt3A_95 : i32 to vector<16xi32>
      %lt3A_97 = arith.cmpi slt, %sub3A_92, %lt3A_96 : vector<16xi32>
      %and3A = arith.andi %ge3A_94, %lt3A_97 : vector<16xi1>
      %and3A_98 = arith.constant 7 : i32
      %and3A_99 = vector.broadcast %and3A_98 : i32 to vector<16xi32>
      %and3A_100 = arith.andi %get3A_91, %and3A_99 : vector<16xi32>
      %add3A_101 = arith.constant 5000 : i32
      %add3A_102 = vector.broadcast %add3A_101 : i32 to vector<16xi32>
      %add3A_103 = arith.addi %add3A_102, %and3A_100 : vector<16xi32>
      %select_n3A = arith.select %and3A, %sub3A_92, %add3A_103 : vector<16xi1>, vector<16xi32>
      %mul3A_104 = arith.constant 16 : i32
      %mul3A_105 = arith.muli %scan3A_87, %mul3A_104 : i32
      %swap3A = arith.index_cast %mul3A_105 : i32 to index
      %swap3A_106 = tpu.vector_load %arg8[%swap3A] {strides = array<i32>} : memref<1200xi32, #tpu.memory_space<vmem>>, vector<16xi32>,
      %swap3A_107 = vector.shape_cast %swap3A_106 : vector<16xi32> to vector<16xi32>
      %swap3A_108 = vector.shape_cast %select_n3A : vector<16xi32> to vector<16xi32>
      tpu.vector_store %arg8[%swap3A], %swap3A_108 {strides = array<i32>} : memref<1200xi32, #tpu.memory_space<vmem>>, vector<16xi32>,
    }
    %scan3A_20 = arith.constant 75 : i32
    "tpu.region"() ({
      %run_scoped3A = tpu.sem_alloc : memref<!tpu.dma_semaphore, #tpu.memory_space<semaphore_mem>>
      %dma_start3A = arith.constant 0 : i32
      %dma_start3A_87 = arith.constant 0 : i32
      %dma_start3A_88 = tpu.memref_slice %arg13[%dma_start3A, %dma_start3A_87] : memref<5008x48xf32, #tpu.memory_space<vmem_shared>> -> memref<5008x48xf32, #tpu.memory_space<vmem_shared>>
      tpu.enqueue_indirect_dma source(%arg7 : memref<1200x48xf32, #tpu.memory_space<vmem>>) target(%dma_start3A_88 : memref<5008x48xf32, #tpu.memory_space<vmem_shared>>) offsets(%arg8 : memref<1200xi32, #tpu.memory_space<vmem>>) semaphore(%run_scoped3A : memref<!tpu.dma_semaphore, #tpu.memory_space<semaphore_mem>>) {add = true}
      %dma_wait3A = arith.constant 0 : i32
      %dma_wait3A_89 = arith.constant 0 : i32
      %dma_wait3A_90 = tpu.memref_slice %arg13[%dma_wait3A, %dma_wait3A_89] : memref<5008x48xf32, #tpu.memory_space<vmem_shared>> -> memref<5008x48xf32, #tpu.memory_space<vmem_shared>>
      tpu.wait_indirect_dma semaphore(%run_scoped3A : memref<!tpu.dma_semaphore, #tpu.memory_space<semaphore_mem>>) src(%arg7 : memref<1200x48xf32, #tpu.memory_space<vmem>>) dst(%dma_wait3A_90 : memref<5008x48xf32, #tpu.memory_space<vmem_shared>>)
      tpu.yield
    }) : () -> ()
    %add3A_21 = arith.constant 2400 : i32
    %add3A_22 = arith.addi %mul3A_6, %add3A_21 : i32
    "tpu.region"() ({
      %run_scoped3A = tpu.sem_alloc : memref<!tpu.dma_semaphore, #tpu.memory_space<semaphore_mem>>
      %dma_start3A = tpu.memref_slice %arg3[%add3A_22] : memref<160000xi32, #tpu.memory_space<hbm>> -> memref<1200xi32, #tpu.memory_space<hbm>>
      %dma_start3A_87 = tpu.memref_slice %arg3[%add3A_22] : memref<160000xi32, #tpu.memory_space<hbm>> -> memref<1200xi32, #tpu.memory_space<hbm>>
      tpu.enqueue_dma source(%dma_start3A_87 : memref<1200xi32, #tpu.memory_space<hbm>>) target(%arg8 : memref<1200xi32, #tpu.memory_space<vmem>>) target_semaphore(%run_scoped3A : memref<!tpu.dma_semaphore, #tpu.memory_space<semaphore_mem>>)
      %dma_wait3A = tpu.memref_slice %arg3[%add3A_22] : memref<160000xi32, #tpu.memory_space<hbm>> -> memref<1200xi32, #tpu.memory_space<hbm>>
      %dma_wait3A_88 = tpu.memref_slice %arg3[%add3A_22] : memref<160000xi32, #tpu.memory_space<hbm>> -> memref<1200xi32, #tpu.memory_space<hbm>>
      tpu.wait_dma2 semaphore(%run_scoped3A : memref<!tpu.dma_semaphore, #tpu.memory_space<semaphore_mem>>) src(%dma_wait3A_88 : memref<1200xi32, #tpu.memory_space<hbm>>) dst(%arg8 : memref<1200xi32, #tpu.memory_space<vmem>>)
      tpu.yield
    }) : () -> ()
    "tpu.region"() ({
      %run_scoped3A = tpu.sem_alloc : memref<!tpu.dma_semaphore, #tpu.memory_space<semaphore_mem>>
      %dma_start3A = arith.constant 0 : i32
      %dma_start3A_87 = tpu.memref_slice %arg2[%add3A_22, %dma_start3A] : memref<160000x128xf32, #tpu.memory_space<hbm>> -> memref<1200x48xf32, #tpu.memory_space<hbm>>
      %dma_start3A_88 = arith.constant 0 : i32
      %dma_start3A_89 = tpu.memref_slice %arg2[%add3A_22, %dma_start3A_88] : memref<160000x128xf32, #tpu.memory_space<hbm>> -> memref<1200x48xf32, #tpu.memory_space<hbm>>
      tpu.enqueue_dma source(%dma_start3A_89 : memref<1200x48xf32, #tpu.memory_space<hbm>>) target(%arg7 : memref<1200x48xf32, #tpu.memory_space<vmem>>) target_semaphore(%run_scoped3A : memref<!tpu.dma_semaphore, #tpu.memory_space<semaphore_mem>>)
      %dma_wait3A = arith.constant 0 : i32
      %dma_wait3A_90 = tpu.memref_slice %arg2[%add3A_22, %dma_wait3A] : memref<160000x128xf32, #tpu.memory_space<hbm>> -> memref<1200x48xf32, #tpu.memory_space<hbm>>
      %dma_wait3A_91 = arith.constant 0 : i32
      %dma_wait3A_92 = tpu.memref_slice %arg2[%add3A_22, %dma_wait3A_91] : memref<160000x128xf32, #tpu.memory_space<hbm>> -> memref<1200x48xf32, #tpu.memory_space<hbm>>
      tpu.wait_dma2 semaphore(%run_scoped3A : memref<!tpu.dma_semaphore, #tpu.memory_space<semaphore_mem>>) src(%dma_wait3A_92 : memref<1200x48xf32, #tpu.memory_space<hbm>>) dst(%arg7 : memref<1200x48xf32, #tpu.memory_space<vmem>>)
      tpu.yield
    }) : () -> ()
    %scan3A_23 = arith.constant 0 : i32
    %scan3A_24 = arith.constant 0 : i32
    %scan3A_25 = arith.constant 75 : i32
    %scan3A_26 = arith.addi %scan3A_24, %scan3A_25 : i32
    %scan3A_27 = arith.constant 1 : i32
    scf.for %scan3A_87 = %scan3A_24 to %scan3A_26 step %scan3A_27  : i32 {
      %mul3A_88 = arith.constant 16 : i32
      %mul3A_89 = arith.muli %scan3A_87, %mul3A_88 : i32
      %get3A = arith.index_cast %mul3A_89 : i32 to index
      %get3A_90 = tpu.vector_load %arg8[%get3A] {strides = array<i32>} : memref<1200xi32, #tpu.memory_space<vmem>>, vector<16xi32>,
      %get3A_91 = vector.shape_cast %get3A_90 : vector<16xi32> to vector<16xi32>
      %sub3A = vector.broadcast %mul3A_0 : i32 to vector<16xi32>
      %sub3A_92 = arith.subi %get3A_91, %sub3A : vector<16xi32>
      %ge3A = arith.constant 0 : i32
      %ge3A_93 = vector.broadcast %ge3A : i32 to vector<16xi32>
      %ge3A_94 = arith.cmpi sge, %sub3A_92, %ge3A_93 : vector<16xi32>
      %lt3A_95 = arith.constant 5000 : i32
      %lt3A_96 = vector.broadcast %lt3A_95 : i32 to vector<16xi32>
      %lt3A_97 = arith.cmpi slt, %sub3A_92, %lt3A_96 : vector<16xi32>
      %and3A = arith.andi %ge3A_94, %lt3A_97 : vector<16xi1>
      %and3A_98 = arith.constant 7 : i32
      %and3A_99 = vector.broadcast %and3A_98 : i32 to vector<16xi32>
      %and3A_100 = arith.andi %get3A_91, %and3A_99 : vector<16xi32>
      %add3A_101 = arith.constant 5000 : i32
      %add3A_102 = vector.broadcast %add3A_101 : i32 to vector<16xi32>
      %add3A_103 = arith.addi %add3A_102, %and3A_100 : vector<16xi32>
      %select_n3A = arith.select %and3A, %sub3A_92, %add3A_103 : vector<16xi1>, vector<16xi32>
      %mul3A_104 = arith.constant 16 : i32
      %mul3A_105 = arith.muli %scan3A_87, %mul3A_104 : i32
      %swap3A = arith.index_cast %mul3A_105 : i32 to index
      %swap3A_106 = tpu.vector_load %arg8[%swap3A] {strides = array<i32>} : memref<1200xi32, #tpu.memory_space<vmem>>, vector<16xi32>,
      %swap3A_107 = vector.shape_cast %swap3A_106 : vector<16xi32> to vector<16xi32>
      %swap3A_108 = vector.shape_cast %select_n3A : vector<16xi32> to vector<16xi32>
      tpu.vector_store %arg8[%swap3A], %swap3A_108 {strides = array<i32>} : memref<1200xi32, #tpu.memory_space<vmem>>, vector<16xi32>,
    }
    %scan3A_28 = arith.constant 75 : i32
    "tpu.region"() ({
      %run_scoped3A = tpu.sem_alloc : memref<!tpu.dma_semaphore, #tpu.memory_space<semaphore_mem>>
      %dma_start3A = arith.constant 0 : i32
      %dma_start3A_87 = arith.constant 0 : i32
      %dma_start3A_88 = tpu.memref_slice %arg13[%dma_start3A, %dma_start3A_87] : memref<5008x48xf32, #tpu.memory_space<vmem_shared>> -> memref<5008x48xf32, #tpu.memory_space<vmem_shared>>
      tpu.enqueue_indirect_dma source(%arg7 : memref<1200x48xf32, #tpu.memory_space<vmem>>) target(%dma_start3A_88 : memref<5008x48xf32, #tpu.memory_space<vmem_shared>>) offsets(%arg8 : memref<1200xi32, #tpu.memory_space<vmem>>) semaphore(%run_scoped3A : memref<!tpu.dma_semaphore, #tpu.memory_space<semaphore_mem>>) {add = true}
      %dma_wait3A = arith.constant 0 : i32
      %dma_wait3A_89 = arith.constant 0 : i32
      %dma_wait3A_90 = tpu.memref_slice %arg13[%dma_wait3A, %dma_wait3A_89] : memref<5008x48xf32, #tpu.memory_space<vmem_shared>> -> memref<5008x48xf32, #tpu.memory_space<vmem_shared>>
      tpu.wait_indirect_dma semaphore(%run_scoped3A : memref<!tpu.dma_semaphore, #tpu.memory_space<semaphore_mem>>) src(%arg7 : memref<1200x48xf32, #tpu.memory_space<vmem>>) dst(%dma_wait3A_90 : memref<5008x48xf32, #tpu.memory_space<vmem_shared>>)
      tpu.yield
    }) : () -> ()
    %add3A_29 = arith.constant 3600 : i32
    %add3A_30 = arith.addi %mul3A_6, %add3A_29 : i32
    "tpu.region"() ({
      %run_scoped3A = tpu.sem_alloc : memref<!tpu.dma_semaphore, #tpu.memory_space<semaphore_mem>>
      %dma_start3A = tpu.memref_slice %arg3[%add3A_30] : memref<160000xi32, #tpu.memory_space<hbm>> -> memref<1200xi32, #tpu.memory_space<hbm>>
      %dma_start3A_87 = tpu.memref_slice %arg3[%add3A_30] : memref<160000xi32, #tpu.memory_space<hbm>> -> memref<1200xi32, #tpu.memory_space<hbm>>
      tpu.enqueue_dma source(%dma_start3A_87 : memref<1200xi32, #tpu.memory_space<hbm>>) target(%arg8 : memref<1200xi32, #tpu.memory_space<vmem>>) target_semaphore(%run_scoped3A : memref<!tpu.dma_semaphore, #tpu.memory_space<semaphore_mem>>)
      %dma_wait3A = tpu.memref_slice %arg3[%add3A_30] : memref<160000xi32, #tpu.memory_space<hbm>> -> memref<1200xi32, #tpu.memory_space<hbm>>
      %dma_wait3A_88 = tpu.memref_slice %arg3[%add3A_30] : memref<160000xi32, #tpu.memory_space<hbm>> -> memref<1200xi32, #tpu.memory_space<hbm>>
      tpu.wait_dma2 semaphore(%run_scoped3A : memref<!tpu.dma_semaphore, #tpu.memory_space<semaphore_mem>>) src(%dma_wait3A_88 : memref<1200xi32, #tpu.memory_space<hbm>>) dst(%arg8 : memref<1200xi32, #tpu.memory_space<vmem>>)
      tpu.yield
    }) : () -> ()
    "tpu.region"() ({
      %run_scoped3A = tpu.sem_alloc : memref<!tpu.dma_semaphore, #tpu.memory_space<semaphore_mem>>
      %dma_start3A = arith.constant 0 : i32
      %dma_start3A_87 = tpu.memref_slice %arg2[%add3A_30, %dma_start3A] : memref<160000x128xf32, #tpu.memory_space<hbm>> -> memref<1200x48xf32, #tpu.memory_space<hbm>>
      %dma_start3A_88 = arith.constant 0 : i32
      %dma_start3A_89 = tpu.memref_slice %arg2[%add3A_30, %dma_start3A_88] : memref<160000x128xf32, #tpu.memory_space<hbm>> -> memref<1200x48xf32, #tpu.memory_space<hbm>>
      tpu.enqueue_dma source(%dma_start3A_89 : memref<1200x48xf32, #tpu.memory_space<hbm>>) target(%arg7 : memref<1200x48xf32, #tpu.memory_space<vmem>>) target_semaphore(%run_scoped3A : memref<!tpu.dma_semaphore, #tpu.memory_space<semaphore_mem>>)
      %dma_wait3A = arith.constant 0 : i32
      %dma_wait3A_90 = tpu.memref_slice %arg2[%add3A_30, %dma_wait3A] : memref<160000x128xf32, #tpu.memory_space<hbm>> -> memref<1200x48xf32, #tpu.memory_space<hbm>>
      %dma_wait3A_91 = arith.constant 0 : i32
      %dma_wait3A_92 = tpu.memref_slice %arg2[%add3A_30, %dma_wait3A_91] : memref<160000x128xf32, #tpu.memory_space<hbm>> -> memref<1200x48xf32, #tpu.memory_space<hbm>>
      tpu.wait_dma2 semaphore(%run_scoped3A : memref<!tpu.dma_semaphore, #tpu.memory_space<semaphore_mem>>) src(%dma_wait3A_92 : memref<1200x48xf32, #tpu.memory_space<hbm>>) dst(%arg7 : memref<1200x48xf32, #tpu.memory_space<vmem>>)
      tpu.yield
    }) : () -> ()
    %scan3A_31 = arith.constant 0 : i32
    %scan3A_32 = arith.constant 0 : i32
    %scan3A_33 = arith.constant 75 : i32
    %scan3A_34 = arith.addi %scan3A_32, %scan3A_33 : i32
    %scan3A_35 = arith.constant 1 : i32
    scf.for %scan3A_87 = %scan3A_32 to %scan3A_34 step %scan3A_35  : i32 {
      %mul3A_88 = arith.constant 16 : i32
      %mul3A_89 = arith.muli %scan3A_87, %mul3A_88 : i32
      %get3A = arith.index_cast %mul3A_89 : i32 to index
      %get3A_90 = tpu.vector_load %arg8[%get3A] {strides = array<i32>} : memref<1200xi32, #tpu.memory_space<vmem>>, vector<16xi32>,
      %get3A_91 = vector.shape_cast %get3A_90 : vector<16xi32> to vector<16xi32>
      %sub3A = vector.broadcast %mul3A_0 : i32 to vector<16xi32>
      %sub3A_92 = arith.subi %get3A_91, %sub3A : vector<16xi32>
      %ge3A = arith.constant 0 : i32
      %ge3A_93 = vector.broadcast %ge3A : i32 to vector<16xi32>
      %ge3A_94 = arith.cmpi sge, %sub3A_92, %ge3A_93 : vector<16xi32>
      %lt3A_95 = arith.constant 5000 : i32
      %lt3A_96 = vector.broadcast %lt3A_95 : i32 to vector<16xi32>
      %lt3A_97 = arith.cmpi slt, %sub3A_92, %lt3A_96 : vector<16xi32>
      %and3A = arith.andi %ge3A_94, %lt3A_97 : vector<16xi1>
      %and3A_98 = arith.constant 7 : i32
      %and3A_99 = vector.broadcast %and3A_98 : i32 to vector<16xi32>
      %and3A_100 = arith.andi %get3A_91, %and3A_99 : vector<16xi32>
      %add3A_101 = arith.constant 5000 : i32
      %add3A_102 = vector.broadcast %add3A_101 : i32 to vector<16xi32>
      %add3A_103 = arith.addi %add3A_102, %and3A_100 : vector<16xi32>
      %select_n3A = arith.select %and3A, %sub3A_92, %add3A_103 : vector<16xi1>, vector<16xi32>
      %mul3A_104 = arith.constant 16 : i32
      %mul3A_105 = arith.muli %scan3A_87, %mul3A_104 : i32
      %swap3A = arith.index_cast %mul3A_105 : i32 to index
      %swap3A_106 = tpu.vector_load %arg8[%swap3A] {strides = array<i32>} : memref<1200xi32, #tpu.memory_space<vmem>>, vector<16xi32>,
      %swap3A_107 = vector.shape_cast %swap3A_106 : vector<16xi32> to vector<16xi32>
      %swap3A_108 = vector.shape_cast %select_n3A : vector<16xi32> to vector<16xi32>
      tpu.vector_store %arg8[%swap3A], %swap3A_108 {strides = array<i32>} : memref<1200xi32, #tpu.memory_space<vmem>>, vector<16xi32>,
    }
    %scan3A_36 = arith.constant 75 : i32
    "tpu.region"() ({
      %run_scoped3A = tpu.sem_alloc : memref<!tpu.dma_semaphore, #tpu.memory_space<semaphore_mem>>
      %dma_start3A = arith.constant 0 : i32
      %dma_start3A_87 = arith.constant 0 : i32
      %dma_start3A_88 = tpu.memref_slice %arg13[%dma_start3A, %dma_start3A_87] : memref<5008x48xf32, #tpu.memory_space<vmem_shared>> -> memref<5008x48xf32, #tpu.memory_space<vmem_shared>>
      tpu.enqueue_indirect_dma source(%arg7 : memref<1200x48xf32, #tpu.memory_space<vmem>>) target(%dma_start3A_88 : memref<5008x48xf32, #tpu.memory_space<vmem_shared>>) offsets(%arg8 : memref<1200xi32, #tpu.memory_space<vmem>>) semaphore(%run_scoped3A : memref<!tpu.dma_semaphore, #tpu.memory_space<semaphore_mem>>) {add = true}
      %dma_wait3A = arith.constant 0 : i32
      %dma_wait3A_89 = arith.constant 0 : i32
      %dma_wait3A_90 = tpu.memref_slice %arg13[%dma_wait3A, %dma_wait3A_89] : memref<5008x48xf32, #tpu.memory_space<vmem_shared>> -> memref<5008x48xf32, #tpu.memory_space<vmem_shared>>
      tpu.wait_indirect_dma semaphore(%run_scoped3A : memref<!tpu.dma_semaphore, #tpu.memory_space<semaphore_mem>>) src(%arg7 : memref<1200x48xf32, #tpu.memory_space<vmem>>) dst(%dma_wait3A_90 : memref<5008x48xf32, #tpu.memory_space<vmem_shared>>)
      tpu.yield
    }) : () -> ()
    %add3A_37 = arith.constant 4800 : i32
    %add3A_38 = arith.addi %mul3A_6, %add3A_37 : i32
    "tpu.region"() ({
      %run_scoped3A = tpu.sem_alloc : memref<!tpu.dma_semaphore, #tpu.memory_space<semaphore_mem>>
      %dma_start3A = tpu.memref_slice %arg3[%add3A_38] : memref<160000xi32, #tpu.memory_space<hbm>> -> memref<1200xi32, #tpu.memory_space<hbm>>
      %dma_start3A_87 = tpu.memref_slice %arg3[%add3A_38] : memref<160000xi32, #tpu.memory_space<hbm>> -> memref<1200xi32, #tpu.memory_space<hbm>>
      tpu.enqueue_dma source(%dma_start3A_87 : memref<1200xi32, #tpu.memory_space<hbm>>) target(%arg8 : memref<1200xi32, #tpu.memory_space<vmem>>) target_semaphore(%run_scoped3A : memref<!tpu.dma_semaphore, #tpu.memory_space<semaphore_mem>>)
      %dma_wait3A = tpu.memref_slice %arg3[%add3A_38] : memref<160000xi32, #tpu.memory_space<hbm>> -> memref<1200xi32, #tpu.memory_space<hbm>>
      %dma_wait3A_88 = tpu.memref_slice %arg3[%add3A_38] : memref<160000xi32, #tpu.memory_space<hbm>> -> memref<1200xi32, #tpu.memory_space<hbm>>
      tpu.wait_dma2 semaphore(%run_scoped3A : memref<!tpu.dma_semaphore, #tpu.memory_space<semaphore_mem>>) src(%dma_wait3A_88 : memref<1200xi32, #tpu.memory_space<hbm>>) dst(%arg8 : memref<1200xi32, #tpu.memory_space<vmem>>)
      tpu.yield
    }) : () -> ()
    "tpu.region"() ({
      %run_scoped3A = tpu.sem_alloc : memref<!tpu.dma_semaphore, #tpu.memory_space<semaphore_mem>>
      %dma_start3A = arith.constant 0 : i32
      %dma_start3A_87 = tpu.memref_slice %arg2[%add3A_38, %dma_start3A] : memref<160000x128xf32, #tpu.memory_space<hbm>> -> memref<1200x48xf32, #tpu.memory_space<hbm>>
      %dma_start3A_88 = arith.constant 0 : i32
      %dma_start3A_89 = tpu.memref_slice %arg2[%add3A_38, %dma_start3A_88] : memref<160000x128xf32, #tpu.memory_space<hbm>> -> memref<1200x48xf32, #tpu.memory_space<hbm>>
      tpu.enqueue_dma source(%dma_start3A_89 : memref<1200x48xf32, #tpu.memory_space<hbm>>) target(%arg7 : memref<1200x48xf32, #tpu.memory_space<vmem>>) target_semaphore(%run_scoped3A : memref<!tpu.dma_semaphore, #tpu.memory_space<semaphore_mem>>)
      %dma_wait3A = arith.constant 0 : i32
      %dma_wait3A_90 = tpu.memref_slice %arg2[%add3A_38, %dma_wait3A] : memref<160000x128xf32, #tpu.memory_space<hbm>> -> memref<1200x48xf32, #tpu.memory_space<hbm>>
      %dma_wait3A_91 = arith.constant 0 : i32
      %dma_wait3A_92 = tpu.memref_slice %arg2[%add3A_38, %dma_wait3A_91] : memref<160000x128xf32, #tpu.memory_space<hbm>> -> memref<1200x48xf32, #tpu.memory_space<hbm>>
      tpu.wait_dma2 semaphore(%run_scoped3A : memref<!tpu.dma_semaphore, #tpu.memory_space<semaphore_mem>>) src(%dma_wait3A_92 : memref<1200x48xf32, #tpu.memory_space<hbm>>) dst(%arg7 : memref<1200x48xf32, #tpu.memory_space<vmem>>)
      tpu.yield
    }) : () -> ()
    %scan3A_39 = arith.constant 0 : i32
    %scan3A_40 = arith.constant 0 : i32
    %scan3A_41 = arith.constant 75 : i32
    %scan3A_42 = arith.addi %scan3A_40, %scan3A_41 : i32
    %scan3A_43 = arith.constant 1 : i32
    scf.for %scan3A_87 = %scan3A_40 to %scan3A_42 step %scan3A_43  : i32 {
      %mul3A_88 = arith.constant 16 : i32
      %mul3A_89 = arith.muli %scan3A_87, %mul3A_88 : i32
      %get3A = arith.index_cast %mul3A_89 : i32 to index
      %get3A_90 = tpu.vector_load %arg8[%get3A] {strides = array<i32>} : memref<1200xi32, #tpu.memory_space<vmem>>, vector<16xi32>,
      %get3A_91 = vector.shape_cast %get3A_90 : vector<16xi32> to vector<16xi32>
      %sub3A = vector.broadcast %mul3A_0 : i32 to vector<16xi32>
      %sub3A_92 = arith.subi %get3A_91, %sub3A : vector<16xi32>
      %ge3A = arith.constant 0 : i32
      %ge3A_93 = vector.broadcast %ge3A : i32 to vector<16xi32>
      %ge3A_94 = arith.cmpi sge, %sub3A_92, %ge3A_93 : vector<16xi32>
      %lt3A_95 = arith.constant 5000 : i32
      %lt3A_96 = vector.broadcast %lt3A_95 : i32 to vector<16xi32>
      %lt3A_97 = arith.cmpi slt, %sub3A_92, %lt3A_96 : vector<16xi32>
      %and3A = arith.andi %ge3A_94, %lt3A_97 : vector<16xi1>
      %and3A_98 = arith.constant 7 : i32
      %and3A_99 = vector.broadcast %and3A_98 : i32 to vector<16xi32>
      %and3A_100 = arith.andi %get3A_91, %and3A_99 : vector<16xi32>
      %add3A_101 = arith.constant 5000 : i32
      %add3A_102 = vector.broadcast %add3A_101 : i32 to vector<16xi32>
      %add3A_103 = arith.addi %add3A_102, %and3A_100 : vector<16xi32>
      %select_n3A = arith.select %and3A, %sub3A_92, %add3A_103 : vector<16xi1>, vector<16xi32>
      %mul3A_104 = arith.constant 16 : i32
      %mul3A_105 = arith.muli %scan3A_87, %mul3A_104 : i32
      %swap3A = arith.index_cast %mul3A_105 : i32 to index
      %swap3A_106 = tpu.vector_load %arg8[%swap3A] {strides = array<i32>} : memref<1200xi32, #tpu.memory_space<vmem>>, vector<16xi32>,
      %swap3A_107 = vector.shape_cast %swap3A_106 : vector<16xi32> to vector<16xi32>
      %swap3A_108 = vector.shape_cast %select_n3A : vector<16xi32> to vector<16xi32>
      tpu.vector_store %arg8[%swap3A], %swap3A_108 {strides = array<i32>} : memref<1200xi32, #tpu.memory_space<vmem>>, vector<16xi32>,
    }
    %scan3A_44 = arith.constant 75 : i32
    "tpu.region"() ({
      %run_scoped3A = tpu.sem_alloc : memref<!tpu.dma_semaphore, #tpu.memory_space<semaphore_mem>>
      %dma_start3A = arith.constant 0 : i32
      %dma_start3A_87 = arith.constant 0 : i32
      %dma_start3A_88 = tpu.memref_slice %arg13[%dma_start3A, %dma_start3A_87] : memref<5008x48xf32, #tpu.memory_space<vmem_shared>> -> memref<5008x48xf32, #tpu.memory_space<vmem_shared>>
      tpu.enqueue_indirect_dma source(%arg7 : memref<1200x48xf32, #tpu.memory_space<vmem>>) target(%dma_start3A_88 : memref<5008x48xf32, #tpu.memory_space<vmem_shared>>) offsets(%arg8 : memref<1200xi32, #tpu.memory_space<vmem>>) semaphore(%run_scoped3A : memref<!tpu.dma_semaphore, #tpu.memory_space<semaphore_mem>>) {add = true}
      %dma_wait3A = arith.constant 0 : i32
      %dma_wait3A_89 = arith.constant 0 : i32
      %dma_wait3A_90 = tpu.memref_slice %arg13[%dma_wait3A, %dma_wait3A_89] : memref<5008x48xf32, #tpu.memory_space<vmem_shared>> -> memref<5008x48xf32, #tpu.memory_space<vmem_shared>>
      tpu.wait_indirect_dma semaphore(%run_scoped3A : memref<!tpu.dma_semaphore, #tpu.memory_space<semaphore_mem>>) src(%arg7 : memref<1200x48xf32, #tpu.memory_space<vmem>>) dst(%dma_wait3A_90 : memref<5008x48xf32, #tpu.memory_space<vmem_shared>>)
      tpu.yield
    }) : () -> ()
    %add3A_45 = arith.constant 6000 : i32
    %add3A_46 = arith.addi %mul3A_6, %add3A_45 : i32
    "tpu.region"() ({
      %run_scoped3A = tpu.sem_alloc : memref<!tpu.dma_semaphore, #tpu.memory_space<semaphore_mem>>
      %dma_start3A = tpu.memref_slice %arg3[%add3A_46] : memref<160000xi32, #tpu.memory_space<hbm>> -> memref<1200xi32, #tpu.memory_space<hbm>>
      %dma_start3A_87 = tpu.memref_slice %arg3[%add3A_46] : memref<160000xi32, #tpu.memory_space<hbm>> -> memref<1200xi32, #tpu.memory_space<hbm>>
      tpu.enqueue_dma source(%dma_start3A_87 : memref<1200xi32, #tpu.memory_space<hbm>>) target(%arg8 : memref<1200xi32, #tpu.memory_space<vmem>>) target_semaphore(%run_scoped3A : memref<!tpu.dma_semaphore, #tpu.memory_space<semaphore_mem>>)
      %dma_wait3A = tpu.memref_slice %arg3[%add3A_46] : memref<160000xi32, #tpu.memory_space<hbm>> -> memref<1200xi32, #tpu.memory_space<hbm>>
      %dma_wait3A_88 = tpu.memref_slice %arg3[%add3A_46] : memref<160000xi32, #tpu.memory_space<hbm>> -> memref<1200xi32, #tpu.memory_space<hbm>>
      tpu.wait_dma2 semaphore(%run_scoped3A : memref<!tpu.dma_semaphore, #tpu.memory_space<semaphore_mem>>) src(%dma_wait3A_88 : memref<1200xi32, #tpu.memory_space<hbm>>) dst(%arg8 : memref<1200xi32, #tpu.memory_space<vmem>>)
      tpu.yield
    }) : () -> ()
    "tpu.region"() ({
      %run_scoped3A = tpu.sem_alloc : memref<!tpu.dma_semaphore, #tpu.memory_space<semaphore_mem>>
      %dma_start3A = arith.constant 0 : i32
      %dma_start3A_87 = tpu.memref_slice %arg2[%add3A_46, %dma_start3A] : memref<160000x128xf32, #tpu.memory_space<hbm>> -> memref<1200x48xf32, #tpu.memory_space<hbm>>
      %dma_start3A_88 = arith.constant 0 : i32
      %dma_start3A_89 = tpu.memref_slice %arg2[%add3A_46, %dma_start3A_88] : memref<160000x128xf32, #tpu.memory_space<hbm>> -> memref<1200x48xf32, #tpu.memory_space<hbm>>
      tpu.enqueue_dma source(%dma_start3A_89 : memref<1200x48xf32, #tpu.memory_space<hbm>>) target(%arg7 : memref<1200x48xf32, #tpu.memory_space<vmem>>) target_semaphore(%run_scoped3A : memref<!tpu.dma_semaphore, #tpu.memory_space<semaphore_mem>>)
      %dma_wait3A = arith.constant 0 : i32
      %dma_wait3A_90 = tpu.memref_slice %arg2[%add3A_46, %dma_wait3A] : memref<160000x128xf32, #tpu.memory_space<hbm>> -> memref<1200x48xf32, #tpu.memory_space<hbm>>
      %dma_wait3A_91 = arith.constant 0 : i32
      %dma_wait3A_92 = tpu.memref_slice %arg2[%add3A_46, %dma_wait3A_91] : memref<160000x128xf32, #tpu.memory_space<hbm>> -> memref<1200x48xf32, #tpu.memory_space<hbm>>
      tpu.wait_dma2 semaphore(%run_scoped3A : memref<!tpu.dma_semaphore, #tpu.memory_space<semaphore_mem>>) src(%dma_wait3A_92 : memref<1200x48xf32, #tpu.memory_space<hbm>>) dst(%arg7 : memref<1200x48xf32, #tpu.memory_space<vmem>>)
      tpu.yield
    }) : () -> ()
    %scan3A_47 = arith.constant 0 : i32
    %scan3A_48 = arith.constant 0 : i32
    %scan3A_49 = arith.constant 75 : i32
    %scan3A_50 = arith.addi %scan3A_48, %scan3A_49 : i32
    %scan3A_51 = arith.constant 1 : i32
    scf.for %scan3A_87 = %scan3A_48 to %scan3A_50 step %scan3A_51  : i32 {
      %mul3A_88 = arith.constant 16 : i32
      %mul3A_89 = arith.muli %scan3A_87, %mul3A_88 : i32
      %get3A = arith.index_cast %mul3A_89 : i32 to index
      %get3A_90 = tpu.vector_load %arg8[%get3A] {strides = array<i32>} : memref<1200xi32, #tpu.memory_space<vmem>>, vector<16xi32>,
      %get3A_91 = vector.shape_cast %get3A_90 : vector<16xi32> to vector<16xi32>
      %sub3A = vector.broadcast %mul3A_0 : i32 to vector<16xi32>
      %sub3A_92 = arith.subi %get3A_91, %sub3A : vector<16xi32>
      %ge3A = arith.constant 0 : i32
      %ge3A_93 = vector.broadcast %ge3A : i32 to vector<16xi32>
      %ge3A_94 = arith.cmpi sge, %sub3A_92, %ge3A_93 : vector<16xi32>
      %lt3A_95 = arith.constant 5000 : i32
      %lt3A_96 = vector.broadcast %lt3A_95 : i32 to vector<16xi32>
      %lt3A_97 = arith.cmpi slt, %sub3A_92, %lt3A_96 : vector<16xi32>
      %and3A = arith.andi %ge3A_94, %lt3A_97 : vector<16xi1>
      %and3A_98 = arith.constant 7 : i32
      %and3A_99 = vector.broadcast %and3A_98 : i32 to vector<16xi32>
      %and3A_100 = arith.andi %get3A_91, %and3A_99 : vector<16xi32>
      %add3A_101 = arith.constant 5000 : i32
      %add3A_102 = vector.broadcast %add3A_101 : i32 to vector<16xi32>
      %add3A_103 = arith.addi %add3A_102, %and3A_100 : vector<16xi32>
      %select_n3A = arith.select %and3A, %sub3A_92, %add3A_103 : vector<16xi1>, vector<16xi32>
      %mul3A_104 = arith.constant 16 : i32
      %mul3A_105 = arith.muli %scan3A_87, %mul3A_104 : i32
      %swap3A = arith.index_cast %mul3A_105 : i32 to index
      %swap3A_106 = tpu.vector_load %arg8[%swap3A] {strides = array<i32>} : memref<1200xi32, #tpu.memory_space<vmem>>, vector<16xi32>,
      %swap3A_107 = vector.shape_cast %swap3A_106 : vector<16xi32> to vector<16xi32>
      %swap3A_108 = vector.shape_cast %select_n3A : vector<16xi32> to vector<16xi32>
      tpu.vector_store %arg8[%swap3A], %swap3A_108 {strides = array<i32>} : memref<1200xi32, #tpu.memory_space<vmem>>, vector<16xi32>,
    }
    %scan3A_52 = arith.constant 75 : i32
    "tpu.region"() ({
      %run_scoped3A = tpu.sem_alloc : memref<!tpu.dma_semaphore, #tpu.memory_space<semaphore_mem>>
      %dma_start3A = arith.constant 0 : i32
      %dma_start3A_87 = arith.constant 0 : i32
      %dma_start3A_88 = tpu.memref_slice %arg13[%dma_start3A, %dma_start3A_87] : memref<5008x48xf32, #tpu.memory_space<vmem_shared>> -> memref<5008x48xf32, #tpu.memory_space<vmem_shared>>
      tpu.enqueue_indirect_dma source(%arg7 : memref<1200x48xf32, #tpu.memory_space<vmem>>) target(%dma_start3A_88 : memref<5008x48xf32, #tpu.memory_space<vmem_shared>>) offsets(%arg8 : memref<1200xi32, #tpu.memory_space<vmem>>) semaphore(%run_scoped3A : memref<!tpu.dma_semaphore, #tpu.memory_space<semaphore_mem>>) {add = true}
      %dma_wait3A = arith.constant 0 : i32
      %dma_wait3A_89 = arith.constant 0 : i32
      %dma_wait3A_90 = tpu.memref_slice %arg13[%dma_wait3A, %dma_wait3A_89] : memref<5008x48xf32, #tpu.memory_space<vmem_shared>> -> memref<5008x48xf32, #tpu.memory_space<vmem_shared>>
      tpu.wait_indirect_dma semaphore(%run_scoped3A : memref<!tpu.dma_semaphore, #tpu.memory_space<semaphore_mem>>) src(%arg7 : memref<1200x48xf32, #tpu.memory_space<vmem>>) dst(%dma_wait3A_90 : memref<5008x48xf32, #tpu.memory_space<vmem_shared>>)
      tpu.yield
    }) : () -> ()
    %add3A_53 = arith.constant 7200 : i32
    %add3A_54 = arith.addi %mul3A_6, %add3A_53 : i32
    "tpu.region"() ({
      %run_scoped3A = tpu.sem_alloc : memref<!tpu.dma_semaphore, #tpu.memory_space<semaphore_mem>>
      %dma_start3A = tpu.memref_slice %arg3[%add3A_54] : memref<160000xi32, #tpu.memory_space<hbm>> -> memref<1200xi32, #tpu.memory_space<hbm>>
      %dma_start3A_87 = tpu.memref_slice %arg3[%add3A_54] : memref<160000xi32, #tpu.memory_space<hbm>> -> memref<1200xi32, #tpu.memory_space<hbm>>
      tpu.enqueue_dma source(%dma_start3A_87 : memref<1200xi32, #tpu.memory_space<hbm>>) target(%arg8 : memref<1200xi32, #tpu.memory_space<vmem>>) target_semaphore(%run_scoped3A : memref<!tpu.dma_semaphore, #tpu.memory_space<semaphore_mem>>)
      %dma_wait3A = tpu.memref_slice %arg3[%add3A_54] : memref<160000xi32, #tpu.memory_space<hbm>> -> memref<1200xi32, #tpu.memory_space<hbm>>
      %dma_wait3A_88 = tpu.memref_slice %arg3[%add3A_54] : memref<160000xi32, #tpu.memory_space<hbm>> -> memref<1200xi32, #tpu.memory_space<hbm>>
      tpu.wait_dma2 semaphore(%run_scoped3A : memref<!tpu.dma_semaphore, #tpu.memory_space<semaphore_mem>>) src(%dma_wait3A_88 : memref<1200xi32, #tpu.memory_space<hbm>>) dst(%arg8 : memref<1200xi32, #tpu.memory_space<vmem>>)
      tpu.yield
    }) : () -> ()
    "tpu.region"() ({
      %run_scoped3A = tpu.sem_alloc : memref<!tpu.dma_semaphore, #tpu.memory_space<semaphore_mem>>
      %dma_start3A = arith.constant 0 : i32
      %dma_start3A_87 = tpu.memref_slice %arg2[%add3A_54, %dma_start3A] : memref<160000x128xf32, #tpu.memory_space<hbm>> -> memref<1200x48xf32, #tpu.memory_space<hbm>>
      %dma_start3A_88 = arith.constant 0 : i32
      %dma_start3A_89 = tpu.memref_slice %arg2[%add3A_54, %dma_start3A_88] : memref<160000x128xf32, #tpu.memory_space<hbm>> -> memref<1200x48xf32, #tpu.memory_space<hbm>>
      tpu.enqueue_dma source(%dma_start3A_89 : memref<1200x48xf32, #tpu.memory_space<hbm>>) target(%arg7 : memref<1200x48xf32, #tpu.memory_space<vmem>>) target_semaphore(%run_scoped3A : memref<!tpu.dma_semaphore, #tpu.memory_space<semaphore_mem>>)
      %dma_wait3A = arith.constant 0 : i32
      %dma_wait3A_90 = tpu.memref_slice %arg2[%add3A_54, %dma_wait3A] : memref<160000x128xf32, #tpu.memory_space<hbm>> -> memref<1200x48xf32, #tpu.memory_space<hbm>>
      %dma_wait3A_91 = arith.constant 0 : i32
      %dma_wait3A_92 = tpu.memref_slice %arg2[%add3A_54, %dma_wait3A_91] : memref<160000x128xf32, #tpu.memory_space<hbm>> -> memref<1200x48xf32, #tpu.memory_space<hbm>>
      tpu.wait_dma2 semaphore(%run_scoped3A : memref<!tpu.dma_semaphore, #tpu.memory_space<semaphore_mem>>) src(%dma_wait3A_92 : memref<1200x48xf32, #tpu.memory_space<hbm>>) dst(%arg7 : memref<1200x48xf32, #tpu.memory_space<vmem>>)
      tpu.yield
    }) : () -> ()
    %scan3A_55 = arith.constant 0 : i32
    %scan3A_56 = arith.constant 0 : i32
    %scan3A_57 = arith.constant 75 : i32
    %scan3A_58 = arith.addi %scan3A_56, %scan3A_57 : i32
    %scan3A_59 = arith.constant 1 : i32
    scf.for %scan3A_87 = %scan3A_56 to %scan3A_58 step %scan3A_59  : i32 {
      %mul3A_88 = arith.constant 16 : i32
      %mul3A_89 = arith.muli %scan3A_87, %mul3A_88 : i32
      %get3A = arith.index_cast %mul3A_89 : i32 to index
      %get3A_90 = tpu.vector_load %arg8[%get3A] {strides = array<i32>} : memref<1200xi32, #tpu.memory_space<vmem>>, vector<16xi32>,
      %get3A_91 = vector.shape_cast %get3A_90 : vector<16xi32> to vector<16xi32>
      %sub3A = vector.broadcast %mul3A_0 : i32 to vector<16xi32>
      %sub3A_92 = arith.subi %get3A_91, %sub3A : vector<16xi32>
      %ge3A = arith.constant 0 : i32
      %ge3A_93 = vector.broadcast %ge3A : i32 to vector<16xi32>
      %ge3A_94 = arith.cmpi sge, %sub3A_92, %ge3A_93 : vector<16xi32>
      %lt3A_95 = arith.constant 5000 : i32
      %lt3A_96 = vector.broadcast %lt3A_95 : i32 to vector<16xi32>
      %lt3A_97 = arith.cmpi slt, %sub3A_92, %lt3A_96 : vector<16xi32>
      %and3A = arith.andi %ge3A_94, %lt3A_97 : vector<16xi1>
      %and3A_98 = arith.constant 7 : i32
      %and3A_99 = vector.broadcast %and3A_98 : i32 to vector<16xi32>
      %and3A_100 = arith.andi %get3A_91, %and3A_99 : vector<16xi32>
      %add3A_101 = arith.constant 5000 : i32
      %add3A_102 = vector.broadcast %add3A_101 : i32 to vector<16xi32>
      %add3A_103 = arith.addi %add3A_102, %and3A_100 : vector<16xi32>
      %select_n3A = arith.select %and3A, %sub3A_92, %add3A_103 : vector<16xi1>, vector<16xi32>
      %mul3A_104 = arith.constant 16 : i32
      %mul3A_105 = arith.muli %scan3A_87, %mul3A_104 : i32
      %swap3A = arith.index_cast %mul3A_105 : i32 to index
      %swap3A_106 = tpu.vector_load %arg8[%swap3A] {strides = array<i32>} : memref<1200xi32, #tpu.memory_space<vmem>>, vector<16xi32>,
      %swap3A_107 = vector.shape_cast %swap3A_106 : vector<16xi32> to vector<16xi32>
      %swap3A_108 = vector.shape_cast %select_n3A : vector<16xi32> to vector<16xi32>
      tpu.vector_store %arg8[%swap3A], %swap3A_108 {strides = array<i32>} : memref<1200xi32, #tpu.memory_space<vmem>>, vector<16xi32>,
    }
    %scan3A_60 = arith.constant 75 : i32
    "tpu.region"() ({
      %run_scoped3A = tpu.sem_alloc : memref<!tpu.dma_semaphore, #tpu.memory_space<semaphore_mem>>
      %dma_start3A = arith.constant 0 : i32
      %dma_start3A_87 = arith.constant 0 : i32
      %dma_start3A_88 = tpu.memref_slice %arg13[%dma_start3A, %dma_start3A_87] : memref<5008x48xf32, #tpu.memory_space<vmem_shared>> -> memref<5008x48xf32, #tpu.memory_space<vmem_shared>>
      tpu.enqueue_indirect_dma source(%arg7 : memref<1200x48xf32, #tpu.memory_space<vmem>>) target(%dma_start3A_88 : memref<5008x48xf32, #tpu.memory_space<vmem_shared>>) offsets(%arg8 : memref<1200xi32, #tpu.memory_space<vmem>>) semaphore(%run_scoped3A : memref<!tpu.dma_semaphore, #tpu.memory_space<semaphore_mem>>) {add = true}
      %dma_wait3A = arith.constant 0 : i32
      %dma_wait3A_89 = arith.constant 0 : i32
      %dma_wait3A_90 = tpu.memref_slice %arg13[%dma_wait3A, %dma_wait3A_89] : memref<5008x48xf32, #tpu.memory_space<vmem_shared>> -> memref<5008x48xf32, #tpu.memory_space<vmem_shared>>
      tpu.wait_indirect_dma semaphore(%run_scoped3A : memref<!tpu.dma_semaphore, #tpu.memory_space<semaphore_mem>>) src(%arg7 : memref<1200x48xf32, #tpu.memory_space<vmem>>) dst(%dma_wait3A_90 : memref<5008x48xf32, #tpu.memory_space<vmem_shared>>)
      tpu.yield
    }) : () -> ()
    %add3A_61 = arith.constant 8400 : i32
    %add3A_62 = arith.addi %mul3A_6, %add3A_61 : i32
    "tpu.region"() ({
      %run_scoped3A = tpu.sem_alloc : memref<!tpu.dma_semaphore, #tpu.memory_space<semaphore_mem>>
      %dma_start3A = tpu.memref_slice %arg3[%add3A_62] : memref<160000xi32, #tpu.memory_space<hbm>> -> memref<1200xi32, #tpu.memory_space<hbm>>
      %dma_start3A_87 = tpu.memref_slice %arg3[%add3A_62] : memref<160000xi32, #tpu.memory_space<hbm>> -> memref<1200xi32, #tpu.memory_space<hbm>>
      tpu.enqueue_dma source(%dma_start3A_87 : memref<1200xi32, #tpu.memory_space<hbm>>) target(%arg8 : memref<1200xi32, #tpu.memory_space<vmem>>) target_semaphore(%run_scoped3A : memref<!tpu.dma_semaphore, #tpu.memory_space<semaphore_mem>>)
      %dma_wait3A = tpu.memref_slice %arg3[%add3A_62] : memref<160000xi32, #tpu.memory_space<hbm>> -> memref<1200xi32, #tpu.memory_space<hbm>>
      %dma_wait3A_88 = tpu.memref_slice %arg3[%add3A_62] : memref<160000xi32, #tpu.memory_space<hbm>> -> memref<1200xi32, #tpu.memory_space<hbm>>
      tpu.wait_dma2 semaphore(%run_scoped3A : memref<!tpu.dma_semaphore, #tpu.memory_space<semaphore_mem>>) src(%dma_wait3A_88 : memref<1200xi32, #tpu.memory_space<hbm>>) dst(%arg8 : memref<1200xi32, #tpu.memory_space<vmem>>)
      tpu.yield
    }) : () -> ()
    "tpu.region"() ({
      %run_scoped3A = tpu.sem_alloc : memref<!tpu.dma_semaphore, #tpu.memory_space<semaphore_mem>>
      %dma_start3A = arith.constant 0 : i32
      %dma_start3A_87 = tpu.memref_slice %arg2[%add3A_62, %dma_start3A] : memref<160000x128xf32, #tpu.memory_space<hbm>> -> memref<1200x48xf32, #tpu.memory_space<hbm>>
      %dma_start3A_88 = arith.constant 0 : i32
      %dma_start3A_89 = tpu.memref_slice %arg2[%add3A_62, %dma_start3A_88] : memref<160000x128xf32, #tpu.memory_space<hbm>> -> memref<1200x48xf32, #tpu.memory_space<hbm>>
      tpu.enqueue_dma source(%dma_start3A_89 : memref<1200x48xf32, #tpu.memory_space<hbm>>) target(%arg7 : memref<1200x48xf32, #tpu.memory_space<vmem>>) target_semaphore(%run_scoped3A : memref<!tpu.dma_semaphore, #tpu.memory_space<semaphore_mem>>)
      %dma_wait3A = arith.constant 0 : i32
      %dma_wait3A_90 = tpu.memref_slice %arg2[%add3A_62, %dma_wait3A] : memref<160000x128xf32, #tpu.memory_space<hbm>> -> memref<1200x48xf32, #tpu.memory_space<hbm>>
      %dma_wait3A_91 = arith.constant 0 : i32
      %dma_wait3A_92 = tpu.memref_slice %arg2[%add3A_62, %dma_wait3A_91] : memref<160000x128xf32, #tpu.memory_space<hbm>> -> memref<1200x48xf32, #tpu.memory_space<hbm>>
      tpu.wait_dma2 semaphore(%run_scoped3A : memref<!tpu.dma_semaphore, #tpu.memory_space<semaphore_mem>>) src(%dma_wait3A_92 : memref<1200x48xf32, #tpu.memory_space<hbm>>) dst(%arg7 : memref<1200x48xf32, #tpu.memory_space<vmem>>)
      tpu.yield
    }) : () -> ()
    %scan3A_63 = arith.constant 0 : i32
    %scan3A_64 = arith.constant 0 : i32
    %scan3A_65 = arith.constant 75 : i32
    %scan3A_66 = arith.addi %scan3A_64, %scan3A_65 : i32
    %scan3A_67 = arith.constant 1 : i32
    scf.for %scan3A_87 = %scan3A_64 to %scan3A_66 step %scan3A_67  : i32 {
      %mul3A_88 = arith.constant 16 : i32
      %mul3A_89 = arith.muli %scan3A_87, %mul3A_88 : i32
      %get3A = arith.index_cast %mul3A_89 : i32 to index
      %get3A_90 = tpu.vector_load %arg8[%get3A] {strides = array<i32>} : memref<1200xi32, #tpu.memory_space<vmem>>, vector<16xi32>,
      %get3A_91 = vector.shape_cast %get3A_90 : vector<16xi32> to vector<16xi32>
      %sub3A = vector.broadcast %mul3A_0 : i32 to vector<16xi32>
      %sub3A_92 = arith.subi %get3A_91, %sub3A : vector<16xi32>
      %ge3A = arith.constant 0 : i32
      %ge3A_93 = vector.broadcast %ge3A : i32 to vector<16xi32>
      %ge3A_94 = arith.cmpi sge, %sub3A_92, %ge3A_93 : vector<16xi32>
      %lt3A_95 = arith.constant 5000 : i32
      %lt3A_96 = vector.broadcast %lt3A_95 : i32 to vector<16xi32>
      %lt3A_97 = arith.cmpi slt, %sub3A_92, %lt3A_96 : vector<16xi32>
      %and3A = arith.andi %ge3A_94, %lt3A_97 : vector<16xi1>
      %and3A_98 = arith.constant 7 : i32
      %and3A_99 = vector.broadcast %and3A_98 : i32 to vector<16xi32>
      %and3A_100 = arith.andi %get3A_91, %and3A_99 : vector<16xi32>
      %add3A_101 = arith.constant 5000 : i32
      %add3A_102 = vector.broadcast %add3A_101 : i32 to vector<16xi32>
      %add3A_103 = arith.addi %add3A_102, %and3A_100 : vector<16xi32>
      %select_n3A = arith.select %and3A, %sub3A_92, %add3A_103 : vector<16xi1>, vector<16xi32>
      %mul3A_104 = arith.constant 16 : i32
      %mul3A_105 = arith.muli %scan3A_87, %mul3A_104 : i32
      %swap3A = arith.index_cast %mul3A_105 : i32 to index
      %swap3A_106 = tpu.vector_load %arg8[%swap3A] {strides = array<i32>} : memref<1200xi32, #tpu.memory_space<vmem>>, vector<16xi32>,
      %swap3A_107 = vector.shape_cast %swap3A_106 : vector<16xi32> to vector<16xi32>
      %swap3A_108 = vector.shape_cast %select_n3A : vector<16xi32> to vector<16xi32>
      tpu.vector_store %arg8[%swap3A], %swap3A_108 {strides = array<i32>} : memref<1200xi32, #tpu.memory_space<vmem>>, vector<16xi32>,
    }
    %scan3A_68 = arith.constant 75 : i32
    "tpu.region"() ({
      %run_scoped3A = tpu.sem_alloc : memref<!tpu.dma_semaphore, #tpu.memory_space<semaphore_mem>>
      %dma_start3A = arith.constant 0 : i32
      %dma_start3A_87 = arith.constant 0 : i32
      %dma_start3A_88 = tpu.memref_slice %arg13[%dma_start3A, %dma_start3A_87] : memref<5008x48xf32, #tpu.memory_space<vmem_shared>> -> memref<5008x48xf32, #tpu.memory_space<vmem_shared>>
      tpu.enqueue_indirect_dma source(%arg7 : memref<1200x48xf32, #tpu.memory_space<vmem>>) target(%dma_start3A_88 : memref<5008x48xf32, #tpu.memory_space<vmem_shared>>) offsets(%arg8 : memref<1200xi32, #tpu.memory_space<vmem>>) semaphore(%run_scoped3A : memref<!tpu.dma_semaphore, #tpu.memory_space<semaphore_mem>>) {add = true}
      %dma_wait3A = arith.constant 0 : i32
      %dma_wait3A_89 = arith.constant 0 : i32
      %dma_wait3A_90 = tpu.memref_slice %arg13[%dma_wait3A, %dma_wait3A_89] : memref<5008x48xf32, #tpu.memory_space<vmem_shared>> -> memref<5008x48xf32, #tpu.memory_space<vmem_shared>>
      tpu.wait_indirect_dma semaphore(%run_scoped3A : memref<!tpu.dma_semaphore, #tpu.memory_space<semaphore_mem>>) src(%arg7 : memref<1200x48xf32, #tpu.memory_space<vmem>>) dst(%dma_wait3A_90 : memref<5008x48xf32, #tpu.memory_space<vmem_shared>>)
      tpu.yield
    }) : () -> ()
    %add3A_69 = arith.constant 9600 : i32
    %add3A_70 = arith.addi %mul3A_6, %add3A_69 : i32
    "tpu.region"() ({
      %run_scoped3A = tpu.sem_alloc : memref<!tpu.dma_semaphore, #tpu.memory_space<semaphore_mem>>
      %dma_start3A = tpu.memref_slice %arg3[%add3A_70] : memref<160000xi32, #tpu.memory_space<hbm>> -> memref<400xi32, #tpu.memory_space<hbm>>
      %dma_start3A_87 = tpu.memref_slice %arg3[%add3A_70] : memref<160000xi32, #tpu.memory_space<hbm>> -> memref<400xi32, #tpu.memory_space<hbm>>
      tpu.enqueue_dma source(%dma_start3A_87 : memref<400xi32, #tpu.memory_space<hbm>>) target(%arg10 : memref<400xi32, #tpu.memory_space<vmem>>) target_semaphore(%run_scoped3A : memref<!tpu.dma_semaphore, #tpu.memory_space<semaphore_mem>>)
      %dma_wait3A = tpu.memref_slice %arg3[%add3A_70] : memref<160000xi32, #tpu.memory_space<hbm>> -> memref<400xi32, #tpu.memory_space<hbm>>
      %dma_wait3A_88 = tpu.memref_slice %arg3[%add3A_70] : memref<160000xi32, #tpu.memory_space<hbm>> -> memref<400xi32, #tpu.memory_space<hbm>>
      tpu.wait_dma2 semaphore(%run_scoped3A : memref<!tpu.dma_semaphore, #tpu.memory_space<semaphore_mem>>) src(%dma_wait3A_88 : memref<400xi32, #tpu.memory_space<hbm>>) dst(%arg10 : memref<400xi32, #tpu.memory_space<vmem>>)
      tpu.yield
    }) : () -> ()
    "tpu.region"() ({
      %run_scoped3A = tpu.sem_alloc : memref<!tpu.dma_semaphore, #tpu.memory_space<semaphore_mem>>
      %dma_start3A = arith.constant 0 : i32
      %dma_start3A_87 = tpu.memref_slice %arg2[%add3A_70, %dma_start3A] : memref<160000x128xf32, #tpu.memory_space<hbm>> -> memref<400x48xf32, #tpu.memory_space<hbm>>
      %dma_start3A_88 = arith.constant 0 : i32
      %dma_start3A_89 = tpu.memref_slice %arg2[%add3A_70, %dma_start3A_88] : memref<160000x128xf32, #tpu.memory_space<hbm>> -> memref<400x48xf32, #tpu.memory_space<hbm>>
      tpu.enqueue_dma source(%dma_start3A_89 : memref<400x48xf32, #tpu.memory_space<hbm>>) target(%arg9 : memref<400x48xf32, #tpu.memory_space<vmem>>) target_semaphore(%run_scoped3A : memref<!tpu.dma_semaphore, #tpu.memory_space<semaphore_mem>>)
      %dma_wait3A = arith.constant 0 : i32
      %dma_wait3A_90 = tpu.memref_slice %arg2[%add3A_70, %dma_wait3A] : memref<160000x128xf32, #tpu.memory_space<hbm>> -> memref<400x48xf32, #tpu.memory_space<hbm>>
      %dma_wait3A_91 = arith.constant 0 : i32
      %dma_wait3A_92 = tpu.memref_slice %arg2[%add3A_70, %dma_wait3A_91] : memref<160000x128xf32, #tpu.memory_space<hbm>> -> memref<400x48xf32, #tpu.memory_space<hbm>>
      tpu.wait_dma2 semaphore(%run_scoped3A : memref<!tpu.dma_semaphore, #tpu.memory_space<semaphore_mem>>) src(%dma_wait3A_92 : memref<400x48xf32, #tpu.memory_space<hbm>>) dst(%arg9 : memref<400x48xf32, #tpu.memory_space<vmem>>)
      tpu.yield
    }) : () -> ()
    %scan3A_71 = arith.constant 0 : i32
    %scan3A_72 = arith.constant 0 : i32
    %scan3A_73 = arith.constant 25 : i32
    %scan3A_74 = arith.addi %scan3A_72, %scan3A_73 : i32
    %scan3A_75 = arith.constant 1 : i32
    scf.for %scan3A_87 = %scan3A_72 to %scan3A_74 step %scan3A_75  : i32 {
      %mul3A_88 = arith.constant 16 : i32
      %mul3A_89 = arith.muli %scan3A_87, %mul3A_88 : i32
      %get3A = arith.index_cast %mul3A_89 : i32 to index
      %get3A_90 = tpu.vector_load %arg10[%get3A] {strides = array<i32>} : memref<400xi32, #tpu.memory_space<vmem>>, vector<16xi32>,
      %get3A_91 = vector.shape_cast %get3A_90 : vector<16xi32> to vector<16xi32>
      %sub3A = vector.broadcast %mul3A_0 : i32 to vector<16xi32>
      %sub3A_92 = arith.subi %get3A_91, %sub3A : vector<16xi32>
      %ge3A = arith.constant 0 : i32
      %ge3A_93 = vector.broadcast %ge3A : i32 to vector<16xi32>
      %ge3A_94 = arith.cmpi sge, %sub3A_92, %ge3A_93 : vector<16xi32>
      %lt3A_95 = arith.constant 5000 : i32
      %lt3A_96 = vector.broadcast %lt3A_95 : i32 to vector<16xi32>
      %lt3A_97 = arith.cmpi slt, %sub3A_92, %lt3A_96 : vector<16xi32>
      %and3A = arith.andi %ge3A_94, %lt3A_97 : vector<16xi1>
      %and3A_98 = arith.constant 7 : i32
      %and3A_99 = vector.broadcast %and3A_98 : i32 to vector<16xi32>
      %and3A_100 = arith.andi %get3A_91, %and3A_99 : vector<16xi32>
      %add3A_101 = arith.constant 5000 : i32
      %add3A_102 = vector.broadcast %add3A_101 : i32 to vector<16xi32>
      %add3A_103 = arith.addi %add3A_102, %and3A_100 : vector<16xi32>
      %select_n3A = arith.select %and3A, %sub3A_92, %add3A_103 : vector<16xi1>, vector<16xi32>
      %mul3A_104 = arith.constant 16 : i32
      %mul3A_105 = arith.muli %scan3A_87, %mul3A_104 : i32
      %swap3A = arith.index_cast %mul3A_105 : i32 to index
      %swap3A_106 = tpu.vector_load %arg10[%swap3A] {strides = array<i32>} : memref<400xi32, #tpu.memory_space<vmem>>, vector<16xi32>,
      %swap3A_107 = vector.shape_cast %swap3A_106 : vector<16xi32> to vector<16xi32>
      %swap3A_108 = vector.shape_cast %select_n3A : vector<16xi32> to vector<16xi32>
      tpu.vector_store %arg10[%swap3A], %swap3A_108 {strides = array<i32>} : memref<400xi32, #tpu.memory_space<vmem>>, vector<16xi32>,
    }
    %scan3A_76 = arith.constant 25 : i32
    "tpu.region"() ({
      %run_scoped3A = tpu.sem_alloc : memref<!tpu.dma_semaphore, #tpu.memory_space<semaphore_mem>>
      %dma_start3A = arith.constant 0 : i32
      %dma_start3A_87 = arith.constant 0 : i32
      %dma_start3A_88 = tpu.memref_slice %arg13[%dma_start3A, %dma_start3A_87] : memref<5008x48xf32, #tpu.memory_space<vmem_shared>> -> memref<5008x48xf32, #tpu.memory_space<vmem_shared>>
      tpu.enqueue_indirect_dma source(%arg9 : memref<400x48xf32, #tpu.memory_space<vmem>>) target(%dma_start3A_88 : memref<5008x48xf32, #tpu.memory_space<vmem_shared>>) offsets(%arg10 : memref<400xi32, #tpu.memory_space<vmem>>) semaphore(%run_scoped3A : memref<!tpu.dma_semaphore, #tpu.memory_space<semaphore_mem>>) {add = true}
      %dma_wait3A = arith.constant 0 : i32
      %dma_wait3A_89 = arith.constant 0 : i32
      %dma_wait3A_90 = tpu.memref_slice %arg13[%dma_wait3A, %dma_wait3A_89] : memref<5008x48xf32, #tpu.memory_space<vmem_shared>> -> memref<5008x48xf32, #tpu.memory_space<vmem_shared>>
      tpu.wait_indirect_dma semaphore(%run_scoped3A : memref<!tpu.dma_semaphore, #tpu.memory_space<semaphore_mem>>) src(%arg9 : memref<400x48xf32, #tpu.memory_space<vmem>>) dst(%dma_wait3A_90 : memref<5008x48xf32, #tpu.memory_space<vmem_shared>>)
      tpu.yield
    }) : () -> ()
    %barrier3A_77 = arith.constant 0 : index
    tpu.barrier barrier_id(%barrier3A_77)
    %mul3A_78 = arith.constant 313 : i32
    %mul3A_79 = arith.muli %arg1, %mul3A_78 : i32
    %add3A_80 = arith.addi %mul3A_0, %mul3A_79 : i32
    "tpu.region"() ({
      %run_scoped3A = tpu.sem_alloc : memref<!tpu.dma_semaphore, #tpu.memory_space<semaphore_mem>>
      %dma_start3A = arith.constant 0 : i32
      %dma_start3A_87 = tpu.memref_slice %arg13[%mul3A_79, %dma_start3A] : memref<5008x48xf32, #tpu.memory_space<vmem_shared>> -> memref<313x48xf32, #tpu.memory_space<vmem_shared>>
      %dma_start3A_88 = arith.constant 0 : i32
      %dma_start3A_89 = tpu.memref_slice %arg13[%mul3A_79, %dma_start3A_88] : memref<5008x48xf32, #tpu.memory_space<vmem_shared>> -> memref<313x48xf32, #tpu.memory_space<vmem_shared>>
      tpu.enqueue_dma source(%dma_start3A_89 : memref<313x48xf32, #tpu.memory_space<vmem_shared>>) target(%arg11 : memref<313x48xf32, #tpu.memory_space<vmem>>) target_semaphore(%run_scoped3A : memref<!tpu.dma_semaphore, #tpu.memory_space<semaphore_mem>>)
      %dma_wait3A = arith.constant 0 : i32
      %dma_wait3A_90 = tpu.memref_slice %arg13[%mul3A_79, %dma_wait3A] : memref<5008x48xf32, #tpu.memory_space<vmem_shared>> -> memref<313x48xf32, #tpu.memory_space<vmem_shared>>
      %dma_wait3A_91 = arith.constant 0 : i32
      %dma_wait3A_92 = tpu.memref_slice %arg13[%mul3A_79, %dma_wait3A_91] : memref<5008x48xf32, #tpu.memory_space<vmem_shared>> -> memref<313x48xf32, #tpu.memory_space<vmem_shared>>
      tpu.wait_dma2 semaphore(%run_scoped3A : memref<!tpu.dma_semaphore, #tpu.memory_space<semaphore_mem>>) src(%dma_wait3A_92 : memref<313x48xf32, #tpu.memory_space<vmem_shared>>) dst(%arg11 : memref<313x48xf32, #tpu.memory_space<vmem>>)
      tpu.yield
    }) : () -> ()
    %lt3A = arith.constant 15 : i32
    %lt3A_81 = arith.cmpi slt, %arg1, %lt3A : i32
    %convert_element_type3A = arith.extui %lt3A_81 : i1 to i32
    %cond3A = arith.constant 0 : i32
    %cond3A_82 = arith.cmpi ne, %convert_element_type3A, %cond3A : i32
    scf.if %cond3A_82 {
      "tpu.region"() ({
        %run_scoped3A = tpu.sem_alloc : memref<!tpu.dma_semaphore, #tpu.memory_space<semaphore_mem>>
        %dma_start3A = arith.constant 0 : i32
        %dma_start3A_93 = tpu.memref_slice %arg4[%add3A_80, %dma_start3A] : memref<10000x32xf32, #tpu.memory_space<hbm>> -> memref<313x32xf32, #tpu.memory_space<hbm>>
        %dma_start3A_94 = arith.constant 0 : i32
        %dma_start3A_95 = tpu.memref_slice %arg4[%add3A_80, %dma_start3A_94] : memref<10000x32xf32, #tpu.memory_space<hbm>> -> memref<313x32xf32, #tpu.memory_space<hbm>>
        tpu.enqueue_dma source(%dma_start3A_95 : memref<313x32xf32, #tpu.memory_space<hbm>>) target(%arg12 : memref<313x32xf32, #tpu.memory_space<vmem>>) target_semaphore(%run_scoped3A : memref<!tpu.dma_semaphore, #tpu.memory_space<semaphore_mem>>)
        %dma_wait3A = arith.constant 0 : i32
        %dma_wait3A_96 = tpu.memref_slice %arg4[%add3A_80, %dma_wait3A] : memref<10000x32xf32, #tpu.memory_space<hbm>> -> memref<313x32xf32, #tpu.memory_space<hbm>>
        %dma_wait3A_97 = arith.constant 0 : i32
        %dma_wait3A_98 = tpu.memref_slice %arg4[%add3A_80, %dma_wait3A_97] : memref<10000x32xf32, #tpu.memory_space<hbm>> -> memref<313x32xf32, #tpu.memory_space<hbm>>
        tpu.wait_dma2 semaphore(%run_scoped3A : memref<!tpu.dma_semaphore, #tpu.memory_space<semaphore_mem>>) src(%dma_wait3A_98 : memref<313x32xf32, #tpu.memory_space<hbm>>) dst(%arg12 : memref<313x32xf32, #tpu.memory_space<vmem>>)
        tpu.yield
      }) : () -> ()
      %scan3A_87 = arith.constant 0 : i32
      %scan3A_88 = arith.constant 0 : i32
      %scan3A_89 = arith.constant 313 : i32
      %scan3A_90 = arith.addi %scan3A_88, %scan3A_89 : i32
      %scan3A_91 = arith.constant 1 : i32
      scf.for %scan3A_93 = %scan3A_88 to %scan3A_90 step %scan3A_91  : i32 {
        %get3A = arith.index_cast %scan3A_93 : i32 to index
        %get3A_94 = arith.constant 32 : index
        %get3A_95 = tpu.vector_load %arg11[%get3A, %get3A_94] {strides = array<i32>} : memref<313x48xf32, #tpu.memory_space<vmem>>, vector<1x16xf32>,
        %get3A_96 = vector.shape_cast %get3A_95 : vector<1x16xf32> to vector<16xf32>
        %max3A = arith.constant 1.000000e+00 : f32
        %max3A_97 = vector.broadcast %max3A : f32 to vector<16xf32>
        %max3A_98 = arith.maximumf %get3A_96, %max3A_97 : vector<16xf32>
        %div3A = arith.constant 1.000000e+00 : f32
        %div3A_99 = vector.broadcast %div3A : f32 to vector<16xf32>
        %div3A_100 = arith.divf %div3A_99, %max3A_98 : vector<16xf32>
        %get3A_101 = arith.index_cast %scan3A_93 : i32 to index
        %get3A_102 = arith.constant 0 : index
        %get3A_103 = tpu.vector_load %arg11[%get3A_101, %get3A_102] {strides = array<i32>} : memref<313x48xf32, #tpu.memory_space<vmem>>, vector<1x16xf32>,
        %get3A_104 = vector.shape_cast %get3A_103 : vector<1x16xf32> to vector<16xf32>
        %get3A_105 = arith.index_cast %scan3A_93 : i32 to index
        %get3A_106 = arith.constant 0 : index
        %get3A_107 = tpu.vector_load %arg12[%get3A_105, %get3A_106] {strides = array<i32>} : memref<313x32xf32, #tpu.memory_space<vmem>>, vector<1x16xf32>,
        %get3A_108 = vector.shape_cast %get3A_107 : vector<1x16xf32> to vector<16xf32>
        %mul3A_109 = arith.mulf %get3A_104, %div3A_100 : vector<16xf32>
        %add3A_110 = arith.addf %mul3A_109, %get3A_108 : vector<16xf32>
        %max3A_111 = arith.constant 0.000000e+00 : f32
        %max3A_112 = vector.broadcast %max3A_111 : f32 to vector<16xf32>
        %max3A_113 = arith.maximumf %add3A_110, %max3A_112 : vector<16xf32>
        %swap3A = arith.index_cast %scan3A_93 : i32 to index
        %swap3A_114 = arith.constant 0 : index
        %swap3A_115 = tpu.vector_load %arg12[%swap3A, %swap3A_114] {strides = array<i32>} : memref<313x32xf32, #tpu.memory_space<vmem>>, vector<1x16xf32>,
        %swap3A_116 = vector.shape_cast %swap3A_115 : vector<1x16xf32> to vector<16xf32>
        %swap3A_117 = vector.shape_cast %max3A_113 : vector<16xf32> to vector<1x16xf32>
        tpu.vector_store %arg12[%swap3A, %swap3A_114], %swap3A_117 {strides = array<i32>} : memref<313x32xf32, #tpu.memory_space<vmem>>, vector<1x16xf32>,
        %get3A_118 = arith.index_cast %scan3A_93 : i32 to index
        %get3A_119 = arith.constant 16 : index
        %get3A_120 = tpu.vector_load %arg11[%get3A_118, %get3A_119] {strides = array<i32>} : memref<313x48xf32, #tpu.memory_space<vmem>>, vector<1x16xf32>,
        %get3A_121 = vector.shape_cast %get3A_120 : vector<1x16xf32> to vector<16xf32>
        %get3A_122 = arith.index_cast %scan3A_93 : i32 to index
        %get3A_123 = arith.constant 16 : index
        %get3A_124 = tpu.vector_load %arg12[%get3A_122, %get3A_123] {strides = array<i32>} : memref<313x32xf32, #tpu.memory_space<vmem>>, vector<1x16xf32>,
        %get3A_125 = vector.shape_cast %get3A_124 : vector<1x16xf32> to vector<16xf32>
        %mul3A_126 = arith.mulf %get3A_121, %div3A_100 : vector<16xf32>
        %add3A_127 = arith.addf %mul3A_126, %get3A_125 : vector<16xf32>
        %max3A_128 = arith.constant 0.000000e+00 : f32
        %max3A_129 = vector.broadcast %max3A_128 : f32 to vector<16xf32>
        %max3A_130 = arith.maximumf %add3A_127, %max3A_129 : vector<16xf32>
        %swap3A_131 = arith.index_cast %scan3A_93 : i32 to index
        %swap3A_132 = arith.constant 16 : index
        %swap3A_133 = tpu.vector_load %arg12[%swap3A_131, %swap3A_132] {strides = array<i32>} : memref<313x32xf32, #tpu.memory_space<vmem>>, vector<1x16xf32>,
        %swap3A_134 = vector.shape_cast %swap3A_133 : vector<1x16xf32> to vector<16xf32>
        %swap3A_135 = vector.shape_cast %max3A_130 : vector<16xf32> to vector<1x16xf32>
        tpu.vector_store %arg12[%swap3A_131, %swap3A_132], %swap3A_135 {strides = array<i32>} : memref<313x32xf32, #tpu.memory_space<vmem>>, vector<1x16xf32>,
      }
      %scan3A_92 = arith.constant 313 : i32
      "tpu.region"() ({
        %run_scoped3A = tpu.sem_alloc : memref<!tpu.dma_semaphore, #tpu.memory_space<semaphore_mem>>
        %dma_start3A = arith.constant 0 : i32
        %dma_start3A_93 = tpu.memref_slice %arg6[%add3A_80, %dma_start3A] : memref<10000x32xf32, #tpu.memory_space<hbm>> -> memref<313x32xf32, #tpu.memory_space<hbm>>
        %dma_start3A_94 = arith.constant 0 : i32
        %dma_start3A_95 = tpu.memref_slice %arg6[%add3A_80, %dma_start3A_94] : memref<10000x32xf32, #tpu.memory_space<hbm>> -> memref<313x32xf32, #tpu.memory_space<hbm>>
        tpu.enqueue_dma source(%arg12 : memref<313x32xf32, #tpu.memory_space<vmem>>) target(%dma_start3A_95 : memref<313x32xf32, #tpu.memory_space<hbm>>) target_semaphore(%run_scoped3A : memref<!tpu.dma_semaphore, #tpu.memory_space<semaphore_mem>>)
        %dma_wait3A = arith.constant 0 : i32
        %dma_wait3A_96 = tpu.memref_slice %arg6[%add3A_80, %dma_wait3A] : memref<10000x32xf32, #tpu.memory_space<hbm>> -> memref<313x32xf32, #tpu.memory_space<hbm>>
        %dma_wait3A_97 = arith.constant 0 : i32
        %dma_wait3A_98 = tpu.memref_slice %arg6[%add3A_80, %dma_wait3A_97] : memref<10000x32xf32, #tpu.memory_space<hbm>> -> memref<313x32xf32, #tpu.memory_space<hbm>>
        tpu.wait_dma2 semaphore(%run_scoped3A : memref<!tpu.dma_semaphore, #tpu.memory_space<semaphore_mem>>) src(%arg12 : memref<313x32xf32, #tpu.memory_space<vmem>>) dst(%dma_wait3A_98 : memref<313x32xf32, #tpu.memory_space<hbm>>)
        tpu.yield
      }) : () -> ()
    } else {
    }
    %eq3A = arith.constant 15 : i32
    %eq3A_83 = arith.cmpi eq, %arg1, %eq3A : i32
    %convert_element_type3A_84 = arith.extui %eq3A_83 : i1 to i32
    %cond3A_85 = arith.constant 0 : i32
    %cond3A_86 = arith.cmpi ne, %convert_element_type3A_84, %cond3A_85 : i32
    scf.if %cond3A_86 {
      "tpu.region"() ({
        %run_scoped3A = tpu.sem_alloc : memref<!tpu.dma_semaphore, #tpu.memory_space<semaphore_mem>>
        %dma_start3A = arith.constant 0 : i32
        %dma_start3A_93 = arith.constant 0 : i32
        %dma_start3A_94 = tpu.memref_slice %arg12[%dma_start3A, %dma_start3A_93] : memref<313x32xf32, #tpu.memory_space<vmem>> -> memref<305x32xf32, #tpu.memory_space<vmem>>
        %dma_start3A_95 = arith.constant 0 : i32
        %dma_start3A_96 = tpu.memref_slice %arg4[%add3A_80, %dma_start3A_95] : memref<10000x32xf32, #tpu.memory_space<hbm>> -> memref<305x32xf32, #tpu.memory_space<hbm>>
        %dma_start3A_97 = arith.constant 0 : i32
        %dma_start3A_98 = arith.constant 0 : i32
        %dma_start3A_99 = tpu.memref_slice %arg12[%dma_start3A_97, %dma_start3A_98] : memref<313x32xf32, #tpu.memory_space<vmem>> -> memref<305x32xf32, #tpu.memory_space<vmem>>
        %dma_start3A_100 = arith.constant 0 : i32
        %dma_start3A_101 = tpu.memref_slice %arg4[%add3A_80, %dma_start3A_100] : memref<10000x32xf32, #tpu.memory_space<hbm>> -> memref<305x32xf32, #tpu.memory_space<hbm>>
        tpu.enqueue_dma source(%dma_start3A_101 : memref<305x32xf32, #tpu.memory_space<hbm>>) target(%dma_start3A_99 : memref<305x32xf32, #tpu.memory_space<vmem>>) target_semaphore(%run_scoped3A : memref<!tpu.dma_semaphore, #tpu.memory_space<semaphore_mem>>)
        %dma_wait3A = arith.constant 0 : i32
        %dma_wait3A_102 = arith.constant 0 : i32
        %dma_wait3A_103 = tpu.memref_slice %arg12[%dma_wait3A, %dma_wait3A_102] : memref<313x32xf32, #tpu.memory_space<vmem>> -> memref<305x32xf32, #tpu.memory_space<vmem>>
        %dma_wait3A_104 = arith.constant 0 : i32
        %dma_wait3A_105 = tpu.memref_slice %arg4[%add3A_80, %dma_wait3A_104] : memref<10000x32xf32, #tpu.memory_space<hbm>> -> memref<305x32xf32, #tpu.memory_space<hbm>>
        %dma_wait3A_106 = arith.constant 0 : i32
        %dma_wait3A_107 = arith.constant 0 : i32
        %dma_wait3A_108 = tpu.memref_slice %arg12[%dma_wait3A_106, %dma_wait3A_107] : memref<313x32xf32, #tpu.memory_space<vmem>> -> memref<305x32xf32, #tpu.memory_space<vmem>>
        %dma_wait3A_109 = arith.constant 0 : i32
        %dma_wait3A_110 = tpu.memref_slice %arg4[%add3A_80, %dma_wait3A_109] : memref<10000x32xf32, #tpu.memory_space<hbm>> -> memref<305x32xf32, #tpu.memory_space<hbm>>
        tpu.wait_dma2 semaphore(%run_scoped3A : memref<!tpu.dma_semaphore, #tpu.memory_space<semaphore_mem>>) src(%dma_wait3A_110 : memref<305x32xf32, #tpu.memory_space<hbm>>) dst(%dma_wait3A_108 : memref<305x32xf32, #tpu.memory_space<vmem>>)
        tpu.yield
      }) : () -> ()
      %scan3A_87 = arith.constant 0 : i32
      %scan3A_88 = arith.constant 0 : i32
      %scan3A_89 = arith.constant 305 : i32
      %scan3A_90 = arith.addi %scan3A_88, %scan3A_89 : i32
      %scan3A_91 = arith.constant 1 : i32
      scf.for %scan3A_93 = %scan3A_88 to %scan3A_90 step %scan3A_91  : i32 {
        %get3A = arith.index_cast %scan3A_93 : i32 to index
        %get3A_94 = arith.constant 32 : index
        %get3A_95 = tpu.vector_load %arg11[%get3A, %get3A_94] {strides = array<i32>} : memref<313x48xf32, #tpu.memory_space<vmem>>, vector<1x16xf32>,
        %get3A_96 = vector.shape_cast %get3A_95 : vector<1x16xf32> to vector<16xf32>
        %max3A = arith.constant 1.000000e+00 : f32
        %max3A_97 = vector.broadcast %max3A : f32 to vector<16xf32>
        %max3A_98 = arith.maximumf %get3A_96, %max3A_97 : vector<16xf32>
        %div3A = arith.constant 1.000000e+00 : f32
        %div3A_99 = vector.broadcast %div3A : f32 to vector<16xf32>
        %div3A_100 = arith.divf %div3A_99, %max3A_98 : vector<16xf32>
        %get3A_101 = arith.index_cast %scan3A_93 : i32 to index
        %get3A_102 = arith.constant 0 : index
        %get3A_103 = tpu.vector_load %arg11[%get3A_101, %get3A_102] {strides = array<i32>} : memref<313x48xf32, #tpu.memory_space<vmem>>, vector<1x16xf32>,
        %get3A_104 = vector.shape_cast %get3A_103 : vector<1x16xf32> to vector<16xf32>
        %get3A_105 = arith.index_cast %scan3A_93 : i32 to index
        %get3A_106 = arith.constant 0 : index
        %get3A_107 = tpu.vector_load %arg12[%get3A_105, %get3A_106] {strides = array<i32>} : memref<313x32xf32, #tpu.memory_space<vmem>>, vector<1x16xf32>,
        %get3A_108 = vector.shape_cast %get3A_107 : vector<1x16xf32> to vector<16xf32>
        %mul3A_109 = arith.mulf %get3A_104, %div3A_100 : vector<16xf32>
        %add3A_110 = arith.addf %mul3A_109, %get3A_108 : vector<16xf32>
        %max3A_111 = arith.constant 0.000000e+00 : f32
        %max3A_112 = vector.broadcast %max3A_111 : f32 to vector<16xf32>
        %max3A_113 = arith.maximumf %add3A_110, %max3A_112 : vector<16xf32>
        %swap3A = arith.index_cast %scan3A_93 : i32 to index
        %swap3A_114 = arith.constant 0 : index
        %swap3A_115 = tpu.vector_load %arg12[%swap3A, %swap3A_114] {strides = array<i32>} : memref<313x32xf32, #tpu.memory_space<vmem>>, vector<1x16xf32>,
        %swap3A_116 = vector.shape_cast %swap3A_115 : vector<1x16xf32> to vector<16xf32>
        %swap3A_117 = vector.shape_cast %max3A_113 : vector<16xf32> to vector<1x16xf32>
        tpu.vector_store %arg12[%swap3A, %swap3A_114], %swap3A_117 {strides = array<i32>} : memref<313x32xf32, #tpu.memory_space<vmem>>, vector<1x16xf32>,
        %get3A_118 = arith.index_cast %scan3A_93 : i32 to index
        %get3A_119 = arith.constant 16 : index
        %get3A_120 = tpu.vector_load %arg11[%get3A_118, %get3A_119] {strides = array<i32>} : memref<313x48xf32, #tpu.memory_space<vmem>>, vector<1x16xf32>,
        %get3A_121 = vector.shape_cast %get3A_120 : vector<1x16xf32> to vector<16xf32>
        %get3A_122 = arith.index_cast %scan3A_93 : i32 to index
        %get3A_123 = arith.constant 16 : index
        %get3A_124 = tpu.vector_load %arg12[%get3A_122, %get3A_123] {strides = array<i32>} : memref<313x32xf32, #tpu.memory_space<vmem>>, vector<1x16xf32>,
        %get3A_125 = vector.shape_cast %get3A_124 : vector<1x16xf32> to vector<16xf32>
        %mul3A_126 = arith.mulf %get3A_121, %div3A_100 : vector<16xf32>
        %add3A_127 = arith.addf %mul3A_126, %get3A_125 : vector<16xf32>
        %max3A_128 = arith.constant 0.000000e+00 : f32
        %max3A_129 = vector.broadcast %max3A_128 : f32 to vector<16xf32>
        %max3A_130 = arith.maximumf %add3A_127, %max3A_129 : vector<16xf32>
        %swap3A_131 = arith.index_cast %scan3A_93 : i32 to index
        %swap3A_132 = arith.constant 16 : index
        %swap3A_133 = tpu.vector_load %arg12[%swap3A_131, %swap3A_132] {strides = array<i32>} : memref<313x32xf32, #tpu.memory_space<vmem>>, vector<1x16xf32>,
        %swap3A_134 = vector.shape_cast %swap3A_133 : vector<1x16xf32> to vector<16xf32>
        %swap3A_135 = vector.shape_cast %max3A_130 : vector<16xf32> to vector<1x16xf32>
        tpu.vector_store %arg12[%swap3A_131, %swap3A_132], %swap3A_135 {strides = array<i32>} : memref<313x32xf32, #tpu.memory_space<vmem>>, vector<1x16xf32>,
      }
      %scan3A_92 = arith.constant 305 : i32
      "tpu.region"() ({
        %run_scoped3A = tpu.sem_alloc : memref<!tpu.dma_semaphore, #tpu.memory_space<semaphore_mem>>
        %dma_start3A = arith.constant 0 : i32
        %dma_start3A_93 = arith.constant 0 : i32
        %dma_start3A_94 = tpu.memref_slice %arg12[%dma_start3A, %dma_start3A_93] : memref<313x32xf32, #tpu.memory_space<vmem>> -> memref<305x32xf32, #tpu.memory_space<vmem>>
        %dma_start3A_95 = arith.constant 0 : i32
        %dma_start3A_96 = tpu.memref_slice %arg6[%add3A_80, %dma_start3A_95] : memref<10000x32xf32, #tpu.memory_space<hbm>> -> memref<305x32xf32, #tpu.memory_space<hbm>>
        %dma_start3A_97 = arith.constant 0 : i32
        %dma_start3A_98 = tpu.memref_slice %arg6[%add3A_80, %dma_start3A_97] : memref<10000x32xf32, #tpu.memory_space<hbm>> -> memref<305x32xf32, #tpu.memory_space<hbm>>
        %dma_start3A_99 = arith.constant 0 : i32
        %dma_start3A_100 = arith.constant 0 : i32
        %dma_start3A_101 = tpu.memref_slice %arg12[%dma_start3A_99, %dma_start3A_100] : memref<313x32xf32, #tpu.memory_space<vmem>> -> memref<305x32xf32, #tpu.memory_space<vmem>>
        tpu.enqueue_dma source(%dma_start3A_101 : memref<305x32xf32, #tpu.memory_space<vmem>>) target(%dma_start3A_98 : memref<305x32xf32, #tpu.memory_space<hbm>>) target_semaphore(%run_scoped3A : memref<!tpu.dma_semaphore, #tpu.memory_space<semaphore_mem>>)
        %dma_wait3A = arith.constant 0 : i32
        %dma_wait3A_102 = arith.constant 0 : i32
        %dma_wait3A_103 = tpu.memref_slice %arg12[%dma_wait3A, %dma_wait3A_102] : memref<313x32xf32, #tpu.memory_space<vmem>> -> memref<305x32xf32, #tpu.memory_space<vmem>>
        %dma_wait3A_104 = arith.constant 0 : i32
        %dma_wait3A_105 = tpu.memref_slice %arg6[%add3A_80, %dma_wait3A_104] : memref<10000x32xf32, #tpu.memory_space<hbm>> -> memref<305x32xf32, #tpu.memory_space<hbm>>
        %dma_wait3A_106 = arith.constant 0 : i32
        %dma_wait3A_107 = tpu.memref_slice %arg6[%add3A_80, %dma_wait3A_106] : memref<10000x32xf32, #tpu.memory_space<hbm>> -> memref<305x32xf32, #tpu.memory_space<hbm>>
        %dma_wait3A_108 = arith.constant 0 : i32
        %dma_wait3A_109 = arith.constant 0 : i32
        %dma_wait3A_110 = tpu.memref_slice %arg12[%dma_wait3A_108, %dma_wait3A_109] : memref<313x32xf32, #tpu.memory_space<vmem>> -> memref<305x32xf32, #tpu.memory_space<vmem>>
        tpu.wait_dma2 semaphore(%run_scoped3A : memref<!tpu.dma_semaphore, #tpu.memory_space<semaphore_mem>>) src(%dma_wait3A_110 : memref<305x32xf32, #tpu.memory_space<vmem>>) dst(%dma_wait3A_107 : memref<305x32xf32, #tpu.memory_space<hbm>>)
        tpu.yield
      }) : () -> ()
    } else {
    }
    return
  }
}

#map = affine_map<(d0, d1) -> (0, 0)>
#map1 = affine_map<(d0, d1) -> (0)>
module attributes {stable_mosaic.version = 14 : i64} {
  func.func @sk(%arg0: i32, %arg1: i32, %arg2: memref<160000x128xf32, #tpu.memory_space<hbm>>, %arg3: memref<160000xi32, #tpu.memory_space<hbm>>, %arg4: memref<10000x32xf32, #tpu.memory_space<hbm>>, %arg5: memref<5008x48xf32, #tpu.memory_space<hbm>>, %arg6: memref<10000x32xf32, #tpu.memory_space<hbm>>, %arg7: memref<1200x48xf32, #tpu.memory_space<vmem>>, %arg8: memref<1200xi32, #tpu.memory_space<vmem>>, %arg9: memref<400x48xf32, #tpu.memory_space<vmem>>, %arg10: memref<400xi32, #tpu.memory_space<vmem>>, %arg11: memref<313x48xf32, #tpu.memory_space<vmem>>, %arg12: memref<313x32xf32, #tpu.memory_space<vmem>>, %arg13: memref<5008x48xf32, #tpu.memory_space<vmem_shared>>) attributes {dimension_semantics = [#tpu.dimension_semantics<core_parallel>, #tpu.dimension_semantics<subcore_parallel>], iteration_bounds = array<i64: 2, 16>, scalar_prefetch = 0 : i64, scratch_operands = 7 : i64, tpu.core_type = #tpu.core_type<sc_vector_subcore>, window_params = [{transform_indices = #map}, {transform_indices = #map1}, {transform_indices = #map}, {transform_indices = #map}, {transform_indices = #map}]} {
    %mul3A = arith.constant 5000 : i32
    %mul3A_0 = arith.muli %arg0, %mul3A : i32
    %mul3A_1 = arith.constant 313 : i32
    %mul3A_2 = arith.muli %arg1, %mul3A_1 : i32
    %mul3A_3 = arith.constant 313 : i32
    %mul3A_4 = arith.muli %arg1, %mul3A_3 : i32
    "tpu.region"() ({
      %run_scoped3A = tpu.sem_alloc : memref<!tpu.dma_semaphore, #tpu.memory_space<semaphore_mem>>
      %dma_start3A = arith.constant 0 : i32
      %dma_start3A_87 = tpu.memref_slice %arg13[%mul3A_4, %dma_start3A] : memref<5008x48xf32, #tpu.memory_space<vmem_shared>> -> memref<313x48xf32, #tpu.memory_space<vmem_shared>>
      %dma_start3A_88 = arith.constant 0 : i32
      %dma_start3A_89 = tpu.memref_slice %arg5[%mul3A_2, %dma_start3A_88] : memref<5008x48xf32, #tpu.memory_space<hbm>> -> memref<313x48xf32, #tpu.memory_space<hbm>>
      tpu.enqueue_dma source(%dma_start3A_89 : memref<313x48xf32, #tpu.memory_space<hbm>>) target(%dma_start3A_87 : memref<313x48xf32, #tpu.memory_space<vmem_shared>>) target_semaphore(%run_scoped3A : memref<!tpu.dma_semaphore, #tpu.memory_space<semaphore_mem>>)
      %dma_wait3A = arith.constant 0 : i32
      %dma_wait3A_90 = tpu.memref_slice %arg13[%mul3A_4, %dma_wait3A] : memref<5008x48xf32, #tpu.memory_space<vmem_shared>> -> memref<313x48xf32, #tpu.memory_space<vmem_shared>>
      %dma_wait3A_91 = arith.constant 0 : i32
      %dma_wait3A_92 = tpu.memref_slice %arg5[%mul3A_2, %dma_wait3A_91] : memref<5008x48xf32, #tpu.memory_space<hbm>> -> memref<313x48xf32, #tpu.memory_space<hbm>>
      tpu.wait_dma2 semaphore(%run_scoped3A : memref<!tpu.dma_semaphore, #tpu.memory_space<semaphore_mem>>) src(%dma_wait3A_92 : memref<313x48xf32, #tpu.memory_space<hbm>>) dst(%dma_wait3A_90 : memref<313x48xf32, #tpu.memory_space<vmem_shared>>)
      tpu.yield
    }) : () -> ()
    %barrier3A = arith.constant 0 : index
    tpu.barrier barrier_id(%barrier3A)
    %mul3A_5 = arith.constant 10000 : i32
    %mul3A_6 = arith.muli %arg1, %mul3A_5 : i32
    %add3A = arith.constant 0 : i32
    %add3A_7 = arith.addi %mul3A_6, %add3A : i32
    "tpu.region"() ({
      %run_scoped3A = tpu.sem_alloc : memref<!tpu.dma_semaphore, #tpu.memory_space<semaphore_mem>>
      %dma_start3A = tpu.memref_slice %arg3[%add3A_7] : memref<160000xi32, #tpu.memory_space<hbm>> -> memref<1200xi32, #tpu.memory_space<hbm>>
      %dma_start3A_87 = tpu.memref_slice %arg3[%add3A_7] : memref<160000xi32, #tpu.memory_space<hbm>> -> memref<1200xi32, #tpu.memory_space<hbm>>
      tpu.enqueue_dma source(%dma_start3A_87 : memref<1200xi32, #tpu.memory_space<hbm>>) target(%arg8 : memref<1200xi32, #tpu.memory_space<vmem>>) target_semaphore(%run_scoped3A : memref<!tpu.dma_semaphore, #tpu.memory_space<semaphore_mem>>)
      %dma_wait3A = tpu.memref_slice %arg3[%add3A_7] : memref<160000xi32, #tpu.memory_space<hbm>> -> memref<1200xi32, #tpu.memory_space<hbm>>
      %dma_wait3A_88 = tpu.memref_slice %arg3[%add3A_7] : memref<160000xi32, #tpu.memory_space<hbm>> -> memref<1200xi32, #tpu.memory_space<hbm>>
      tpu.wait_dma2 semaphore(%run_scoped3A : memref<!tpu.dma_semaphore, #tpu.memory_space<semaphore_mem>>) src(%dma_wait3A_88 : memref<1200xi32, #tpu.memory_space<hbm>>) dst(%arg8 : memref<1200xi32, #tpu.memory_space<vmem>>)
      tpu.yield
    }) : () -> ()
    "tpu.region"() ({
      %run_scoped3A = tpu.sem_alloc : memref<!tpu.dma_semaphore, #tpu.memory_space<semaphore_mem>>
      %dma_start3A = arith.constant 0 : i32
      %dma_start3A_87 = tpu.memref_slice %arg2[%add3A_7, %dma_start3A] : memref<160000x128xf32, #tpu.memory_space<hbm>> -> memref<1200x48xf32, #tpu.memory_space<hbm>>
      %dma_start3A_88 = arith.constant 0 : i32
      %dma_start3A_89 = tpu.memref_slice %arg2[%add3A_7, %dma_start3A_88] : memref<160000x128xf32, #tpu.memory_space<hbm>> -> memref<1200x48xf32, #tpu.memory_space<hbm>>
      tpu.enqueue_dma source(%dma_start3A_89 : memref<1200x48xf32, #tpu.memory_space<hbm>>) target(%arg7 : memref<1200x48xf32, #tpu.memory_space<vmem>>) target_semaphore(%run_scoped3A : memref<!tpu.dma_semaphore, #tpu.memory_space<semaphore_mem>>)
      %dma_wait3A = arith.constant 0 : i32
      %dma_wait3A_90 = tpu.memref_slice %arg2[%add3A_7, %dma_wait3A] : memref<160000x128xf32, #tpu.memory_space<hbm>> -> memref<1200x48xf32, #tpu.memory_space<hbm>>
      %dma_wait3A_91 = arith.constant 0 : i32
      %dma_wait3A_92 = tpu.memref_slice %arg2[%add3A_7, %dma_wait3A_91] : memref<160000x128xf32, #tpu.memory_space<hbm>> -> memref<1200x48xf32, #tpu.memory_space<hbm>>
      tpu.wait_dma2 semaphore(%run_scoped3A : memref<!tpu.dma_semaphore, #tpu.memory_space<semaphore_mem>>) src(%dma_wait3A_92 : memref<1200x48xf32, #tpu.memory_space<hbm>>) dst(%arg7 : memref<1200x48xf32, #tpu.memory_space<vmem>>)
      tpu.yield
    }) : () -> ()
    %scan3A = arith.constant 0 : i32
    %scan3A_8 = arith.constant 0 : i32
    %scan3A_9 = arith.constant 75 : i32
    %scan3A_10 = arith.addi %scan3A_8, %scan3A_9 : i32
    %scan3A_11 = arith.constant 1 : i32
    scf.for %scan3A_87 = %scan3A_8 to %scan3A_10 step %scan3A_11  : i32 {
      %mul3A_88 = arith.constant 16 : i32
      %mul3A_89 = arith.muli %scan3A_87, %mul3A_88 : i32
      %get3A = arith.index_cast %mul3A_89 : i32 to index
      %get3A_90 = tpu.vector_load %arg8[%get3A] {strides = array<i32>} : memref<1200xi32, #tpu.memory_space<vmem>>, vector<16xi32>,
      %get3A_91 = vector.shape_cast %get3A_90 : vector<16xi32> to vector<16xi32>
      %sub3A = vector.broadcast %mul3A_0 : i32 to vector<16xi32>
      %sub3A_92 = arith.subi %get3A_91, %sub3A : vector<16xi32>
      %ge3A = arith.constant 0 : i32
      %ge3A_93 = vector.broadcast %ge3A : i32 to vector<16xi32>
      %ge3A_94 = arith.cmpi sge, %sub3A_92, %ge3A_93 : vector<16xi32>
      %lt3A_95 = arith.constant 5000 : i32
      %lt3A_96 = vector.broadcast %lt3A_95 : i32 to vector<16xi32>
      %lt3A_97 = arith.cmpi slt, %sub3A_92, %lt3A_96 : vector<16xi32>
      %and3A = arith.andi %ge3A_94, %lt3A_97 : vector<16xi1>
      %and3A_98 = arith.constant 7 : i32
      %and3A_99 = vector.broadcast %and3A_98 : i32 to vector<16xi32>
      %and3A_100 = arith.andi %get3A_91, %and3A_99 : vector<16xi32>
      %add3A_101 = arith.constant 5000 : i32
      %add3A_102 = vector.broadcast %add3A_101 : i32 to vector<16xi32>
      %add3A_103 = arith.addi %add3A_102, %and3A_100 : vector<16xi32>
      %select_n3A = arith.select %and3A, %sub3A_92, %add3A_103 : vector<16xi1>, vector<16xi32>
      %mul3A_104 = arith.constant 16 : i32
      %mul3A_105 = arith.muli %scan3A_87, %mul3A_104 : i32
      %swap3A = arith.index_cast %mul3A_105 : i32 to index
      %swap3A_106 = tpu.vector_load %arg8[%swap3A] {strides = array<i32>} : memref<1200xi32, #tpu.memory_space<vmem>>, vector<16xi32>,
      %swap3A_107 = vector.shape_cast %swap3A_106 : vector<16xi32> to vector<16xi32>
      %swap3A_108 = vector.shape_cast %select_n3A : vector<16xi32> to vector<16xi32>
      tpu.vector_store %arg8[%swap3A], %swap3A_108 {strides = array<i32>} : memref<1200xi32, #tpu.memory_space<vmem>>, vector<16xi32>,
    }
    %scan3A_12 = arith.constant 75 : i32
    "tpu.region"() ({
      %run_scoped3A = tpu.sem_alloc : memref<!tpu.dma_semaphore, #tpu.memory_space<semaphore_mem>>
      %dma_start3A = arith.constant 0 : i32
      %dma_start3A_87 = arith.constant 0 : i32
      %dma_start3A_88 = tpu.memref_slice %arg13[%dma_start3A, %dma_start3A_87] : memref<5008x48xf32, #tpu.memory_space<vmem_shared>> -> memref<5008x48xf32, #tpu.memory_space<vmem_shared>>
      tpu.enqueue_indirect_dma source(%arg7 : memref<1200x48xf32, #tpu.memory_space<vmem>>) target(%dma_start3A_88 : memref<5008x48xf32, #tpu.memory_space<vmem_shared>>) offsets(%arg8 : memref<1200xi32, #tpu.memory_space<vmem>>) semaphore(%run_scoped3A : memref<!tpu.dma_semaphore, #tpu.memory_space<semaphore_mem>>) {add = true}
      %dma_wait3A = arith.constant 0 : i32
      %dma_wait3A_89 = arith.constant 0 : i32
      %dma_wait3A_90 = tpu.memref_slice %arg13[%dma_wait3A, %dma_wait3A_89] : memref<5008x48xf32, #tpu.memory_space<vmem_shared>> -> memref<5008x48xf32, #tpu.memory_space<vmem_shared>>
      tpu.wait_indirect_dma semaphore(%run_scoped3A : memref<!tpu.dma_semaphore, #tpu.memory_space<semaphore_mem>>) src(%arg7 : memref<1200x48xf32, #tpu.memory_space<vmem>>) dst(%dma_wait3A_90 : memref<5008x48xf32, #tpu.memory_space<vmem_shared>>)
      tpu.yield
    }) : () -> ()
    %add3A_13 = arith.constant 1200 : i32
    %add3A_14 = arith.addi %mul3A_6, %add3A_13 : i32
    "tpu.region"() ({
      %run_scoped3A = tpu.sem_alloc : memref<!tpu.dma_semaphore, #tpu.memory_space<semaphore_mem>>
      %dma_start3A = tpu.memref_slice %arg3[%add3A_14] : memref<160000xi32, #tpu.memory_space<hbm>> -> memref<1200xi32, #tpu.memory_space<hbm>>
      %dma_start3A_87 = tpu.memref_slice %arg3[%add3A_14] : memref<160000xi32, #tpu.memory_space<hbm>> -> memref<1200xi32, #tpu.memory_space<hbm>>
      tpu.enqueue_dma source(%dma_start3A_87 : memref<1200xi32, #tpu.memory_space<hbm>>) target(%arg8 : memref<1200xi32, #tpu.memory_space<vmem>>) target_semaphore(%run_scoped3A : memref<!tpu.dma_semaphore, #tpu.memory_space<semaphore_mem>>)
      %dma_wait3A = tpu.memref_slice %arg3[%add3A_14] : memref<160000xi32, #tpu.memory_space<hbm>> -> memref<1200xi32, #tpu.memory_space<hbm>>
      %dma_wait3A_88 = tpu.memref_slice %arg3[%add3A_14] : memref<160000xi32, #tpu.memory_space<hbm>> -> memref<1200xi32, #tpu.memory_space<hbm>>
      tpu.wait_dma2 semaphore(%run_scoped3A : memref<!tpu.dma_semaphore, #tpu.memory_space<semaphore_mem>>) src(%dma_wait3A_88 : memref<1200xi32, #tpu.memory_space<hbm>>) dst(%arg8 : memref<1200xi32, #tpu.memory_space<vmem>>)
      tpu.yield
    }) : () -> ()
    "tpu.region"() ({
      %run_scoped3A = tpu.sem_alloc : memref<!tpu.dma_semaphore, #tpu.memory_space<semaphore_mem>>
      %dma_start3A = arith.constant 0 : i32
      %dma_start3A_87 = tpu.memref_slice %arg2[%add3A_14, %dma_start3A] : memref<160000x128xf32, #tpu.memory_space<hbm>> -> memref<1200x48xf32, #tpu.memory_space<hbm>>
      %dma_start3A_88 = arith.constant 0 : i32
      %dma_start3A_89 = tpu.memref_slice %arg2[%add3A_14, %dma_start3A_88] : memref<160000x128xf32, #tpu.memory_space<hbm>> -> memref<1200x48xf32, #tpu.memory_space<hbm>>
      tpu.enqueue_dma source(%dma_start3A_89 : memref<1200x48xf32, #tpu.memory_space<hbm>>) target(%arg7 : memref<1200x48xf32, #tpu.memory_space<vmem>>) target_semaphore(%run_scoped3A : memref<!tpu.dma_semaphore, #tpu.memory_space<semaphore_mem>>)
      %dma_wait3A = arith.constant 0 : i32
      %dma_wait3A_90 = tpu.memref_slice %arg2[%add3A_14, %dma_wait3A] : memref<160000x128xf32, #tpu.memory_space<hbm>> -> memref<1200x48xf32, #tpu.memory_space<hbm>>
      %dma_wait3A_91 = arith.constant 0 : i32
      %dma_wait3A_92 = tpu.memref_slice %arg2[%add3A_14, %dma_wait3A_91] : memref<160000x128xf32, #tpu.memory_space<hbm>> -> memref<1200x48xf32, #tpu.memory_space<hbm>>
      tpu.wait_dma2 semaphore(%run_scoped3A : memref<!tpu.dma_semaphore, #tpu.memory_space<semaphore_mem>>) src(%dma_wait3A_92 : memref<1200x48xf32, #tpu.memory_space<hbm>>) dst(%arg7 : memref<1200x48xf32, #tpu.memory_space<vmem>>)
      tpu.yield
    }) : () -> ()
    %scan3A_15 = arith.constant 0 : i32
    %scan3A_16 = arith.constant 0 : i32
    %scan3A_17 = arith.constant 75 : i32
    %scan3A_18 = arith.addi %scan3A_16, %scan3A_17 : i32
    %scan3A_19 = arith.constant 1 : i32
    scf.for %scan3A_87 = %scan3A_16 to %scan3A_18 step %scan3A_19  : i32 {
      %mul3A_88 = arith.constant 16 : i32
      %mul3A_89 = arith.muli %scan3A_87, %mul3A_88 : i32
      %get3A = arith.index_cast %mul3A_89 : i32 to index
      %get3A_90 = tpu.vector_load %arg8[%get3A] {strides = array<i32>} : memref<1200xi32, #tpu.memory_space<vmem>>, vector<16xi32>,
      %get3A_91 = vector.shape_cast %get3A_90 : vector<16xi32> to vector<16xi32>
      %sub3A = vector.broadcast %mul3A_0 : i32 to vector<16xi32>
      %sub3A_92 = arith.subi %get3A_91, %sub3A : vector<16xi32>
      %ge3A = arith.constant 0 : i32
      %ge3A_93 = vector.broadcast %ge3A : i32 to vector<16xi32>
      %ge3A_94 = arith.cmpi sge, %sub3A_92, %ge3A_93 : vector<16xi32>
      %lt3A_95 = arith.constant 5000 : i32
      %lt3A_96 = vector.broadcast %lt3A_95 : i32 to vector<16xi32>
      %lt3A_97 = arith.cmpi slt, %sub3A_92, %lt3A_96 : vector<16xi32>
      %and3A = arith.andi %ge3A_94, %lt3A_97 : vector<16xi1>
      %and3A_98 = arith.constant 7 : i32
      %and3A_99 = vector.broadcast %and3A_98 : i32 to vector<16xi32>
      %and3A_100 = arith.andi %get3A_91, %and3A_99 : vector<16xi32>
      %add3A_101 = arith.constant 5000 : i32
      %add3A_102 = vector.broadcast %add3A_101 : i32 to vector<16xi32>
      %add3A_103 = arith.addi %add3A_102, %and3A_100 : vector<16xi32>
      %select_n3A = arith.select %and3A, %sub3A_92, %add3A_103 : vector<16xi1>, vector<16xi32>
      %mul3A_104 = arith.constant 16 : i32
      %mul3A_105 = arith.muli %scan3A_87, %mul3A_104 : i32
      %swap3A = arith.index_cast %mul3A_105 : i32 to index
      %swap3A_106 = tpu.vector_load %arg8[%swap3A] {strides = array<i32>} : memref<1200xi32, #tpu.memory_space<vmem>>, vector<16xi32>,
      %swap3A_107 = vector.shape_cast %swap3A_106 : vector<16xi32> to vector<16xi32>
      %swap3A_108 = vector.shape_cast %select_n3A : vector<16xi32> to vector<16xi32>
      tpu.vector_store %arg8[%swap3A], %swap3A_108 {strides = array<i32>} : memref<1200xi32, #tpu.memory_space<vmem>>, vector<16xi32>,
    }
    %scan3A_20 = arith.constant 75 : i32
    "tpu.region"() ({
      %run_scoped3A = tpu.sem_alloc : memref<!tpu.dma_semaphore, #tpu.memory_space<semaphore_mem>>
      %dma_start3A = arith.constant 0 : i32
      %dma_start3A_87 = arith.constant 0 : i32
      %dma_start3A_88 = tpu.memref_slice %arg13[%dma_start3A, %dma_start3A_87] : memref<5008x48xf32, #tpu.memory_space<vmem_shared>> -> memref<5008x48xf32, #tpu.memory_space<vmem_shared>>
      tpu.enqueue_indirect_dma source(%arg7 : memref<1200x48xf32, #tpu.memory_space<vmem>>) target(%dma_start3A_88 : memref<5008x48xf32, #tpu.memory_space<vmem_shared>>) offsets(%arg8 : memref<1200xi32, #tpu.memory_space<vmem>>) semaphore(%run_scoped3A : memref<!tpu.dma_semaphore, #tpu.memory_space<semaphore_mem>>) {add = true}
      %dma_wait3A = arith.constant 0 : i32
      %dma_wait3A_89 = arith.constant 0 : i32
      %dma_wait3A_90 = tpu.memref_slice %arg13[%dma_wait3A, %dma_wait3A_89] : memref<5008x48xf32, #tpu.memory_space<vmem_shared>> -> memref<5008x48xf32, #tpu.memory_space<vmem_shared>>
      tpu.wait_indirect_dma semaphore(%run_scoped3A : memref<!tpu.dma_semaphore, #tpu.memory_space<semaphore_mem>>) src(%arg7 : memref<1200x48xf32, #tpu.memory_space<vmem>>) dst(%dma_wait3A_90 : memref<5008x48xf32, #tpu.memory_space<vmem_shared>>)
      tpu.yield
    }) : () -> ()
    %add3A_21 = arith.constant 2400 : i32
    %add3A_22 = arith.addi %mul3A_6, %add3A_21 : i32
    "tpu.region"() ({
      %run_scoped3A = tpu.sem_alloc : memref<!tpu.dma_semaphore, #tpu.memory_space<semaphore_mem>>
      %dma_start3A = tpu.memref_slice %arg3[%add3A_22] : memref<160000xi32, #tpu.memory_space<hbm>> -> memref<1200xi32, #tpu.memory_space<hbm>>
      %dma_start3A_87 = tpu.memref_slice %arg3[%add3A_22] : memref<160000xi32, #tpu.memory_space<hbm>> -> memref<1200xi32, #tpu.memory_space<hbm>>
      tpu.enqueue_dma source(%dma_start3A_87 : memref<1200xi32, #tpu.memory_space<hbm>>) target(%arg8 : memref<1200xi32, #tpu.memory_space<vmem>>) target_semaphore(%run_scoped3A : memref<!tpu.dma_semaphore, #tpu.memory_space<semaphore_mem>>)
      %dma_wait3A = tpu.memref_slice %arg3[%add3A_22] : memref<160000xi32, #tpu.memory_space<hbm>> -> memref<1200xi32, #tpu.memory_space<hbm>>
      %dma_wait3A_88 = tpu.memref_slice %arg3[%add3A_22] : memref<160000xi32, #tpu.memory_space<hbm>> -> memref<1200xi32, #tpu.memory_space<hbm>>
      tpu.wait_dma2 semaphore(%run_scoped3A : memref<!tpu.dma_semaphore, #tpu.memory_space<semaphore_mem>>) src(%dma_wait3A_88 : memref<1200xi32, #tpu.memory_space<hbm>>) dst(%arg8 : memref<1200xi32, #tpu.memory_space<vmem>>)
      tpu.yield
    }) : () -> ()
    "tpu.region"() ({
      %run_scoped3A = tpu.sem_alloc : memref<!tpu.dma_semaphore, #tpu.memory_space<semaphore_mem>>
      %dma_start3A = arith.constant 0 : i32
      %dma_start3A_87 = tpu.memref_slice %arg2[%add3A_22, %dma_start3A] : memref<160000x128xf32, #tpu.memory_space<hbm>> -> memref<1200x48xf32, #tpu.memory_space<hbm>>
      %dma_start3A_88 = arith.constant 0 : i32
      %dma_start3A_89 = tpu.memref_slice %arg2[%add3A_22, %dma_start3A_88] : memref<160000x128xf32, #tpu.memory_space<hbm>> -> memref<1200x48xf32, #tpu.memory_space<hbm>>
      tpu.enqueue_dma source(%dma_start3A_89 : memref<1200x48xf32, #tpu.memory_space<hbm>>) target(%arg7 : memref<1200x48xf32, #tpu.memory_space<vmem>>) target_semaphore(%run_scoped3A : memref<!tpu.dma_semaphore, #tpu.memory_space<semaphore_mem>>)
      %dma_wait3A = arith.constant 0 : i32
      %dma_wait3A_90 = tpu.memref_slice %arg2[%add3A_22, %dma_wait3A] : memref<160000x128xf32, #tpu.memory_space<hbm>> -> memref<1200x48xf32, #tpu.memory_space<hbm>>
      %dma_wait3A_91 = arith.constant 0 : i32
      %dma_wait3A_92 = tpu.memref_slice %arg2[%add3A_22, %dma_wait3A_91] : memref<160000x128xf32, #tpu.memory_space<hbm>> -> memref<1200x48xf32, #tpu.memory_space<hbm>>
      tpu.wait_dma2 semaphore(%run_scoped3A : memref<!tpu.dma_semaphore, #tpu.memory_space<semaphore_mem>>) src(%dma_wait3A_92 : memref<1200x48xf32, #tpu.memory_space<hbm>>) dst(%arg7 : memref<1200x48xf32, #tpu.memory_space<vmem>>)
      tpu.yield
    }) : () -> ()
    %scan3A_23 = arith.constant 0 : i32
    %scan3A_24 = arith.constant 0 : i32
    %scan3A_25 = arith.constant 75 : i32
    %scan3A_26 = arith.addi %scan3A_24, %scan3A_25 : i32
    %scan3A_27 = arith.constant 1 : i32
    scf.for %scan3A_87 = %scan3A_24 to %scan3A_26 step %scan3A_27  : i32 {
      %mul3A_88 = arith.constant 16 : i32
      %mul3A_89 = arith.muli %scan3A_87, %mul3A_88 : i32
      %get3A = arith.index_cast %mul3A_89 : i32 to index
      %get3A_90 = tpu.vector_load %arg8[%get3A] {strides = array<i32>} : memref<1200xi32, #tpu.memory_space<vmem>>, vector<16xi32>,
      %get3A_91 = vector.shape_cast %get3A_90 : vector<16xi32> to vector<16xi32>
      %sub3A = vector.broadcast %mul3A_0 : i32 to vector<16xi32>
      %sub3A_92 = arith.subi %get3A_91, %sub3A : vector<16xi32>
      %ge3A = arith.constant 0 : i32
      %ge3A_93 = vector.broadcast %ge3A : i32 to vector<16xi32>
      %ge3A_94 = arith.cmpi sge, %sub3A_92, %ge3A_93 : vector<16xi32>
      %lt3A_95 = arith.constant 5000 : i32
      %lt3A_96 = vector.broadcast %lt3A_95 : i32 to vector<16xi32>
      %lt3A_97 = arith.cmpi slt, %sub3A_92, %lt3A_96 : vector<16xi32>
      %and3A = arith.andi %ge3A_94, %lt3A_97 : vector<16xi1>
      %and3A_98 = arith.constant 7 : i32
      %and3A_99 = vector.broadcast %and3A_98 : i32 to vector<16xi32>
      %and3A_100 = arith.andi %get3A_91, %and3A_99 : vector<16xi32>
      %add3A_101 = arith.constant 5000 : i32
      %add3A_102 = vector.broadcast %add3A_101 : i32 to vector<16xi32>
      %add3A_103 = arith.addi %add3A_102, %and3A_100 : vector<16xi32>
      %select_n3A = arith.select %and3A, %sub3A_92, %add3A_103 : vector<16xi1>, vector<16xi32>
      %mul3A_104 = arith.constant 16 : i32
      %mul3A_105 = arith.muli %scan3A_87, %mul3A_104 : i32
      %swap3A = arith.index_cast %mul3A_105 : i32 to index
      %swap3A_106 = tpu.vector_load %arg8[%swap3A] {strides = array<i32>} : memref<1200xi32, #tpu.memory_space<vmem>>, vector<16xi32>,
      %swap3A_107 = vector.shape_cast %swap3A_106 : vector<16xi32> to vector<16xi32>
      %swap3A_108 = vector.shape_cast %select_n3A : vector<16xi32> to vector<16xi32>
      tpu.vector_store %arg8[%swap3A], %swap3A_108 {strides = array<i32>} : memref<1200xi32, #tpu.memory_space<vmem>>, vector<16xi32>,
    }
    %scan3A_28 = arith.constant 75 : i32
    "tpu.region"() ({
      %run_scoped3A = tpu.sem_alloc : memref<!tpu.dma_semaphore, #tpu.memory_space<semaphore_mem>>
      %dma_start3A = arith.constant 0 : i32
      %dma_start3A_87 = arith.constant 0 : i32
      %dma_start3A_88 = tpu.memref_slice %arg13[%dma_start3A, %dma_start3A_87] : memref<5008x48xf32, #tpu.memory_space<vmem_shared>> -> memref<5008x48xf32, #tpu.memory_space<vmem_shared>>
      tpu.enqueue_indirect_dma source(%arg7 : memref<1200x48xf32, #tpu.memory_space<vmem>>) target(%dma_start3A_88 : memref<5008x48xf32, #tpu.memory_space<vmem_shared>>) offsets(%arg8 : memref<1200xi32, #tpu.memory_space<vmem>>) semaphore(%run_scoped3A : memref<!tpu.dma_semaphore, #tpu.memory_space<semaphore_mem>>) {add = true}
      %dma_wait3A = arith.constant 0 : i32
      %dma_wait3A_89 = arith.constant 0 : i32
      %dma_wait3A_90 = tpu.memref_slice %arg13[%dma_wait3A, %dma_wait3A_89] : memref<5008x48xf32, #tpu.memory_space<vmem_shared>> -> memref<5008x48xf32, #tpu.memory_space<vmem_shared>>
      tpu.wait_indirect_dma semaphore(%run_scoped3A : memref<!tpu.dma_semaphore, #tpu.memory_space<semaphore_mem>>) src(%arg7 : memref<1200x48xf32, #tpu.memory_space<vmem>>) dst(%dma_wait3A_90 : memref<5008x48xf32, #tpu.memory_space<vmem_shared>>)
      tpu.yield
    }) : () -> ()
    %add3A_29 = arith.constant 3600 : i32
    %add3A_30 = arith.addi %mul3A_6, %add3A_29 : i32
    "tpu.region"() ({
      %run_scoped3A = tpu.sem_alloc : memref<!tpu.dma_semaphore, #tpu.memory_space<semaphore_mem>>
      %dma_start3A = tpu.memref_slice %arg3[%add3A_30] : memref<160000xi32, #tpu.memory_space<hbm>> -> memref<1200xi32, #tpu.memory_space<hbm>>
      %dma_start3A_87 = tpu.memref_slice %arg3[%add3A_30] : memref<160000xi32, #tpu.memory_space<hbm>> -> memref<1200xi32, #tpu.memory_space<hbm>>
      tpu.enqueue_dma source(%dma_start3A_87 : memref<1200xi32, #tpu.memory_space<hbm>>) target(%arg8 : memref<1200xi32, #tpu.memory_space<vmem>>) target_semaphore(%run_scoped3A : memref<!tpu.dma_semaphore, #tpu.memory_space<semaphore_mem>>)
      %dma_wait3A = tpu.memref_slice %arg3[%add3A_30] : memref<160000xi32, #tpu.memory_space<hbm>> -> memref<1200xi32, #tpu.memory_space<hbm>>
      %dma_wait3A_88 = tpu.memref_slice %arg3[%add3A_30] : memref<160000xi32, #tpu.memory_space<hbm>> -> memref<1200xi32, #tpu.memory_space<hbm>>
      tpu.wait_dma2 semaphore(%run_scoped3A : memref<!tpu.dma_semaphore, #tpu.memory_space<semaphore_mem>>) src(%dma_wait3A_88 : memref<1200xi32, #tpu.memory_space<hbm>>) dst(%arg8 : memref<1200xi32, #tpu.memory_space<vmem>>)
      tpu.yield
    }) : () -> ()
    "tpu.region"() ({
      %run_scoped3A = tpu.sem_alloc : memref<!tpu.dma_semaphore, #tpu.memory_space<semaphore_mem>>
      %dma_start3A = arith.constant 0 : i32
      %dma_start3A_87 = tpu.memref_slice %arg2[%add3A_30, %dma_start3A] : memref<160000x128xf32, #tpu.memory_space<hbm>> -> memref<1200x48xf32, #tpu.memory_space<hbm>>
      %dma_start3A_88 = arith.constant 0 : i32
      %dma_start3A_89 = tpu.memref_slice %arg2[%add3A_30, %dma_start3A_88] : memref<160000x128xf32, #tpu.memory_space<hbm>> -> memref<1200x48xf32, #tpu.memory_space<hbm>>
      tpu.enqueue_dma source(%dma_start3A_89 : memref<1200x48xf32, #tpu.memory_space<hbm>>) target(%arg7 : memref<1200x48xf32, #tpu.memory_space<vmem>>) target_semaphore(%run_scoped3A : memref<!tpu.dma_semaphore, #tpu.memory_space<semaphore_mem>>)
      %dma_wait3A = arith.constant 0 : i32
      %dma_wait3A_90 = tpu.memref_slice %arg2[%add3A_30, %dma_wait3A] : memref<160000x128xf32, #tpu.memory_space<hbm>> -> memref<1200x48xf32, #tpu.memory_space<hbm>>
      %dma_wait3A_91 = arith.constant 0 : i32
      %dma_wait3A_92 = tpu.memref_slice %arg2[%add3A_30, %dma_wait3A_91] : memref<160000x128xf32, #tpu.memory_space<hbm>> -> memref<1200x48xf32, #tpu.memory_space<hbm>>
      tpu.wait_dma2 semaphore(%run_scoped3A : memref<!tpu.dma_semaphore, #tpu.memory_space<semaphore_mem>>) src(%dma_wait3A_92 : memref<1200x48xf32, #tpu.memory_space<hbm>>) dst(%arg7 : memref<1200x48xf32, #tpu.memory_space<vmem>>)
      tpu.yield
    }) : () -> ()
    %scan3A_31 = arith.constant 0 : i32
    %scan3A_32 = arith.constant 0 : i32
    %scan3A_33 = arith.constant 75 : i32
    %scan3A_34 = arith.addi %scan3A_32, %scan3A_33 : i32
    %scan3A_35 = arith.constant 1 : i32
    scf.for %scan3A_87 = %scan3A_32 to %scan3A_34 step %scan3A_35  : i32 {
      %mul3A_88 = arith.constant 16 : i32
      %mul3A_89 = arith.muli %scan3A_87, %mul3A_88 : i32
      %get3A = arith.index_cast %mul3A_89 : i32 to index
      %get3A_90 = tpu.vector_load %arg8[%get3A] {strides = array<i32>} : memref<1200xi32, #tpu.memory_space<vmem>>, vector<16xi32>,
      %get3A_91 = vector.shape_cast %get3A_90 : vector<16xi32> to vector<16xi32>
      %sub3A = vector.broadcast %mul3A_0 : i32 to vector<16xi32>
      %sub3A_92 = arith.subi %get3A_91, %sub3A : vector<16xi32>
      %ge3A = arith.constant 0 : i32
      %ge3A_93 = vector.broadcast %ge3A : i32 to vector<16xi32>
      %ge3A_94 = arith.cmpi sge, %sub3A_92, %ge3A_93 : vector<16xi32>
      %lt3A_95 = arith.constant 5000 : i32
      %lt3A_96 = vector.broadcast %lt3A_95 : i32 to vector<16xi32>
      %lt3A_97 = arith.cmpi slt, %sub3A_92, %lt3A_96 : vector<16xi32>
      %and3A = arith.andi %ge3A_94, %lt3A_97 : vector<16xi1>
      %and3A_98 = arith.constant 7 : i32
      %and3A_99 = vector.broadcast %and3A_98 : i32 to vector<16xi32>
      %and3A_100 = arith.andi %get3A_91, %and3A_99 : vector<16xi32>
      %add3A_101 = arith.constant 5000 : i32
      %add3A_102 = vector.broadcast %add3A_101 : i32 to vector<16xi32>
      %add3A_103 = arith.addi %add3A_102, %and3A_100 : vector<16xi32>
      %select_n3A = arith.select %and3A, %sub3A_92, %add3A_103 : vector<16xi1>, vector<16xi32>
      %mul3A_104 = arith.constant 16 : i32
      %mul3A_105 = arith.muli %scan3A_87, %mul3A_104 : i32
      %swap3A = arith.index_cast %mul3A_105 : i32 to index
      %swap3A_106 = tpu.vector_load %arg8[%swap3A] {strides = array<i32>} : memref<1200xi32, #tpu.memory_space<vmem>>, vector<16xi32>,
      %swap3A_107 = vector.shape_cast %swap3A_106 : vector<16xi32> to vector<16xi32>
      %swap3A_108 = vector.shape_cast %select_n3A : vector<16xi32> to vector<16xi32>
      tpu.vector_store %arg8[%swap3A], %swap3A_108 {strides = array<i32>} : memref<1200xi32, #tpu.memory_space<vmem>>, vector<16xi32>,
    }
    %scan3A_36 = arith.constant 75 : i32
    "tpu.region"() ({
      %run_scoped3A = tpu.sem_alloc : memref<!tpu.dma_semaphore, #tpu.memory_space<semaphore_mem>>
      %dma_start3A = arith.constant 0 : i32
      %dma_start3A_87 = arith.constant 0 : i32
      %dma_start3A_88 = tpu.memref_slice %arg13[%dma_start3A, %dma_start3A_87] : memref<5008x48xf32, #tpu.memory_space<vmem_shared>> -> memref<5008x48xf32, #tpu.memory_space<vmem_shared>>
      tpu.enqueue_indirect_dma source(%arg7 : memref<1200x48xf32, #tpu.memory_space<vmem>>) target(%dma_start3A_88 : memref<5008x48xf32, #tpu.memory_space<vmem_shared>>) offsets(%arg8 : memref<1200xi32, #tpu.memory_space<vmem>>) semaphore(%run_scoped3A : memref<!tpu.dma_semaphore, #tpu.memory_space<semaphore_mem>>) {add = true}
      %dma_wait3A = arith.constant 0 : i32
      %dma_wait3A_89 = arith.constant 0 : i32
      %dma_wait3A_90 = tpu.memref_slice %arg13[%dma_wait3A, %dma_wait3A_89] : memref<5008x48xf32, #tpu.memory_space<vmem_shared>> -> memref<5008x48xf32, #tpu.memory_space<vmem_shared>>
      tpu.wait_indirect_dma semaphore(%run_scoped3A : memref<!tpu.dma_semaphore, #tpu.memory_space<semaphore_mem>>) src(%arg7 : memref<1200x48xf32, #tpu.memory_space<vmem>>) dst(%dma_wait3A_90 : memref<5008x48xf32, #tpu.memory_space<vmem_shared>>)
      tpu.yield
    }) : () -> ()
    %add3A_37 = arith.constant 4800 : i32
    %add3A_38 = arith.addi %mul3A_6, %add3A_37 : i32
    "tpu.region"() ({
      %run_scoped3A = tpu.sem_alloc : memref<!tpu.dma_semaphore, #tpu.memory_space<semaphore_mem>>
      %dma_start3A = tpu.memref_slice %arg3[%add3A_38] : memref<160000xi32, #tpu.memory_space<hbm>> -> memref<1200xi32, #tpu.memory_space<hbm>>
      %dma_start3A_87 = tpu.memref_slice %arg3[%add3A_38] : memref<160000xi32, #tpu.memory_space<hbm>> -> memref<1200xi32, #tpu.memory_space<hbm>>
      tpu.enqueue_dma source(%dma_start3A_87 : memref<1200xi32, #tpu.memory_space<hbm>>) target(%arg8 : memref<1200xi32, #tpu.memory_space<vmem>>) target_semaphore(%run_scoped3A : memref<!tpu.dma_semaphore, #tpu.memory_space<semaphore_mem>>)
      %dma_wait3A = tpu.memref_slice %arg3[%add3A_38] : memref<160000xi32, #tpu.memory_space<hbm>> -> memref<1200xi32, #tpu.memory_space<hbm>>
      %dma_wait3A_88 = tpu.memref_slice %arg3[%add3A_38] : memref<160000xi32, #tpu.memory_space<hbm>> -> memref<1200xi32, #tpu.memory_space<hbm>>
      tpu.wait_dma2 semaphore(%run_scoped3A : memref<!tpu.dma_semaphore, #tpu.memory_space<semaphore_mem>>) src(%dma_wait3A_88 : memref<1200xi32, #tpu.memory_space<hbm>>) dst(%arg8 : memref<1200xi32, #tpu.memory_space<vmem>>)
      tpu.yield
    }) : () -> ()
    "tpu.region"() ({
      %run_scoped3A = tpu.sem_alloc : memref<!tpu.dma_semaphore, #tpu.memory_space<semaphore_mem>>
      %dma_start3A = arith.constant 0 : i32
      %dma_start3A_87 = tpu.memref_slice %arg2[%add3A_38, %dma_start3A] : memref<160000x128xf32, #tpu.memory_space<hbm>> -> memref<1200x48xf32, #tpu.memory_space<hbm>>
      %dma_start3A_88 = arith.constant 0 : i32
      %dma_start3A_89 = tpu.memref_slice %arg2[%add3A_38, %dma_start3A_88] : memref<160000x128xf32, #tpu.memory_space<hbm>> -> memref<1200x48xf32, #tpu.memory_space<hbm>>
      tpu.enqueue_dma source(%dma_start3A_89 : memref<1200x48xf32, #tpu.memory_space<hbm>>) target(%arg7 : memref<1200x48xf32, #tpu.memory_space<vmem>>) target_semaphore(%run_scoped3A : memref<!tpu.dma_semaphore, #tpu.memory_space<semaphore_mem>>)
      %dma_wait3A = arith.constant 0 : i32
      %dma_wait3A_90 = tpu.memref_slice %arg2[%add3A_38, %dma_wait3A] : memref<160000x128xf32, #tpu.memory_space<hbm>> -> memref<1200x48xf32, #tpu.memory_space<hbm>>
      %dma_wait3A_91 = arith.constant 0 : i32
      %dma_wait3A_92 = tpu.memref_slice %arg2[%add3A_38, %dma_wait3A_91] : memref<160000x128xf32, #tpu.memory_space<hbm>> -> memref<1200x48xf32, #tpu.memory_space<hbm>>
      tpu.wait_dma2 semaphore(%run_scoped3A : memref<!tpu.dma_semaphore, #tpu.memory_space<semaphore_mem>>) src(%dma_wait3A_92 : memref<1200x48xf32, #tpu.memory_space<hbm>>) dst(%arg7 : memref<1200x48xf32, #tpu.memory_space<vmem>>)
      tpu.yield
    }) : () -> ()
    %scan3A_39 = arith.constant 0 : i32
    %scan3A_40 = arith.constant 0 : i32
    %scan3A_41 = arith.constant 75 : i32
    %scan3A_42 = arith.addi %scan3A_40, %scan3A_41 : i32
    %scan3A_43 = arith.constant 1 : i32
    scf.for %scan3A_87 = %scan3A_40 to %scan3A_42 step %scan3A_43  : i32 {
      %mul3A_88 = arith.constant 16 : i32
      %mul3A_89 = arith.muli %scan3A_87, %mul3A_88 : i32
      %get3A = arith.index_cast %mul3A_89 : i32 to index
      %get3A_90 = tpu.vector_load %arg8[%get3A] {strides = array<i32>} : memref<1200xi32, #tpu.memory_space<vmem>>, vector<16xi32>,
      %get3A_91 = vector.shape_cast %get3A_90 : vector<16xi32> to vector<16xi32>
      %sub3A = vector.broadcast %mul3A_0 : i32 to vector<16xi32>
      %sub3A_92 = arith.subi %get3A_91, %sub3A : vector<16xi32>
      %ge3A = arith.constant 0 : i32
      %ge3A_93 = vector.broadcast %ge3A : i32 to vector<16xi32>
      %ge3A_94 = arith.cmpi sge, %sub3A_92, %ge3A_93 : vector<16xi32>
      %lt3A_95 = arith.constant 5000 : i32
      %lt3A_96 = vector.broadcast %lt3A_95 : i32 to vector<16xi32>
      %lt3A_97 = arith.cmpi slt, %sub3A_92, %lt3A_96 : vector<16xi32>
      %and3A = arith.andi %ge3A_94, %lt3A_97 : vector<16xi1>
      %and3A_98 = arith.constant 7 : i32
      %and3A_99 = vector.broadcast %and3A_98 : i32 to vector<16xi32>
      %and3A_100 = arith.andi %get3A_91, %and3A_99 : vector<16xi32>
      %add3A_101 = arith.constant 5000 : i32
      %add3A_102 = vector.broadcast %add3A_101 : i32 to vector<16xi32>
      %add3A_103 = arith.addi %add3A_102, %and3A_100 : vector<16xi32>
      %select_n3A = arith.select %and3A, %sub3A_92, %add3A_103 : vector<16xi1>, vector<16xi32>
      %mul3A_104 = arith.constant 16 : i32
      %mul3A_105 = arith.muli %scan3A_87, %mul3A_104 : i32
      %swap3A = arith.index_cast %mul3A_105 : i32 to index
      %swap3A_106 = tpu.vector_load %arg8[%swap3A] {strides = array<i32>} : memref<1200xi32, #tpu.memory_space<vmem>>, vector<16xi32>,
      %swap3A_107 = vector.shape_cast %swap3A_106 : vector<16xi32> to vector<16xi32>
      %swap3A_108 = vector.shape_cast %select_n3A : vector<16xi32> to vector<16xi32>
      tpu.vector_store %arg8[%swap3A], %swap3A_108 {strides = array<i32>} : memref<1200xi32, #tpu.memory_space<vmem>>, vector<16xi32>,
    }
    %scan3A_44 = arith.constant 75 : i32
    "tpu.region"() ({
      %run_scoped3A = tpu.sem_alloc : memref<!tpu.dma_semaphore, #tpu.memory_space<semaphore_mem>>
      %dma_start3A = arith.constant 0 : i32
      %dma_start3A_87 = arith.constant 0 : i32
      %dma_start3A_88 = tpu.memref_slice %arg13[%dma_start3A, %dma_start3A_87] : memref<5008x48xf32, #tpu.memory_space<vmem_shared>> -> memref<5008x48xf32, #tpu.memory_space<vmem_shared>>
      tpu.enqueue_indirect_dma source(%arg7 : memref<1200x48xf32, #tpu.memory_space<vmem>>) target(%dma_start3A_88 : memref<5008x48xf32, #tpu.memory_space<vmem_shared>>) offsets(%arg8 : memref<1200xi32, #tpu.memory_space<vmem>>) semaphore(%run_scoped3A : memref<!tpu.dma_semaphore, #tpu.memory_space<semaphore_mem>>) {add = true}
      %dma_wait3A = arith.constant 0 : i32
      %dma_wait3A_89 = arith.constant 0 : i32
      %dma_wait3A_90 = tpu.memref_slice %arg13[%dma_wait3A, %dma_wait3A_89] : memref<5008x48xf32, #tpu.memory_space<vmem_shared>> -> memref<5008x48xf32, #tpu.memory_space<vmem_shared>>
      tpu.wait_indirect_dma semaphore(%run_scoped3A : memref<!tpu.dma_semaphore, #tpu.memory_space<semaphore_mem>>) src(%arg7 : memref<1200x48xf32, #tpu.memory_space<vmem>>) dst(%dma_wait3A_90 : memref<5008x48xf32, #tpu.memory_space<vmem_shared>>)
      tpu.yield
    }) : () -> ()
    %add3A_45 = arith.constant 6000 : i32
    %add3A_46 = arith.addi %mul3A_6, %add3A_45 : i32
    "tpu.region"() ({
      %run_scoped3A = tpu.sem_alloc : memref<!tpu.dma_semaphore, #tpu.memory_space<semaphore_mem>>
      %dma_start3A = tpu.memref_slice %arg3[%add3A_46] : memref<160000xi32, #tpu.memory_space<hbm>> -> memref<1200xi32, #tpu.memory_space<hbm>>
      %dma_start3A_87 = tpu.memref_slice %arg3[%add3A_46] : memref<160000xi32, #tpu.memory_space<hbm>> -> memref<1200xi32, #tpu.memory_space<hbm>>
      tpu.enqueue_dma source(%dma_start3A_87 : memref<1200xi32, #tpu.memory_space<hbm>>) target(%arg8 : memref<1200xi32, #tpu.memory_space<vmem>>) target_semaphore(%run_scoped3A : memref<!tpu.dma_semaphore, #tpu.memory_space<semaphore_mem>>)
      %dma_wait3A = tpu.memref_slice %arg3[%add3A_46] : memref<160000xi32, #tpu.memory_space<hbm>> -> memref<1200xi32, #tpu.memory_space<hbm>>
      %dma_wait3A_88 = tpu.memref_slice %arg3[%add3A_46] : memref<160000xi32, #tpu.memory_space<hbm>> -> memref<1200xi32, #tpu.memory_space<hbm>>
      tpu.wait_dma2 semaphore(%run_scoped3A : memref<!tpu.dma_semaphore, #tpu.memory_space<semaphore_mem>>) src(%dma_wait3A_88 : memref<1200xi32, #tpu.memory_space<hbm>>) dst(%arg8 : memref<1200xi32, #tpu.memory_space<vmem>>)
      tpu.yield
    }) : () -> ()
    "tpu.region"() ({
      %run_scoped3A = tpu.sem_alloc : memref<!tpu.dma_semaphore, #tpu.memory_space<semaphore_mem>>
      %dma_start3A = arith.constant 0 : i32
      %dma_start3A_87 = tpu.memref_slice %arg2[%add3A_46, %dma_start3A] : memref<160000x128xf32, #tpu.memory_space<hbm>> -> memref<1200x48xf32, #tpu.memory_space<hbm>>
      %dma_start3A_88 = arith.constant 0 : i32
      %dma_start3A_89 = tpu.memref_slice %arg2[%add3A_46, %dma_start3A_88] : memref<160000x128xf32, #tpu.memory_space<hbm>> -> memref<1200x48xf32, #tpu.memory_space<hbm>>
      tpu.enqueue_dma source(%dma_start3A_89 : memref<1200x48xf32, #tpu.memory_space<hbm>>) target(%arg7 : memref<1200x48xf32, #tpu.memory_space<vmem>>) target_semaphore(%run_scoped3A : memref<!tpu.dma_semaphore, #tpu.memory_space<semaphore_mem>>)
      %dma_wait3A = arith.constant 0 : i32
      %dma_wait3A_90 = tpu.memref_slice %arg2[%add3A_46, %dma_wait3A] : memref<160000x128xf32, #tpu.memory_space<hbm>> -> memref<1200x48xf32, #tpu.memory_space<hbm>>
      %dma_wait3A_91 = arith.constant 0 : i32
      %dma_wait3A_92 = tpu.memref_slice %arg2[%add3A_46, %dma_wait3A_91] : memref<160000x128xf32, #tpu.memory_space<hbm>> -> memref<1200x48xf32, #tpu.memory_space<hbm>>
      tpu.wait_dma2 semaphore(%run_scoped3A : memref<!tpu.dma_semaphore, #tpu.memory_space<semaphore_mem>>) src(%dma_wait3A_92 : memref<1200x48xf32, #tpu.memory_space<hbm>>) dst(%arg7 : memref<1200x48xf32, #tpu.memory_space<vmem>>)
      tpu.yield
    }) : () -> ()
    %scan3A_47 = arith.constant 0 : i32
    %scan3A_48 = arith.constant 0 : i32
    %scan3A_49 = arith.constant 75 : i32
    %scan3A_50 = arith.addi %scan3A_48, %scan3A_49 : i32
    %scan3A_51 = arith.constant 1 : i32
    scf.for %scan3A_87 = %scan3A_48 to %scan3A_50 step %scan3A_51  : i32 {
      %mul3A_88 = arith.constant 16 : i32
      %mul3A_89 = arith.muli %scan3A_87, %mul3A_88 : i32
      %get3A = arith.index_cast %mul3A_89 : i32 to index
      %get3A_90 = tpu.vector_load %arg8[%get3A] {strides = array<i32>} : memref<1200xi32, #tpu.memory_space<vmem>>, vector<16xi32>,
      %get3A_91 = vector.shape_cast %get3A_90 : vector<16xi32> to vector<16xi32>
      %sub3A = vector.broadcast %mul3A_0 : i32 to vector<16xi32>
      %sub3A_92 = arith.subi %get3A_91, %sub3A : vector<16xi32>
      %ge3A = arith.constant 0 : i32
      %ge3A_93 = vector.broadcast %ge3A : i32 to vector<16xi32>
      %ge3A_94 = arith.cmpi sge, %sub3A_92, %ge3A_93 : vector<16xi32>
      %lt3A_95 = arith.constant 5000 : i32
      %lt3A_96 = vector.broadcast %lt3A_95 : i32 to vector<16xi32>
      %lt3A_97 = arith.cmpi slt, %sub3A_92, %lt3A_96 : vector<16xi32>
      %and3A = arith.andi %ge3A_94, %lt3A_97 : vector<16xi1>
      %and3A_98 = arith.constant 7 : i32
      %and3A_99 = vector.broadcast %and3A_98 : i32 to vector<16xi32>
      %and3A_100 = arith.andi %get3A_91, %and3A_99 : vector<16xi32>
      %add3A_101 = arith.constant 5000 : i32
      %add3A_102 = vector.broadcast %add3A_101 : i32 to vector<16xi32>
      %add3A_103 = arith.addi %add3A_102, %and3A_100 : vector<16xi32>
      %select_n3A = arith.select %and3A, %sub3A_92, %add3A_103 : vector<16xi1>, vector<16xi32>
      %mul3A_104 = arith.constant 16 : i32
      %mul3A_105 = arith.muli %scan3A_87, %mul3A_104 : i32
      %swap3A = arith.index_cast %mul3A_105 : i32 to index
      %swap3A_106 = tpu.vector_load %arg8[%swap3A] {strides = array<i32>} : memref<1200xi32, #tpu.memory_space<vmem>>, vector<16xi32>,
      %swap3A_107 = vector.shape_cast %swap3A_106 : vector<16xi32> to vector<16xi32>
      %swap3A_108 = vector.shape_cast %select_n3A : vector<16xi32> to vector<16xi32>
      tpu.vector_store %arg8[%swap3A], %swap3A_108 {strides = array<i32>} : memref<1200xi32, #tpu.memory_space<vmem>>, vector<16xi32>,
    }
    %scan3A_52 = arith.constant 75 : i32
    "tpu.region"() ({
      %run_scoped3A = tpu.sem_alloc : memref<!tpu.dma_semaphore, #tpu.memory_space<semaphore_mem>>
      %dma_start3A = arith.constant 0 : i32
      %dma_start3A_87 = arith.constant 0 : i32
      %dma_start3A_88 = tpu.memref_slice %arg13[%dma_start3A, %dma_start3A_87] : memref<5008x48xf32, #tpu.memory_space<vmem_shared>> -> memref<5008x48xf32, #tpu.memory_space<vmem_shared>>
      tpu.enqueue_indirect_dma source(%arg7 : memref<1200x48xf32, #tpu.memory_space<vmem>>) target(%dma_start3A_88 : memref<5008x48xf32, #tpu.memory_space<vmem_shared>>) offsets(%arg8 : memref<1200xi32, #tpu.memory_space<vmem>>) semaphore(%run_scoped3A : memref<!tpu.dma_semaphore, #tpu.memory_space<semaphore_mem>>) {add = true}
      %dma_wait3A = arith.constant 0 : i32
      %dma_wait3A_89 = arith.constant 0 : i32
      %dma_wait3A_90 = tpu.memref_slice %arg13[%dma_wait3A, %dma_wait3A_89] : memref<5008x48xf32, #tpu.memory_space<vmem_shared>> -> memref<5008x48xf32, #tpu.memory_space<vmem_shared>>
      tpu.wait_indirect_dma semaphore(%run_scoped3A : memref<!tpu.dma_semaphore, #tpu.memory_space<semaphore_mem>>) src(%arg7 : memref<1200x48xf32, #tpu.memory_space<vmem>>) dst(%dma_wait3A_90 : memref<5008x48xf32, #tpu.memory_space<vmem_shared>>)
      tpu.yield
    }) : () -> ()
    %add3A_53 = arith.constant 7200 : i32
    %add3A_54 = arith.addi %mul3A_6, %add3A_53 : i32
    "tpu.region"() ({
      %run_scoped3A = tpu.sem_alloc : memref<!tpu.dma_semaphore, #tpu.memory_space<semaphore_mem>>
      %dma_start3A = tpu.memref_slice %arg3[%add3A_54] : memref<160000xi32, #tpu.memory_space<hbm>> -> memref<1200xi32, #tpu.memory_space<hbm>>
      %dma_start3A_87 = tpu.memref_slice %arg3[%add3A_54] : memref<160000xi32, #tpu.memory_space<hbm>> -> memref<1200xi32, #tpu.memory_space<hbm>>
      tpu.enqueue_dma source(%dma_start3A_87 : memref<1200xi32, #tpu.memory_space<hbm>>) target(%arg8 : memref<1200xi32, #tpu.memory_space<vmem>>) target_semaphore(%run_scoped3A : memref<!tpu.dma_semaphore, #tpu.memory_space<semaphore_mem>>)
      %dma_wait3A = tpu.memref_slice %arg3[%add3A_54] : memref<160000xi32, #tpu.memory_space<hbm>> -> memref<1200xi32, #tpu.memory_space<hbm>>
      %dma_wait3A_88 = tpu.memref_slice %arg3[%add3A_54] : memref<160000xi32, #tpu.memory_space<hbm>> -> memref<1200xi32, #tpu.memory_space<hbm>>
      tpu.wait_dma2 semaphore(%run_scoped3A : memref<!tpu.dma_semaphore, #tpu.memory_space<semaphore_mem>>) src(%dma_wait3A_88 : memref<1200xi32, #tpu.memory_space<hbm>>) dst(%arg8 : memref<1200xi32, #tpu.memory_space<vmem>>)
      tpu.yield
    }) : () -> ()
    "tpu.region"() ({
      %run_scoped3A = tpu.sem_alloc : memref<!tpu.dma_semaphore, #tpu.memory_space<semaphore_mem>>
      %dma_start3A = arith.constant 0 : i32
      %dma_start3A_87 = tpu.memref_slice %arg2[%add3A_54, %dma_start3A] : memref<160000x128xf32, #tpu.memory_space<hbm>> -> memref<1200x48xf32, #tpu.memory_space<hbm>>
      %dma_start3A_88 = arith.constant 0 : i32
      %dma_start3A_89 = tpu.memref_slice %arg2[%add3A_54, %dma_start3A_88] : memref<160000x128xf32, #tpu.memory_space<hbm>> -> memref<1200x48xf32, #tpu.memory_space<hbm>>
      tpu.enqueue_dma source(%dma_start3A_89 : memref<1200x48xf32, #tpu.memory_space<hbm>>) target(%arg7 : memref<1200x48xf32, #tpu.memory_space<vmem>>) target_semaphore(%run_scoped3A : memref<!tpu.dma_semaphore, #tpu.memory_space<semaphore_mem>>)
      %dma_wait3A = arith.constant 0 : i32
      %dma_wait3A_90 = tpu.memref_slice %arg2[%add3A_54, %dma_wait3A] : memref<160000x128xf32, #tpu.memory_space<hbm>> -> memref<1200x48xf32, #tpu.memory_space<hbm>>
      %dma_wait3A_91 = arith.constant 0 : i32
      %dma_wait3A_92 = tpu.memref_slice %arg2[%add3A_54, %dma_wait3A_91] : memref<160000x128xf32, #tpu.memory_space<hbm>> -> memref<1200x48xf32, #tpu.memory_space<hbm>>
      tpu.wait_dma2 semaphore(%run_scoped3A : memref<!tpu.dma_semaphore, #tpu.memory_space<semaphore_mem>>) src(%dma_wait3A_92 : memref<1200x48xf32, #tpu.memory_space<hbm>>) dst(%arg7 : memref<1200x48xf32, #tpu.memory_space<vmem>>)
      tpu.yield
    }) : () -> ()
    %scan3A_55 = arith.constant 0 : i32
    %scan3A_56 = arith.constant 0 : i32
    %scan3A_57 = arith.constant 75 : i32
    %scan3A_58 = arith.addi %scan3A_56, %scan3A_57 : i32
    %scan3A_59 = arith.constant 1 : i32
    scf.for %scan3A_87 = %scan3A_56 to %scan3A_58 step %scan3A_59  : i32 {
      %mul3A_88 = arith.constant 16 : i32
      %mul3A_89 = arith.muli %scan3A_87, %mul3A_88 : i32
      %get3A = arith.index_cast %mul3A_89 : i32 to index
      %get3A_90 = tpu.vector_load %arg8[%get3A] {strides = array<i32>} : memref<1200xi32, #tpu.memory_space<vmem>>, vector<16xi32>,
      %get3A_91 = vector.shape_cast %get3A_90 : vector<16xi32> to vector<16xi32>
      %sub3A = vector.broadcast %mul3A_0 : i32 to vector<16xi32>
      %sub3A_92 = arith.subi %get3A_91, %sub3A : vector<16xi32>
      %ge3A = arith.constant 0 : i32
      %ge3A_93 = vector.broadcast %ge3A : i32 to vector<16xi32>
      %ge3A_94 = arith.cmpi sge, %sub3A_92, %ge3A_93 : vector<16xi32>
      %lt3A_95 = arith.constant 5000 : i32
      %lt3A_96 = vector.broadcast %lt3A_95 : i32 to vector<16xi32>
      %lt3A_97 = arith.cmpi slt, %sub3A_92, %lt3A_96 : vector<16xi32>
      %and3A = arith.andi %ge3A_94, %lt3A_97 : vector<16xi1>
      %and3A_98 = arith.constant 7 : i32
      %and3A_99 = vector.broadcast %and3A_98 : i32 to vector<16xi32>
      %and3A_100 = arith.andi %get3A_91, %and3A_99 : vector<16xi32>
      %add3A_101 = arith.constant 5000 : i32
      %add3A_102 = vector.broadcast %add3A_101 : i32 to vector<16xi32>
      %add3A_103 = arith.addi %add3A_102, %and3A_100 : vector<16xi32>
      %select_n3A = arith.select %and3A, %sub3A_92, %add3A_103 : vector<16xi1>, vector<16xi32>
      %mul3A_104 = arith.constant 16 : i32
      %mul3A_105 = arith.muli %scan3A_87, %mul3A_104 : i32
      %swap3A = arith.index_cast %mul3A_105 : i32 to index
      %swap3A_106 = tpu.vector_load %arg8[%swap3A] {strides = array<i32>} : memref<1200xi32, #tpu.memory_space<vmem>>, vector<16xi32>,
      %swap3A_107 = vector.shape_cast %swap3A_106 : vector<16xi32> to vector<16xi32>
      %swap3A_108 = vector.shape_cast %select_n3A : vector<16xi32> to vector<16xi32>
      tpu.vector_store %arg8[%swap3A], %swap3A_108 {strides = array<i32>} : memref<1200xi32, #tpu.memory_space<vmem>>, vector<16xi32>,
    }
    %scan3A_60 = arith.constant 75 : i32
    "tpu.region"() ({
      %run_scoped3A = tpu.sem_alloc : memref<!tpu.dma_semaphore, #tpu.memory_space<semaphore_mem>>
      %dma_start3A = arith.constant 0 : i32
      %dma_start3A_87 = arith.constant 0 : i32
      %dma_start3A_88 = tpu.memref_slice %arg13[%dma_start3A, %dma_start3A_87] : memref<5008x48xf32, #tpu.memory_space<vmem_shared>> -> memref<5008x48xf32, #tpu.memory_space<vmem_shared>>
      tpu.enqueue_indirect_dma source(%arg7 : memref<1200x48xf32, #tpu.memory_space<vmem>>) target(%dma_start3A_88 : memref<5008x48xf32, #tpu.memory_space<vmem_shared>>) offsets(%arg8 : memref<1200xi32, #tpu.memory_space<vmem>>) semaphore(%run_scoped3A : memref<!tpu.dma_semaphore, #tpu.memory_space<semaphore_mem>>) {add = true}
      %dma_wait3A = arith.constant 0 : i32
      %dma_wait3A_89 = arith.constant 0 : i32
      %dma_wait3A_90 = tpu.memref_slice %arg13[%dma_wait3A, %dma_wait3A_89] : memref<5008x48xf32, #tpu.memory_space<vmem_shared>> -> memref<5008x48xf32, #tpu.memory_space<vmem_shared>>
      tpu.wait_indirect_dma semaphore(%run_scoped3A : memref<!tpu.dma_semaphore, #tpu.memory_space<semaphore_mem>>) src(%arg7 : memref<1200x48xf32, #tpu.memory_space<vmem>>) dst(%dma_wait3A_90 : memref<5008x48xf32, #tpu.memory_space<vmem_shared>>)
      tpu.yield
    }) : () -> ()
    %add3A_61 = arith.constant 8400 : i32
    %add3A_62 = arith.addi %mul3A_6, %add3A_61 : i32
    "tpu.region"() ({
      %run_scoped3A = tpu.sem_alloc : memref<!tpu.dma_semaphore, #tpu.memory_space<semaphore_mem>>
      %dma_start3A = tpu.memref_slice %arg3[%add3A_62] : memref<160000xi32, #tpu.memory_space<hbm>> -> memref<1200xi32, #tpu.memory_space<hbm>>
      %dma_start3A_87 = tpu.memref_slice %arg3[%add3A_62] : memref<160000xi32, #tpu.memory_space<hbm>> -> memref<1200xi32, #tpu.memory_space<hbm>>
      tpu.enqueue_dma source(%dma_start3A_87 : memref<1200xi32, #tpu.memory_space<hbm>>) target(%arg8 : memref<1200xi32, #tpu.memory_space<vmem>>) target_semaphore(%run_scoped3A : memref<!tpu.dma_semaphore, #tpu.memory_space<semaphore_mem>>)
      %dma_wait3A = tpu.memref_slice %arg3[%add3A_62] : memref<160000xi32, #tpu.memory_space<hbm>> -> memref<1200xi32, #tpu.memory_space<hbm>>
      %dma_wait3A_88 = tpu.memref_slice %arg3[%add3A_62] : memref<160000xi32, #tpu.memory_space<hbm>> -> memref<1200xi32, #tpu.memory_space<hbm>>
      tpu.wait_dma2 semaphore(%run_scoped3A : memref<!tpu.dma_semaphore, #tpu.memory_space<semaphore_mem>>) src(%dma_wait3A_88 : memref<1200xi32, #tpu.memory_space<hbm>>) dst(%arg8 : memref<1200xi32, #tpu.memory_space<vmem>>)
      tpu.yield
    }) : () -> ()
    "tpu.region"() ({
      %run_scoped3A = tpu.sem_alloc : memref<!tpu.dma_semaphore, #tpu.memory_space<semaphore_mem>>
      %dma_start3A = arith.constant 0 : i32
      %dma_start3A_87 = tpu.memref_slice %arg2[%add3A_62, %dma_start3A] : memref<160000x128xf32, #tpu.memory_space<hbm>> -> memref<1200x48xf32, #tpu.memory_space<hbm>>
      %dma_start3A_88 = arith.constant 0 : i32
      %dma_start3A_89 = tpu.memref_slice %arg2[%add3A_62, %dma_start3A_88] : memref<160000x128xf32, #tpu.memory_space<hbm>> -> memref<1200x48xf32, #tpu.memory_space<hbm>>
      tpu.enqueue_dma source(%dma_start3A_89 : memref<1200x48xf32, #tpu.memory_space<hbm>>) target(%arg7 : memref<1200x48xf32, #tpu.memory_space<vmem>>) target_semaphore(%run_scoped3A : memref<!tpu.dma_semaphore, #tpu.memory_space<semaphore_mem>>)
      %dma_wait3A = arith.constant 0 : i32
      %dma_wait3A_90 = tpu.memref_slice %arg2[%add3A_62, %dma_wait3A] : memref<160000x128xf32, #tpu.memory_space<hbm>> -> memref<1200x48xf32, #tpu.memory_space<hbm>>
      %dma_wait3A_91 = arith.constant 0 : i32
      %dma_wait3A_92 = tpu.memref_slice %arg2[%add3A_62, %dma_wait3A_91] : memref<160000x128xf32, #tpu.memory_space<hbm>> -> memref<1200x48xf32, #tpu.memory_space<hbm>>
      tpu.wait_dma2 semaphore(%run_scoped3A : memref<!tpu.dma_semaphore, #tpu.memory_space<semaphore_mem>>) src(%dma_wait3A_92 : memref<1200x48xf32, #tpu.memory_space<hbm>>) dst(%arg7 : memref<1200x48xf32, #tpu.memory_space<vmem>>)
      tpu.yield
    }) : () -> ()
    %scan3A_63 = arith.constant 0 : i32
    %scan3A_64 = arith.constant 0 : i32
    %scan3A_65 = arith.constant 75 : i32
    %scan3A_66 = arith.addi %scan3A_64, %scan3A_65 : i32
    %scan3A_67 = arith.constant 1 : i32
    scf.for %scan3A_87 = %scan3A_64 to %scan3A_66 step %scan3A_67  : i32 {
      %mul3A_88 = arith.constant 16 : i32
      %mul3A_89 = arith.muli %scan3A_87, %mul3A_88 : i32
      %get3A = arith.index_cast %mul3A_89 : i32 to index
      %get3A_90 = tpu.vector_load %arg8[%get3A] {strides = array<i32>} : memref<1200xi32, #tpu.memory_space<vmem>>, vector<16xi32>,
      %get3A_91 = vector.shape_cast %get3A_90 : vector<16xi32> to vector<16xi32>
      %sub3A = vector.broadcast %mul3A_0 : i32 to vector<16xi32>
      %sub3A_92 = arith.subi %get3A_91, %sub3A : vector<16xi32>
      %ge3A = arith.constant 0 : i32
      %ge3A_93 = vector.broadcast %ge3A : i32 to vector<16xi32>
      %ge3A_94 = arith.cmpi sge, %sub3A_92, %ge3A_93 : vector<16xi32>
      %lt3A_95 = arith.constant 5000 : i32
      %lt3A_96 = vector.broadcast %lt3A_95 : i32 to vector<16xi32>
      %lt3A_97 = arith.cmpi slt, %sub3A_92, %lt3A_96 : vector<16xi32>
      %and3A = arith.andi %ge3A_94, %lt3A_97 : vector<16xi1>
      %and3A_98 = arith.constant 7 : i32
      %and3A_99 = vector.broadcast %and3A_98 : i32 to vector<16xi32>
      %and3A_100 = arith.andi %get3A_91, %and3A_99 : vector<16xi32>
      %add3A_101 = arith.constant 5000 : i32
      %add3A_102 = vector.broadcast %add3A_101 : i32 to vector<16xi32>
      %add3A_103 = arith.addi %add3A_102, %and3A_100 : vector<16xi32>
      %select_n3A = arith.select %and3A, %sub3A_92, %add3A_103 : vector<16xi1>, vector<16xi32>
      %mul3A_104 = arith.constant 16 : i32
      %mul3A_105 = arith.muli %scan3A_87, %mul3A_104 : i32
      %swap3A = arith.index_cast %mul3A_105 : i32 to index
      %swap3A_106 = tpu.vector_load %arg8[%swap3A] {strides = array<i32>} : memref<1200xi32, #tpu.memory_space<vmem>>, vector<16xi32>,
      %swap3A_107 = vector.shape_cast %swap3A_106 : vector<16xi32> to vector<16xi32>
      %swap3A_108 = vector.shape_cast %select_n3A : vector<16xi32> to vector<16xi32>
      tpu.vector_store %arg8[%swap3A], %swap3A_108 {strides = array<i32>} : memref<1200xi32, #tpu.memory_space<vmem>>, vector<16xi32>,
    }
    %scan3A_68 = arith.constant 75 : i32
    "tpu.region"() ({
      %run_scoped3A = tpu.sem_alloc : memref<!tpu.dma_semaphore, #tpu.memory_space<semaphore_mem>>
      %dma_start3A = arith.constant 0 : i32
      %dma_start3A_87 = arith.constant 0 : i32
      %dma_start3A_88 = tpu.memref_slice %arg13[%dma_start3A, %dma_start3A_87] : memref<5008x48xf32, #tpu.memory_space<vmem_shared>> -> memref<5008x48xf32, #tpu.memory_space<vmem_shared>>
      tpu.enqueue_indirect_dma source(%arg7 : memref<1200x48xf32, #tpu.memory_space<vmem>>) target(%dma_start3A_88 : memref<5008x48xf32, #tpu.memory_space<vmem_shared>>) offsets(%arg8 : memref<1200xi32, #tpu.memory_space<vmem>>) semaphore(%run_scoped3A : memref<!tpu.dma_semaphore, #tpu.memory_space<semaphore_mem>>) {add = true}
      %dma_wait3A = arith.constant 0 : i32
      %dma_wait3A_89 = arith.constant 0 : i32
      %dma_wait3A_90 = tpu.memref_slice %arg13[%dma_wait3A, %dma_wait3A_89] : memref<5008x48xf32, #tpu.memory_space<vmem_shared>> -> memref<5008x48xf32, #tpu.memory_space<vmem_shared>>
      tpu.wait_indirect_dma semaphore(%run_scoped3A : memref<!tpu.dma_semaphore, #tpu.memory_space<semaphore_mem>>) src(%arg7 : memref<1200x48xf32, #tpu.memory_space<vmem>>) dst(%dma_wait3A_90 : memref<5008x48xf32, #tpu.memory_space<vmem_shared>>)
      tpu.yield
    }) : () -> ()
    %add3A_69 = arith.constant 9600 : i32
    %add3A_70 = arith.addi %mul3A_6, %add3A_69 : i32
    "tpu.region"() ({
      %run_scoped3A = tpu.sem_alloc : memref<!tpu.dma_semaphore, #tpu.memory_space<semaphore_mem>>
      %dma_start3A = tpu.memref_slice %arg3[%add3A_70] : memref<160000xi32, #tpu.memory_space<hbm>> -> memref<400xi32, #tpu.memory_space<hbm>>
      %dma_start3A_87 = tpu.memref_slice %arg3[%add3A_70] : memref<160000xi32, #tpu.memory_space<hbm>> -> memref<400xi32, #tpu.memory_space<hbm>>
      tpu.enqueue_dma source(%dma_start3A_87 : memref<400xi32, #tpu.memory_space<hbm>>) target(%arg10 : memref<400xi32, #tpu.memory_space<vmem>>) target_semaphore(%run_scoped3A : memref<!tpu.dma_semaphore, #tpu.memory_space<semaphore_mem>>)
      %dma_wait3A = tpu.memref_slice %arg3[%add3A_70] : memref<160000xi32, #tpu.memory_space<hbm>> -> memref<400xi32, #tpu.memory_space<hbm>>
      %dma_wait3A_88 = tpu.memref_slice %arg3[%add3A_70] : memref<160000xi32, #tpu.memory_space<hbm>> -> memref<400xi32, #tpu.memory_space<hbm>>
      tpu.wait_dma2 semaphore(%run_scoped3A : memref<!tpu.dma_semaphore, #tpu.memory_space<semaphore_mem>>) src(%dma_wait3A_88 : memref<400xi32, #tpu.memory_space<hbm>>) dst(%arg10 : memref<400xi32, #tpu.memory_space<vmem>>)
      tpu.yield
    }) : () -> ()
    "tpu.region"() ({
      %run_scoped3A = tpu.sem_alloc : memref<!tpu.dma_semaphore, #tpu.memory_space<semaphore_mem>>
      %dma_start3A = arith.constant 0 : i32
      %dma_start3A_87 = tpu.memref_slice %arg2[%add3A_70, %dma_start3A] : memref<160000x128xf32, #tpu.memory_space<hbm>> -> memref<400x48xf32, #tpu.memory_space<hbm>>
      %dma_start3A_88 = arith.constant 0 : i32
      %dma_start3A_89 = tpu.memref_slice %arg2[%add3A_70, %dma_start3A_88] : memref<160000x128xf32, #tpu.memory_space<hbm>> -> memref<400x48xf32, #tpu.memory_space<hbm>>
      tpu.enqueue_dma source(%dma_start3A_89 : memref<400x48xf32, #tpu.memory_space<hbm>>) target(%arg9 : memref<400x48xf32, #tpu.memory_space<vmem>>) target_semaphore(%run_scoped3A : memref<!tpu.dma_semaphore, #tpu.memory_space<semaphore_mem>>)
      %dma_wait3A = arith.constant 0 : i32
      %dma_wait3A_90 = tpu.memref_slice %arg2[%add3A_70, %dma_wait3A] : memref<160000x128xf32, #tpu.memory_space<hbm>> -> memref<400x48xf32, #tpu.memory_space<hbm>>
      %dma_wait3A_91 = arith.constant 0 : i32
      %dma_wait3A_92 = tpu.memref_slice %arg2[%add3A_70, %dma_wait3A_91] : memref<160000x128xf32, #tpu.memory_space<hbm>> -> memref<400x48xf32, #tpu.memory_space<hbm>>
      tpu.wait_dma2 semaphore(%run_scoped3A : memref<!tpu.dma_semaphore, #tpu.memory_space<semaphore_mem>>) src(%dma_wait3A_92 : memref<400x48xf32, #tpu.memory_space<hbm>>) dst(%arg9 : memref<400x48xf32, #tpu.memory_space<vmem>>)
      tpu.yield
    }) : () -> ()
    %scan3A_71 = arith.constant 0 : i32
    %scan3A_72 = arith.constant 0 : i32
    %scan3A_73 = arith.constant 25 : i32
    %scan3A_74 = arith.addi %scan3A_72, %scan3A_73 : i32
    %scan3A_75 = arith.constant 1 : i32
    scf.for %scan3A_87 = %scan3A_72 to %scan3A_74 step %scan3A_75  : i32 {
      %mul3A_88 = arith.constant 16 : i32
      %mul3A_89 = arith.muli %scan3A_87, %mul3A_88 : i32
      %get3A = arith.index_cast %mul3A_89 : i32 to index
      %get3A_90 = tpu.vector_load %arg10[%get3A] {strides = array<i32>} : memref<400xi32, #tpu.memory_space<vmem>>, vector<16xi32>,
      %get3A_91 = vector.shape_cast %get3A_90 : vector<16xi32> to vector<16xi32>
      %sub3A = vector.broadcast %mul3A_0 : i32 to vector<16xi32>
      %sub3A_92 = arith.subi %get3A_91, %sub3A : vector<16xi32>
      %ge3A = arith.constant 0 : i32
      %ge3A_93 = vector.broadcast %ge3A : i32 to vector<16xi32>
      %ge3A_94 = arith.cmpi sge, %sub3A_92, %ge3A_93 : vector<16xi32>
      %lt3A_95 = arith.constant 5000 : i32
      %lt3A_96 = vector.broadcast %lt3A_95 : i32 to vector<16xi32>
      %lt3A_97 = arith.cmpi slt, %sub3A_92, %lt3A_96 : vector<16xi32>
      %and3A = arith.andi %ge3A_94, %lt3A_97 : vector<16xi1>
      %and3A_98 = arith.constant 7 : i32
      %and3A_99 = vector.broadcast %and3A_98 : i32 to vector<16xi32>
      %and3A_100 = arith.andi %get3A_91, %and3A_99 : vector<16xi32>
      %add3A_101 = arith.constant 5000 : i32
      %add3A_102 = vector.broadcast %add3A_101 : i32 to vector<16xi32>
      %add3A_103 = arith.addi %add3A_102, %and3A_100 : vector<16xi32>
      %select_n3A = arith.select %and3A, %sub3A_92, %add3A_103 : vector<16xi1>, vector<16xi32>
      %mul3A_104 = arith.constant 16 : i32
      %mul3A_105 = arith.muli %scan3A_87, %mul3A_104 : i32
      %swap3A = arith.index_cast %mul3A_105 : i32 to index
      %swap3A_106 = tpu.vector_load %arg10[%swap3A] {strides = array<i32>} : memref<400xi32, #tpu.memory_space<vmem>>, vector<16xi32>,
      %swap3A_107 = vector.shape_cast %swap3A_106 : vector<16xi32> to vector<16xi32>
      %swap3A_108 = vector.shape_cast %select_n3A : vector<16xi32> to vector<16xi32>
      tpu.vector_store %arg10[%swap3A], %swap3A_108 {strides = array<i32>} : memref<400xi32, #tpu.memory_space<vmem>>, vector<16xi32>,
    }
    %scan3A_76 = arith.constant 25 : i32
    "tpu.region"() ({
      %run_scoped3A = tpu.sem_alloc : memref<!tpu.dma_semaphore, #tpu.memory_space<semaphore_mem>>
      %dma_start3A = arith.constant 0 : i32
      %dma_start3A_87 = arith.constant 0 : i32
      %dma_start3A_88 = tpu.memref_slice %arg13[%dma_start3A, %dma_start3A_87] : memref<5008x48xf32, #tpu.memory_space<vmem_shared>> -> memref<5008x48xf32, #tpu.memory_space<vmem_shared>>
      tpu.enqueue_indirect_dma source(%arg9 : memref<400x48xf32, #tpu.memory_space<vmem>>) target(%dma_start3A_88 : memref<5008x48xf32, #tpu.memory_space<vmem_shared>>) offsets(%arg10 : memref<400xi32, #tpu.memory_space<vmem>>) semaphore(%run_scoped3A : memref<!tpu.dma_semaphore, #tpu.memory_space<semaphore_mem>>) {add = true}
      %dma_wait3A = arith.constant 0 : i32
      %dma_wait3A_89 = arith.constant 0 : i32
      %dma_wait3A_90 = tpu.memref_slice %arg13[%dma_wait3A, %dma_wait3A_89] : memref<5008x48xf32, #tpu.memory_space<vmem_shared>> -> memref<5008x48xf32, #tpu.memory_space<vmem_shared>>
      tpu.wait_indirect_dma semaphore(%run_scoped3A : memref<!tpu.dma_semaphore, #tpu.memory_space<semaphore_mem>>) src(%arg9 : memref<400x48xf32, #tpu.memory_space<vmem>>) dst(%dma_wait3A_90 : memref<5008x48xf32, #tpu.memory_space<vmem_shared>>)
      tpu.yield
    }) : () -> ()
    %barrier3A_77 = arith.constant 0 : index
    tpu.barrier barrier_id(%barrier3A_77)
    %mul3A_78 = arith.constant 313 : i32
    %mul3A_79 = arith.muli %arg1, %mul3A_78 : i32
    %add3A_80 = arith.addi %mul3A_0, %mul3A_79 : i32
    "tpu.region"() ({
      %run_scoped3A = tpu.sem_alloc : memref<!tpu.dma_semaphore, #tpu.memory_space<semaphore_mem>>
      %dma_start3A = arith.constant 0 : i32
      %dma_start3A_87 = tpu.memref_slice %arg13[%mul3A_79, %dma_start3A] : memref<5008x48xf32, #tpu.memory_space<vmem_shared>> -> memref<313x48xf32, #tpu.memory_space<vmem_shared>>
      %dma_start3A_88 = arith.constant 0 : i32
      %dma_start3A_89 = tpu.memref_slice %arg13[%mul3A_79, %dma_start3A_88] : memref<5008x48xf32, #tpu.memory_space<vmem_shared>> -> memref<313x48xf32, #tpu.memory_space<vmem_shared>>
      tpu.enqueue_dma source(%dma_start3A_89 : memref<313x48xf32, #tpu.memory_space<vmem_shared>>) target(%arg11 : memref<313x48xf32, #tpu.memory_space<vmem>>) target_semaphore(%run_scoped3A : memref<!tpu.dma_semaphore, #tpu.memory_space<semaphore_mem>>)
      %dma_wait3A = arith.constant 0 : i32
      %dma_wait3A_90 = tpu.memref_slice %arg13[%mul3A_79, %dma_wait3A] : memref<5008x48xf32, #tpu.memory_space<vmem_shared>> -> memref<313x48xf32, #tpu.memory_space<vmem_shared>>
      %dma_wait3A_91 = arith.constant 0 : i32
      %dma_wait3A_92 = tpu.memref_slice %arg13[%mul3A_79, %dma_wait3A_91] : memref<5008x48xf32, #tpu.memory_space<vmem_shared>> -> memref<313x48xf32, #tpu.memory_space<vmem_shared>>
      tpu.wait_dma2 semaphore(%run_scoped3A : memref<!tpu.dma_semaphore, #tpu.memory_space<semaphore_mem>>) src(%dma_wait3A_92 : memref<313x48xf32, #tpu.memory_space<vmem_shared>>) dst(%arg11 : memref<313x48xf32, #tpu.memory_space<vmem>>)
      tpu.yield
    }) : () -> ()
    %lt3A = arith.constant 15 : i32
    %lt3A_81 = arith.cmpi slt, %arg1, %lt3A : i32
    %convert_element_type3A = arith.extui %lt3A_81 : i1 to i32
    %cond3A = arith.constant 0 : i32
    %cond3A_82 = arith.cmpi ne, %convert_element_type3A, %cond3A : i32
    scf.if %cond3A_82 {
      "tpu.region"() ({
        %run_scoped3A = tpu.sem_alloc : memref<!tpu.dma_semaphore, #tpu.memory_space<semaphore_mem>>
        %dma_start3A = arith.constant 0 : i32
        %dma_start3A_93 = tpu.memref_slice %arg4[%add3A_80, %dma_start3A] : memref<10000x32xf32, #tpu.memory_space<hbm>> -> memref<313x32xf32, #tpu.memory_space<hbm>>
        %dma_start3A_94 = arith.constant 0 : i32
        %dma_start3A_95 = tpu.memref_slice %arg4[%add3A_80, %dma_start3A_94] : memref<10000x32xf32, #tpu.memory_space<hbm>> -> memref<313x32xf32, #tpu.memory_space<hbm>>
        tpu.enqueue_dma source(%dma_start3A_95 : memref<313x32xf32, #tpu.memory_space<hbm>>) target(%arg12 : memref<313x32xf32, #tpu.memory_space<vmem>>) target_semaphore(%run_scoped3A : memref<!tpu.dma_semaphore, #tpu.memory_space<semaphore_mem>>)
        %dma_wait3A = arith.constant 0 : i32
        %dma_wait3A_96 = tpu.memref_slice %arg4[%add3A_80, %dma_wait3A] : memref<10000x32xf32, #tpu.memory_space<hbm>> -> memref<313x32xf32, #tpu.memory_space<hbm>>
        %dma_wait3A_97 = arith.constant 0 : i32
        %dma_wait3A_98 = tpu.memref_slice %arg4[%add3A_80, %dma_wait3A_97] : memref<10000x32xf32, #tpu.memory_space<hbm>> -> memref<313x32xf32, #tpu.memory_space<hbm>>
        tpu.wait_dma2 semaphore(%run_scoped3A : memref<!tpu.dma_semaphore, #tpu.memory_space<semaphore_mem>>) src(%dma_wait3A_98 : memref<313x32xf32, #tpu.memory_space<hbm>>) dst(%arg12 : memref<313x32xf32, #tpu.memory_space<vmem>>)
        tpu.yield
      }) : () -> ()
      %scan3A_87 = arith.constant 0 : i32
      %scan3A_88 = arith.constant 0 : i32
      %scan3A_89 = arith.constant 313 : i32
      %scan3A_90 = arith.addi %scan3A_88, %scan3A_89 : i32
      %scan3A_91 = arith.constant 1 : i32
      scf.for %scan3A_93 = %scan3A_88 to %scan3A_90 step %scan3A_91  : i32 {
        %get3A = arith.index_cast %scan3A_93 : i32 to index
        %get3A_94 = arith.constant 32 : index
        %get3A_95 = tpu.vector_load %arg11[%get3A, %get3A_94] {strides = array<i32>} : memref<313x48xf32, #tpu.memory_space<vmem>>, vector<1x16xf32>,
        %get3A_96 = vector.shape_cast %get3A_95 : vector<1x16xf32> to vector<16xf32>
        %max3A = arith.constant 1.000000e+00 : f32
        %max3A_97 = vector.broadcast %max3A : f32 to vector<16xf32>
        %max3A_98 = arith.maximumf %get3A_96, %max3A_97 : vector<16xf32>
        %div3A = arith.constant 1.000000e+00 : f32
        %div3A_99 = vector.broadcast %div3A : f32 to vector<16xf32>
        %div3A_100 = arith.divf %div3A_99, %max3A_98 : vector<16xf32>
        %get3A_101 = arith.index_cast %scan3A_93 : i32 to index
        %get3A_102 = arith.constant 0 : index
        %get3A_103 = tpu.vector_load %arg11[%get3A_101, %get3A_102] {strides = array<i32>} : memref<313x48xf32, #tpu.memory_space<vmem>>, vector<1x16xf32>,
        %get3A_104 = vector.shape_cast %get3A_103 : vector<1x16xf32> to vector<16xf32>
        %get3A_105 = arith.index_cast %scan3A_93 : i32 to index
        %get3A_106 = arith.constant 0 : index
        %get3A_107 = tpu.vector_load %arg12[%get3A_105, %get3A_106] {strides = array<i32>} : memref<313x32xf32, #tpu.memory_space<vmem>>, vector<1x16xf32>,
        %get3A_108 = vector.shape_cast %get3A_107 : vector<1x16xf32> to vector<16xf32>
        %mul3A_109 = arith.mulf %get3A_104, %div3A_100 : vector<16xf32>
        %add3A_110 = arith.addf %mul3A_109, %get3A_108 : vector<16xf32>
        %max3A_111 = arith.constant 0.000000e+00 : f32
        %max3A_112 = vector.broadcast %max3A_111 : f32 to vector<16xf32>
        %max3A_113 = arith.maximumf %add3A_110, %max3A_112 : vector<16xf32>
        %swap3A = arith.index_cast %scan3A_93 : i32 to index
        %swap3A_114 = arith.constant 0 : index
        %swap3A_115 = tpu.vector_load %arg12[%swap3A, %swap3A_114] {strides = array<i32>} : memref<313x32xf32, #tpu.memory_space<vmem>>, vector<1x16xf32>,
        %swap3A_116 = vector.shape_cast %swap3A_115 : vector<1x16xf32> to vector<16xf32>
        %swap3A_117 = vector.shape_cast %max3A_113 : vector<16xf32> to vector<1x16xf32>
        tpu.vector_store %arg12[%swap3A, %swap3A_114], %swap3A_117 {strides = array<i32>} : memref<313x32xf32, #tpu.memory_space<vmem>>, vector<1x16xf32>,
        %get3A_118 = arith.index_cast %scan3A_93 : i32 to index
        %get3A_119 = arith.constant 16 : index
        %get3A_120 = tpu.vector_load %arg11[%get3A_118, %get3A_119] {strides = array<i32>} : memref<313x48xf32, #tpu.memory_space<vmem>>, vector<1x16xf32>,
        %get3A_121 = vector.shape_cast %get3A_120 : vector<1x16xf32> to vector<16xf32>
        %get3A_122 = arith.index_cast %scan3A_93 : i32 to index
        %get3A_123 = arith.constant 16 : index
        %get3A_124 = tpu.vector_load %arg12[%get3A_122, %get3A_123] {strides = array<i32>} : memref<313x32xf32, #tpu.memory_space<vmem>>, vector<1x16xf32>,
        %get3A_125 = vector.shape_cast %get3A_124 : vector<1x16xf32> to vector<16xf32>
        %mul3A_126 = arith.mulf %get3A_121, %div3A_100 : vector<16xf32>
        %add3A_127 = arith.addf %mul3A_126, %get3A_125 : vector<16xf32>
        %max3A_128 = arith.constant 0.000000e+00 : f32
        %max3A_129 = vector.broadcast %max3A_128 : f32 to vector<16xf32>
        %max3A_130 = arith.maximumf %add3A_127, %max3A_129 : vector<16xf32>
        %swap3A_131 = arith.index_cast %scan3A_93 : i32 to index
        %swap3A_132 = arith.constant 16 : index
        %swap3A_133 = tpu.vector_load %arg12[%swap3A_131, %swap3A_132] {strides = array<i32>} : memref<313x32xf32, #tpu.memory_space<vmem>>, vector<1x16xf32>,
        %swap3A_134 = vector.shape_cast %swap3A_133 : vector<1x16xf32> to vector<16xf32>
        %swap3A_135 = vector.shape_cast %max3A_130 : vector<16xf32> to vector<1x16xf32>
        tpu.vector_store %arg12[%swap3A_131, %swap3A_132], %swap3A_135 {strides = array<i32>} : memref<313x32xf32, #tpu.memory_space<vmem>>, vector<1x16xf32>,
      }
      %scan3A_92 = arith.constant 313 : i32
      "tpu.region"() ({
        %run_scoped3A = tpu.sem_alloc : memref<!tpu.dma_semaphore, #tpu.memory_space<semaphore_mem>>
        %dma_start3A = arith.constant 0 : i32
        %dma_start3A_93 = tpu.memref_slice %arg6[%add3A_80, %dma_start3A] : memref<10000x32xf32, #tpu.memory_space<hbm>> -> memref<313x32xf32, #tpu.memory_space<hbm>>
        %dma_start3A_94 = arith.constant 0 : i32
        %dma_start3A_95 = tpu.memref_slice %arg6[%add3A_80, %dma_start3A_94] : memref<10000x32xf32, #tpu.memory_space<hbm>> -> memref<313x32xf32, #tpu.memory_space<hbm>>
        tpu.enqueue_dma source(%arg12 : memref<313x32xf32, #tpu.memory_space<vmem>>) target(%dma_start3A_95 : memref<313x32xf32, #tpu.memory_space<hbm>>) target_semaphore(%run_scoped3A : memref<!tpu.dma_semaphore, #tpu.memory_space<semaphore_mem>>)
        %dma_wait3A = arith.constant 0 : i32
        %dma_wait3A_96 = tpu.memref_slice %arg6[%add3A_80, %dma_wait3A] : memref<10000x32xf32, #tpu.memory_space<hbm>> -> memref<313x32xf32, #tpu.memory_space<hbm>>
        %dma_wait3A_97 = arith.constant 0 : i32
        %dma_wait3A_98 = tpu.memref_slice %arg6[%add3A_80, %dma_wait3A_97] : memref<10000x32xf32, #tpu.memory_space<hbm>> -> memref<313x32xf32, #tpu.memory_space<hbm>>
        tpu.wait_dma2 semaphore(%run_scoped3A : memref<!tpu.dma_semaphore, #tpu.memory_space<semaphore_mem>>) src(%arg12 : memref<313x32xf32, #tpu.memory_space<vmem>>) dst(%dma_wait3A_98 : memref<313x32xf32, #tpu.memory_space<hbm>>)
        tpu.yield
      }) : () -> ()
    } else {
    }
    %eq3A = arith.constant 15 : i32
    %eq3A_83 = arith.cmpi eq, %arg1, %eq3A : i32
    %convert_element_type3A_84 = arith.extui %eq3A_83 : i1 to i32
    %cond3A_85 = arith.constant 0 : i32
    %cond3A_86 = arith.cmpi ne, %convert_element_type3A_84, %cond3A_85 : i32
    scf.if %cond3A_86 {
      "tpu.region"() ({
        %run_scoped3A = tpu.sem_alloc : memref<!tpu.dma_semaphore, #tpu.memory_space<semaphore_mem>>
        %dma_start3A = arith.constant 0 : i32
        %dma_start3A_93 = arith.constant 0 : i32
        %dma_start3A_94 = tpu.memref_slice %arg12[%dma_start3A, %dma_start3A_93] : memref<313x32xf32, #tpu.memory_space<vmem>> -> memref<305x32xf32, #tpu.memory_space<vmem>>
        %dma_start3A_95 = arith.constant 0 : i32
        %dma_start3A_96 = tpu.memref_slice %arg4[%add3A_80, %dma_start3A_95] : memref<10000x32xf32, #tpu.memory_space<hbm>> -> memref<305x32xf32, #tpu.memory_space<hbm>>
        %dma_start3A_97 = arith.constant 0 : i32
        %dma_start3A_98 = arith.constant 0 : i32
        %dma_start3A_99 = tpu.memref_slice %arg12[%dma_start3A_97, %dma_start3A_98] : memref<313x32xf32, #tpu.memory_space<vmem>> -> memref<305x32xf32, #tpu.memory_space<vmem>>
        %dma_start3A_100 = arith.constant 0 : i32
        %dma_start3A_101 = tpu.memref_slice %arg4[%add3A_80, %dma_start3A_100] : memref<10000x32xf32, #tpu.memory_space<hbm>> -> memref<305x32xf32, #tpu.memory_space<hbm>>
        tpu.enqueue_dma source(%dma_start3A_101 : memref<305x32xf32, #tpu.memory_space<hbm>>) target(%dma_start3A_99 : memref<305x32xf32, #tpu.memory_space<vmem>>) target_semaphore(%run_scoped3A : memref<!tpu.dma_semaphore, #tpu.memory_space<semaphore_mem>>)
        %dma_wait3A = arith.constant 0 : i32
        %dma_wait3A_102 = arith.constant 0 : i32
        %dma_wait3A_103 = tpu.memref_slice %arg12[%dma_wait3A, %dma_wait3A_102] : memref<313x32xf32, #tpu.memory_space<vmem>> -> memref<305x32xf32, #tpu.memory_space<vmem>>
        %dma_wait3A_104 = arith.constant 0 : i32
        %dma_wait3A_105 = tpu.memref_slice %arg4[%add3A_80, %dma_wait3A_104] : memref<10000x32xf32, #tpu.memory_space<hbm>> -> memref<305x32xf32, #tpu.memory_space<hbm>>
        %dma_wait3A_106 = arith.constant 0 : i32
        %dma_wait3A_107 = arith.constant 0 : i32
        %dma_wait3A_108 = tpu.memref_slice %arg12[%dma_wait3A_106, %dma_wait3A_107] : memref<313x32xf32, #tpu.memory_space<vmem>> -> memref<305x32xf32, #tpu.memory_space<vmem>>
        %dma_wait3A_109 = arith.constant 0 : i32
        %dma_wait3A_110 = tpu.memref_slice %arg4[%add3A_80, %dma_wait3A_109] : memref<10000x32xf32, #tpu.memory_space<hbm>> -> memref<305x32xf32, #tpu.memory_space<hbm>>
        tpu.wait_dma2 semaphore(%run_scoped3A : memref<!tpu.dma_semaphore, #tpu.memory_space<semaphore_mem>>) src(%dma_wait3A_110 : memref<305x32xf32, #tpu.memory_space<hbm>>) dst(%dma_wait3A_108 : memref<305x32xf32, #tpu.memory_space<vmem>>)
        tpu.yield
      }) : () -> ()
      %scan3A_87 = arith.constant 0 : i32
      %scan3A_88 = arith.constant 0 : i32
      %scan3A_89 = arith.constant 305 : i32
      %scan3A_90 = arith.addi %scan3A_88, %scan3A_89 : i32
      %scan3A_91 = arith.constant 1 : i32
      scf.for %scan3A_93 = %scan3A_88 to %scan3A_90 step %scan3A_91  : i32 {
        %get3A = arith.index_cast %scan3A_93 : i32 to index
        %get3A_94 = arith.constant 32 : index
        %get3A_95 = tpu.vector_load %arg11[%get3A, %get3A_94] {strides = array<i32>} : memref<313x48xf32, #tpu.memory_space<vmem>>, vector<1x16xf32>,
        %get3A_96 = vector.shape_cast %get3A_95 : vector<1x16xf32> to vector<16xf32>
        %max3A = arith.constant 1.000000e+00 : f32
        %max3A_97 = vector.broadcast %max3A : f32 to vector<16xf32>
        %max3A_98 = arith.maximumf %get3A_96, %max3A_97 : vector<16xf32>
        %div3A = arith.constant 1.000000e+00 : f32
        %div3A_99 = vector.broadcast %div3A : f32 to vector<16xf32>
        %div3A_100 = arith.divf %div3A_99, %max3A_98 : vector<16xf32>
        %get3A_101 = arith.index_cast %scan3A_93 : i32 to index
        %get3A_102 = arith.constant 0 : index
        %get3A_103 = tpu.vector_load %arg11[%get3A_101, %get3A_102] {strides = array<i32>} : memref<313x48xf32, #tpu.memory_space<vmem>>, vector<1x16xf32>,
        %get3A_104 = vector.shape_cast %get3A_103 : vector<1x16xf32> to vector<16xf32>
        %get3A_105 = arith.index_cast %scan3A_93 : i32 to index
        %get3A_106 = arith.constant 0 : index
        %get3A_107 = tpu.vector_load %arg12[%get3A_105, %get3A_106] {strides = array<i32>} : memref<313x32xf32, #tpu.memory_space<vmem>>, vector<1x16xf32>,
        %get3A_108 = vector.shape_cast %get3A_107 : vector<1x16xf32> to vector<16xf32>
        %mul3A_109 = arith.mulf %get3A_104, %div3A_100 : vector<16xf32>
        %add3A_110 = arith.addf %mul3A_109, %get3A_108 : vector<16xf32>
        %max3A_111 = arith.constant 0.000000e+00 : f32
        %max3A_112 = vector.broadcast %max3A_111 : f32 to vector<16xf32>
        %max3A_113 = arith.maximumf %add3A_110, %max3A_112 : vector<16xf32>
        %swap3A = arith.index_cast %scan3A_93 : i32 to index
        %swap3A_114 = arith.constant 0 : index
        %swap3A_115 = tpu.vector_load %arg12[%swap3A, %swap3A_114] {strides = array<i32>} : memref<313x32xf32, #tpu.memory_space<vmem>>, vector<1x16xf32>,
        %swap3A_116 = vector.shape_cast %swap3A_115 : vector<1x16xf32> to vector<16xf32>
        %swap3A_117 = vector.shape_cast %max3A_113 : vector<16xf32> to vector<1x16xf32>
        tpu.vector_store %arg12[%swap3A, %swap3A_114], %swap3A_117 {strides = array<i32>} : memref<313x32xf32, #tpu.memory_space<vmem>>, vector<1x16xf32>,
        %get3A_118 = arith.index_cast %scan3A_93 : i32 to index
        %get3A_119 = arith.constant 16 : index
        %get3A_120 = tpu.vector_load %arg11[%get3A_118, %get3A_119] {strides = array<i32>} : memref<313x48xf32, #tpu.memory_space<vmem>>, vector<1x16xf32>,
        %get3A_121 = vector.shape_cast %get3A_120 : vector<1x16xf32> to vector<16xf32>
        %get3A_122 = arith.index_cast %scan3A_93 : i32 to index
        %get3A_123 = arith.constant 16 : index
        %get3A_124 = tpu.vector_load %arg12[%get3A_122, %get3A_123] {strides = array<i32>} : memref<313x32xf32, #tpu.memory_space<vmem>>, vector<1x16xf32>,
        %get3A_125 = vector.shape_cast %get3A_124 : vector<1x16xf32> to vector<16xf32>
        %mul3A_126 = arith.mulf %get3A_121, %div3A_100 : vector<16xf32>
        %add3A_127 = arith.addf %mul3A_126, %get3A_125 : vector<16xf32>
        %max3A_128 = arith.constant 0.000000e+00 : f32
        %max3A_129 = vector.broadcast %max3A_128 : f32 to vector<16xf32>
        %max3A_130 = arith.maximumf %add3A_127, %max3A_129 : vector<16xf32>
        %swap3A_131 = arith.index_cast %scan3A_93 : i32 to index
        %swap3A_132 = arith.constant 16 : index
        %swap3A_133 = tpu.vector_load %arg12[%swap3A_131, %swap3A_132] {strides = array<i32>} : memref<313x32xf32, #tpu.memory_space<vmem>>, vector<1x16xf32>,
        %swap3A_134 = vector.shape_cast %swap3A_133 : vector<1x16xf32> to vector<16xf32>
        %swap3A_135 = vector.shape_cast %max3A_130 : vector<16xf32> to vector<1x16xf32>
        tpu.vector_store %arg12[%swap3A_131, %swap3A_132], %swap3A_135 {strides = array<i32>} : memref<313x32xf32, #tpu.memory_space<vmem>>, vector<1x16xf32>,
      }
      %scan3A_92 = arith.constant 305 : i32
      "tpu.region"() ({
        %run_scoped3A = tpu.sem_alloc : memref<!tpu.dma_semaphore, #tpu.memory_space<semaphore_mem>>
        %dma_start3A = arith.constant 0 : i32
        %dma_start3A_93 = arith.constant 0 : i32
        %dma_start3A_94 = tpu.memref_slice %arg12[%dma_start3A, %dma_start3A_93] : memref<313x32xf32, #tpu.memory_space<vmem>> -> memref<305x32xf32, #tpu.memory_space<vmem>>
        %dma_start3A_95 = arith.constant 0 : i32
        %dma_start3A_96 = tpu.memref_slice %arg6[%add3A_80, %dma_start3A_95] : memref<10000x32xf32, #tpu.memory_space<hbm>> -> memref<305x32xf32, #tpu.memory_space<hbm>>
        %dma_start3A_97 = arith.constant 0 : i32
        %dma_start3A_98 = tpu.memref_slice %arg6[%add3A_80, %dma_start3A_97] : memref<10000x32xf32, #tpu.memory_space<hbm>> -> memref<305x32xf32, #tpu.memory_space<hbm>>
        %dma_start3A_99 = arith.constant 0 : i32
        %dma_start3A_100 = arith.constant 0 : i32
        %dma_start3A_101 = tpu.memref_slice %arg12[%dma_start3A_99, %dma_start3A_100] : memref<313x32xf32, #tpu.memory_space<vmem>> -> memref<305x32xf32, #tpu.memory_space<vmem>>
        tpu.enqueue_dma source(%dma_start3A_101 : memref<305x32xf32, #tpu.memory_space<vmem>>) target(%dma_start3A_98 : memref<305x32xf32, #tpu.memory_space<hbm>>) target_semaphore(%run_scoped3A : memref<!tpu.dma_semaphore, #tpu.memory_space<semaphore_mem>>)
        %dma_wait3A = arith.constant 0 : i32
        %dma_wait3A_102 = arith.constant 0 : i32
        %dma_wait3A_103 = tpu.memref_slice %arg12[%dma_wait3A, %dma_wait3A_102] : memref<313x32xf32, #tpu.memory_space<vmem>> -> memref<305x32xf32, #tpu.memory_space<vmem>>
        %dma_wait3A_104 = arith.constant 0 : i32
        %dma_wait3A_105 = tpu.memref_slice %arg6[%add3A_80, %dma_wait3A_104] : memref<10000x32xf32, #tpu.memory_space<hbm>> -> memref<305x32xf32, #tpu.memory_space<hbm>>
        %dma_wait3A_106 = arith.constant 0 : i32
        %dma_wait3A_107 = tpu.memref_slice %arg6[%add3A_80, %dma_wait3A_106] : memref<10000x32xf32, #tpu.memory_space<hbm>> -> memref<305x32xf32, #tpu.memory_space<hbm>>
        %dma_wait3A_108 = arith.constant 0 : i32
        %dma_wait3A_109 = arith.constant 0 : i32
        %dma_wait3A_110 = tpu.memref_slice %arg12[%dma_wait3A_108, %dma_wait3A_109] : memref<313x32xf32, #tpu.memory_space<vmem>> -> memref<305x32xf32, #tpu.memory_space<vmem>>
        tpu.wait_dma2 semaphore(%run_scoped3A : memref<!tpu.dma_semaphore, #tpu.memory_space<semaphore_mem>>) src(%dma_wait3A_110 : memref<305x32xf32, #tpu.memory_space<vmem>>) dst(%dma_wait3A_107 : memref<305x32xf32, #tpu.memory_space<hbm>>)
        tpu.yield
      }) : () -> ()
    } else {
    }
    return
  }
}

#map = affine_map<(d0, d1) -> (0, 0)>
#map1 = affine_map<(d0, d1) -> (0)>
module attributes {stable_mosaic.version = 14 : i64} {
  func.func @gk(%arg0: i32, %arg1: i32, %arg2: memref<10000x32xf32, #tpu.memory_space<hbm>>, %arg3: memref<160000xi32, #tpu.memory_space<hbm>>, %arg4: memref<160000x128xf32, #tpu.memory_space<hbm>>, %arg5: memref<1000xi32, #tpu.memory_space<vmem>>, %arg6: memref<1000x32xf32, #tpu.memory_space<vmem>>, %arg7: memref<!tpu.dma_semaphore, #tpu.memory_space<semaphore_mem>>) attributes {dimension_semantics = [#tpu.dimension_semantics<core_parallel>, #tpu.dimension_semantics<subcore_parallel>], iteration_bounds = array<i64: 2, 16>, scalar_prefetch = 0 : i64, scratch_operands = 3 : i64, tpu.core_type = #tpu.core_type<sc_vector_subcore>, window_params = [{transform_indices = #map}, {transform_indices = #map1}, {transform_indices = #map}]} {
    %mul3A = arith.constant 2 : i32
    %mul3A_0 = arith.muli %arg1, %mul3A : i32
    %add3A = arith.addi %mul3A_0, %arg0 : i32
    %mul3A_1 = arith.constant 5000 : i32
    %mul3A_2 = arith.muli %add3A, %mul3A_1 : i32
    %add3A_3 = arith.constant 0 : i32
    %add3A_4 = arith.addi %mul3A_2, %add3A_3 : i32
    "tpu.region"() ({
      %run_scoped3A = tpu.sem_alloc : memref<!tpu.dma_semaphore, #tpu.memory_space<semaphore_mem>>
      %dma_start3A_41 = tpu.memref_slice %arg3[%add3A_4] : memref<160000xi32, #tpu.memory_space<hbm>> -> memref<1000xi32, #tpu.memory_space<hbm>>
      %dma_start3A_42 = tpu.memref_slice %arg3[%add3A_4] : memref<160000xi32, #tpu.memory_space<hbm>> -> memref<1000xi32, #tpu.memory_space<hbm>>
      tpu.enqueue_dma source(%dma_start3A_42 : memref<1000xi32, #tpu.memory_space<hbm>>) target(%arg5 : memref<1000xi32, #tpu.memory_space<vmem>>) target_semaphore(%run_scoped3A : memref<!tpu.dma_semaphore, #tpu.memory_space<semaphore_mem>>)
      %dma_wait3A_43 = tpu.memref_slice %arg3[%add3A_4] : memref<160000xi32, #tpu.memory_space<hbm>> -> memref<1000xi32, #tpu.memory_space<hbm>>
      %dma_wait3A_44 = tpu.memref_slice %arg3[%add3A_4] : memref<160000xi32, #tpu.memory_space<hbm>> -> memref<1000xi32, #tpu.memory_space<hbm>>
      tpu.wait_dma2 semaphore(%run_scoped3A : memref<!tpu.dma_semaphore, #tpu.memory_space<semaphore_mem>>) src(%dma_wait3A_44 : memref<1000xi32, #tpu.memory_space<hbm>>) dst(%arg5 : memref<1000xi32, #tpu.memory_space<vmem>>)
      tpu.yield
    }) : () -> ()
    %dma_start3A = arith.constant 0 : i32
    %dma_start3A_5 = arith.constant 0 : i32
    %dma_start3A_6 = tpu.memref_slice %arg2[%dma_start3A, %dma_start3A_5] : memref<10000x32xf32, #tpu.memory_space<hbm>> -> memref<10000x32xf32, #tpu.memory_space<hbm>>
    tpu.enqueue_indirect_dma source(%dma_start3A_6 : memref<10000x32xf32, #tpu.memory_space<hbm>>) target(%arg6 : memref<1000x32xf32, #tpu.memory_space<vmem>>) offsets(%arg5 : memref<1000xi32, #tpu.memory_space<vmem>>) semaphore(%arg7 : memref<!tpu.dma_semaphore, #tpu.memory_space<semaphore_mem>>)
    %dma_wait3A = arith.constant 0 : i32
    %dma_wait3A_7 = arith.constant 0 : i32
    %dma_wait3A_8 = tpu.memref_slice %arg2[%dma_wait3A, %dma_wait3A_7] : memref<10000x32xf32, #tpu.memory_space<hbm>> -> memref<10000x32xf32, #tpu.memory_space<hbm>>
    tpu.wait_indirect_dma semaphore(%arg7 : memref<!tpu.dma_semaphore, #tpu.memory_space<semaphore_mem>>) src(%dma_wait3A_8 : memref<10000x32xf32, #tpu.memory_space<hbm>>) dst(%arg6 : memref<1000x32xf32, #tpu.memory_space<vmem>>)
    "tpu.region"() ({
      %run_scoped3A = tpu.sem_alloc : memref<!tpu.dma_semaphore, #tpu.memory_space<semaphore_mem>>
      %dma_start3A_41 = arith.constant 0 : i32
      %dma_start3A_42 = tpu.memref_slice %arg4[%add3A_4, %dma_start3A_41] : memref<160000x128xf32, #tpu.memory_space<hbm>> -> memref<1000x32xf32, #tpu.memory_space<hbm>>
      %dma_start3A_43 = arith.constant 0 : i32
      %dma_start3A_44 = tpu.memref_slice %arg4[%add3A_4, %dma_start3A_43] : memref<160000x128xf32, #tpu.memory_space<hbm>> -> memref<1000x32xf32, #tpu.memory_space<hbm>>
      tpu.enqueue_dma source(%arg6 : memref<1000x32xf32, #tpu.memory_space<vmem>>) target(%dma_start3A_44 : memref<1000x32xf32, #tpu.memory_space<hbm>>) target_semaphore(%run_scoped3A : memref<!tpu.dma_semaphore, #tpu.memory_space<semaphore_mem>>)
      %dma_wait3A_45 = arith.constant 0 : i32
      %dma_wait3A_46 = tpu.memref_slice %arg4[%add3A_4, %dma_wait3A_45] : memref<160000x128xf32, #tpu.memory_space<hbm>> -> memref<1000x32xf32, #tpu.memory_space<hbm>>
      %dma_wait3A_47 = arith.constant 0 : i32
      %dma_wait3A_48 = tpu.memref_slice %arg4[%add3A_4, %dma_wait3A_47] : memref<160000x128xf32, #tpu.memory_space<hbm>> -> memref<1000x32xf32, #tpu.memory_space<hbm>>
      tpu.wait_dma2 semaphore(%run_scoped3A : memref<!tpu.dma_semaphore, #tpu.memory_space<semaphore_mem>>) src(%arg6 : memref<1000x32xf32, #tpu.memory_space<vmem>>) dst(%dma_wait3A_48 : memref<1000x32xf32, #tpu.memory_space<hbm>>)
      tpu.yield
    }) : () -> ()
    %add3A_9 = arith.constant 1000 : i32
    %add3A_10 = arith.addi %mul3A_2, %add3A_9 : i32
    "tpu.region"() ({
      %run_scoped3A = tpu.sem_alloc : memref<!tpu.dma_semaphore, #tpu.memory_space<semaphore_mem>>
      %dma_start3A_41 = tpu.memref_slice %arg3[%add3A_10] : memref<160000xi32, #tpu.memory_space<hbm>> -> memref<1000xi32, #tpu.memory_space<hbm>>
      %dma_start3A_42 = tpu.memref_slice %arg3[%add3A_10] : memref<160000xi32, #tpu.memory_space<hbm>> -> memref<1000xi32, #tpu.memory_space<hbm>>
      tpu.enqueue_dma source(%dma_start3A_42 : memref<1000xi32, #tpu.memory_space<hbm>>) target(%arg5 : memref<1000xi32, #tpu.memory_space<vmem>>) target_semaphore(%run_scoped3A : memref<!tpu.dma_semaphore, #tpu.memory_space<semaphore_mem>>)
      %dma_wait3A_43 = tpu.memref_slice %arg3[%add3A_10] : memref<160000xi32, #tpu.memory_space<hbm>> -> memref<1000xi32, #tpu.memory_space<hbm>>
      %dma_wait3A_44 = tpu.memref_slice %arg3[%add3A_10] : memref<160000xi32, #tpu.memory_space<hbm>> -> memref<1000xi32, #tpu.memory_space<hbm>>
      tpu.wait_dma2 semaphore(%run_scoped3A : memref<!tpu.dma_semaphore, #tpu.memory_space<semaphore_mem>>) src(%dma_wait3A_44 : memref<1000xi32, #tpu.memory_space<hbm>>) dst(%arg5 : memref<1000xi32, #tpu.memory_space<vmem>>)
      tpu.yield
    }) : () -> ()
    %dma_start3A_11 = arith.constant 0 : i32
    %dma_start3A_12 = arith.constant 0 : i32
    %dma_start3A_13 = tpu.memref_slice %arg2[%dma_start3A_11, %dma_start3A_12] : memref<10000x32xf32, #tpu.memory_space<hbm>> -> memref<10000x32xf32, #tpu.memory_space<hbm>>
    tpu.enqueue_indirect_dma source(%dma_start3A_13 : memref<10000x32xf32, #tpu.memory_space<hbm>>) target(%arg6 : memref<1000x32xf32, #tpu.memory_space<vmem>>) offsets(%arg5 : memref<1000xi32, #tpu.memory_space<vmem>>) semaphore(%arg7 : memref<!tpu.dma_semaphore, #tpu.memory_space<semaphore_mem>>)
    %dma_wait3A_14 = arith.constant 0 : i32
    %dma_wait3A_15 = arith.constant 0 : i32
    %dma_wait3A_16 = tpu.memref_slice %arg2[%dma_wait3A_14, %dma_wait3A_15] : memref<10000x32xf32, #tpu.memory_space<hbm>> -> memref<10000x32xf32, #tpu.memory_space<hbm>>
    tpu.wait_indirect_dma semaphore(%arg7 : memref<!tpu.dma_semaphore, #tpu.memory_space<semaphore_mem>>) src(%dma_wait3A_16 : memref<10000x32xf32, #tpu.memory_space<hbm>>) dst(%arg6 : memref<1000x32xf32, #tpu.memory_space<vmem>>)
    "tpu.region"() ({
      %run_scoped3A = tpu.sem_alloc : memref<!tpu.dma_semaphore, #tpu.memory_space<semaphore_mem>>
      %dma_start3A_41 = arith.constant 0 : i32
      %dma_start3A_42 = tpu.memref_slice %arg4[%add3A_10, %dma_start3A_41] : memref<160000x128xf32, #tpu.memory_space<hbm>> -> memref<1000x32xf32, #tpu.memory_space<hbm>>
      %dma_start3A_43 = arith.constant 0 : i32
      %dma_start3A_44 = tpu.memref_slice %arg4[%add3A_10, %dma_start3A_43] : memref<160000x128xf32, #tpu.memory_space<hbm>> -> memref<1000x32xf32, #tpu.memory_space<hbm>>
      tpu.enqueue_dma source(%arg6 : memref<1000x32xf32, #tpu.memory_space<vmem>>) target(%dma_start3A_44 : memref<1000x32xf32, #tpu.memory_space<hbm>>) target_semaphore(%run_scoped3A : memref<!tpu.dma_semaphore, #tpu.memory_space<semaphore_mem>>)
      %dma_wait3A_45 = arith.constant 0 : i32
      %dma_wait3A_46 = tpu.memref_slice %arg4[%add3A_10, %dma_wait3A_45] : memref<160000x128xf32, #tpu.memory_space<hbm>> -> memref<1000x32xf32, #tpu.memory_space<hbm>>
      %dma_wait3A_47 = arith.constant 0 : i32
      %dma_wait3A_48 = tpu.memref_slice %arg4[%add3A_10, %dma_wait3A_47] : memref<160000x128xf32, #tpu.memory_space<hbm>> -> memref<1000x32xf32, #tpu.memory_space<hbm>>
      tpu.wait_dma2 semaphore(%run_scoped3A : memref<!tpu.dma_semaphore, #tpu.memory_space<semaphore_mem>>) src(%arg6 : memref<1000x32xf32, #tpu.memory_space<vmem>>) dst(%dma_wait3A_48 : memref<1000x32xf32, #tpu.memory_space<hbm>>)
      tpu.yield
    }) : () -> ()
    %add3A_17 = arith.constant 2000 : i32
    %add3A_18 = arith.addi %mul3A_2, %add3A_17 : i32
    "tpu.region"() ({
      %run_scoped3A = tpu.sem_alloc : memref<!tpu.dma_semaphore, #tpu.memory_space<semaphore_mem>>
      %dma_start3A_41 = tpu.memref_slice %arg3[%add3A_18] : memref<160000xi32, #tpu.memory_space<hbm>> -> memref<1000xi32, #tpu.memory_space<hbm>>
      %dma_start3A_42 = tpu.memref_slice %arg3[%add3A_18] : memref<160000xi32, #tpu.memory_space<hbm>> -> memref<1000xi32, #tpu.memory_space<hbm>>
      tpu.enqueue_dma source(%dma_start3A_42 : memref<1000xi32, #tpu.memory_space<hbm>>) target(%arg5 : memref<1000xi32, #tpu.memory_space<vmem>>) target_semaphore(%run_scoped3A : memref<!tpu.dma_semaphore, #tpu.memory_space<semaphore_mem>>)
      %dma_wait3A_43 = tpu.memref_slice %arg3[%add3A_18] : memref<160000xi32, #tpu.memory_space<hbm>> -> memref<1000xi32, #tpu.memory_space<hbm>>
      %dma_wait3A_44 = tpu.memref_slice %arg3[%add3A_18] : memref<160000xi32, #tpu.memory_space<hbm>> -> memref<1000xi32, #tpu.memory_space<hbm>>
      tpu.wait_dma2 semaphore(%run_scoped3A : memref<!tpu.dma_semaphore, #tpu.memory_space<semaphore_mem>>) src(%dma_wait3A_44 : memref<1000xi32, #tpu.memory_space<hbm>>) dst(%arg5 : memref<1000xi32, #tpu.memory_space<vmem>>)
      tpu.yield
    }) : () -> ()
    %dma_start3A_19 = arith.constant 0 : i32
    %dma_start3A_20 = arith.constant 0 : i32
    %dma_start3A_21 = tpu.memref_slice %arg2[%dma_start3A_19, %dma_start3A_20] : memref<10000x32xf32, #tpu.memory_space<hbm>> -> memref<10000x32xf32, #tpu.memory_space<hbm>>
    tpu.enqueue_indirect_dma source(%dma_start3A_21 : memref<10000x32xf32, #tpu.memory_space<hbm>>) target(%arg6 : memref<1000x32xf32, #tpu.memory_space<vmem>>) offsets(%arg5 : memref<1000xi32, #tpu.memory_space<vmem>>) semaphore(%arg7 : memref<!tpu.dma_semaphore, #tpu.memory_space<semaphore_mem>>)
    %dma_wait3A_22 = arith.constant 0 : i32
    %dma_wait3A_23 = arith.constant 0 : i32
    %dma_wait3A_24 = tpu.memref_slice %arg2[%dma_wait3A_22, %dma_wait3A_23] : memref<10000x32xf32, #tpu.memory_space<hbm>> -> memref<10000x32xf32, #tpu.memory_space<hbm>>
    tpu.wait_indirect_dma semaphore(%arg7 : memref<!tpu.dma_semaphore, #tpu.memory_space<semaphore_mem>>) src(%dma_wait3A_24 : memref<10000x32xf32, #tpu.memory_space<hbm>>) dst(%arg6 : memref<1000x32xf32, #tpu.memory_space<vmem>>)
    "tpu.region"() ({
      %run_scoped3A = tpu.sem_alloc : memref<!tpu.dma_semaphore, #tpu.memory_space<semaphore_mem>>
      %dma_start3A_41 = arith.constant 0 : i32
      %dma_start3A_42 = tpu.memref_slice %arg4[%add3A_18, %dma_start3A_41] : memref<160000x128xf32, #tpu.memory_space<hbm>> -> memref<1000x32xf32, #tpu.memory_space<hbm>>
      %dma_start3A_43 = arith.constant 0 : i32
      %dma_start3A_44 = tpu.memref_slice %arg4[%add3A_18, %dma_start3A_43] : memref<160000x128xf32, #tpu.memory_space<hbm>> -> memref<1000x32xf32, #tpu.memory_space<hbm>>
      tpu.enqueue_dma source(%arg6 : memref<1000x32xf32, #tpu.memory_space<vmem>>) target(%dma_start3A_44 : memref<1000x32xf32, #tpu.memory_space<hbm>>) target_semaphore(%run_scoped3A : memref<!tpu.dma_semaphore, #tpu.memory_space<semaphore_mem>>)
      %dma_wait3A_45 = arith.constant 0 : i32
      %dma_wait3A_46 = tpu.memref_slice %arg4[%add3A_18, %dma_wait3A_45] : memref<160000x128xf32, #tpu.memory_space<hbm>> -> memref<1000x32xf32, #tpu.memory_space<hbm>>
      %dma_wait3A_47 = arith.constant 0 : i32
      %dma_wait3A_48 = tpu.memref_slice %arg4[%add3A_18, %dma_wait3A_47] : memref<160000x128xf32, #tpu.memory_space<hbm>> -> memref<1000x32xf32, #tpu.memory_space<hbm>>
      tpu.wait_dma2 semaphore(%run_scoped3A : memref<!tpu.dma_semaphore, #tpu.memory_space<semaphore_mem>>) src(%arg6 : memref<1000x32xf32, #tpu.memory_space<vmem>>) dst(%dma_wait3A_48 : memref<1000x32xf32, #tpu.memory_space<hbm>>)
      tpu.yield
    }) : () -> ()
    %add3A_25 = arith.constant 3000 : i32
    %add3A_26 = arith.addi %mul3A_2, %add3A_25 : i32
    "tpu.region"() ({
      %run_scoped3A = tpu.sem_alloc : memref<!tpu.dma_semaphore, #tpu.memory_space<semaphore_mem>>
      %dma_start3A_41 = tpu.memref_slice %arg3[%add3A_26] : memref<160000xi32, #tpu.memory_space<hbm>> -> memref<1000xi32, #tpu.memory_space<hbm>>
      %dma_start3A_42 = tpu.memref_slice %arg3[%add3A_26] : memref<160000xi32, #tpu.memory_space<hbm>> -> memref<1000xi32, #tpu.memory_space<hbm>>
      tpu.enqueue_dma source(%dma_start3A_42 : memref<1000xi32, #tpu.memory_space<hbm>>) target(%arg5 : memref<1000xi32, #tpu.memory_space<vmem>>) target_semaphore(%run_scoped3A : memref<!tpu.dma_semaphore, #tpu.memory_space<semaphore_mem>>)
      %dma_wait3A_43 = tpu.memref_slice %arg3[%add3A_26] : memref<160000xi32, #tpu.memory_space<hbm>> -> memref<1000xi32, #tpu.memory_space<hbm>>
      %dma_wait3A_44 = tpu.memref_slice %arg3[%add3A_26] : memref<160000xi32, #tpu.memory_space<hbm>> -> memref<1000xi32, #tpu.memory_space<hbm>>
      tpu.wait_dma2 semaphore(%run_scoped3A : memref<!tpu.dma_semaphore, #tpu.memory_space<semaphore_mem>>) src(%dma_wait3A_44 : memref<1000xi32, #tpu.memory_space<hbm>>) dst(%arg5 : memref<1000xi32, #tpu.memory_space<vmem>>)
      tpu.yield
    }) : () -> ()
    %dma_start3A_27 = arith.constant 0 : i32
    %dma_start3A_28 = arith.constant 0 : i32
    %dma_start3A_29 = tpu.memref_slice %arg2[%dma_start3A_27, %dma_start3A_28] : memref<10000x32xf32, #tpu.memory_space<hbm>> -> memref<10000x32xf32, #tpu.memory_space<hbm>>
    tpu.enqueue_indirect_dma source(%dma_start3A_29 : memref<10000x32xf32, #tpu.memory_space<hbm>>) target(%arg6 : memref<1000x32xf32, #tpu.memory_space<vmem>>) offsets(%arg5 : memref<1000xi32, #tpu.memory_space<vmem>>) semaphore(%arg7 : memref<!tpu.dma_semaphore, #tpu.memory_space<semaphore_mem>>)
    %dma_wait3A_30 = arith.constant 0 : i32
    %dma_wait3A_31 = arith.constant 0 : i32
    %dma_wait3A_32 = tpu.memref_slice %arg2[%dma_wait3A_30, %dma_wait3A_31] : memref<10000x32xf32, #tpu.memory_space<hbm>> -> memref<10000x32xf32, #tpu.memory_space<hbm>>
    tpu.wait_indirect_dma semaphore(%arg7 : memref<!tpu.dma_semaphore, #tpu.memory_space<semaphore_mem>>) src(%dma_wait3A_32 : memref<10000x32xf32, #tpu.memory_space<hbm>>) dst(%arg6 : memref<1000x32xf32, #tpu.memory_space<vmem>>)
    "tpu.region"() ({
      %run_scoped3A = tpu.sem_alloc : memref<!tpu.dma_semaphore, #tpu.memory_space<semaphore_mem>>
      %dma_start3A_41 = arith.constant 0 : i32
      %dma_start3A_42 = tpu.memref_slice %arg4[%add3A_26, %dma_start3A_41] : memref<160000x128xf32, #tpu.memory_space<hbm>> -> memref<1000x32xf32, #tpu.memory_space<hbm>>
      %dma_start3A_43 = arith.constant 0 : i32
      %dma_start3A_44 = tpu.memref_slice %arg4[%add3A_26, %dma_start3A_43] : memref<160000x128xf32, #tpu.memory_space<hbm>> -> memref<1000x32xf32, #tpu.memory_space<hbm>>
      tpu.enqueue_dma source(%arg6 : memref<1000x32xf32, #tpu.memory_space<vmem>>) target(%dma_start3A_44 : memref<1000x32xf32, #tpu.memory_space<hbm>>) target_semaphore(%run_scoped3A : memref<!tpu.dma_semaphore, #tpu.memory_space<semaphore_mem>>)
      %dma_wait3A_45 = arith.constant 0 : i32
      %dma_wait3A_46 = tpu.memref_slice %arg4[%add3A_26, %dma_wait3A_45] : memref<160000x128xf32, #tpu.memory_space<hbm>> -> memref<1000x32xf32, #tpu.memory_space<hbm>>
      %dma_wait3A_47 = arith.constant 0 : i32
      %dma_wait3A_48 = tpu.memref_slice %arg4[%add3A_26, %dma_wait3A_47] : memref<160000x128xf32, #tpu.memory_space<hbm>> -> memref<1000x32xf32, #tpu.memory_space<hbm>>
      tpu.wait_dma2 semaphore(%run_scoped3A : memref<!tpu.dma_semaphore, #tpu.memory_space<semaphore_mem>>) src(%arg6 : memref<1000x32xf32, #tpu.memory_space<vmem>>) dst(%dma_wait3A_48 : memref<1000x32xf32, #tpu.memory_space<hbm>>)
      tpu.yield
    }) : () -> ()
    %add3A_33 = arith.constant 4000 : i32
    %add3A_34 = arith.addi %mul3A_2, %add3A_33 : i32
    "tpu.region"() ({
      %run_scoped3A = tpu.sem_alloc : memref<!tpu.dma_semaphore, #tpu.memory_space<semaphore_mem>>
      %dma_start3A_41 = tpu.memref_slice %arg3[%add3A_34] : memref<160000xi32, #tpu.memory_space<hbm>> -> memref<1000xi32, #tpu.memory_space<hbm>>
      %dma_start3A_42 = tpu.memref_slice %arg3[%add3A_34] : memref<160000xi32, #tpu.memory_space<hbm>> -> memref<1000xi32, #tpu.memory_space<hbm>>
      tpu.enqueue_dma source(%dma_start3A_42 : memref<1000xi32, #tpu.memory_space<hbm>>) target(%arg5 : memref<1000xi32, #tpu.memory_space<vmem>>) target_semaphore(%run_scoped3A : memref<!tpu.dma_semaphore, #tpu.memory_space<semaphore_mem>>)
      %dma_wait3A_43 = tpu.memref_slice %arg3[%add3A_34] : memref<160000xi32, #tpu.memory_space<hbm>> -> memref<1000xi32, #tpu.memory_space<hbm>>
      %dma_wait3A_44 = tpu.memref_slice %arg3[%add3A_34] : memref<160000xi32, #tpu.memory_space<hbm>> -> memref<1000xi32, #tpu.memory_space<hbm>>
      tpu.wait_dma2 semaphore(%run_scoped3A : memref<!tpu.dma_semaphore, #tpu.memory_space<semaphore_mem>>) src(%dma_wait3A_44 : memref<1000xi32, #tpu.memory_space<hbm>>) dst(%arg5 : memref<1000xi32, #tpu.memory_space<vmem>>)
      tpu.yield
    }) : () -> ()
    %dma_start3A_35 = arith.constant 0 : i32
    %dma_start3A_36 = arith.constant 0 : i32
    %dma_start3A_37 = tpu.memref_slice %arg2[%dma_start3A_35, %dma_start3A_36] : memref<10000x32xf32, #tpu.memory_space<hbm>> -> memref<10000x32xf32, #tpu.memory_space<hbm>>
    tpu.enqueue_indirect_dma source(%dma_start3A_37 : memref<10000x32xf32, #tpu.memory_space<hbm>>) target(%arg6 : memref<1000x32xf32, #tpu.memory_space<vmem>>) offsets(%arg5 : memref<1000xi32, #tpu.memory_space<vmem>>) semaphore(%arg7 : memref<!tpu.dma_semaphore, #tpu.memory_space<semaphore_mem>>)
    %dma_wait3A_38 = arith.constant 0 : i32
    %dma_wait3A_39 = arith.constant 0 : i32
    %dma_wait3A_40 = tpu.memref_slice %arg2[%dma_wait3A_38, %dma_wait3A_39] : memref<10000x32xf32, #tpu.memory_space<hbm>> -> memref<10000x32xf32, #tpu.memory_space<hbm>>
    tpu.wait_indirect_dma semaphore(%arg7 : memref<!tpu.dma_semaphore, #tpu.memory_space<semaphore_mem>>) src(%dma_wait3A_40 : memref<10000x32xf32, #tpu.memory_space<hbm>>) dst(%arg6 : memref<1000x32xf32, #tpu.memory_space<vmem>>)
    "tpu.region"() ({
      %run_scoped3A = tpu.sem_alloc : memref<!tpu.dma_semaphore, #tpu.memory_space<semaphore_mem>>
      %dma_start3A_41 = arith.constant 0 : i32
      %dma_start3A_42 = tpu.memref_slice %arg4[%add3A_34, %dma_start3A_41] : memref<160000x128xf32, #tpu.memory_space<hbm>> -> memref<1000x32xf32, #tpu.memory_space<hbm>>
      %dma_start3A_43 = arith.constant 0 : i32
      %dma_start3A_44 = tpu.memref_slice %arg4[%add3A_34, %dma_start3A_43] : memref<160000x128xf32, #tpu.memory_space<hbm>> -> memref<1000x32xf32, #tpu.memory_space<hbm>>
      tpu.enqueue_dma source(%arg6 : memref<1000x32xf32, #tpu.memory_space<vmem>>) target(%dma_start3A_44 : memref<1000x32xf32, #tpu.memory_space<hbm>>) target_semaphore(%run_scoped3A : memref<!tpu.dma_semaphore, #tpu.memory_space<semaphore_mem>>)
      %dma_wait3A_45 = arith.constant 0 : i32
      %dma_wait3A_46 = tpu.memref_slice %arg4[%add3A_34, %dma_wait3A_45] : memref<160000x128xf32, #tpu.memory_space<hbm>> -> memref<1000x32xf32, #tpu.memory_space<hbm>>
      %dma_wait3A_47 = arith.constant 0 : i32
      %dma_wait3A_48 = tpu.memref_slice %arg4[%add3A_34, %dma_wait3A_47] : memref<160000x128xf32, #tpu.memory_space<hbm>> -> memref<1000x32xf32, #tpu.memory_space<hbm>>
      tpu.wait_dma2 semaphore(%run_scoped3A : memref<!tpu.dma_semaphore, #tpu.memory_space<semaphore_mem>>) src(%arg6 : memref<1000x32xf32, #tpu.memory_space<vmem>>) dst(%dma_wait3A_48 : memref<1000x32xf32, #tpu.memory_space<hbm>>)
      tpu.yield
    }) : () -> ()
    return
  }
}

module attributes {stable_mosaic.version = 14 : i64} {
  func.func @body(%arg0: i32, %arg1: memref<2000x128xf32, #tpu.memory_space<vmem>>, %arg2: memref<128x32xf32, #tpu.memory_space<vmem>>, %arg3: memref<1x32xf32, #tpu.memory_space<vmem>>, %arg4: memref<32x32xf32, #tpu.memory_space<vmem>>, %arg5: memref<1x32xf32, #tpu.memory_space<vmem>>, %arg6: memref<2000x32xf32, #tpu.memory_space<vmem>>, %arg7: memref<2000x32xf32, #tpu.memory_space<vmem>>) attributes {dimension_semantics = [#tpu.dimension_semantics<arbitrary>], iteration_bounds = array<i64: 5>, scalar_prefetch = 0 : i64, scratch_operands = 0 : i64, tpu.core_type = #tpu.core_type<tc>, window_params = [{transform_indices = @transform_0, window_bounds = array<i64: 2000, 128>}, {pipeline_mode = #tpu.pipeline_mode<synchronous>, transform_indices = @transform_1, window_bounds = array<i64: 128, 32>}, {pipeline_mode = #tpu.pipeline_mode<synchronous>, transform_indices = @transform_2, window_bounds = array<i64: 1, 32>}, {pipeline_mode = #tpu.pipeline_mode<synchronous>, transform_indices = @transform_3, window_bounds = array<i64: 32, 32>}, {pipeline_mode = #tpu.pipeline_mode<synchronous>, transform_indices = @transform_4, window_bounds = array<i64: 1, 32>}, {transform_indices = @transform_5, window_bounds = array<i64: 2000, 32>}, {transform_indices = @transform_6, window_bounds = array<i64: 2000, 32>}]} {
    %get3A = arith.constant 0 : index
    %get3A_0 = arith.constant 0 : index
    %get3A_1 = vector.load %arg1[%get3A, %get3A_0] : memref<2000x128xf32, #tpu.memory_space<vmem>>, vector<2000x128xf32>
    %get3A_2 = arith.constant 0 : index
    %get3A_3 = arith.constant 0 : index
    %get3A_4 = vector.load %arg2[%get3A_2, %get3A_3] : memref<128x32xf32, #tpu.memory_space<vmem>>, vector<128x32xf32>
    %dot_general3A = arith.constant dense<0.000000e+00> : vector<2000x32xf32>
    %dot_general3A_5 = tpu.matmul %get3A_1, %get3A_4, %dot_general3A {dimension_numbers = #tpu.dot_dimension_numbers<[1], [0], [0], [1], [0, 0, 1, 1], [], []>, transpose_lhs_hint = false} : vector<2000x128xf32>, vector<128x32xf32>, vector<2000x32xf32> -> vector<2000x32xf32>
    %get3A_6 = arith.constant 0 : index
    %get3A_7 = arith.constant 0 : index
    %get3A_8 = vector.load %arg3[%get3A_6, %get3A_7] : memref<1x32xf32, #tpu.memory_space<vmem>>, vector<1x32xf32>
    %add3A = vector.broadcast %get3A_8 : vector<1x32xf32> to vector<2000x32xf32>
    %add3A_9 = arith.addf %dot_general3A_5, %add3A : vector<2000x32xf32>
    %max3A = arith.constant 0.000000e+00 : f32
    %max3A_10 = vector.broadcast %max3A : f32 to vector<2000x32xf32>
    %max3A_11 = arith.maximumf %add3A_9, %max3A_10 : vector<2000x32xf32>
    %swap3A = arith.constant 0 : index
    %swap3A_12 = arith.constant 0 : index
    %swap3A_13 = vector.load %arg6[%swap3A, %swap3A_12] : memref<2000x32xf32, #tpu.memory_space<vmem>>, vector<2000x32xf32>
    tpu.vector_store %arg6[%swap3A, %swap3A_12], %max3A_11 {strides = array<i32>} : memref<2000x32xf32, #tpu.memory_space<vmem>>, vector<2000x32xf32>,
    %get3A_14 = arith.constant 0 : index
    %get3A_15 = arith.constant 0 : index
    %get3A_16 = vector.load %arg4[%get3A_14, %get3A_15] : memref<32x32xf32, #tpu.memory_space<vmem>>, vector<32x32xf32>
    %dot_general3A_17 = arith.constant dense<0.000000e+00> : vector<2000x32xf32>
    %dot_general3A_18 = tpu.matmul %max3A_11, %get3A_16, %dot_general3A_17 {dimension_numbers = #tpu.dot_dimension_numbers<[1], [0], [0], [1], [0, 0, 1, 1], [], []>, transpose_lhs_hint = false} : vector<2000x32xf32>, vector<32x32xf32>, vector<2000x32xf32> -> vector<2000x32xf32>
    %get3A_19 = arith.constant 0 : index
    %get3A_20 = arith.constant 0 : index
    %get3A_21 = vector.load %arg5[%get3A_19, %get3A_20] : memref<1x32xf32, #tpu.memory_space<vmem>>, vector<1x32xf32>
    %add3A_22 = vector.broadcast %get3A_21 : vector<1x32xf32> to vector<2000x32xf32>
    %add3A_23 = arith.addf %dot_general3A_18, %add3A_22 : vector<2000x32xf32>
    %swap3A_24 = arith.constant 0 : index
    %swap3A_25 = arith.constant 0 : index
    %swap3A_26 = vector.load %arg7[%swap3A_24, %swap3A_25] : memref<2000x32xf32, #tpu.memory_space<vmem>>, vector<2000x32xf32>
    tpu.vector_store %arg7[%swap3A_24, %swap3A_25], %add3A_23 {strides = array<i32>} : memref<2000x32xf32, #tpu.memory_space<vmem>>, vector<2000x32xf32>,
    return
  }
  func.func @transform_0(%arg0: i32) -> (i32, i32) {
    %c0_i32 = arith.constant 0 : i32
    %c0_i32_0 = arith.constant 0 : i32
    return %arg0, %c0_i32 : i32, i32
  }
  func.func @transform_1(%arg0: i32) -> (i32, i32) {
    %c0_i32 = arith.constant 0 : i32
    %c0_i32_0 = arith.constant 0 : i32
    %c0_i32_1 = arith.constant 0 : i32
    return %c0_i32, %c0_i32_0 : i32, i32
  }
  func.func @transform_2(%arg0: i32) -> (i32, i32) {
    %c0_i32 = arith.constant 0 : i32
    %c0_i32_0 = arith.constant 0 : i32
    %c0_i32_1 = arith.constant 0 : i32
    return %c0_i32, %c0_i32_0 : i32, i32
  }
  func.func @transform_3(%arg0: i32) -> (i32, i32) {
    %c0_i32 = arith.constant 0 : i32
    %c0_i32_0 = arith.constant 0 : i32
    %c0_i32_1 = arith.constant 0 : i32
    return %c0_i32, %c0_i32_0 : i32, i32
  }
  func.func @transform_4(%arg0: i32) -> (i32, i32) {
    %c0_i32 = arith.constant 0 : i32
    %c0_i32_0 = arith.constant 0 : i32
    %c0_i32_1 = arith.constant 0 : i32
    return %c0_i32, %c0_i32_0 : i32, i32
  }
  func.func @transform_5(%arg0: i32) -> (i32, i32) {
    %c0_i32 = arith.constant 0 : i32
    %c0_i32_0 = arith.constant 0 : i32
    return %arg0, %c0_i32 : i32, i32
  }
  func.func @transform_6(%arg0: i32) -> (i32, i32) {
    %c0_i32 = arith.constant 0 : i32
    %c0_i32_0 = arith.constant 0 : i32
    return %arg0, %c0_i32 : i32, i32
  }
}

module attributes {stable_mosaic.version = 14 : i64} {
  func.func @body(%arg0: i32, %arg1: memref<16x3200xf32, #tpu.memory_space<vmem>>, %arg2: memref<16x3xf32, #tpu.memory_space<vmem>>, %arg3: memref<1x3xf32, #tpu.memory_space<vmem>>, %arg4: memref<3x128xf32, #tpu.memory_space<vmem>>, %arg5: memref<1x128xf32, #tpu.memory_space<vmem>>, %arg6: memref<3200x128xf32, #tpu.memory_space<vmem>>) attributes {dimension_semantics = [#tpu.dimension_semantics<arbitrary>], iteration_bounds = array<i64: 50>, scalar_prefetch = 0 : i64, scratch_operands = 0 : i64, tpu.core_type = #tpu.core_type<tc>, window_params = [{transform_indices = @transform_0, window_bounds = array<i64: 16, 3200>}, {pipeline_mode = #tpu.pipeline_mode<synchronous>, transform_indices = @transform_1, window_bounds = array<i64: 16, 3>}, {pipeline_mode = #tpu.pipeline_mode<synchronous>, transform_indices = @transform_2, window_bounds = array<i64: 1, 3>}, {pipeline_mode = #tpu.pipeline_mode<synchronous>, transform_indices = @transform_3, window_bounds = array<i64: 3, 128>}, {pipeline_mode = #tpu.pipeline_mode<synchronous>, transform_indices = @transform_4, window_bounds = array<i64: 1, 128>}, {transform_indices = @transform_5, window_bounds = array<i64: 3200, 128>}]} {
    %get3A = arith.constant 0 : index
    %get3A_0 = arith.constant 0 : index
    %get3A_1 = vector.load %arg1[%get3A, %get3A_0] : memref<16x3200xf32, #tpu.memory_space<vmem>>, vector<16x3200xf32>
    %get3A_2 = arith.constant 0 : index
    %get3A_3 = arith.constant 0 : index
    %get3A_4 = vector.load %arg2[%get3A_2, %get3A_3] : memref<16x3xf32, #tpu.memory_space<vmem>>, vector<16x3xf32>
    %dot_general3A = arith.constant dense<0.000000e+00> : vector<3200x3xf32>
    %dot_general3A_5 = tpu.matmul %get3A_1, %get3A_4, %dot_general3A {dimension_numbers = #tpu.dot_dimension_numbers<[0], [0], [1], [1], [0, 1, 1, 1], [], []>, transpose_lhs_hint = false} : vector<16x3200xf32>, vector<16x3xf32>, vector<3200x3xf32> -> vector<3200x3xf32>
    %get3A_6 = arith.constant 0 : index
    %get3A_7 = arith.constant 0 : index
    %get3A_8 = vector.load %arg3[%get3A_6, %get3A_7] : memref<1x3xf32, #tpu.memory_space<vmem>>, vector<1x3xf32>
    %add3A = vector.broadcast %get3A_8 : vector<1x3xf32> to vector<3200x3xf32>
    %add3A_9 = arith.addf %dot_general3A_5, %add3A : vector<3200x3xf32>
    %max3A = arith.constant 0.000000e+00 : f32
    %max3A_10 = vector.broadcast %max3A : f32 to vector<3200x3xf32>
    %max3A_11 = arith.maximumf %add3A_9, %max3A_10 : vector<3200x3xf32>
    %get3A_12 = arith.constant 0 : index
    %get3A_13 = arith.constant 0 : index
    %get3A_14 = vector.load %arg4[%get3A_12, %get3A_13] : memref<3x128xf32, #tpu.memory_space<vmem>>, vector<3x128xf32>
    %dot_general3A_15 = arith.constant dense<0.000000e+00> : vector<3200x128xf32>
    %dot_general3A_16 = tpu.matmul %max3A_11, %get3A_14, %dot_general3A_15 {dimension_numbers = #tpu.dot_dimension_numbers<[1], [0], [0], [1], [0, 0, 1, 1], [], []>, transpose_lhs_hint = false} : vector<3200x3xf32>, vector<3x128xf32>, vector<3200x128xf32> -> vector<3200x128xf32>
    %get3A_17 = arith.constant 0 : index
    %get3A_18 = arith.constant 0 : index
    %get3A_19 = vector.load %arg5[%get3A_17, %get3A_18] : memref<1x128xf32, #tpu.memory_space<vmem>>, vector<1x128xf32>
    %add3A_20 = vector.broadcast %get3A_19 : vector<1x128xf32> to vector<3200x128xf32>
    %add3A_21 = arith.addf %dot_general3A_16, %add3A_20 : vector<3200x128xf32>
    %max3A_22 = arith.constant 0.000000e+00 : f32
    %max3A_23 = vector.broadcast %max3A_22 : f32 to vector<3200x128xf32>
    %max3A_24 = arith.maximumf %add3A_21, %max3A_23 : vector<3200x128xf32>
    %swap3A = arith.constant 0 : index
    %swap3A_25 = arith.constant 0 : index
    %swap3A_26 = vector.load %arg6[%swap3A, %swap3A_25] : memref<3200x128xf32, #tpu.memory_space<vmem>>, vector<3200x128xf32>
    tpu.vector_store %arg6[%swap3A, %swap3A_25], %max3A_24 {strides = array<i32>} : memref<3200x128xf32, #tpu.memory_space<vmem>>, vector<3200x128xf32>,
    return
  }
  func.func @transform_0(%arg0: i32) -> (i32, i32) {
    %c0_i32 = arith.constant 0 : i32
    %c0_i32_0 = arith.constant 0 : i32
    return %c0_i32, %arg0 : i32, i32
  }
  func.func @transform_1(%arg0: i32) -> (i32, i32) {
    %c0_i32 = arith.constant 0 : i32
    %c0_i32_0 = arith.constant 0 : i32
    %c0_i32_1 = arith.constant 0 : i32
    return %c0_i32, %c0_i32_0 : i32, i32
  }
  func.func @transform_2(%arg0: i32) -> (i32, i32) {
    %c0_i32 = arith.constant 0 : i32
    %c0_i32_0 = arith.constant 0 : i32
    %c0_i32_1 = arith.constant 0 : i32
    return %c0_i32, %c0_i32_0 : i32, i32
  }
  func.func @transform_3(%arg0: i32) -> (i32, i32) {
    %c0_i32 = arith.constant 0 : i32
    %c0_i32_0 = arith.constant 0 : i32
    %c0_i32_1 = arith.constant 0 : i32
    return %c0_i32, %c0_i32_0 : i32, i32
  }
  func.func @transform_4(%arg0: i32) -> (i32, i32) {
    %c0_i32 = arith.constant 0 : i32
    %c0_i32_0 = arith.constant 0 : i32
    %c0_i32_1 = arith.constant 0 : i32
    return %c0_i32, %c0_i32_0 : i32, i32
  }
  func.func @transform_5(%arg0: i32) -> (i32, i32) {
    %c0_i32 = arith.constant 0 : i32
    %c0_i32_0 = arith.constant 0 : i32
    return %arg0, %c0_i32 : i32, i32
  }
}

module attributes {stable_mosaic.version = 14 : i64} {
  func.func @body(%arg0: i32, %arg1: memref<4000x128xf32, #tpu.memory_space<vmem>>, %arg2: memref<4000x128xf32, #tpu.memory_space<vmem>>, %arg3: memref<128x1024xbf16, #tpu.memory_space<vmem>>, %arg4: memref<1x1024xf32, #tpu.memory_space<vmem>>, %arg5: memref<1024x32xbf16, #tpu.memory_space<vmem>>, %arg6: memref<4000x128xf32, #tpu.memory_space<vmem>>) attributes {dimension_semantics = [#tpu.dimension_semantics<arbitrary>], iteration_bounds = array<i64: 40>, scalar_prefetch = 0 : i64, scratch_operands = 0 : i64, tpu.core_type = #tpu.core_type<tc>, window_params = [{transform_indices = @transform_0, window_bounds = array<i64: 4000, 128>}, {transform_indices = @transform_1, window_bounds = array<i64: 4000, 128>}, {pipeline_mode = #tpu.pipeline_mode<synchronous>, transform_indices = @transform_2, window_bounds = array<i64: 128, 1024>}, {pipeline_mode = #tpu.pipeline_mode<synchronous>, transform_indices = @transform_3, window_bounds = array<i64: 1, 1024>}, {pipeline_mode = #tpu.pipeline_mode<synchronous>, transform_indices = @transform_4, window_bounds = array<i64: 1024, 32>}, {transform_indices = @transform_5, window_bounds = array<i64: 4000, 128>}]} {
    %get3A = arith.constant 0 : index
    %get3A_0 = arith.constant 0 : index
    %get3A_1 = vector.load %arg1[%get3A, %get3A_0] : memref<4000x128xf32, #tpu.memory_space<vmem>>, vector<4000x128xf32>
    %convert_element_type3A = arith.truncf %get3A_1 : vector<4000x128xf32> to vector<4000x128xbf16>
    %get3A_2 = arith.constant 0 : index
    %get3A_3 = arith.constant 0 : index
    %get3A_4 = vector.load %arg3[%get3A_2, %get3A_3] : memref<128x1024xbf16, #tpu.memory_space<vmem>>, vector<128x1024xbf16>
    %dot_general3A = arith.constant dense<0.000000e+00> : vector<4000x1024xf32>
    %dot_general3A_5 = tpu.matmul %convert_element_type3A, %get3A_4, %dot_general3A {dimension_numbers = #tpu.dot_dimension_numbers<[1], [0], [0], [1], [0, 0, 1, 1], [], []>, transpose_lhs_hint = false} : vector<4000x128xbf16>, vector<128x1024xbf16>, vector<4000x1024xf32> -> vector<4000x1024xf32>
    %get3A_6 = arith.constant 0 : index
    %get3A_7 = arith.constant 0 : index
    %get3A_8 = vector.load %arg4[%get3A_6, %get3A_7] : memref<1x1024xf32, #tpu.memory_space<vmem>>, vector<1x1024xf32>
    %add3A = vector.broadcast %get3A_8 : vector<1x1024xf32> to vector<4000x1024xf32>
    %add3A_9 = arith.addf %dot_general3A_5, %add3A : vector<4000x1024xf32>
    %convert_element_type3A_10 = arith.truncf %add3A_9 : vector<4000x1024xf32> to vector<4000x1024xbf16>
    %get3A_11 = arith.constant 0 : index
    %get3A_12 = arith.constant 0 : index
    %get3A_13 = vector.load %arg2[%get3A_11, %get3A_12] : memref<4000x128xf32, #tpu.memory_space<vmem>>, vector<4000x32xf32>
    %convert_element_type3A_14 = arith.truncf %get3A_13 : vector<4000x32xf32> to vector<4000x32xbf16>
    %tile3A = tpu.concatenate %convert_element_type3A_14, %convert_element_type3A_14, %convert_element_type3A_14, %convert_element_type3A_14, %convert_element_type3A_14, %convert_element_type3A_14, %convert_element_type3A_14, %convert_element_type3A_14, %convert_element_type3A_14, %convert_element_type3A_14, %convert_element_type3A_14, %convert_element_type3A_14, %convert_element_type3A_14, %convert_element_type3A_14, %convert_element_type3A_14, %convert_element_type3A_14, %convert_element_type3A_14, %convert_element_type3A_14, %convert_element_type3A_14, %convert_element_type3A_14, %convert_element_type3A_14, %convert_element_type3A_14, %convert_element_type3A_14, %convert_element_type3A_14, %convert_element_type3A_14, %convert_element_type3A_14, %convert_element_type3A_14, %convert_element_type3A_14, %convert_element_type3A_14, %convert_element_type3A_14, %convert_element_type3A_14, %convert_element_type3A_14 in 1 : vector<4000x32xbf16>, vector<4000x32xbf16>, vector<4000x32xbf16>, vector<4000x32xbf16>, vector<4000x32xbf16>, vector<4000x32xbf16>, vector<4000x32xbf16>, vector<4000x32xbf16>, vector<4000x32xbf16>, vector<4000x32xbf16>, vector<4000x32xbf16>, vector<4000x32xbf16>, vector<4000x32xbf16>, vector<4000x32xbf16>, vector<4000x32xbf16>, vector<4000x32xbf16>, vector<4000x32xbf16>, vector<4000x32xbf16>, vector<4000x32xbf16>, vector<4000x32xbf16>, vector<4000x32xbf16>, vector<4000x32xbf16>, vector<4000x32xbf16>, vector<4000x32xbf16>, vector<4000x32xbf16>, vector<4000x32xbf16>, vector<4000x32xbf16>, vector<4000x32xbf16>, vector<4000x32xbf16>, vector<4000x32xbf16>, vector<4000x32xbf16>, vector<4000x32xbf16> -> vector<4000x1024xbf16>
    %mul3A = arith.mulf %tile3A, %convert_element_type3A_10 : vector<4000x1024xbf16>
    %get3A_15 = arith.constant 0 : index
    %get3A_16 = arith.constant 0 : index
    %get3A_17 = vector.load %arg5[%get3A_15, %get3A_16] : memref<1024x32xbf16, #tpu.memory_space<vmem>>, vector<1024x32xbf16>
    %dot_general3A_18 = arith.constant dense<0.000000e+00> : vector<4000x32xf32>
    %dot_general3A_19 = tpu.matmul %mul3A, %get3A_17, %dot_general3A_18 {dimension_numbers = #tpu.dot_dimension_numbers<[1], [0], [0], [1], [0, 0, 1, 1], [], []>, transpose_lhs_hint = false} : vector<4000x1024xbf16>, vector<1024x32xbf16>, vector<4000x32xf32> -> vector<4000x32xf32>
    %broadcast_in_dim3A = arith.constant 1.000000e+00 : f32
    %broadcast_in_dim3A_20 = vector.broadcast %broadcast_in_dim3A : f32 to vector<4000x16xf32>
    %concatenate3A = tpu.concatenate %dot_general3A_19, %broadcast_in_dim3A_20 in 1 : vector<4000x32xf32>, vector<4000x16xf32> -> vector<4000x48xf32>
    %swap3A = arith.constant 0 : index
    %swap3A_21 = arith.constant 0 : index
    %swap3A_22 = vector.load %arg6[%swap3A, %swap3A_21] : memref<4000x128xf32, #tpu.memory_space<vmem>>, vector<4000x48xf32>
    tpu.vector_store %arg6[%swap3A, %swap3A_21], %concatenate3A {strides = array<i32>} : memref<4000x128xf32, #tpu.memory_space<vmem>>, vector<4000x48xf32>,
    return
  }
  func.func @transform_0(%arg0: i32) -> (i32, i32) {
    %c0_i32 = arith.constant 0 : i32
    %c0_i32_0 = arith.constant 0 : i32
    return %arg0, %c0_i32 : i32, i32
  }
  func.func @transform_1(%arg0: i32) -> (i32, i32) {
    %c0_i32 = arith.constant 0 : i32
    %c0_i32_0 = arith.constant 0 : i32
    return %arg0, %c0_i32 : i32, i32
  }
  func.func @transform_2(%arg0: i32) -> (i32, i32) {
    %c0_i32 = arith.constant 0 : i32
    %c0_i32_0 = arith.constant 0 : i32
    %c0_i32_1 = arith.constant 0 : i32
    return %c0_i32, %c0_i32_0 : i32, i32
  }
  func.func @transform_3(%arg0: i32) -> (i32, i32) {
    %c0_i32 = arith.constant 0 : i32
    %c0_i32_0 = arith.constant 0 : i32
    %c0_i32_1 = arith.constant 0 : i32
    return %c0_i32, %c0_i32_0 : i32, i32
  }
  func.func @transform_4(%arg0: i32) -> (i32, i32) {
    %c0_i32 = arith.constant 0 : i32
    %c0_i32_0 = arith.constant 0 : i32
    %c0_i32_1 = arith.constant 0 : i32
    return %c0_i32, %c0_i32_0 : i32, i32
  }
  func.func @transform_5(%arg0: i32) -> (i32, i32) {
    %c0_i32 = arith.constant 0 : i32
    %c0_i32_0 = arith.constant 0 : i32
    return %arg0, %c0_i32 : i32, i32
  }
}

module attributes {stable_mosaic.version = 14 : i64} {
  func.func @body(%arg0: i32, %arg1: memref<2000x32xf32, #tpu.memory_space<vmem>>, %arg2: memref<32x32xf32, #tpu.memory_space<vmem>>, %arg3: memref<1x32xf32, #tpu.memory_space<vmem>>, %arg4: memref<2000x32xf32, #tpu.memory_space<vmem>>) attributes {dimension_semantics = [#tpu.dimension_semantics<arbitrary>], iteration_bounds = array<i64: 5>, scalar_prefetch = 0 : i64, scratch_operands = 0 : i64, tpu.core_type = #tpu.core_type<tc>, window_params = [{transform_indices = @transform_0, window_bounds = array<i64: 2000, 32>}, {pipeline_mode = #tpu.pipeline_mode<synchronous>, transform_indices = @transform_1, window_bounds = array<i64: 32, 32>}, {pipeline_mode = #tpu.pipeline_mode<synchronous>, transform_indices = @transform_2, window_bounds = array<i64: 1, 32>}, {transform_indices = @transform_3, window_bounds = array<i64: 2000, 32>}]} {
    %get3A = arith.constant 0 : index
    %get3A_0 = arith.constant 0 : index
    %get3A_1 = vector.load %arg1[%get3A, %get3A_0] : memref<2000x32xf32, #tpu.memory_space<vmem>>, vector<2000x32xf32>
    %get3A_2 = arith.constant 0 : index
    %get3A_3 = arith.constant 0 : index
    %get3A_4 = vector.load %arg2[%get3A_2, %get3A_3] : memref<32x32xf32, #tpu.memory_space<vmem>>, vector<32x32xf32>
    %dot_general3A = arith.constant dense<0.000000e+00> : vector<2000x32xf32>
    %dot_general3A_5 = tpu.matmul %get3A_1, %get3A_4, %dot_general3A {dimension_numbers = #tpu.dot_dimension_numbers<[1], [0], [0], [1], [0, 0, 1, 1], [], []>, transpose_lhs_hint = false} : vector<2000x32xf32>, vector<32x32xf32>, vector<2000x32xf32> -> vector<2000x32xf32>
    %get3A_6 = arith.constant 0 : index
    %get3A_7 = arith.constant 0 : index
    %get3A_8 = vector.load %arg3[%get3A_6, %get3A_7] : memref<1x32xf32, #tpu.memory_space<vmem>>, vector<1x32xf32>
    %add3A = vector.broadcast %get3A_8 : vector<1x32xf32> to vector<2000x32xf32>
    %add3A_9 = arith.addf %dot_general3A_5, %add3A : vector<2000x32xf32>
    %swap3A = arith.constant 0 : index
    %swap3A_10 = arith.constant 0 : index
    %swap3A_11 = vector.load %arg4[%swap3A, %swap3A_10] : memref<2000x32xf32, #tpu.memory_space<vmem>>, vector<2000x32xf32>
    tpu.vector_store %arg4[%swap3A, %swap3A_10], %add3A_9 {strides = array<i32>} : memref<2000x32xf32, #tpu.memory_space<vmem>>, vector<2000x32xf32>,
    return
  }
  func.func @transform_0(%arg0: i32) -> (i32, i32) {
    %c0_i32 = arith.constant 0 : i32
    %c0_i32_0 = arith.constant 0 : i32
    return %arg0, %c0_i32 : i32, i32
  }
  func.func @transform_1(%arg0: i32) -> (i32, i32) {
    %c0_i32 = arith.constant 0 : i32
    %c0_i32_0 = arith.constant 0 : i32
    %c0_i32_1 = arith.constant 0 : i32
    return %c0_i32, %c0_i32_0 : i32, i32
  }
  func.func @transform_2(%arg0: i32) -> (i32, i32) {
    %c0_i32 = arith.constant 0 : i32
    %c0_i32_0 = arith.constant 0 : i32
    %c0_i32_1 = arith.constant 0 : i32
    return %c0_i32, %c0_i32_0 : i32, i32
  }
  func.func @transform_3(%arg0: i32) -> (i32, i32) {
    %c0_i32 = arith.constant 0 : i32
    %c0_i32_0 = arith.constant 0 : i32
    return %arg0, %c0_i32 : i32, i32
  }
}

</mosaic_0001>

<sc_bundles>
// kernel: kernel.11.cloned.1.call-start
scs
__scs_entry_jumppad:
0x0: {  	(pc) =	sbr.rel $0x88, $3  }
0x1: {  	(tag) =	ssettag $0x0;
	lr =	simm.s32 $0x1  }
0x2: {  	[smem:$0x3F94] =	sst lr;
	_ =	strace $0xD0000000  }
0x3: {  	_ = 	snop  }
0x4: {  	_ = 	snop  }
0x5: {  	_ = 	snop  }
0x6: {  	_ = 	snop  }
0x7: {  	_ = 	snop  }
__scs_overlays_trampoline_lowered:
0x8: {  	[smem:$0x3FA3] =	sst s0  }
0x9: {  	[smem:$0x3FA4] =	sst s1  }
0xa: {  	[smem:$0x3FA5] =	sst s2  }
0xb: {  	[smem:$0x3FA6] =	sst s3  }
0xc: {  	[smem:$0x3FA7] =	sst s4  }
0xd: {  	[smem:$0x3FA8] =	sst s5  }
0xe: {  	[smem:$0x3FA9] =	sst s6  }
0xf: {  	[smem:$0x3FAA] =	sst s7  }
0x10: {  	[smem:$0x3FAB] =	sst s8  }
0x11: {  	[smem:$0x3FAC] =	sst s9;
	s0 =	simm.s32 @!p0 $0x0  }
0x12: {  	s1 =	sld [smem:$0x3F92];
	s0 =	simm.s32 @p0 $0x1  }
0x13: {  	[smem:$0x3FAD] =	sst s0;
	s0 =	simm.s32 @!p1 $0x0  }
0x14: {  	s2 =	sld [smem:$0x3F91];
	s0 =	simm.s32 @p1 $0x1  }
0x15: {  	[smem:$0x3FAE] =	sst s0;
	s0 =	simm.s32 @!p2 $0x0  }
0x16: {  	s3 =	sld [smem:$0x3FDB];
	s0 =	simm.s32 @p2 $0x1  }
0x17: {  	s4 =	simm.s32 $0x1BF5;
	[smem:$0x3FB0] =	sst s0  }
0x18: {  	s0 =	sld [smem:$0x3F93];
	_ =	swait.ge [sflag:s4], $0x0  }
0x19: {  	s7 =	sld [smem:$0x3F94]  }
0x1a: {  	s8 =	sadd.s32 $0xFFFFE003, lr  }
0x1b: {  	s9 =	sadd.s32 $0xFFFFFEF7, lr;
	s5 =	simm.s32 $0xFFFFFFFF;
	p2 =	slt.u32 s8, $0xFFFFF086  }
0x1c: {  	p1 =	slt.u32 s9, $0xF7A;
	s5 =	simm.s32 @!p2 $0x0  }
0x1d: {  	s5 =	simm.s32 @p1 $0x1;
	p0 =	seq.s32 s7, s2  }
0x1e: {  	s7 =	smul.u32 @!p0 $0xF7A, s2;
	p2 =	seq.s32 @!p0 s5, $0x0  }
0x1f: {  	s9 =	smul.u32 $0xF7A, s1;
	s8 =	simm.s32 @!p0 $0x1BF5;
	p2 =	por !p2, p0  }
0x20: {  	[sflag:s8] =	ssyncset.s32 @!p0 $0xFFFFF086;
	s6 =	sadd.s32 @!p0 s3, s7;
	s7 =	simm.s32 @!p0 $0x108  }
0x21: {  	s3 =	sadd.s32 s3, s9;
	s6 =	sadd.s32 @!p0 $0x88, s6;
	s7 =	simm.s32 @p2 $0x1082  }
0x22: {  	[simem:s7], [sflag:s8] =	dma.local @!p0 [hbm:s6], $0xF7A  }
0x23: {  	s9 =	sor.u32 $0xD0000000, s2;
	s6 =	simm.s32 $0x108;
	_ =	swait.ge @!p0 [sflag:s8], $0x0  }
0x24: {  	s3 =	sadd.s32 $0x88, s3;
	s6 =	simm.s32 @!p1 $0x1082;
	[sflag:s4] =	ssyncset.s32 $0xFFFFF086  }
0x25: {  	[simem:s6], [sflag:s4] =	dma.local [hbm:s3], $0xF7A  }
0x26: {  	[smem:$0x3F94] =	sst s1;
	(tag) =	ssettag s2;
	_ =	strace s9  }
0x27: {  	s1 =	sld [smem:$0x3FA4]  }
0x28: {  	s2 =	sld [smem:$0x3FA5]  }
0x29: {  	s4 =	sld [smem:$0x3FA7]  }
0x2a: {  	p0 =	seq.s32 s5, $0x0;
	s5 =	sld [smem:$0x3FA8]  }
0x2b: {  	s6 =	sld [smem:$0x3FA9]  }
0x2c: {  	s7 =	sld [smem:$0x3FAA]  }
0x2d: {  	s3 =	simm.s32 $0x108;
	s8 =	sld [smem:$0x3FAB]  }
0x2e: {  	s3 =	simm.s32 @!p0 $0x1082;
	s9 =	sld [smem:$0x3FAC]  }
0x2f: {  	lr =	sadd.s32 s0, s3;
	s0 =	sld [smem:$0x3FA3]  }
0x30: {  	s3 =	sld [smem:$0x3FA6]  }
0x31: {  	[smem:$0x3FAF] =	sst s10  }
0x32: {  	s10 =	sld [smem:$0x3FAD];
	_ =	sdelay $0x3  }
0x33: {  	p0 =	seq.s32 s10, $0x1;
	s10 =	sld [smem:$0x3FAF];
	_ =	sdelay $0x3  }
0x34: {  	[smem:$0x3FAF] =	sst s10  }
0x35: {  	s10 =	sld [smem:$0x3FAE];
	_ =	sdelay $0x3  }
0x36: {  	p1 =	seq.s32 s10, $0x1;
	s10 =	sld [smem:$0x3FAF];
	_ =	sdelay $0x3  }
0x37: {  	[smem:$0x3FAF] =	sst s10  }
0x38: {  	s10 =	sld [smem:$0x3FB0]  }
0x39: {  	_ = 	snop;
	(pc) =	sbr.ind lr, $3  }
0x3a: {  	_ = 	snop  }
0x3b: {  	_ = 	snop  }
0x3c: {  	p2 =	seq.s32 s10, $0x1;
	s10 =	sld [smem:$0x3FAF]  }
0x3d: {  	_ =	shalt  }
0x3e: {  	_ =	shalt  }
0x3f: {  	_ =	shalt  }
0x40: {  	_ =	shalt  }
0x41: {  	_ =	shalt  }
0x42: {  	_ =	shalt  }
0x43: {  	_ =	shalt  }
0x44: {  	_ =	shalt  }
0x45: {  	_ =	shalt  }
0x46: {  	_ =	shalt  }
0x47: {  	_ =	shalt  }
0x48: {  	_ =	shalt  }
0x49: {  	_ =	shalt  }
0x4a: {  	_ =	shalt  }
0x4b: {  	_ =	shalt  }
0x4c: {  	_ =	shalt  }
0x4d: {  	_ =	shalt  }
0x4e: {  	_ =	shalt  }
0x4f: {  	_ =	shalt  }
0x50: {  	_ =	shalt  }
0x51: {  	_ =	shalt  }
0x52: {  	_ =	shalt  }
0x53: {  	_ =	shalt  }
0x54: {  	_ =	shalt  }
0x55: {  	_ =	shalt  }
0x56: {  	_ =	shalt  }
0x57: {  	_ =	shalt  }
0x58: {  	_ =	shalt  }
0x59: {  	_ =	shalt  }
0x5a: {  	_ =	shalt  }
0x5b: {  	_ =	shalt  }
0x5c: {  	_ =	shalt  }
0x5d: {  	_ =	shalt  }
0x5e: {  	_ =	shalt  }
0x5f: {  	_ =	shalt  }
0x60: {  	_ =	shalt  }
0x61: {  	_ =	shalt  }
0x62: {  	_ =	shalt  }
0x63: {  	_ =	shalt  }
0x64: {  	_ =	shalt  }
0x65: {  	_ =	shalt  }
0x66: {  	_ =	shalt  }
0x67: {  	_ =	shalt  }
0x68: {  	_ =	shalt  }
0x69: {  	_ =	shalt  }
0x6a: {  	_ =	shalt  }
0x6b: {  	_ =	shalt  }
0x6c: {  	_ =	shalt  }
0x6d: {  	_ =	shalt  }
0x6e: {  	_ =	shalt  }
0x6f: {  	_ =	shalt  }
0x70: {  	_ =	shalt  }
0x71: {  	_ =	shalt  }
0x72: {  	_ =	shalt  }
0x73: {  	_ =	shalt  }
0x74: {  	_ =	shalt  }
0x75: {  	_ =	shalt  }
0x76: {  	_ =	shalt  }
0x77: {  	_ =	shalt  }
0x78: {  	_ =	shalt  }
0x79: {  	_ =	shalt  }
0x7a: {  	_ =	shalt  }
0x7b: {  	_ =	shalt  }
0x7c: {  	_ =	shalt  }
0x7d: {  	_ =	shalt  }
0x7e: {  	_ =	shalt  }
0x7f: {  	_ =	shalt  }
0x80: {  	_ =	shalt  }
0x81: {  	_ =	shalt  }
0x82: {  	_ =	shalt  }
0x83: {  	_ =	shalt  }
0x84: {  	_ =	shalt  }
0x85: {  	_ =	shalt  }
0x86: {  	_ =	shalt  }
0x87: {  	_ =	shalt  }
.Lfunc_end0:
.L_simem_size_0:
called_computation_lowered:
.L_overlay_start_0:
0x88: {  	s2 =	sld [smem:$0x3FD9]  }
0x89: {  	s3 =	sld [smem:$0x3FFE];
	_ =	sdelay $0x1  }
0x8a: {  	s1 =	srdreg.scid  }
0x8b: {  	s0 =	sand.u32 $0x1, s1  }
0x8c: {  	s17 =	sshll.u32 s0, $0xA;
	s2 =	sadd.s32 s3, s2  }
0x8d: {  	s2 =	sadd.s32 s2, s17  }
0x8e: {  	[smem:$0x3FBB] =	sst s2  }
0x8f: {  	_ = 	snop  }
0x90: {  	s2 =	sld [smem:$0x3FD0];
	(tm) =	ssettm $0x1  }
0x91: {  	s18 =	sld [smem:$0x3FFB];
	_ =	sdelay $0x3  }
0x92: {  	_ =	strace s18  }
0x93: {  	s3 =	sld [smem:$0x3FFC];
	_ =	sdelay $0x3  }
0x94: {  	_ =	strace s3  }
0x95: {  	s3 =	sld [smem:$0x3FFD];
	_ =	sdelay $0x3  }
0x96: {  	_ =	strace s3  }
0x97: {  	_ =	strace $0x8FFFFFFF  }
0x98: {  	s19 =	sld [smem:$0x3FDB];
	_ =	sdelay $0x1  }
0x99: {  	s4 =	simm.s32 $_scs_section_size  }
0x9a: {  	s5 =	simm.s32 $_size__tile_overlayer_lowered;
	s6 =	simm.s32 $_tile_overlayer_lowered  }
0x9b: {  	s22 =	simm.s32 $0x1BFF;
	s21 =	sshll.u32 s6, $0x1;
	s3 =	sadd.s32 s4, s19  }
0x9c: {  	s7 =	simm.s32 $0x0;
	s20 =	sshll.u32 s5, $0x1;
	s5 =	sadd.s32 s21, s3  }
0x9d: {  	[timem:s7], [sflag:s22] =	dma.local [hbm:s5], s20  }
0x9e: {  	_ =	swait.ge [sflag:s22], s20  }
0x9f: {  	s4 =	ssub.s32 $0x0, s20;
	[sflag:s22] =	ssyncset.done $0x0  }
0xa0: {  	[sflag:s22] =	ssyncadd.s32 s4;
	_ =	sdelay $0x1  }
0xa1: {  	s23 =	simm.s32 $0x1B8B  }
0xa2: {  	_ =	swait.ge [sflag:s23], $0x1  }
0xa3: {  	[sflag:s23] =	ssyncset.done $0x0  }
0xa4: {  	s25 =	simm.s32 $0x1B8E;
	s24 =	sld [smem:$0x3FFE];
	[sflag:s23] =	ssyncadd.s32 $0xFFFFFFFF  }
0xa5: {  	s26 =	simm.s32 $execute0_lowered;
	[smem:$0x3FD2] =	sst s25  }
0xa6: {  	s5 =	sshll.u32 s26, $0x1;
	_ =	strace $0x80000046;
	[dreg:$0x1] =	wrdreg $0xFFFFFFFF  }
0xa7: {  	s28 =	simm.s32 $_size_execute0_lowered;
	s3 =	sadd.s32 s3, s5;
	[dreg:$0x0] =	wrdreg $0x0  }
0xa8: {  	s5 =	sshll.u32 s28, $0x1;
	[dreg:$0x2] =	wrdreg s3  }
0xa9: {  	[dreg:$0x3] =	wrdreg s5  }
0xaa: {  	[dreg:$0x4] =	wrdreg $0xC0  }
0xab: {  	_ =	task [dreg:s7], $0x5FFFF  }
0xac: {  	[dreg:$0x1] =	wrdreg $0xFFFFFFFF  }
0xad: {  	[dreg:$0x0] =	wrdreg $0x60  }
0xae: {  	[dreg:$0x2] =	wrdreg s2  }
0xaf: {  	[dreg:$0x3] =	wrdreg s24  }
0xb0: {  	[dreg:$0x4] =	wrdreg $0x9  }
0xb1: {  	_ =	task.clear_ibuf [dreg:s7], $0x5FFFF;
	_ =	strace $0x90000046  }
0xb2: {  	s29 =	simm.s32 $0x9;
	_ =	strace $0x80000048  }
0xb3: {  	_ =	swait.ge [sflag:s29], $0x1  }
0xb4: {  	[sflag:s29] =	ssyncadd.s32 $0xFFFFFFFF  }
0xb5: {  	_ =	strace $0x90000048  }
0xb6: {  	_ =	sfence  }
0xb7: {  	s30 =	sld [smem:$0x0];
	_ =	sdelay $0x2  }
0xb8: {  	s31 =	sshll.u32 s1, $0xD;
	s1 =	sshrl.u32 s1, $0x2  }
0xb9: {  	s3 =	sand.u32 $0x4000, s31;
	s1 =	sadd.s32 s1, s30  }
0xba: {  	s0 =	sor.u32 s3, s0;
	s1 =	sshll.u32 s1, $0x11  }
0xbb: {  	s0 =	sor.u32 s1, s0  }
0xbc: {  	s0 =	sadd.s32 $0x8F2B, s0  }
0xbd: {  	[sflag:s0] =	ssyncadd.remote.s32 $0x1  }
0xbe: {  	_ =	sfence.sel $0xFFFF  }
0xbf: {  	[dreg:$0x0] =	wrdreg $0xFFFFFFFF;
	(pc) =	sbr.abs _section_cstart, $3  }
0xc0: {  	[dreg:$0x1] =	wrdreg $0xFFFFFFFF  }
0xc1: {  	_ =	task.clear_ibuf [dreg:s7], $0x2FFFF;
	_ =	strace $0x9FFFFFFF  }
0xc2: {  	(tm) =	ssettm $0x7FFFFFFF  }
0xc3: {  	_ =	shalt  }
tec
execute0_lowered:
.L_overlay_start_1:
0x0: {  	(tag) =	ssettag $0x1  }
0x1: {  	s1 =	srdreg.scid;
	s0 =	stileid.u32  }
0x2: {  	s18 =	sand.u32 $0x1, s1;
	s28 =	sshll.u32 s0, $0x1  }
0x3: {  	s2 =	rddreg [dreg:$0x0];
	s6 =	sor.u32 s18, s28  }
0x4: {  	s8 =	rddreg [dreg:$0x1];
	s20 =	smul.u32 $0x1388, s6  }
0x5: {  	s3 =	simm.s32 $0x0;
	s1 =	rddreg [dreg:$0x2]  }
0x6: {  	[smem:$0x7FF] =	sst s3;
	s17 =	sadd.s32 $0x3C00, s8;
	s4 =	sshrl.u32 s20, $0x3  }
0x7: {  	_ =	strace $0x80000047;
	s5 =	sadd.s32 s17, s4;
	s4 =	simm.s32 $0x2  }
0x8: {  	[tilespmem:s3], [sflag:$0x2] =	stream.linear.gather [hbm4b:s5+s3], $0x3E8, $0x38;
	[tilespmem:$0x80E8] =	vst v63  }
0x9: {  	_ =	swait.ge [sflag:s4], $0x3E8  }
0xa: {  	s7 =	simm.s32 $0x1;
	[sflag:s4] =	ssyncset.done $0x0  }
0xb: {  	s9 =	smul.u32 $0x13880, s6;
	s6 =	simm.s32 $0x3E8;
	[sflag:s4] =	ssyncadd.s32 $0xFFFFFC18  }
0xc: {  	[tilespmem:s6], [sflag:$0x1] =	stream.indirect.gather [hbm4b:s2+s6], $0x20, s3, s6, $0xb8;
	[tilespmem:$0x80E8] =	vst v63  }
0xd: {  	_ =	swait.ge [sflag:s7], $0x7D00  }
0xe: {  	s10 =	simm.s32 $0x80;
	s19 =	sadd.s32 $0xDC00, s8;
	[sflag:s7] =	ssyncset.done $0x0  }
0xf: {  	s8 =	sadd.s32 s19, s9;
	s9 =	simm.s32 $0x20;
	[sflag:s7] =	ssyncadd.s32 $0xFFFF8300  }
0x10: {  	[hbm4b:s8+s9] =	stream.strided.scatter [tilespmem:s6], [sflag:$0x2], $0x7D00, s10, s9, $0x38;
	[tilespmem:$0x80E8] =	vst v63  }
0x11: {  	s12 =	sadd.s32 $0x3E8, s20;
	_ =	swait.ge [sflag:s4], $0x7D00  }
0x12: {  	s11 =	sshrl.u32 s12, $0x3;
	[sflag:s4] =	ssyncset.done $0x0  }
0x13: {  	s11 =	sadd.s32 s17, s11;
	[sflag:s4] =	ssyncadd.s32 $0xFFFF8300  }
0x14: {  	[tilespmem:s3], [sflag:$0x2] =	stream.linear.gather [hbm4b:s11+s3], $0x3E8, $0x38;
	[tilespmem:$0x80E8] =	vst v63  }
0x15: {  	_ =	swait.ge [sflag:s4], $0x3E8  }
0x16: {  	[sflag:s4] =	ssyncset.done $0x0  }
0x17: {  	[sflag:s4] =	ssyncadd.s32 $0xFFFFFC18  }
0x18: {  	[tilespmem:s6], [sflag:$0x1] =	stream.indirect.gather [hbm4b:s2+s6], $0x20, s3, s6, $0xb8;
	[tilespmem:$0x80E8] =	vst v63  }
0x19: {  	_ =	swait.ge [sflag:s7], $0x7D00  }
0x1a: {  	s12 =	sshll.u32 s12, $0x4;
	[sflag:s7] =	ssyncset.done $0x0  }
0x1b: {  	s12 =	sadd.s32 s19, s12;
	[sflag:s7] =	ssyncadd.s32 $0xFFFF8300  }
0x1c: {  	[hbm4b:s12+s9] =	stream.strided.scatter [tilespmem:s6], [sflag:$0x2], $0x7D00, s10, s9, $0x38;
	[tilespmem:$0x80E8] =	vst v63  }
0x1d: {  	s14 =	sadd.s32 $0x7D0, s20;
	_ =	swait.ge [sflag:s4], $0x7D00  }
0x1e: {  	s13 =	sshrl.u32 s14, $0x3;
	[sflag:s4] =	ssyncset.done $0x0  }
0x1f: {  	s13 =	sadd.s32 s17, s13;
	[sflag:s4] =	ssyncadd.s32 $0xFFFF8300  }
0x20: {  	[tilespmem:s3], [sflag:$0x2] =	stream.linear.gather [hbm4b:s13+s3], $0x3E8, $0x38;
	[tilespmem:$0x80E8] =	vst v63  }
0x21: {  	_ =	swait.ge [sflag:s4], $0x3E8  }
0x22: {  	[sflag:s4] =	ssyncset.done $0x0  }
0x23: {  	[sflag:s4] =	ssyncadd.s32 $0xFFFFFC18  }
0x24: {  	[tilespmem:s6], [sflag:$0x1] =	stream.indirect.gather [hbm4b:s2+s6], $0x20, s3, s6, $0xb8;
	[tilespmem:$0x80E8] =	vst v63  }
0x25: {  	_ =	swait.ge [sflag:s7], $0x7D00  }
0x26: {  	s14 =	sshll.u32 s14, $0x4;
	[sflag:s7] =	ssyncset.done $0x0  }
0x27: {  	s14 =	sadd.s32 s19, s14;
	[sflag:s7] =	ssyncadd.s32 $0xFFFF8300  }
0x28: {  	[hbm4b:s14+s9] =	stream.strided.scatter [tilespmem:s6], [sflag:$0x2], $0x7D00, s10, s9, $0x38;
	[tilespmem:$0x80E8] =	vst v63  }
0x29: {  	s16 =	sadd.s32 $0xBB8, s20;
	_ =	swait.ge [sflag:s4], $0x7D00  }
0x2a: {  	s15 =	sshrl.u32 s16, $0x3;
	[sflag:s4] =	ssyncset.done $0x0  }
0x2b: {  	s15 =	sadd.s32 s17, s15;
	[sflag:s4] =	ssyncadd.s32 $0xFFFF8300  }
0x2c: {  	[tilespmem:s3], [sflag:$0x2] =	stream.linear.gather [hbm4b:s15+s3], $0x3E8, $0x38;
	[tilespmem:$0x80E8] =	vst v63  }
0x2d: {  	_ =	swait.ge [sflag:s4], $0x3E8  }
0x2e: {  	[sflag:s4] =	ssyncset.done $0x0  }
0x2f: {  	[sflag:s4] =	ssyncadd.s32 $0xFFFFFC18  }
0x30: {  	[tilespmem:s6], [sflag:$0x1] =	stream.indirect.gather [hbm4b:s2+s6], $0x20, s3, s6, $0xb8;
	[tilespmem:$0x80E8] =	vst v63  }
0x31: {  	_ =	swait.ge [sflag:s7], $0x7D00  }
0x32: {  	s16 =	sshll.u32 s16, $0x4;
	[sflag:s7] =	ssyncset.done $0x0  }
0x33: {  	s16 =	sadd.s32 s19, s16;
	[sflag:s7] =	ssyncadd.s32 $0xFFFF8300  }
0x34: {  	[hbm4b:s16+s9] =	stream.strided.scatter [tilespmem:s6], [sflag:$0x2], $0x7D00, s10, s9, $0x38;
	[tilespmem:$0x80E8] =	vst v63  }
0x35: {  	s20 =	sadd.s32 $0xFA0, s20;
	_ =	swait.ge [sflag:s4], $0x7D00  }
0x36: {  	s21 =	sshrl.u32 s20, $0x3;
	[sflag:s4] =	ssyncset.done $0x0  }
0x37: {  	s18 =	ssub.s32 $0x2, s18;
	s17 =	sadd.s32 s17, s21;
	[sflag:s4] =	ssyncadd.s32 $0xFFFF8300  }
0x38: {  	[tilespmem:s3], [sflag:$0x2] =	stream.linear.gather [hbm4b:s17+s3], $0x3E8, $0x38;
	[tilespmem:$0x80E8] =	vst v63  }
0x39: {  	s29 =	sshrl.u32 s18, $0x1;
	_ =	swait.ge [sflag:s4], $0x3E8  }
0x3a: {  	s21 =	ssub.s32 s18, s29;
	[sflag:s4] =	ssyncset.done $0x0  }
0x3b: {  	s31 =	smax.u32 s21, $0x1;
	[sflag:s4] =	ssyncadd.s32 $0xFFFFFC18  }
0x3c: {  	[tilespmem:s6], [sflag:$0x1] =	stream.indirect.gather [hbm4b:s2+s6], $0x20, s3, s6, $0xb8;
	[tilespmem:$0x80E8] =	vst v63  }
0x3d: {  	p0 =	sne.s32 s31, $0x1;
	_ =	swait.ge [sflag:s7], $0x7D00  }
.Ltmp0:
0x3e: {  	s30 =	sshll.u32 s20, $0x4;
	[sflag:s7] =	ssyncset.done $0x0;
	(pc) =	sbr.rel @!p0 .LBB2_2-.Ltmp0, $4  }
0x3f: {  	s18 =	sadd.s32 s19, s30;
	[sflag:s7] =	ssyncadd.s32 $0xFFFF8300  }
0x40: {  	[hbm4b:s18+s9] =	stream.strided.scatter [tilespmem:s6], [sflag:$0x2], $0x7D00, s10, s9, $0x38;
	[tilespmem:$0x80E8] =	vst v63  }
0x41: {  	_ =	swait.ge [sflag:s4], $0x7D00  }
0x42: {  	s19 =	sadd.s32 $0xFFFFFFFF, s31;
	[sflag:s4] =	ssyncset.done $0x0  }
.LBB2_1:
0x43: {  	p0 =	sne.s32 s19, $0x1;
	s19 =	sadd.s32 $0xFFFFFFFF, s19;
	[sflag:s4] =	ssyncadd.s32 $0xFFFF8300  }
0x44: {  	[tilespmem:s3], [sflag:$0x2] =	stream.linear.gather [hbm4b:s5+s3], $0x3E8, $0x38;
	[tilespmem:$0x80E8] =	vst v63  }
0x45: {  	_ =	swait.ge [sflag:s4], $0x3E8  }
0x46: {  	[sflag:s4] =	ssyncset.done $0x0  }
0x47: {  	[sflag:s4] =	ssyncadd.s32 $0xFFFFFC18  }
0x48: {  	[tilespmem:s6], [sflag:$0x1] =	stream.indirect.gather [hbm4b:s2+s6], $0x20, s3, s6, $0xb8;
	[tilespmem:$0x80E8] =	vst v63  }
0x49: {  	_ =	swait.ge [sflag:s7], $0x7D00  }
0x4a: {  	[sflag:s7] =	ssyncset.done $0x0  }
0x4b: {  	[sflag:s7] =	ssyncadd.s32 $0xFFFF8300  }
0x4c: {  	[hbm4b:s8+s9] =	stream.strided.scatter [tilespmem:s6], [sflag:$0x2], $0x7D00, s10, s9, $0x38;
	[tilespmem:$0x80E8] =	vst v63  }
0x4d: {  	_ =	swait.ge [sflag:s4], $0x7D00  }
0x4e: {  	[sflag:s4] =	ssyncset.done $0x0  }
0x4f: {  	[sflag:s4] =	ssyncadd.s32 $0xFFFF8300  }
0x50: {  	[tilespmem:s3], [sflag:$0x2] =	stream.linear.gather [hbm4b:s11+s3], $0x3E8, $0x38;
	[tilespmem:$0x80E8] =	vst v63  }
0x51: {  	_ =	swait.ge [sflag:s4], $0x3E8  }
0x52: {  	[sflag:s4] =	ssyncset.done $0x0  }
0x53: {  	[sflag:s4] =	ssyncadd.s32 $0xFFFFFC18  }
0x54: {  	[tilespmem:s6], [sflag:$0x1] =	stream.indirect.gather [hbm4b:s2+s6], $0x20, s3, s6, $0xb8;
	[tilespmem:$0x80E8] =	vst v63  }
0x55: {  	_ =	swait.ge [sflag:s7], $0x7D00  }
0x56: {  	[sflag:s7] =	ssyncset.done $0x0  }
0x57: {  	[sflag:s7] =	ssyncadd.s32 $0xFFFF8300  }
0x58: {  	[hbm4b:s12+s9] =	stream.strided.scatter [tilespmem:s6], [sflag:$0x2], $0x7D00, s10, s9, $0x38;
	[tilespmem:$0x80E8] =	vst v63  }
0x59: {  	_ =	swait.ge [sflag:s4], $0x7D00  }
0x5a: {  	[sflag:s4] =	ssyncset.done $0x0  }
0x5b: {  	[sflag:s4] =	ssyncadd.s32 $0xFFFF8300  }
0x5c: {  	[tilespmem:s3], [sflag:$0x2] =	stream.linear.gather [hbm4b:s13+s3], $0x3E8, $0x38;
	[tilespmem:$0x80E8] =	vst v63  }
0x5d: {  	_ =	swait.ge [sflag:s4], $0x3E8  }
0x5e: {  	[sflag:s4] =	ssyncset.done $0x0  }
0x5f: {  	[sflag:s4] =	ssyncadd.s32 $0xFFFFFC18  }
0x60: {  	[tilespmem:s6], [sflag:$0x1] =	stream.indirect.gather [hbm4b:s2+s6], $0x20, s3, s6, $0xb8;
	[tilespmem:$0x80E8] =	vst v63  }
0x61: {  	_ =	swait.ge [sflag:s7], $0x7D00  }
0x62: {  	[sflag:s7] =	ssyncset.done $0x0  }
0x63: {  	[sflag:s7] =	ssyncadd.s32 $0xFFFF8300  }
0x64: {  	[hbm4b:s14+s9] =	stream.strided.scatter [tilespmem:s6], [sflag:$0x2], $0x7D00, s10, s9, $0x38;
	[tilespmem:$0x80E8] =	vst v63  }
0x65: {  	_ =	swait.ge [sflag:s4], $0x7D00  }
0x66: {  	[sflag:s4] =	ssyncset.done $0x0  }
0x67: {  	[sflag:s4] =	ssyncadd.s32 $0xFFFF8300  }
0x68: {  	[tilespmem:s3], [sflag:$0x2] =	stream.linear.gather [hbm4b:s15+s3], $0x3E8, $0x38;
	[tilespmem:$0x80E8] =	vst v63  }
0x69: {  	_ =	swait.ge [sflag:s4], $0x3E8  }
0x6a: {  	[sflag:s4] =	ssyncset.done $0x0  }
0x6b: {  	[sflag:s4] =	ssyncadd.s32 $0xFFFFFC18  }
0x6c: {  	[tilespmem:s6], [sflag:$0x1] =	stream.indirect.gather [hbm4b:s2+s6], $0x20, s3, s6, $0xb8;
	[tilespmem:$0x80E8] =	vst v63  }
0x6d: {  	_ =	swait.ge [sflag:s7], $0x7D00  }
0x6e: {  	[sflag:s7] =	ssyncset.done $0x0  }
0x6f: {  	[sflag:s7] =	ssyncadd.s32 $0xFFFF8300  }
0x70: {  	[hbm4b:s16+s9] =	stream.strided.scatter [tilespmem:s6], [sflag:$0x2], $0x7D00, s10, s9, $0x38;
	[tilespmem:$0x80E8] =	vst v63  }
0x71: {  	_ =	swait.ge [sflag:s4], $0x7D00  }
0x72: {  	[sflag:s4] =	ssyncset.done $0x0  }
0x73: {  	[sflag:s4] =	ssyncadd.s32 $0xFFFF8300  }
0x74: {  	[tilespmem:s3], [sflag:$0x2] =	stream.linear.gather [hbm4b:s17+s3], $0x3E8, $0x38;
	[tilespmem:$0x80E8] =	vst v63  }
0x75: {  	_ =	swait.ge [sflag:s4], $0x3E8  }
0x76: {  	[sflag:s4] =	ssyncset.done $0x0  }
0x77: {  	[sflag:s4] =	ssyncadd.s32 $0xFFFFFC18  }
0x78: {  	[tilespmem:s6], [sflag:$0x1] =	stream.indirect.gather [hbm4b:s2+s6], $0x20, s3, s6, $0xb8;
	[tilespmem:$0x80E8] =	vst v63  }
0x79: {  	_ =	swait.ge [sflag:s7], $0x7D00  }
.Ltmp1:
0x7a: {  	[sflag:s7] =	ssyncset.done $0x0;
	(pc) =	sbr.rel @p0 .LBB2_1-.Ltmp1, $4  }
0x7b: {  	[sflag:s7] =	ssyncadd.s32 $0xFFFF8300  }
0x7c: {  	[hbm4b:s18+s9] =	stream.strided.scatter [tilespmem:s6], [sflag:$0x2], $0x7D00, s10, s9, $0x38;
	[tilespmem:$0x80E8] =	vst v63  }
0x7d: {  	_ =	swait.ge [sflag:s4], $0x7D00  }
0x7e: {  	[sflag:s4] =	ssyncset.done $0x0  }
.LBB2_2:
0x7f: {  	[sflag:s4] =	ssyncadd.s32 $0xFFFF8300  }
0x80: {  	_ =	sfence.sel $0x180000  }
0x81: {  	[bflag:$0x0] =	sbarrier.arrive $0xFFFF  }
0x82: {  	p0 =	sne.s32 s0, $0x0;
	_ =	strace $0x90000047  }
0x83: {  	s0 =	sadd.s32 @!p0 $0x100000, s1;
	[bflag:$0x2] =	sbarrier.arrive $0xFFFF  }
0x84: {  	[sflag:s0] =	ssyncadd.tile.s32 @!p0 $0x1;
	_ =	shalt  }
.Lfunc_end2:
_tile_overlayer_lowered:
.L_overlay_start_2:
0x85: {  	(tag) =	ssettag $0x2  }
0x86: {  	s0 =	rddreg [dreg:$0x0];
	s2 =	stileid.u32  }
0x87: {  	s1 =	rddreg [dreg:$0x1];
	p0 =	sne.s32 s2, $0x0  }
0x88: {  	s3 =	rddreg [dreg:$0x2];
	[bflag:$0x3] =	sbarrier.arrive $0xFFFF;
	s2 =	simm.s32 @!p0 $0x1C02  }
0x89: {  	[timem:s3], [sflag:s2] =	dma.local @!p0 [hbm:s0], s1  }
0x8a: {  	s0 =	simm.s32 @!p0 $0x2  }
0x8b: {  	_ =	swait.ge @!p0 [sflag:s0], s1  }
0x8c: {  	s1 =	ssub.s32 @!p0 $0x0, s1;
	[sflag:s0] =	ssyncset.done @!p0 $0x0  }
0x8d: {  	[sflag:s0] =	ssyncadd.s32 @!p0 s1  }
0x8e: {  	[bflag:$0x3] =	sbarrier.arrive $0xFFFF  }
0x8f: {  	_ =	shalt  }

// kernel: kernel.14.cloned.1.call-start
scs
__scs_entry_jumppad:
0x0: {  	(pc) =	sbr.rel $0x88, $3  }
0x1: {  	(tag) =	ssettag $0x0;
	lr =	simm.s32 $0x1  }
0x2: {  	[smem:$0x3F94] =	sst lr;
	_ =	strace $0xD0000000  }
0x3: {  	_ = 	snop  }
0x4: {  	_ = 	snop  }
0x5: {  	_ = 	snop  }
0x6: {  	_ = 	snop  }
0x7: {  	_ = 	snop  }
__scs_overlays_trampoline_lowered:
0x8: {  	[smem:$0x3FA3] =	sst s0  }
0x9: {  	[smem:$0x3FA4] =	sst s1  }
0xa: {  	[smem:$0x3FA5] =	sst s2  }
0xb: {  	[smem:$0x3FA6] =	sst s3  }
0xc: {  	[smem:$0x3FA7] =	sst s4  }
0xd: {  	[smem:$0x3FA8] =	sst s5  }
0xe: {  	[smem:$0x3FA9] =	sst s6  }
0xf: {  	[smem:$0x3FAA] =	sst s7  }
0x10: {  	[smem:$0x3FAB] =	sst s8  }
0x11: {  	[smem:$0x3FAC] =	sst s9;
	s0 =	simm.s32 @!p0 $0x0  }
0x12: {  	s1 =	sld [smem:$0x3F92];
	s0 =	simm.s32 @p0 $0x1  }
0x13: {  	[smem:$0x3FAD] =	sst s0;
	s0 =	simm.s32 @!p1 $0x0  }
0x14: {  	s2 =	sld [smem:$0x3F91];
	s0 =	simm.s32 @p1 $0x1  }
0x15: {  	[smem:$0x3FAE] =	sst s0;
	s0 =	simm.s32 @!p2 $0x0  }
0x16: {  	s3 =	sld [smem:$0x3FDB];
	s0 =	simm.s32 @p2 $0x1  }
0x17: {  	s4 =	simm.s32 $0x1BF5;
	[smem:$0x3FB0] =	sst s0  }
0x18: {  	s0 =	sld [smem:$0x3F93];
	_ =	swait.ge [sflag:s4], $0x0  }
0x19: {  	s7 =	sld [smem:$0x3F94]  }
0x1a: {  	s8 =	sadd.s32 $0xFFFFE003, lr  }
0x1b: {  	s9 =	sadd.s32 $0xFFFFFEF7, lr;
	s5 =	simm.s32 $0xFFFFFFFF;
	p2 =	slt.u32 s8, $0xFFFFF086  }
0x1c: {  	p1 =	slt.u32 s9, $0xF7A;
	s5 =	simm.s32 @!p2 $0x0  }
0x1d: {  	s5 =	simm.s32 @p1 $0x1;
	p0 =	seq.s32 s7, s2  }
0x1e: {  	s7 =	smul.u32 @!p0 $0xF7A, s2;
	p2 =	seq.s32 @!p0 s5, $0x0  }
0x1f: {  	s9 =	smul.u32 $0xF7A, s1;
	s8 =	simm.s32 @!p0 $0x1BF5;
	p2 =	por !p2, p0  }
0x20: {  	[sflag:s8] =	ssyncset.s32 @!p0 $0xFFFFF086;
	s6 =	sadd.s32 @!p0 s3, s7;
	s7 =	simm.s32 @!p0 $0x108  }
0x21: {  	s3 =	sadd.s32 s3, s9;
	s6 =	sadd.s32 @!p0 $0x88, s6;
	s7 =	simm.s32 @p2 $0x1082  }
0x22: {  	[simem:s7], [sflag:s8] =	dma.local @!p0 [hbm:s6], $0xF7A  }
0x23: {  	s9 =	sor.u32 $0xD0000000, s2;
	s6 =	simm.s32 $0x108;
	_ =	swait.ge @!p0 [sflag:s8], $0x0  }
0x24: {  	s3 =	sadd.s32 $0x88, s3;
	s6 =	simm.s32 @!p1 $0x1082;
	[sflag:s4] =	ssyncset.s32 $0xFFFFF086  }
0x25: {  	[simem:s6], [sflag:s4] =	dma.local [hbm:s3], $0xF7A  }
0x26: {  	[smem:$0x3F94] =	sst s1;
	(tag) =	ssettag s2;
	_ =	strace s9  }
0x27: {  	s1 =	sld [smem:$0x3FA4]  }
0x28: {  	s2 =	sld [smem:$0x3FA5]  }
0x29: {  	s4 =	sld [smem:$0x3FA7]  }
0x2a: {  	p0 =	seq.s32 s5, $0x0;
	s5 =	sld [smem:$0x3FA8]  }
0x2b: {  	s6 =	sld [smem:$0x3FA9]  }
0x2c: {  	s7 =	sld [smem:$0x3FAA]  }
0x2d: {  	s3 =	simm.s32 $0x108;
	s8 =	sld [smem:$0x3FAB]  }
0x2e: {  	s3 =	simm.s32 @!p0 $0x1082;
	s9 =	sld [smem:$0x3FAC]  }
0x2f: {  	lr =	sadd.s32 s0, s3;
	s0 =	sld [smem:$0x3FA3]  }
0x30: {  	s3 =	sld [smem:$0x3FA6]  }
0x31: {  	[smem:$0x3FAF] =	sst s10  }
0x32: {  	s10 =	sld [smem:$0x3FAD];
	_ =	sdelay $0x3  }
0x33: {  	p0 =	seq.s32 s10, $0x1;
	s10 =	sld [smem:$0x3FAF];
	_ =	sdelay $0x3  }
0x34: {  	[smem:$0x3FAF] =	sst s10  }
0x35: {  	s10 =	sld [smem:$0x3FAE];
	_ =	sdelay $0x3  }
0x36: {  	p1 =	seq.s32 s10, $0x1;
	s10 =	sld [smem:$0x3FAF];
	_ =	sdelay $0x3  }
0x37: {  	[smem:$0x3FAF] =	sst s10  }
0x38: {  	s10 =	sld [smem:$0x3FB0]  }
0x39: {  	_ = 	snop;
	(pc) =	sbr.ind lr, $3  }
0x3a: {  	_ = 	snop  }
0x3b: {  	_ = 	snop  }
0x3c: {  	p2 =	seq.s32 s10, $0x1;
	s10 =	sld [smem:$0x3FAF]  }
0x3d: {  	_ =	shalt  }
0x3e: {  	_ =	shalt  }
0x3f: {  	_ =	shalt  }
0x40: {  	_ =	shalt  }
0x41: {  	_ =	shalt  }
0x42: {  	_ =	shalt  }
0x43: {  	_ =	shalt  }
0x44: {  	_ =	shalt  }
0x45: {  	_ =	shalt  }
0x46: {  	_ =	shalt  }
0x47: {  	_ =	shalt  }
0x48: {  	_ =	shalt  }
0x49: {  	_ =	shalt  }
0x4a: {  	_ =	shalt  }
0x4b: {  	_ =	shalt  }
0x4c: {  	_ =	shalt  }
0x4d: {  	_ =	shalt  }
0x4e: {  	_ =	shalt  }
0x4f: {  	_ =	shalt  }
0x50: {  	_ =	shalt  }
0x51: {  	_ =	shalt  }
0x52: {  	_ =	shalt  }
0x53: {  	_ =	shalt  }
0x54: {  	_ =	shalt  }
0x55: {  	_ =	shalt  }
0x56: {  	_ =	shalt  }
0x57: {  	_ =	shalt  }
0x58: {  	_ =	shalt  }
0x59: {  	_ =	shalt  }
0x5a: {  	_ =	shalt  }
0x5b: {  	_ =	shalt  }
0x5c: {  	_ =	shalt  }
0x5d: {  	_ =	shalt  }
0x5e: {  	_ =	shalt  }
0x5f: {  	_ =	shalt  }
0x60: {  	_ =	shalt  }
0x61: {  	_ =	shalt  }
0x62: {  	_ =	shalt  }
0x63: {  	_ =	shalt  }
0x64: {  	_ =	shalt  }
0x65: {  	_ =	shalt  }
0x66: {  	_ =	shalt  }
0x67: {  	_ =	shalt  }
0x68: {  	_ =	shalt  }
0x69: {  	_ =	shalt  }
0x6a: {  	_ =	shalt  }
0x6b: {  	_ =	shalt  }
0x6c: {  	_ =	shalt  }
0x6d: {  	_ =	shalt  }
0x6e: {  	_ =	shalt  }
0x6f: {  	_ =	shalt  }
0x70: {  	_ =	shalt  }
0x71: {  	_ =	shalt  }
0x72: {  	_ =	shalt  }
0x73: {  	_ =	shalt  }
0x74: {  	_ =	shalt  }
0x75: {  	_ =	shalt  }
0x76: {  	_ =	shalt  }
0x77: {  	_ =	shalt  }
0x78: {  	_ =	shalt  }
0x79: {  	_ =	shalt  }
0x7a: {  	_ =	shalt  }
0x7b: {  	_ =	shalt  }
0x7c: {  	_ =	shalt  }
0x7d: {  	_ =	shalt  }
0x7e: {  	_ =	shalt  }
0x7f: {  	_ =	shalt  }
0x80: {  	_ =	shalt  }
0x81: {  	_ =	shalt  }
0x82: {  	_ =	shalt  }
0x83: {  	_ =	shalt  }
0x84: {  	_ =	shalt  }
0x85: {  	_ =	shalt  }
0x86: {  	_ =	shalt  }
0x87: {  	_ =	shalt  }
.Lfunc_end0:
.L_simem_size_0:
called_computation.1_lowered:
.L_overlay_start_0:
0x88: {  	s2 =	sld [smem:$0x3FD9]  }
0x89: {  	s3 =	sld [smem:$0x3FFE];
	_ =	sdelay $0x1  }
0x8a: {  	s1 =	srdreg.scid  }
0x8b: {  	s0 =	sand.u32 $0x1, s1  }
0x8c: {  	s16 =	sshll.u32 s0, $0xA;
	s2 =	sadd.s32 s3, s2  }
0x8d: {  	s2 =	sadd.s32 s2, s16  }
0x8e: {  	[smem:$0x3FBB] =	sst s2  }
0x8f: {  	_ = 	snop  }
0x90: {  	(tm) =	ssettm $0x1  }
0x91: {  	s17 =	sld [smem:$0x3FFB];
	_ =	sdelay $0x3  }
0x92: {  	_ =	strace s17  }
0x93: {  	s2 =	sld [smem:$0x3FFC];
	_ =	sdelay $0x3  }
0x94: {  	_ =	strace s2  }
0x95: {  	s2 =	sld [smem:$0x3FFD];
	_ =	sdelay $0x3  }
0x96: {  	_ =	strace s2  }
0x97: {  	_ =	strace $0x8FFFFFFF  }
0x98: {  	s18 =	sld [smem:$0x3FDB];
	_ =	sdelay $0x1  }
0x99: {  	s19 =	simm.s32 $_scs_section_size  }
0x9a: {  	s4 =	simm.s32 $_size__tile_overlayer_lowered;
	s5 =	simm.s32 $_tile_overlayer_lowered  }
0x9b: {  	s22 =	simm.s32 $0x1BFF;
	s21 =	sshll.u32 s5, $0x1;
	s2 =	sadd.s32 s19, s18  }
0x9c: {  	s6 =	simm.s32 $0x0;
	s20 =	sshll.u32 s4, $0x1;
	s4 =	sadd.s32 s21, s2  }
0x9d: {  	[timem:s6], [sflag:s22] =	dma.local [hbm:s4], s20  }
0x9e: {  	_ =	swait.ge [sflag:s22], s20  }
0x9f: {  	s3 =	ssub.s32 $0x0, s20;
	[sflag:s22] =	ssyncset.done $0x0  }
0xa0: {  	[sflag:s22] =	ssyncadd.s32 s3;
	_ =	sdelay $0x1  }
0xa1: {  	s23 =	simm.s32 $0x1B8B  }
0xa2: {  	_ =	swait.ge [sflag:s23], $0x1  }
0xa3: {  	[sflag:s23] =	ssyncset.done $0x0  }
0xa4: {  	s25 =	simm.s32 $0x1B8E;
	s24 =	sld [smem:$0x3FFE];
	[sflag:s23] =	ssyncadd.s32 $0xFFFFFFFF  }
0xa5: {  	s26 =	simm.s32 $execute0_lowered;
	[smem:$0x3FD2] =	sst s25  }
0xa6: {  	s4 =	sshll.u32 s26, $0x1;
	_ =	strace $0x80000049;
	[dreg:$0x1] =	wrdreg $0xFFFFFFFF  }
0xa7: {  	s28 =	simm.s32 $_size_execute0_lowered;
	s2 =	sadd.s32 s2, s4;
	[dreg:$0x0] =	wrdreg $0x0  }
0xa8: {  	s4 =	sshll.u32 s28, $0x1;
	[dreg:$0x2] =	wrdreg s2  }
0xa9: {  	[dreg:$0x3] =	wrdreg s4  }
0xaa: {  	[dreg:$0x4] =	wrdreg $0xC0  }
0xab: {  	_ =	task [dreg:s6], $0x5FFFF  }
0xac: {  	[dreg:$0x1] =	wrdreg $0xFFFFFFFF  }
0xad: {  	[dreg:$0x0] =	wrdreg $0x60  }
0xae: {  	[dreg:$0x2] =	wrdreg s24  }
0xaf: {  	[dreg:$0x3] =	wrdreg $0x194100  }
0xb0: {  	[dreg:$0x4] =	wrdreg $0x9  }
0xb1: {  	_ =	task.clear_ibuf [dreg:s6], $0x5FFFF;
	_ =	strace $0x90000049  }
0xb2: {  	s29 =	simm.s32 $0x9;
	_ =	strace $0x8000004B  }
0xb3: {  	_ =	swait.ge [sflag:s29], $0x1  }
0xb4: {  	[sflag:s29] =	ssyncadd.s32 $0xFFFFFFFF  }
0xb5: {  	_ =	strace $0x9000004B  }
0xb6: {  	_ =	sfence  }
0xb7: {  	s30 =	sld [smem:$0x0];
	_ =	sdelay $0x2  }
0xb8: {  	s31 =	sshll.u32 s1, $0xD;
	s1 =	sshrl.u32 s1, $0x2  }
0xb9: {  	s3 =	sand.u32 $0x4000, s31;
	s1 =	sadd.s32 s1, s30  }
0xba: {  	s0 =	sor.u32 s3, s0;
	s1 =	sshll.u32 s1, $0x11  }
0xbb: {  	s0 =	sor.u32 s1, s0  }
0xbc: {  	s0 =	sadd.s32 $0x8F2B, s0  }
0xbd: {  	[sflag:s0] =	ssyncadd.remote.s32 $0x1  }
0xbe: {  	_ =	sfence.sel $0xFFFF  }
0xbf: {  	[dreg:$0x0] =	wrdreg $0xFFFFFFFF;
	(pc) =	sbr.abs _section_cstart, $3  }
0xc0: {  	[dreg:$0x1] =	wrdreg $0xFFFFFFFF  }
0xc1: {  	_ =	task.clear_ibuf [dreg:s6], $0x2FFFF;
	_ =	strace $0x9FFFFFFF  }
0xc2: {  	(tm) =	ssettm $0x7FFFFFFF  }
0xc3: {  	_ =	shalt  }
tec
execute0_lowered:
.L_overlay_start_1:
0x0: {  	(tag) =	ssettag $0x1  }
0x1: {  	s0 =	srdreg.scid;
	s29 =	stileid.u32  }
0x2: {  	s2 =	rddreg [dreg:$0x0];
	s1 =	simm.s32 $0x0;
	s3 =	smul.u32 $0x139, s29  }
0x3: {  	s30 =	simm.s32 $0xE100;
	s31 =	simm.s32 $0x30;
	s6 =	smul.u32 $0x3AB0, s29  }
0x4: {  	s0 =	sand.u32 $0x1, s0;
	[smem:$0x7FF] =	sst s1;
	s8 =	smul.u32 $0x2710, s29  }
0x5: {  	s5 =	sadd.s32 $0x8C00, s2;
	s4 =	smul.u32 $0x1388, s0;
	s0 =	ssub.s32 $0x2, s0  }
0x6: {  	p0 =	seq.s32 s29, $0xF;
	s7 =	sshrl.u32 s0, $0x1;
	s11 =	sshrl.u32 s6, $0x3  }
0x7: {  	s17 =	sshrl.u32 s8, $0x3;
	s12 =	sadd.s32 $0x4B0, s8;
	s13 =	sadd.s32 $0x960, s8  }
0x8: {  	s20 =	sadd.s32 $0xE10, s8;
	s15 =	sadd.s32 $0x12C0, s8;
	s16 =	sadd.s32 $0x1770, s8  }
0x9: {  	s3 =	sadd.s32 s3, s4;
	s0 =	ssub.s32 s0, s7;
	s7 =	sadd.s32 s5, s17  }
0xa: {  	s18 =	sshrl.u32 s12, $0x3;
	s9 =	sshrl.u32 s13, $0x3;
	s21 =	sshrl.u32 s20, $0x3  }
0xb: {  	s22 =	sshrl.u32 s15, $0x3;
	s10 =	sshrl.u32 s16, $0x3;
	s17 =	sadd.s32 $0x1C20, s8  }
0xc: {  	s14 =	sshll.u32 s12, $0x4;
	s13 =	sshll.u32 s13, $0x4;
	v0 =	vmov s4;
	s4 =	simm.s32 $0x16CF0  }
0xd: {  	s3 =	sshll.u32 s3, $0x2;
	[dreg:$0x3] =	wrdreg s7;
	s7 =	sadd.s32 s5, s18  }
0xe: {  	s19 =	sadd.s32 s5, s9;
	s9 =	sadd.s32 s5, s21;
	s23 =	sadd.s32 s5, s10  }
0xf: {  	s24 =	sshrl.u32 s17, $0x3;
	s18 =	sshll.u32 s20, $0x4;
	[dreg:$0x4] =	wrdreg s7  }
0x10: {  	s20 =	sshll.u32 s15, $0x4;
	s21 =	sshll.u32 s16, $0x4;
	[dreg:$0x5] =	wrdreg s19  }
0x11: {  	s28 =	smax.u32 s0, $0x1;
	s0 =	simm.s32 $0x4B0;
	[dreg:$0x6] =	wrdreg s9  }
0x12: {  	s9 =	sadd.s32 s5, s22;
	[dreg:$0x8] =	wrdreg s23;
	s19 =	sadd.s32 $0x20D0, s8  }
0x13: {  	s8 =	sadd.s32 $0x2580, s8;
	s23 =	sadd.s32 s11, s2;
	s3 =	sadd.s32 s3, s2  }
0x14: {  	s2 =	sadd.s32 $0x4FDC00, s2;
	s22 =	sshll.u32 s17, $0x4;
	s17 =	simm.s32 $0x80  }
0x15: {  	[dreg:$0x7] =	wrdreg s9;
	s9 =	sadd.s32 s5, s24;
	s25 =	sshrl.u32 s19, $0x3  }
0x16: {  	s26 =	sshrl.u32 s8, $0x3;
	s12 =	sadd.s32 s2, s14;
	s13 =	sadd.s32 s2, s13  }
0x17: {  	s14 =	sadd.s32 s2, s18;
	s15 =	sadd.s32 s2, s20;
	s16 =	sadd.s32 s2, s21  }
0x18: {  	s18 =	sadd.s32 s2, s22;
	s24 =	sshll.u32 s19, $0x4;
	s19 =	rddreg [dreg:$0x1]  }
0x19: {  	s23 =	sadd.s32 $0xDC00, s23;
	[dreg:$0x9] =	wrdreg s9;
	s9 =	sadd.s32 s5, s25  }
0x1a: {  	s10 =	sadd.s32 s5, s26;
	s20 =	sadd.s32 s2, s24;
	s25 =	sshll.u32 s8, $0x4  }
.Ltmp0:
0x1b: {  	s26 =	sshll.u32 s29, $0x6;
	s22 =	sadd.s32 s6, s19;
	(pc) =	sbr.rel .LBB2_1-.Ltmp0, $4  }
0x1c: {  	s5 =	simm.s32 $0x0;
	[dreg:$0xa] =	wrdreg s9;
	s9 =	smul.u32 $0x27100, s29  }
0x1d: {  	s21 =	sadd.s32 s2, s25;
	s24 =	sor.u32 $0x1C01, s26;
	s25 =	sadd.s32 $0x280E00, s3  }
0x1e: {  	s26 =	sadd.s32 $0x15200, s3;
	s29 =	simm.s32 $0x1;
	s3 =	simm.s32 $0xE5B0  }
0x1f: {  	_ =	strace $0x8000004A;
	s11 =	sadd.s32 s2, s9;
	s2 =	simm.s32 $0x130B0  }
.LBB2_22:
0x20: {  	v1 =	vmax.f32 v1, $1.000000000e+00  }
0x21: {  	(erf) = vrcp.f32 v1;
	_ =	sdelay $0x4  }
0x22: {  	v1 =	vld [tilespmem:s6+$0xFFFFFFE0]  }
0x23: {  	s7 =	sshra.s32 s7, $0x2  }
0x24: {  	v2 =	vld [tilespmem:s7+$0x16CF0];
	_ =	sdelay $0x1  }
0x25: {  	v3 =	vpop (erf)  }
0x26: {  	v1 =	vmul.f32 v3, v1;
	_ =	sdelay $0x1  }
0x27: {  	v1 =	vadd.f32 v1, v2;
	_ =	sdelay $0x1  }
0x28: {  	v1 =	vmax.f32 v1, $0.0e+00  }
0x29: {  	[tilespmem:s7+$0x16CF0] =	vst v1  }
0x2a: {  	v1 =	vld [tilespmem:s6+$0xFFFFFFF0];
	_ =	sdelay $0x1  }
0x2b: {  	v2 =	vld [tilespmem:s7+$0x16D00];
	_ =	sdelay $0x2  }
0x2c: {  	v1 =	vmul.f32 v1, v3;
	_ =	sdelay $0x1  }
0x2d: {  	v1 =	vadd.f32 v2, v1;
	_ =	sdelay $0x1  }
0x2e: {  	v1 =	vmax.f32 v1, $0.0e+00  }
0x2f: {  	[tilespmem:s7+$0x16D00] =	vst v1  }
0x30: {  	[hbm4b:s26+s1] =	stream.linear.scatter [tilespmem:s4], [sflag:$0x1], $0x2720, $0x38;
	[tilespmem:$0x1CEC0] =	vst v63  }
0x31: {  	_ =	swait.ge [sflag:s29], $0x2720  }
0x32: {  	[sflag:s29] =	ssyncset.done $0x0  }
0x33: {  	[sflag:s29] =	ssyncadd.s32 $0xFFFFD8E0  }
.LBB2_26:
0x34: {  	s5 =	sadd.s32 $0x1, s5  }
0x35: {  	p1 =	sne.s32 s5, s28  }
.Ltmp1:
0x36: {  	_ = 	snop;
	(pc) =	sbr.rel @!p1 .LBB2_27-.Ltmp1, $1  }
0x37: {  	_ =	sdelay $0x3  }
.LBB2_1:
0x38: {  	s6 =	sshrl.u32 s22, $0x3  }
0x39: {  	[spmem:s6], [sflag:s24] =	dma.local [hbm:s23], $0x756  }
0x3a: {  	_ =	swait.ge [sflag:s29], $0x756  }
0x3b: {  	[sflag:s29] =	ssyncset.done $0x0  }
0x3c: {  	[sflag:s29] =	ssyncadd.s32 $0xFFFFF8AA  }
0x3d: {  	[bflag:$0x0] =	sbarrier.arrive $0xFFFF  }
0x3e: {  	s9 =	rddreg [dreg:$0x3]  }
0x3f: {  	[tilespmem:s30], [sflag:$0x1] =	stream.linear.gather [hbm4b:s9+s1], $0x4B0, $0x38;
	[tilespmem:$0x1CEC0] =	vst v63  }
0x40: {  	_ =	swait.ge [sflag:s29], $0x4B0  }
0x41: {  	[sflag:s29] =	ssyncset.done $0x0  }
0x42: {  	[sflag:s29] =	ssyncadd.s32 $0xFFFFFB50  }
0x43: {  	[tilespmem:s1], [sflag:$0x1] =	stream.strided.gather [hbm4b:s11+s31], $0xE100, s17, s31, $0x38;
	[tilespmem:$0x1CEC0] =	vst v63  }
0x44: {  	_ =	swait.ge [sflag:s29], $0xE100  }
0x45: {  	[sflag:s29] =	ssyncset.done $0x0  }
0x46: {  	s7 =	simm.s32 $0x40;
	s6 =	simm.s32 $0x0;
	[sflag:s29] =	ssyncadd.s32 $0xFFFF1F00  }
.LBB2_2:
0x47: {  	p1 =	sne.s32 s7, $0x1280;
	v1 =	vld [tilespmem:s6+$0xE100];
	_ =	sdelay $0x3  }
.Ltmp2:
0x48: {  	(pc) =	sbr.rel @p1 .LBB2_2-.Ltmp2, $4  }
0x49: {  	v2 =	vsub.s32 v1, v0;
	v1 =	vand.u32 $0x7, v1  }
0x4a: {  	vm0 =	vlt.u32 v2, $0x1388;
	v1 =	vor.u32 $0x1388, v1  }
0x4b: {  	v1 =	vsel vm0, v2, v1  }
0x4c: {  	[tilespmem:s6+$0xE100] =	vst v1;
	s6 =	sshra.s32 s7, $0x2;
	s7 =	sadd.s32 $0x40, s7  }
0x4d: {  	v1 =	vld [tilespmem:s6+$0xE100];
	_ =	sdelay $0x4  }
0x4e: {  	v2 =	vsub.s32 v1, v0;
	v1 =	vand.u32 $0x7, v1  }
0x4f: {  	vm0 =	vlt.u32 v2, $0x1388;
	v1 =	vor.u32 $0x1388, v1  }
0x50: {  	v1 =	vsel vm0, v2, v1  }
0x51: {  	s9 =	simm.s32 $0x0;
	[tilespmem:s6+$0xE100] =	vst v1  }
0x52: {  	[spmem:s19] =	stream.indirect.scatter.add.f32 [tilespmem:s9], [sflag:$0x1], $0x30, s30, s0, $0xb8;
	[tilespmem:$0x1CEC0] =	vst v63  }
0x53: {  	_ =	swait.ge [sflag:s29], $0xE100  }
0x54: {  	[sflag:s29] =	ssyncset.done $0x0  }
0x55: {  	s7 =	rddreg [dreg:$0x4];
	[sflag:s29] =	ssyncadd.s32 $0xFFFF1F00  }
0x56: {  	[tilespmem:s30], [sflag:$0x1] =	stream.linear.gather [hbm4b:s7+s9], $0x4B0, $0x38;
	[tilespmem:$0x1CEC0] =	vst v63  }
0x57: {  	_ =	swait.ge [sflag:s29], $0x4B0  }
0x58: {  	[sflag:s29] =	ssyncset.done $0x0  }
0x59: {  	[sflag:s29] =	ssyncadd.s32 $0xFFFFFB50  }
0x5a: {  	[tilespmem:s9], [sflag:$0x1] =	stream.strided.gather [hbm4b:s12+s31], $0xE100, s17, s31, $0x38;
	[tilespmem:$0x1CEC0] =	vst v63  }
0x5b: {  	_ =	swait.ge [sflag:s29], $0xE100  }
0x5c: {  	[sflag:s29] =	ssyncset.done $0x0  }
0x5d: {  	s6 =	simm.s32 $0x0;
	s7 =	simm.s32 $0x40;
	[sflag:s29] =	ssyncadd.s32 $0xFFFF1F00  }
.LBB2_4:
0x5e: {  	p1 =	sne.s32 s7, $0x1280;
	v1 =	vld [tilespmem:s6+$0xE100];
	_ =	sdelay $0x3  }
.Ltmp3:
0x5f: {  	(pc) =	sbr.rel @p1 .LBB2_4-.Ltmp3, $4  }
0x60: {  	v2 =	vsub.s32 v1, v0;
	v1 =	vand.u32 $0x7, v1  }
0x61: {  	vm0 =	vlt.u32 v2, $0x1388;
	v1 =	vor.u32 $0x1388, v1  }
0x62: {  	v1 =	vsel vm0, v2, v1  }
0x63: {  	[tilespmem:s6+$0xE100] =	vst v1;
	s6 =	sshra.s32 s7, $0x2;
	s7 =	sadd.s32 $0x40, s7  }
0x64: {  	v1 =	vld [tilespmem:s6+$0xE100];
	_ =	sdelay $0x4  }
0x65: {  	v2 =	vsub.s32 v1, v0;
	v1 =	vand.u32 $0x7, v1  }
0x66: {  	vm0 =	vlt.u32 v2, $0x1388;
	v1 =	vor.u32 $0x1388, v1  }
0x67: {  	v1 =	vsel vm0, v2, v1  }
0x68: {  	s9 =	simm.s32 $0x0;
	[tilespmem:s6+$0xE100] =	vst v1  }
0x69: {  	[spmem:s19] =	stream.indirect.scatter.add.f32 [tilespmem:s9], [sflag:$0x1], $0x30, s30, s0, $0xb8;
	[tilespmem:$0x1CEC0] =	vst v63  }
0x6a: {  	_ =	swait.ge [sflag:s29], $0xE100  }
0x6b: {  	[sflag:s29] =	ssyncset.done $0x0  }
0x6c: {  	s7 =	rddreg [dreg:$0x5];
	[sflag:s29] =	ssyncadd.s32 $0xFFFF1F00  }
0x6d: {  	[tilespmem:s30], [sflag:$0x1] =	stream.linear.gather [hbm4b:s7+s9], $0x4B0, $0x38;
	[tilespmem:$0x1CEC0] =	vst v63  }
0x6e: {  	_ =	swait.ge [sflag:s29], $0x4B0  }
0x6f: {  	[sflag:s29] =	ssyncset.done $0x0  }
0x70: {  	[sflag:s29] =	ssyncadd.s32 $0xFFFFFB50  }
0x71: {  	[tilespmem:s9], [sflag:$0x1] =	stream.strided.gather [hbm4b:s13+s31], $0xE100, s17, s31, $0x38;
	[tilespmem:$0x1CEC0] =	vst v63  }
0x72: {  	_ =	swait.ge [sflag:s29], $0xE100  }
0x73: {  	[sflag:s29] =	ssyncset.done $0x0  }
0x74: {  	s6 =	simm.s32 $0x0;
	s7 =	simm.s32 $0x40;
	[sflag:s29] =	ssyncadd.s32 $0xFFFF1F00  }
.LBB2_6:
0x75: {  	p1 =	sne.s32 s7, $0x1280;
	v1 =	vld [tilespmem:s6+$0xE100];
	_ =	sdelay $0x3  }
.Ltmp4:
0x76: {  	(pc) =	sbr.rel @p1 .LBB2_6-.Ltmp4, $4  }
0x77: {  	v2 =	vsub.s32 v1, v0;
	v1 =	vand.u32 $0x7, v1  }
0x78: {  	vm0 =	vlt.u32 v2, $0x1388;
	v1 =	vor.u32 $0x1388, v1  }
0x79: {  	v1 =	vsel vm0, v2, v1  }
0x7a: {  	[tilespmem:s6+$0xE100] =	vst v1;
	s6 =	sshra.s32 s7, $0x2;
	s7 =	sadd.s32 $0x40, s7  }
0x7b: {  	v1 =	vld [tilespmem:s6+$0xE100];
	_ =	sdelay $0x4  }
0x7c: {  	v2 =	vsub.s32 v1, v0;
	v1 =	vand.u32 $0x7, v1  }
0x7d: {  	vm0 =	vlt.u32 v2, $0x1388;
	v1 =	vor.u32 $0x1388, v1  }
0x7e: {  	v1 =	vsel vm0, v2, v1  }
0x7f: {  	s9 =	simm.s32 $0x0;
	[tilespmem:s6+$0xE100] =	vst v1  }
0x80: {  	[spmem:s19] =	stream.indirect.scatter.add.f32 [tilespmem:s9], [sflag:$0x1], $0x30, s30, s0, $0xb8;
	[tilespmem:$0x1CEC0] =	vst v63  }
0x81: {  	_ =	swait.ge [sflag:s29], $0xE100  }
0x82: {  	[sflag:s29] =	ssyncset.done $0x0  }
0x83: {  	s7 =	rddreg [dreg:$0x6];
	[sflag:s29] =	ssyncadd.s32 $0xFFFF1F00  }
0x84: {  	[tilespmem:s30], [sflag:$0x1] =	stream.linear.gather [hbm4b:s7+s9], $0x4B0, $0x38;
	[tilespmem:$0x1CEC0] =	vst v63  }
0x85: {  	_ =	swait.ge [sflag:s29], $0x4B0  }
0x86: {  	[sflag:s29] =	ssyncset.done $0x0  }
0x87: {  	[sflag:s29] =	ssyncadd.s32 $0xFFFFFB50  }
0x88: {  	[tilespmem:s9], [sflag:$0x1] =	stream.strided.gather [hbm4b:s14+s31], $0xE100, s17, s31, $0x38;
	[tilespmem:$0x1CEC0] =	vst v63  }
0x89: {  	_ =	swait.ge [sflag:s29], $0xE100  }
0x8a: {  	[sflag:s29] =	ssyncset.done $0x0  }
0x8b: {  	s6 =	simm.s32 $0x0;
	s7 =	simm.s32 $0x40;
	[sflag:s29] =	ssyncadd.s32 $0xFFFF1F00  }
.LBB2_8:
0x8c: {  	p1 =	sne.s32 s7, $0x1280;
	v1 =	vld [tilespmem:s6+$0xE100];
	_ =	sdelay $0x3  }
.Ltmp5:
0x8d: {  	(pc) =	sbr.rel @p1 .LBB2_8-.Ltmp5, $4  }
0x8e: {  	v2 =	vsub.s32 v1, v0;
	v1 =	vand.u32 $0x7, v1  }
0x8f: {  	vm0 =	vlt.u32 v2, $0x1388;
	v1 =	vor.u32 $0x1388, v1  }
0x90: {  	v1 =	vsel vm0, v2, v1  }
0x91: {  	[tilespmem:s6+$0xE100] =	vst v1;
	s6 =	sshra.s32 s7, $0x2;
	s7 =	sadd.s32 $0x40, s7  }
0x92: {  	v1 =	vld [tilespmem:s6+$0xE100];
	_ =	sdelay $0x4  }
0x93: {  	v2 =	vsub.s32 v1, v0;
	v1 =	vand.u32 $0x7, v1  }
0x94: {  	vm0 =	vlt.u32 v2, $0x1388;
	v1 =	vor.u32 $0x1388, v1  }
0x95: {  	v1 =	vsel vm0, v2, v1  }
0x96: {  	s9 =	simm.s32 $0x0;
	[tilespmem:s6+$0xE100] =	vst v1  }
0x97: {  	[spmem:s19] =	stream.indirect.scatter.add.f32 [tilespmem:s9], [sflag:$0x1], $0x30, s30, s0, $0xb8;
	[tilespmem:$0x1CEC0] =	vst v63  }
0x98: {  	_ =	swait.ge [sflag:s29], $0xE100  }
0x99: {  	[sflag:s29] =	ssyncset.done $0x0  }
0x9a: {  	s7 =	rddreg [dreg:$0x7];
	[sflag:s29] =	ssyncadd.s32 $0xFFFF1F00  }
0x9b: {  	[tilespmem:s30], [sflag:$0x1] =	stream.linear.gather [hbm4b:s7+s9], $0x4B0, $0x38;
	[tilespmem:$0x1CEC0] =	vst v63  }
0x9c: {  	_ =	swait.ge [sflag:s29], $0x4B0  }
0x9d: {  	[sflag:s29] =	ssyncset.done $0x0  }
0x9e: {  	[sflag:s29] =	ssyncadd.s32 $0xFFFFFB50  }
0x9f: {  	[tilespmem:s9], [sflag:$0x1] =	stream.strided.gather [hbm4b:s15+s31], $0xE100, s17, s31, $0x38;
	[tilespmem:$0x1CEC0] =	vst v63  }
0xa0: {  	_ =	swait.ge [sflag:s29], $0xE100  }
0xa1: {  	[sflag:s29] =	ssyncset.done $0x0  }
0xa2: {  	s6 =	simm.s32 $0x0;
	s7 =	simm.s32 $0x40;
	[sflag:s29] =	ssyncadd.s32 $0xFFFF1F00  }
.LBB2_10:
0xa3: {  	p1 =	sne.s32 s7, $0x1280;
	v1 =	vld [tilespmem:s6+$0xE100];
	_ =	sdelay $0x3  }
.Ltmp6:
0xa4: {  	(pc) =	sbr.rel @p1 .LBB2_10-.Ltmp6, $4  }
0xa5: {  	v2 =	vsub.s32 v1, v0;
	v1 =	vand.u32 $0x7, v1  }
0xa6: {  	vm0 =	vlt.u32 v2, $0x1388;
	v1 =	vor.u32 $0x1388, v1  }
0xa7: {  	v1 =	vsel vm0, v2, v1  }
0xa8: {  	[tilespmem:s6+$0xE100] =	vst v1;
	s6 =	sshra.s32 s7, $0x2;
	s7 =	sadd.s32 $0x40, s7  }
0xa9: {  	v1 =	vld [tilespmem:s6+$0xE100];
	_ =	sdelay $0x4  }
0xaa: {  	v2 =	vsub.s32 v1, v0;
	v1 =	vand.u32 $0x7, v1  }
0xab: {  	vm0 =	vlt.u32 v2, $0x1388;
	v1 =	vor.u32 $0x1388, v1  }
0xac: {  	v1 =	vsel vm0, v2, v1  }
0xad: {  	s9 =	simm.s32 $0x0;
	[tilespmem:s6+$0xE100] =	vst v1  }
0xae: {  	[spmem:s19] =	stream.indirect.scatter.add.f32 [tilespmem:s9], [sflag:$0x1], $0x30, s30, s0, $0xb8;
	[tilespmem:$0x1CEC0] =	vst v63  }
0xaf: {  	_ =	swait.ge [sflag:s29], $0xE100  }
0xb0: {  	[sflag:s29] =	ssyncset.done $0x0  }
0xb1: {  	s7 =	rddreg [dreg:$0x8];
	[sflag:s29] =	ssyncadd.s32 $0xFFFF1F00  }
0xb2: {  	[tilespmem:s30], [sflag:$0x1] =	stream.linear.gather [hbm4b:s7+s9], $0x4B0, $0x38;
	[tilespmem:$0x1CEC0] =	vst v63  }
0xb3: {  	_ =	swait.ge [sflag:s29], $0x4B0  }
0xb4: {  	[sflag:s29] =	ssyncset.done $0x0  }
0xb5: {  	[sflag:s29] =	ssyncadd.s32 $0xFFFFFB50  }
0xb6: {  	[tilespmem:s9], [sflag:$0x1] =	stream.strided.gather [hbm4b:s16+s31], $0xE100, s17, s31, $0x38;
	[tilespmem:$0x1CEC0] =	vst v63  }
0xb7: {  	_ =	swait.ge [sflag:s29], $0xE100  }
0xb8: {  	[sflag:s29] =	ssyncset.done $0x0  }
0xb9: {  	s6 =	simm.s32 $0x0;
	s7 =	simm.s32 $0x40;
	[sflag:s29] =	ssyncadd.s32 $0xFFFF1F00  }
.LBB2_12:
0xba: {  	p1 =	sne.s32 s7, $0x1280;
	v1 =	vld [tilespmem:s6+$0xE100];
	_ =	sdelay $0x3  }
.Ltmp7:
0xbb: {  	(pc) =	sbr.rel @p1 .LBB2_12-.Ltmp7, $4  }
0xbc: {  	v2 =	vsub.s32 v1, v0;
	v1 =	vand.u32 $0x7, v1  }
0xbd: {  	vm0 =	vlt.u32 v2, $0x1388;
	v1 =	vor.u32 $0x1388, v1  }
0xbe: {  	v1 =	vsel vm0, v2, v1  }
0xbf: {  	[tilespmem:s6+$0xE100] =	vst v1;
	s6 =	sshra.s32 s7, $0x2;
	s7 =	sadd.s32 $0x40, s7  }
0xc0: {  	v1 =	vld [tilespmem:s6+$0xE100];
	_ =	sdelay $0x4  }
0xc1: {  	v2 =	vsub.s32 v1, v0;
	v1 =	vand.u32 $0x7, v1  }
0xc2: {  	vm0 =	vlt.u32 v2, $0x1388;
	v1 =	vor.u32 $0x1388, v1  }
0xc3: {  	v1 =	vsel vm0, v2, v1  }
0xc4: {  	s9 =	simm.s32 $0x0;
	[tilespmem:s6+$0xE100] =	vst v1  }
0xc5: {  	[spmem:s19] =	stream.indirect.scatter.add.f32 [tilespmem:s9], [sflag:$0x1], $0x30, s30, s0, $0xb8;
	[tilespmem:$0x1CEC0] =	vst v63  }
0xc6: {  	_ =	swait.ge [sflag:s29], $0xE100  }
0xc7: {  	[sflag:s29] =	ssyncset.done $0x0  }
0xc8: {  	s7 =	rddreg [dreg:$0x9];
	[sflag:s29] =	ssyncadd.s32 $0xFFFF1F00  }
0xc9: {  	[tilespmem:s30], [sflag:$0x1] =	stream.linear.gather [hbm4b:s7+s9], $0x4B0, $0x38;
	[tilespmem:$0x1CEC0] =	vst v63  }
0xca: {  	_ =	swait.ge [sflag:s29], $0x4B0  }
0xcb: {  	[sflag:s29] =	ssyncset.done $0x0  }
0xcc: {  	[sflag:s29] =	ssyncadd.s32 $0xFFFFFB50  }
0xcd: {  	[tilespmem:s9], [sflag:$0x1] =	stream.strided.gather [hbm4b:s18+s31], $0xE100, s17, s31, $0x38;
	[tilespmem:$0x1CEC0] =	vst v63  }
0xce: {  	_ =	swait.ge [sflag:s29], $0xE100  }
0xcf: {  	[sflag:s29] =	ssyncset.done $0x0  }
0xd0: {  	s6 =	simm.s32 $0x0;
	s7 =	simm.s32 $0x40;
	[sflag:s29] =	ssyncadd.s32 $0xFFFF1F00  }
.LBB2_14:
0xd1: {  	p1 =	sne.s32 s7, $0x1280;
	v1 =	vld [tilespmem:s6+$0xE100];
	_ =	sdelay $0x3  }
.Ltmp8:
0xd2: {  	(pc) =	sbr.rel @p1 .LBB2_14-.Ltmp8, $4  }
0xd3: {  	v2 =	vsub.s32 v1, v0;
	v1 =	vand.u32 $0x7, v1  }
0xd4: {  	vm0 =	vlt.u32 v2, $0x1388;
	v1 =	vor.u32 $0x1388, v1  }
0xd5: {  	v1 =	vsel vm0, v2, v1  }
0xd6: {  	[tilespmem:s6+$0xE100] =	vst v1;
	s6 =	sshra.s32 s7, $0x2;
	s7 =	sadd.s32 $0x40, s7  }
0xd7: {  	v1 =	vld [tilespmem:s6+$0xE100];
	_ =	sdelay $0x4  }
0xd8: {  	v2 =	vsub.s32 v1, v0;
	v1 =	vand.u32 $0x7, v1  }
0xd9: {  	vm0 =	vlt.u32 v2, $0x1388;
	v1 =	vor.u32 $0x1388, v1  }
0xda: {  	v1 =	vsel vm0, v2, v1  }
0xdb: {  	s9 =	simm.s32 $0x0;
	[tilespmem:s6+$0xE100] =	vst v1  }
0xdc: {  	[spmem:s19] =	stream.indirect.scatter.add.f32 [tilespmem:s9], [sflag:$0x1], $0x30, s30, s0, $0xb8;
	[tilespmem:$0x1CEC0] =	vst v63  }
0xdd: {  	_ =	swait.ge [sflag:s29], $0xE100  }
0xde: {  	[sflag:s29] =	ssyncset.done $0x0  }
0xdf: {  	s7 =	rddreg [dreg:$0xa];
	[sflag:s29] =	ssyncadd.s32 $0xFFFF1F00  }
0xe0: {  	[tilespmem:s30], [sflag:$0x1] =	stream.linear.gather [hbm4b:s7+s9], $0x4B0, $0x38;
	[tilespmem:$0x1CEC0] =	vst v63  }
0xe1: {  	_ =	swait.ge [sflag:s29], $0x4B0  }
0xe2: {  	[sflag:s29] =	ssyncset.done $0x0  }
0xe3: {  	[sflag:s29] =	ssyncadd.s32 $0xFFFFFB50  }
0xe4: {  	[tilespmem:s9], [sflag:$0x1] =	stream.strided.gather [hbm4b:s20+s31], $0xE100, s17, s31, $0x38;
	[tilespmem:$0x1CEC0] =	vst v63  }
0xe5: {  	_ =	swait.ge [sflag:s29], $0xE100  }
0xe6: {  	[sflag:s29] =	ssyncset.done $0x0  }
0xe7: {  	s6 =	simm.s32 $0x0;
	s7 =	simm.s32 $0x40;
	[sflag:s29] =	ssyncadd.s32 $0xFFFF1F00  }
.LBB2_16:
0xe8: {  	p1 =	sne.s32 s7, $0x1280;
	v1 =	vld [tilespmem:s6+$0xE100];
	_ =	sdelay $0x3  }
.Ltmp9:
0xe9: {  	(pc) =	sbr.rel @p1 .LBB2_16-.Ltmp9, $4  }
0xea: {  	v2 =	vsub.s32 v1, v0;
	v1 =	vand.u32 $0x7, v1  }
0xeb: {  	vm0 =	vlt.u32 v2, $0x1388;
	v1 =	vor.u32 $0x1388, v1  }
0xec: {  	v1 =	vsel vm0, v2, v1  }
0xed: {  	[tilespmem:s6+$0xE100] =	vst v1;
	s6 =	sshra.s32 s7, $0x2;
	s7 =	sadd.s32 $0x40, s7  }
0xee: {  	v1 =	vld [tilespmem:s6+$0xE100];
	_ =	sdelay $0x4  }
0xef: {  	v2 =	vsub.s32 v1, v0;
	v1 =	vand.u32 $0x7, v1  }
0xf0: {  	vm0 =	vlt.u32 v2, $0x1388;
	v1 =	vor.u32 $0x1388, v1  }
0xf1: {  	v1 =	vsel vm0, v2, v1  }
0xf2: {  	s9 =	simm.s32 $0x0;
	[tilespmem:s6+$0xE100] =	vst v1  }
0xf3: {  	[spmem:s19] =	stream.indirect.scatter.add.f32 [tilespmem:s9], [sflag:$0x1], $0x30, s30, s0, $0xb8;
	[tilespmem:$0x1CEC0] =	vst v63  }
0xf4: {  	_ =	swait.ge [sflag:s29], $0xE100  }
0xf5: {  	[sflag:s29] =	ssyncset.done $0x0  }
0xf6: {  	[sflag:s29] =	ssyncadd.s32 $0xFFFF1F00  }
0xf7: {  	[tilespmem:s2], [sflag:$0x1] =	stream.linear.gather [hbm4b:s10+s9], $0x190, $0x38;
	[tilespmem:$0x1CEC0] =	vst v63  }
0xf8: {  	_ =	swait.ge [sflag:s29], $0x190  }
0xf9: {  	[sflag:s29] =	ssyncset.done $0x0  }
0xfa: {  	[sflag:s29] =	ssyncadd.s32 $0xFFFFFE70  }
0xfb: {  	[tilespmem:s3], [sflag:$0x1] =	stream.strided.gather [hbm4b:s21+s31], $0x4B00, s17, s31, $0x38;
	[tilespmem:$0x1CEC0] =	vst v63  }
0xfc: {  	_ =	swait.ge [sflag:s29], $0x4B00  }
0xfd: {  	[sflag:s29] =	ssyncset.done $0x0  }
0xfe: {  	s7 =	simm.s32 $0x40;
	s6 =	simm.s32 $0x0;
	[sflag:s29] =	ssyncadd.s32 $0xFFFFB500  }
.LBB2_18:
0xff: {  	p1 =	sne.s32 s7, $0x600;
	v1 =	vld [tilespmem:s6+$0x130B0];
	_ =	sdelay $0x3  }
.Ltmp10:
0x100: {  	(pc) =	sbr.rel @p1 .LBB2_18-.Ltmp10, $4  }
0x101: {  	v2 =	vsub.s32 v1, v0;
	v1 =	vand.u32 $0x7, v1  }
0x102: {  	vm0 =	vlt.u32 v2, $0x1388;
	v1 =	vor.u32 $0x1388, v1  }
0x103: {  	v1 =	vsel vm0, v2, v1  }
0x104: {  	[tilespmem:s6+$0x130B0] =	vst v1;
	s6 =	sshra.s32 s7, $0x2;
	s7 =	sadd.s32 $0x40, s7  }
0x105: {  	v1 =	vld [tilespmem:s6+$0x130B0];
	_ =	sdelay $0x4  }
0x106: {  	v2 =	vsub.s32 v1, v0;
	v1 =	vand.u32 $0x7, v1  }
0x107: {  	vm0 =	vlt.u32 v2, $0x1388;
	v1 =	vor.u32 $0x1388, v1  }
0x108: {  	v1 =	vsel vm0, v2, v1  }
0x109: {  	s8 =	simm.s32 $0x190;
	[tilespmem:s6+$0x130B0] =	vst v1  }
0x10a: {  	[spmem:s19] =	stream.indirect.scatter.add.f32 [tilespmem:s3], [sflag:$0x1], $0x30, s2, s8, $0xb8;
	[tilespmem:$0x1CEC0] =	vst v63  }
0x10b: {  	_ =	swait.ge [sflag:s29], $0x4B00  }
0x10c: {  	[sflag:s29] =	ssyncset.done $0x0  }
0x10d: {  	[sflag:s29] =	ssyncadd.s32 $0xFFFFB500  }
.Ltmp11:
0x10e: {  	s9 =	simm.s32 $0x13240;
	[bflag:$0x0] =	sbarrier.arrive $0xFFFF;
	(pc) =	sbr.rel @!p0 .LBB2_20-.Ltmp11, $4  }
0x10f: {  	[tilespmem:s9], [sflag:$0x1] =	stream.linear.gather [spmem:s22], $0x3AB0, $0x38;
	[tilespmem:$0x1CEC0] =	vst v63  }
0x110: {  	_ =	swait.ge [sflag:s29], $0x3AB0  }
0x111: {  	[sflag:s29] =	ssyncset.done $0x0  }
0x112: {  	s7 =	simm.s32 $0x0;
	[sflag:s29] =	ssyncadd.s32 $0xFFFFC550  }
0x113: {  	[tilespmem:s4], [sflag:$0x1] =	stream.linear.gather [hbm4b:s25+s7], $0x2620, $0x38;
	[tilespmem:$0x1CEC0] =	vst v63  }
0x114: {  	_ =	swait.ge [sflag:s29], $0x2620  }
0x115: {  	[sflag:s29] =	ssyncset.done $0x0  }
0x116: {  	s6 =	simm.s32 $0x13260;
	[sflag:s29] =	ssyncadd.s32 $0xFFFFD9E0  }
0x117: {  	s8 =	simm.s32 $0x80;
	v1 =	vld [tilespmem:s6+$0x0]  }
.LBB2_24:
0x118: {  	p1 =	sne.s32 s8, $0x9800;
	v2 =	vld [tilespmem:s6+$0xFFFFFFE0];
	_ =	sdelay $0x3  }
0x119: {  	v1 =	vmax.f32 v1, $1.000000000e+00  }
0x11a: {  	(erf) = vrcp.f32 v1;
	_ =	sdelay $0x5  }
0x11b: {  	s9 =	sshra.s32 s7, $0x2;
	s7 =	smov.u32 s8  }
0x11c: {  	v1 =	vld [tilespmem:s9+$0x16CF0];
	_ =	sdelay $0x1  }
0x11d: {  	v3 =	vpop (erf)  }
0x11e: {  	v2 =	vmul.f32 v3, v2;
	_ =	sdelay $0x1  }
0x11f: {  	v1 =	vadd.f32 v2, v1;
	_ =	sdelay $0x1  }
0x120: {  	v1 =	vmax.f32 v1, $0.0e+00  }
0x121: {  	[tilespmem:s9+$0x16CF0] =	vst v1  }
0x122: {  	v1 =	vld [tilespmem:s6+$0xFFFFFFF0];
	_ =	sdelay $0x1  }
0x123: {  	v2 =	vld [tilespmem:s9+$0x16D00];
	_ =	sdelay $0x2  }
0x124: {  	v1 =	vmul.f32 v1, v3;
	_ =	sdelay $0x1  }
.Ltmp12:
0x125: {  	v1 =	vadd.f32 v2, v1;
	(pc) =	sbr.rel @p1 .LBB2_24-.Ltmp12, $4  }
0x126: {  	_ = 	snop  }
0x127: {  	v1 =	vmax.f32 v1, $0.0e+00  }
0x128: {  	s6 =	sadd.s32 $0x30, s6;
	[tilespmem:s9+$0x16D00] =	vst v1  }
0x129: {  	s8 =	sadd.s32 $0x80, s8;
	v1 =	vld [tilespmem:s6+$0x0]  }
0x12a: {  	_ =	sdelay $0x3  }
0x12b: {  	v1 =	vmax.f32 v1, $1.000000000e+00  }
0x12c: {  	(erf) = vrcp.f32 v1;
	_ =	sdelay $0x4  }
0x12d: {  	v1 =	vld [tilespmem:s6+$0xFFFFFFE0]  }
0x12e: {  	s7 =	sshra.s32 s7, $0x2  }
0x12f: {  	v2 =	vld [tilespmem:s7+$0x16CF0];
	_ =	sdelay $0x1  }
0x130: {  	v3 =	vpop (erf)  }
0x131: {  	v1 =	vmul.f32 v3, v1;
	_ =	sdelay $0x1  }
0x132: {  	v1 =	vadd.f32 v1, v2;
	_ =	sdelay $0x1  }
0x133: {  	v1 =	vmax.f32 v1, $0.0e+00  }
0x134: {  	[tilespmem:s7+$0x16CF0] =	vst v1  }
0x135: {  	v1 =	vld [tilespmem:s6+$0xFFFFFFF0];
	_ =	sdelay $0x1  }
0x136: {  	v2 =	vld [tilespmem:s7+$0x16D00];
	_ =	sdelay $0x2  }
0x137: {  	v1 =	vmul.f32 v1, v3;
	_ =	sdelay $0x1  }
0x138: {  	v1 =	vadd.f32 v2, v1;
	_ =	sdelay $0x1  }
0x139: {  	v1 =	vmax.f32 v1, $0.0e+00  }
.Ltmp13:
0x13a: {  	[tilespmem:s7+$0x16D00] =	vst v1;
	(pc) =	sbr.rel .LBB2_26-.Ltmp13, $4  }
0x13b: {  	[hbm4b:s26+s1] =	stream.linear.scatter [tilespmem:s4], [sflag:$0x1], $0x2620, $0x38;
	[tilespmem:$0x1CEC0] =	vst v63  }
0x13c: {  	_ =	swait.ge [sflag:s29], $0x2620  }
0x13d: {  	[sflag:s29] =	ssyncset.done $0x0  }
0x13e: {  	[sflag:s29] =	ssyncadd.s32 $0xFFFFD9E0  }
.LBB2_20:
0x13f: {  	[tilespmem:s4], [sflag:$0x1] =	stream.linear.gather [hbm4b:s25+s7], $0x2720, $0x38;
	[tilespmem:$0x1CEC0] =	vst v63  }
0x140: {  	_ =	swait.ge [sflag:s29], $0x2720  }
0x141: {  	[sflag:s29] =	ssyncset.done $0x0  }
0x142: {  	s6 =	simm.s32 $0x13260;
	[sflag:s29] =	ssyncadd.s32 $0xFFFFD8E0  }
0x143: {  	s8 =	simm.s32 $0x80;
	v1 =	vld [tilespmem:s6+$0x0]  }
.LBB2_21:
0x144: {  	p1 =	sne.s32 s8, $0x9C00;
	v2 =	vld [tilespmem:s6+$0xFFFFFFE0];
	_ =	sdelay $0x3  }
0x145: {  	v1 =	vmax.f32 v1, $1.000000000e+00  }
0x146: {  	(erf) = vrcp.f32 v1;
	_ =	sdelay $0x5  }
0x147: {  	s9 =	sshra.s32 s7, $0x2;
	s7 =	smov.u32 s8  }
0x148: {  	v1 =	vld [tilespmem:s9+$0x16CF0];
	_ =	sdelay $0x1  }
0x149: {  	v3 =	vpop (erf)  }
0x14a: {  	v2 =	vmul.f32 v3, v2;
	_ =	sdelay $0x1  }
0x14b: {  	v1 =	vadd.f32 v2, v1;
	_ =	sdelay $0x1  }
0x14c: {  	v1 =	vmax.f32 v1, $0.0e+00  }
0x14d: {  	[tilespmem:s9+$0x16CF0] =	vst v1  }
0x14e: {  	v1 =	vld [tilespmem:s6+$0xFFFFFFF0];
	_ =	sdelay $0x1  }
0x14f: {  	v2 =	vld [tilespmem:s9+$0x16D00];
	_ =	sdelay $0x2  }
0x150: {  	v1 =	vmul.f32 v1, v3;
	_ =	sdelay $0x1  }
.Ltmp14:
0x151: {  	v1 =	vadd.f32 v2, v1;
	(pc) =	sbr.rel @p1 .LBB2_21-.Ltmp14, $4  }
0x152: {  	_ = 	snop  }
0x153: {  	v1 =	vmax.f32 v1, $0.0e+00  }
0x154: {  	s6 =	sadd.s32 $0x30, s6;
	[tilespmem:s9+$0x16D00] =	vst v1  }
0x155: {  	s8 =	sadd.s32 $0x80, s8;
	v1 =	vld [tilespmem:s6+$0x0]  }
.Ltmp15:
0x156: {  	_ = 	snop;
	(pc) =	sbr.rel .LBB2_22-.Ltmp15, $1  }
0x157: {  	_ =	sdelay $0x3  }
.LBB2_27:
0x158: {  	_ =	sfence.sel $0x180000  }
0x159: {  	[bflag:$0x0] =	sbarrier.arrive $0xFFFF  }
0x15a: {  	_ =	strace $0x9000004A  }
0x15b: {  	s0 =	stileid.u32;
	[bflag:$0x2] =	sbarrier.arrive $0xFFFF  }
0x15c: {  	p0 =	sne.s32 s0, $0x0;
	s0 =	rddreg [dreg:$0x2]  }
0x15d: {  	s0 =	sadd.s32 @!p0 $0x100000, s0  }
0x15e: {  	[sflag:s0] =	ssyncadd.tile.s32 @!p0 $0x1;
	_ =	shalt  }
.Lfunc_end2:
_tile_overlayer_lowered:
.L_overlay_start_2:
0x15f: {  	(tag) =	ssettag $0x2  }
0x160: {  	s0 =	rddreg [dreg:$0x0];
	s2 =	stileid.u32  }
0x161: {  	s1 =	rddreg [dreg:$0x1];
	p0 =	sne.s32 s2, $0x0  }
0x162: {  	s3 =	rddreg [dreg:$0x2];
	[bflag:$0x3] =	sbarrier.arrive $0xFFFF;
	s2 =	simm.s32 @!p0 $0x1C01  }
0x163: {  	[timem:s3], [sflag:s2] =	dma.local @!p0 [hbm:s0], s1  }
0x164: {  	s0 =	simm.s32 @!p0 $0x1  }
0x165: {  	_ =	swait.ge @!p0 [sflag:s0], s1  }
0x166: {  	s1 =	ssub.s32 @!p0 $0x0, s1;
	[sflag:s0] =	ssyncset.done @!p0 $0x0  }
0x167: {  	[sflag:s0] =	ssyncadd.s32 @!p0 s1  }
0x168: {  	[bflag:$0x3] =	sbarrier.arrive $0xFFFF  }
0x169: {  	_ =	shalt  }

// kernel: kernel.17.cloned.1.call-start
scs
__scs_entry_jumppad:
0x0: {  	(pc) =	sbr.rel $0x88, $3  }
0x1: {  	(tag) =	ssettag $0x0;
	lr =	simm.s32 $0x1  }
0x2: {  	[smem:$0x3F94] =	sst lr;
	_ =	strace $0xD0000000  }
0x3: {  	_ = 	snop  }
0x4: {  	_ = 	snop  }
0x5: {  	_ = 	snop  }
0x6: {  	_ = 	snop  }
0x7: {  	_ = 	snop  }
__scs_overlays_trampoline_lowered:
0x8: {  	[smem:$0x3FA3] =	sst s0  }
0x9: {  	[smem:$0x3FA4] =	sst s1  }
0xa: {  	[smem:$0x3FA5] =	sst s2  }
0xb: {  	[smem:$0x3FA6] =	sst s3  }
0xc: {  	[smem:$0x3FA7] =	sst s4  }
0xd: {  	[smem:$0x3FA8] =	sst s5  }
0xe: {  	[smem:$0x3FA9] =	sst s6  }
0xf: {  	[smem:$0x3FAA] =	sst s7  }
0x10: {  	[smem:$0x3FAB] =	sst s8  }
0x11: {  	[smem:$0x3FAC] =	sst s9;
	s0 =	simm.s32 @!p0 $0x0  }
0x12: {  	s1 =	sld [smem:$0x3F92];
	s0 =	simm.s32 @p0 $0x1  }
0x13: {  	[smem:$0x3FAD] =	sst s0;
	s0 =	simm.s32 @!p1 $0x0  }
0x14: {  	s2 =	sld [smem:$0x3F91];
	s0 =	simm.s32 @p1 $0x1  }
0x15: {  	[smem:$0x3FAE] =	sst s0;
	s0 =	simm.s32 @!p2 $0x0  }
0x16: {  	s3 =	sld [smem:$0x3FDB];
	s0 =	simm.s32 @p2 $0x1  }
0x17: {  	s4 =	simm.s32 $0x1BF5;
	[smem:$0x3FB0] =	sst s0  }
0x18: {  	s0 =	sld [smem:$0x3F93];
	_ =	swait.ge [sflag:s4], $0x0  }
0x19: {  	s7 =	sld [smem:$0x3F94]  }
0x1a: {  	s8 =	sadd.s32 $0xFFFFE003, lr  }
0x1b: {  	s9 =	sadd.s32 $0xFFFFFEF7, lr;
	s5 =	simm.s32 $0xFFFFFFFF;
	p2 =	slt.u32 s8, $0xFFFFF086  }
0x1c: {  	p1 =	slt.u32 s9, $0xF7A;
	s5 =	simm.s32 @!p2 $0x0  }
0x1d: {  	s5 =	simm.s32 @p1 $0x1;
	p0 =	seq.s32 s7, s2  }
0x1e: {  	s7 =	smul.u32 @!p0 $0xF7A, s2;
	p2 =	seq.s32 @!p0 s5, $0x0  }
0x1f: {  	s9 =	smul.u32 $0xF7A, s1;
	s8 =	simm.s32 @!p0 $0x1BF5;
	p2 =	por !p2, p0  }
0x20: {  	[sflag:s8] =	ssyncset.s32 @!p0 $0xFFFFF086;
	s6 =	sadd.s32 @!p0 s3, s7;
	s7 =	simm.s32 @!p0 $0x108  }
0x21: {  	s3 =	sadd.s32 s3, s9;
	s6 =	sadd.s32 @!p0 $0x88, s6;
	s7 =	simm.s32 @p2 $0x1082  }
0x22: {  	[simem:s7], [sflag:s8] =	dma.local @!p0 [hbm:s6], $0xF7A  }
0x23: {  	s9 =	sor.u32 $0xD0000000, s2;
	s6 =	simm.s32 $0x108;
	_ =	swait.ge @!p0 [sflag:s8], $0x0  }
0x24: {  	s3 =	sadd.s32 $0x88, s3;
	s6 =	simm.s32 @!p1 $0x1082;
	[sflag:s4] =	ssyncset.s32 $0xFFFFF086  }
0x25: {  	[simem:s6], [sflag:s4] =	dma.local [hbm:s3], $0xF7A  }
0x26: {  	[smem:$0x3F94] =	sst s1;
	(tag) =	ssettag s2;
	_ =	strace s9  }
0x27: {  	s1 =	sld [smem:$0x3FA4]  }
0x28: {  	s2 =	sld [smem:$0x3FA5]  }
0x29: {  	s4 =	sld [smem:$0x3FA7]  }
0x2a: {  	p0 =	seq.s32 s5, $0x0;
	s5 =	sld [smem:$0x3FA8]  }
0x2b: {  	s6 =	sld [smem:$0x3FA9]  }
0x2c: {  	s7 =	sld [smem:$0x3FAA]  }
0x2d: {  	s3 =	simm.s32 $0x108;
	s8 =	sld [smem:$0x3FAB]  }
0x2e: {  	s3 =	simm.s32 @!p0 $0x1082;
	s9 =	sld [smem:$0x3FAC]  }
0x2f: {  	lr =	sadd.s32 s0, s3;
	s0 =	sld [smem:$0x3FA3]  }
0x30: {  	s3 =	sld [smem:$0x3FA6]  }
0x31: {  	[smem:$0x3FAF] =	sst s10  }
0x32: {  	s10 =	sld [smem:$0x3FAD];
	_ =	sdelay $0x3  }
0x33: {  	p0 =	seq.s32 s10, $0x1;
	s10 =	sld [smem:$0x3FAF];
	_ =	sdelay $0x3  }
0x34: {  	[smem:$0x3FAF] =	sst s10  }
0x35: {  	s10 =	sld [smem:$0x3FAE];
	_ =	sdelay $0x3  }
0x36: {  	p1 =	seq.s32 s10, $0x1;
	s10 =	sld [smem:$0x3FAF];
	_ =	sdelay $0x3  }
0x37: {  	[smem:$0x3FAF] =	sst s10  }
0x38: {  	s10 =	sld [smem:$0x3FB0]  }
0x39: {  	_ = 	snop;
	(pc) =	sbr.ind lr, $3  }
0x3a: {  	_ = 	snop  }
0x3b: {  	_ = 	snop  }
0x3c: {  	p2 =	seq.s32 s10, $0x1;
	s10 =	sld [smem:$0x3FAF]  }
0x3d: {  	_ =	shalt  }
0x3e: {  	_ =	shalt  }
0x3f: {  	_ =	shalt  }
0x40: {  	_ =	shalt  }
0x41: {  	_ =	shalt  }
0x42: {  	_ =	shalt  }
0x43: {  	_ =	shalt  }
0x44: {  	_ =	shalt  }
0x45: {  	_ =	shalt  }
0x46: {  	_ =	shalt  }
0x47: {  	_ =	shalt  }
0x48: {  	_ =	shalt  }
0x49: {  	_ =	shalt  }
0x4a: {  	_ =	shalt  }
0x4b: {  	_ =	shalt  }
0x4c: {  	_ =	shalt  }
0x4d: {  	_ =	shalt  }
0x4e: {  	_ =	shalt  }
0x4f: {  	_ =	shalt  }
0x50: {  	_ =	shalt  }
0x51: {  	_ =	shalt  }
0x52: {  	_ =	shalt  }
0x53: {  	_ =	shalt  }
0x54: {  	_ =	shalt  }
0x55: {  	_ =	shalt  }
0x56: {  	_ =	shalt  }
0x57: {  	_ =	shalt  }
0x58: {  	_ =	shalt  }
0x59: {  	_ =	shalt  }
0x5a: {  	_ =	shalt  }
0x5b: {  	_ =	shalt  }
0x5c: {  	_ =	shalt  }
0x5d: {  	_ =	shalt  }
0x5e: {  	_ =	shalt  }
0x5f: {  	_ =	shalt  }
0x60: {  	_ =	shalt  }
0x61: {  	_ =	shalt  }
0x62: {  	_ =	shalt  }
0x63: {  	_ =	shalt  }
0x64: {  	_ =	shalt  }
0x65: {  	_ =	shalt  }
0x66: {  	_ =	shalt  }
0x67: {  	_ =	shalt  }
0x68: {  	_ =	shalt  }
0x69: {  	_ =	shalt  }
0x6a: {  	_ =	shalt  }
0x6b: {  	_ =	shalt  }
0x6c: {  	_ =	shalt  }
0x6d: {  	_ =	shalt  }
0x6e: {  	_ =	shalt  }
0x6f: {  	_ =	shalt  }
0x70: {  	_ =	shalt  }
0x71: {  	_ =	shalt  }
0x72: {  	_ =	shalt  }
0x73: {  	_ =	shalt  }
0x74: {  	_ =	shalt  }
0x75: {  	_ =	shalt  }
0x76: {  	_ =	shalt  }
0x77: {  	_ =	shalt  }
0x78: {  	_ =	shalt  }
0x79: {  	_ =	shalt  }
0x7a: {  	_ =	shalt  }
0x7b: {  	_ =	shalt  }
0x7c: {  	_ =	shalt  }
0x7d: {  	_ =	shalt  }
0x7e: {  	_ =	shalt  }
0x7f: {  	_ =	shalt  }
0x80: {  	_ =	shalt  }
0x81: {  	_ =	shalt  }
0x82: {  	_ =	shalt  }
0x83: {  	_ =	shalt  }
0x84: {  	_ =	shalt  }
0x85: {  	_ =	shalt  }
0x86: {  	_ =	shalt  }
0x87: {  	_ =	shalt  }
.Lfunc_end0:
.L_simem_size_0:
called_computation.2_lowered:
.L_overlay_start_0:
0x88: {  	s2 =	sld [smem:$0x3FD9]  }
0x89: {  	s3 =	sld [smem:$0x3FFE];
	_ =	sdelay $0x1  }
0x8a: {  	s1 =	srdreg.scid  }
0x8b: {  	s0 =	sand.u32 $0x1, s1  }
0x8c: {  	s16 =	sshll.u32 s0, $0xA;
	s2 =	sadd.s32 s3, s2  }
0x8d: {  	s2 =	sadd.s32 s2, s16  }
0x8e: {  	[smem:$0x3FBB] =	sst s2  }
0x8f: {  	_ = 	snop  }
0x90: {  	(tm) =	ssettm $0x1  }
0x91: {  	s17 =	sld [smem:$0x3FFB];
	_ =	sdelay $0x3  }
0x92: {  	_ =	strace s17  }
0x93: {  	s2 =	sld [smem:$0x3FFC];
	_ =	sdelay $0x3  }
0x94: {  	_ =	strace s2  }
0x95: {  	s2 =	sld [smem:$0x3FFD];
	_ =	sdelay $0x3  }
0x96: {  	_ =	strace s2  }
0x97: {  	_ =	strace $0x8FFFFFFF  }
0x98: {  	s18 =	sld [smem:$0x3FDB];
	_ =	sdelay $0x1  }
0x99: {  	s19 =	simm.s32 $_scs_section_size  }
0x9a: {  	s4 =	simm.s32 $_size__tile_overlayer_lowered;
	s5 =	simm.s32 $_tile_overlayer_lowered  }
0x9b: {  	s22 =	simm.s32 $0x1BFF;
	s21 =	sshll.u32 s5, $0x1;
	s2 =	sadd.s32 s19, s18  }
0x9c: {  	s6 =	simm.s32 $0x0;
	s20 =	sshll.u32 s4, $0x1;
	s4 =	sadd.s32 s21, s2  }
0x9d: {  	[timem:s6], [sflag:s22] =	dma.local [hbm:s4], s20  }
0x9e: {  	_ =	swait.ge [sflag:s22], s20  }
0x9f: {  	s3 =	ssub.s32 $0x0, s20;
	[sflag:s22] =	ssyncset.done $0x0  }
0xa0: {  	[sflag:s22] =	ssyncadd.s32 s3;
	_ =	sdelay $0x1  }
0xa1: {  	s23 =	simm.s32 $0x1B8B  }
0xa2: {  	_ =	swait.ge [sflag:s23], $0x1  }
0xa3: {  	[sflag:s23] =	ssyncset.done $0x0  }
0xa4: {  	s25 =	simm.s32 $0x1B8E;
	s24 =	sld [smem:$0x3FFE];
	[sflag:s23] =	ssyncadd.s32 $0xFFFFFFFF  }
0xa5: {  	s26 =	simm.s32 $execute0_lowered;
	[smem:$0x3FD2] =	sst s25  }
0xa6: {  	s4 =	sshll.u32 s26, $0x1;
	_ =	strace $0x8000004C;
	[dreg:$0x1] =	wrdreg $0xFFFFFFFF  }
0xa7: {  	s28 =	simm.s32 $_size_execute0_lowered;
	s2 =	sadd.s32 s2, s4;
	[dreg:$0x0] =	wrdreg $0x0  }
0xa8: {  	s4 =	sshll.u32 s28, $0x1;
	[dreg:$0x2] =	wrdreg s2  }
0xa9: {  	[dreg:$0x3] =	wrdreg s4  }
0xaa: {  	[dreg:$0x4] =	wrdreg $0xC0  }
0xab: {  	_ =	task [dreg:s6], $0x5FFFF  }
0xac: {  	[dreg:$0x1] =	wrdreg $0xFFFFFFFF  }
0xad: {  	[dreg:$0x0] =	wrdreg $0x60  }
0xae: {  	[dreg:$0x2] =	wrdreg s24  }
0xaf: {  	[dreg:$0x3] =	wrdreg $0x9  }
0xb0: {  	_ =	task.clear_ibuf [dreg:s6], $0x4FFFF;
	_ =	strace $0x9000004C  }
0xb1: {  	s29 =	simm.s32 $0x9;
	_ =	strace $0x8000004E  }
0xb2: {  	_ =	swait.ge [sflag:s29], $0x1  }
0xb3: {  	[sflag:s29] =	ssyncadd.s32 $0xFFFFFFFF  }
0xb4: {  	_ =	strace $0x9000004E  }
0xb5: {  	_ =	sfence  }
0xb6: {  	s30 =	sld [smem:$0x0];
	_ =	sdelay $0x2  }
0xb7: {  	s31 =	sshll.u32 s1, $0xD;
	s1 =	sshrl.u32 s1, $0x2  }
0xb8: {  	s3 =	sand.u32 $0x4000, s31;
	s1 =	sadd.s32 s1, s30  }
0xb9: {  	s0 =	sor.u32 s3, s0;
	s1 =	sshll.u32 s1, $0x11  }
0xba: {  	s0 =	sor.u32 s1, s0  }
0xbb: {  	s0 =	sadd.s32 $0x8F2B, s0  }
0xbc: {  	[sflag:s0] =	ssyncadd.remote.s32 $0x1  }
0xbd: {  	_ =	sfence.sel $0xFFFF  }
0xbe: {  	[dreg:$0x0] =	wrdreg $0xFFFFFFFF;
	(pc) =	sbr.abs _section_cstart, $3  }
0xbf: {  	[dreg:$0x1] =	wrdreg $0xFFFFFFFF  }
0xc0: {  	_ =	task.clear_ibuf [dreg:s6], $0x2FFFF;
	_ =	strace $0x9FFFFFFF  }
0xc1: {  	(tm) =	ssettm $0x7FFFFFFF  }
tec
execute0_lowered:
.L_overlay_start_1:
0x0: {  	(tag) =	ssettag $0x1  }
0x1: {  	s1 =	srdreg.scid;
	s0 =	stileid.u32  }
0x2: {  	s18 =	sand.u32 $0x1, s1;
	s28 =	sshll.u32 s0, $0x1  }
0x3: {  	s6 =	sor.u32 s18, s28  }
0x4: {  	s8 =	rddreg [dreg:$0x0];
	s19 =	smul.u32 $0x1388, s6  }
0x5: {  	s2 =	simm.s32 $0x0;
	s1 =	rddreg [dreg:$0x1]  }
0x6: {  	[smem:$0x7FF] =	sst s2;
	s17 =	sadd.s32 $0x3C00, s8;
	s3 =	sshrl.u32 s19, $0x3  }
0x7: {  	_ =	strace $0x8000004D;
	s4 =	sadd.s32 s17, s3;
	s3 =	simm.s32 $0x2  }
0x8: {  	[tilespmem:s2], [sflag:$0x2] =	stream.linear.gather [hbm4b:s4+s2], $0x3E8, $0x38;
	[tilespmem:$0x80E8] =	vst v63  }
0x9: {  	_ =	swait.ge [sflag:s3], $0x3E8  }
0xa: {  	s7 =	simm.s32 $0x1;
	s5 =	sadd.s32 $0x15200, s8;
	[sflag:s3] =	ssyncset.done $0x0  }
0xb: {  	s9 =	smul.u32 $0x13880, s6;
	s6 =	simm.s32 $0x3E8;
	[sflag:s3] =	ssyncadd.s32 $0xFFFFFC18  }
0xc: {  	[tilespmem:s6], [sflag:$0x1] =	stream.indirect.gather [hbm4b:s5+s6], $0x20, s2, s6, $0xb8;
	[tilespmem:$0x80E8] =	vst v63  }
0xd: {  	_ =	swait.ge [sflag:s7], $0x7D00  }
0xe: {  	s10 =	simm.s32 $0x80;
	s20 =	sadd.s32 $0x4FDC00, s8;
	[sflag:s7] =	ssyncset.done $0x0  }
0xf: {  	s8 =	sadd.s32 s20, s9;
	s9 =	simm.s32 $0x20;
	[sflag:s7] =	ssyncadd.s32 $0xFFFF8300  }
0x10: {  	[hbm4b:s8+s9] =	stream.strided.scatter [tilespmem:s6], [sflag:$0x2], $0x7D00, s10, s9, $0x38;
	[tilespmem:$0x80E8] =	vst v63  }
0x11: {  	s12 =	sadd.s32 $0x3E8, s19;
	_ =	swait.ge [sflag:s3], $0x7D00  }
0x12: {  	s11 =	sshrl.u32 s12, $0x3;
	[sflag:s3] =	ssyncset.done $0x0  }
0x13: {  	s11 =	sadd.s32 s17, s11;
	[sflag:s3] =	ssyncadd.s32 $0xFFFF8300  }
0x14: {  	[tilespmem:s2], [sflag:$0x2] =	stream.linear.gather [hbm4b:s11+s2], $0x3E8, $0x38;
	[tilespmem:$0x80E8] =	vst v63  }
0x15: {  	_ =	swait.ge [sflag:s3], $0x3E8  }
0x16: {  	[sflag:s3] =	ssyncset.done $0x0  }
0x17: {  	[sflag:s3] =	ssyncadd.s32 $0xFFFFFC18  }
0x18: {  	[tilespmem:s6], [sflag:$0x1] =	stream.indirect.gather [hbm4b:s5+s6], $0x20, s2, s6, $0xb8;
	[tilespmem:$0x80E8] =	vst v63  }
0x19: {  	_ =	swait.ge [sflag:s7], $0x7D00  }
0x1a: {  	s12 =	sshll.u32 s12, $0x4;
	[sflag:s7] =	ssyncset.done $0x0  }
0x1b: {  	s12 =	sadd.s32 s20, s12;
	[sflag:s7] =	ssyncadd.s32 $0xFFFF8300  }
0x1c: {  	[hbm4b:s12+s9] =	stream.strided.scatter [tilespmem:s6], [sflag:$0x2], $0x7D00, s10, s9, $0x38;
	[tilespmem:$0x80E8] =	vst v63  }
0x1d: {  	s14 =	sadd.s32 $0x7D0, s19;
	_ =	swait.ge [sflag:s3], $0x7D00  }
0x1e: {  	s13 =	sshrl.u32 s14, $0x3;
	[sflag:s3] =	ssyncset.done $0x0  }
0x1f: {  	s13 =	sadd.s32 s17, s13;
	[sflag:s3] =	ssyncadd.s32 $0xFFFF8300  }
0x20: {  	[tilespmem:s2], [sflag:$0x2] =	stream.linear.gather [hbm4b:s13+s2], $0x3E8, $0x38;
	[tilespmem:$0x80E8] =	vst v63  }
0x21: {  	_ =	swait.ge [sflag:s3], $0x3E8  }
0x22: {  	[sflag:s3] =	ssyncset.done $0x0  }
0x23: {  	[sflag:s3] =	ssyncadd.s32 $0xFFFFFC18  }
0x24: {  	[tilespmem:s6], [sflag:$0x1] =	stream.indirect.gather [hbm4b:s5+s6], $0x20, s2, s6, $0xb8;
	[tilespmem:$0x80E8] =	vst v63  }
0x25: {  	_ =	swait.ge [sflag:s7], $0x7D00  }
0x26: {  	s14 =	sshll.u32 s14, $0x4;
	[sflag:s7] =	ssyncset.done $0x0  }
0x27: {  	s14 =	sadd.s32 s20, s14;
	[sflag:s7] =	ssyncadd.s32 $0xFFFF8300  }
0x28: {  	[hbm4b:s14+s9] =	stream.strided.scatter [tilespmem:s6], [sflag:$0x2], $0x7D00, s10, s9, $0x38;
	[tilespmem:$0x80E8] =	vst v63  }
0x29: {  	s16 =	sadd.s32 $0xBB8, s19;
	_ =	swait.ge [sflag:s3], $0x7D00  }
0x2a: {  	s15 =	sshrl.u32 s16, $0x3;
	[sflag:s3] =	ssyncset.done $0x0  }
0x2b: {  	s15 =	sadd.s32 s17, s15;
	[sflag:s3] =	ssyncadd.s32 $0xFFFF8300  }
0x2c: {  	[tilespmem:s2], [sflag:$0x2] =	stream.linear.gather [hbm4b:s15+s2], $0x3E8, $0x38;
	[tilespmem:$0x80E8] =	vst v63  }
0x2d: {  	_ =	swait.ge [sflag:s3], $0x3E8  }
0x2e: {  	[sflag:s3] =	ssyncset.done $0x0  }
0x2f: {  	[sflag:s3] =	ssyncadd.s32 $0xFFFFFC18  }
0x30: {  	[tilespmem:s6], [sflag:$0x1] =	stream.indirect.gather [hbm4b:s5+s6], $0x20, s2, s6, $0xb8;
	[tilespmem:$0x80E8] =	vst v63  }
0x31: {  	_ =	swait.ge [sflag:s7], $0x7D00  }
0x32: {  	s16 =	sshll.u32 s16, $0x4;
	[sflag:s7] =	ssyncset.done $0x0  }
0x33: {  	s16 =	sadd.s32 s20, s16;
	[sflag:s7] =	ssyncadd.s32 $0xFFFF8300  }
0x34: {  	[hbm4b:s16+s9] =	stream.strided.scatter [tilespmem:s6], [sflag:$0x2], $0x7D00, s10, s9, $0x38;
	[tilespmem:$0x80E8] =	vst v63  }
0x35: {  	s19 =	sadd.s32 $0xFA0, s19;
	_ =	swait.ge [sflag:s3], $0x7D00  }
0x36: {  	s21 =	sshrl.u32 s19, $0x3;
	[sflag:s3] =	ssyncset.done $0x0  }
0x37: {  	s18 =	ssub.s32 $0x2, s18;
	s17 =	sadd.s32 s17, s21;
	[sflag:s3] =	ssyncadd.s32 $0xFFFF8300  }
0x38: {  	[tilespmem:s2], [sflag:$0x2] =	stream.linear.gather [hbm4b:s17+s2], $0x3E8, $0x38;
	[tilespmem:$0x80E8] =	vst v63  }
0x39: {  	s29 =	sshrl.u32 s18, $0x1;
	_ =	swait.ge [sflag:s3], $0x3E8  }
0x3a: {  	s21 =	ssub.s32 s18, s29;
	[sflag:s3] =	ssyncset.done $0x0  }
0x3b: {  	s31 =	smax.u32 s21, $0x1;
	[sflag:s3] =	ssyncadd.s32 $0xFFFFFC18  }
0x3c: {  	[tilespmem:s6], [sflag:$0x1] =	stream.indirect.gather [hbm4b:s5+s6], $0x20, s2, s6, $0xb8;
	[tilespmem:$0x80E8] =	vst v63  }
0x3d: {  	p0 =	sne.s32 s31, $0x1;
	_ =	swait.ge [sflag:s7], $0x7D00  }
.Ltmp0:
0x3e: {  	s30 =	sshll.u32 s19, $0x4;
	[sflag:s7] =	ssyncset.done $0x0;
	(pc) =	sbr.rel @!p0 .LBB2_2-.Ltmp0, $4  }
0x3f: {  	s18 =	sadd.s32 s20, s30;
	[sflag:s7] =	ssyncadd.s32 $0xFFFF8300  }
0x40: {  	[hbm4b:s18+s9] =	stream.strided.scatter [tilespmem:s6], [sflag:$0x2], $0x7D00, s10, s9, $0x38;
	[tilespmem:$0x80E8] =	vst v63  }
0x41: {  	_ =	swait.ge [sflag:s3], $0x7D00  }
0x42: {  	s19 =	sadd.s32 $0xFFFFFFFF, s31;
	[sflag:s3] =	ssyncset.done $0x0  }
.LBB2_1:
0x43: {  	p0 =	sne.s32 s19, $0x1;
	s19 =	sadd.s32 $0xFFFFFFFF, s19;
	[sflag:s3] =	ssyncadd.s32 $0xFFFF8300  }
0x44: {  	[tilespmem:s2], [sflag:$0x2] =	stream.linear.gather [hbm4b:s4+s2], $0x3E8, $0x38;
	[tilespmem:$0x80E8] =	vst v63  }
0x45: {  	_ =	swait.ge [sflag:s3], $0x3E8  }
0x46: {  	[sflag:s3] =	ssyncset.done $0x0  }
0x47: {  	[sflag:s3] =	ssyncadd.s32 $0xFFFFFC18  }
0x48: {  	[tilespmem:s6], [sflag:$0x1] =	stream.indirect.gather [hbm4b:s5+s6], $0x20, s2, s6, $0xb8;
	[tilespmem:$0x80E8] =	vst v63  }
0x49: {  	_ =	swait.ge [sflag:s7], $0x7D00  }
0x4a: {  	[sflag:s7] =	ssyncset.done $0x0  }
0x4b: {  	[sflag:s7] =	ssyncadd.s32 $0xFFFF8300  }
0x4c: {  	[hbm4b:s8+s9] =	stream.strided.scatter [tilespmem:s6], [sflag:$0x2], $0x7D00, s10, s9, $0x38;
	[tilespmem:$0x80E8] =	vst v63  }
0x4d: {  	_ =	swait.ge [sflag:s3], $0x7D00  }
0x4e: {  	[sflag:s3] =	ssyncset.done $0x0  }
0x4f: {  	[sflag:s3] =	ssyncadd.s32 $0xFFFF8300  }
0x50: {  	[tilespmem:s2], [sflag:$0x2] =	stream.linear.gather [hbm4b:s11+s2], $0x3E8, $0x38;
	[tilespmem:$0x80E8] =	vst v63  }
0x51: {  	_ =	swait.ge [sflag:s3], $0x3E8  }
0x52: {  	[sflag:s3] =	ssyncset.done $0x0  }
0x53: {  	[sflag:s3] =	ssyncadd.s32 $0xFFFFFC18  }
0x54: {  	[tilespmem:s6], [sflag:$0x1] =	stream.indirect.gather [hbm4b:s5+s6], $0x20, s2, s6, $0xb8;
	[tilespmem:$0x80E8] =	vst v63  }
0x55: {  	_ =	swait.ge [sflag:s7], $0x7D00  }
0x56: {  	[sflag:s7] =	ssyncset.done $0x0  }
0x57: {  	[sflag:s7] =	ssyncadd.s32 $0xFFFF8300  }
0x58: {  	[hbm4b:s12+s9] =	stream.strided.scatter [tilespmem:s6], [sflag:$0x2], $0x7D00, s10, s9, $0x38;
	[tilespmem:$0x80E8] =	vst v63  }
0x59: {  	_ =	swait.ge [sflag:s3], $0x7D00  }
0x5a: {  	[sflag:s3] =	ssyncset.done $0x0  }
0x5b: {  	[sflag:s3] =	ssyncadd.s32 $0xFFFF8300  }
0x5c: {  	[tilespmem:s2], [sflag:$0x2] =	stream.linear.gather [hbm4b:s13+s2], $0x3E8, $0x38;
	[tilespmem:$0x80E8] =	vst v63  }
0x5d: {  	_ =	swait.ge [sflag:s3], $0x3E8  }
0x5e: {  	[sflag:s3] =	ssyncset.done $0x0  }
0x5f: {  	[sflag:s3] =	ssyncadd.s32 $0xFFFFFC18  }
0x60: {  	[tilespmem:s6], [sflag:$0x1] =	stream.indirect.gather [hbm4b:s5+s6], $0x20, s2, s6, $0xb8;
	[tilespmem:$0x80E8] =	vst v63  }
0x61: {  	_ =	swait.ge [sflag:s7], $0x7D00  }
0x62: {  	[sflag:s7] =	ssyncset.done $0x0  }
0x63: {  	[sflag:s7] =	ssyncadd.s32 $0xFFFF8300  }
0x64: {  	[hbm4b:s14+s9] =	stream.strided.scatter [tilespmem:s6], [sflag:$0x2], $0x7D00, s10, s9, $0x38;
	[tilespmem:$0x80E8] =	vst v63  }
0x65: {  	_ =	swait.ge [sflag:s3], $0x7D00  }
0x66: {  	[sflag:s3] =	ssyncset.done $0x0  }
0x67: {  	[sflag:s3] =	ssyncadd.s32 $0xFFFF8300  }
0x68: {  	[tilespmem:s2], [sflag:$0x2] =	stream.linear.gather [hbm4b:s15+s2], $0x3E8, $0x38;
	[tilespmem:$0x80E8] =	vst v63  }
0x69: {  	_ =	swait.ge [sflag:s3], $0x3E8  }
0x6a: {  	[sflag:s3] =	ssyncset.done $0x0  }
0x6b: {  	[sflag:s3] =	ssyncadd.s32 $0xFFFFFC18  }
0x6c: {  	[tilespmem:s6], [sflag:$0x1] =	stream.indirect.gather [hbm4b:s5+s6], $0x20, s2, s6, $0xb8;
	[tilespmem:$0x80E8] =	vst v63  }
0x6d: {  	_ =	swait.ge [sflag:s7], $0x7D00  }
0x6e: {  	[sflag:s7] =	ssyncset.done $0x0  }
0x6f: {  	[sflag:s7] =	ssyncadd.s32 $0xFFFF8300  }
0x70: {  	[hbm4b:s16+s9] =	stream.strided.scatter [tilespmem:s6], [sflag:$0x2], $0x7D00, s10, s9, $0x38;
	[tilespmem:$0x80E8] =	vst v63  }
0x71: {  	_ =	swait.ge [sflag:s3], $0x7D00  }
0x72: {  	[sflag:s3] =	ssyncset.done $0x0  }
0x73: {  	[sflag:s3] =	ssyncadd.s32 $0xFFFF8300  }
0x74: {  	[tilespmem:s2], [sflag:$0x2] =	stream.linear.gather [hbm4b:s17+s2], $0x3E8, $0x38;
	[tilespmem:$0x80E8] =	vst v63  }
0x75: {  	_ =	swait.ge [sflag:s3], $0x3E8  }
0x76: {  	[sflag:s3] =	ssyncset.done $0x0  }
0x77: {  	[sflag:s3] =	ssyncadd.s32 $0xFFFFFC18  }
0x78: {  	[tilespmem:s6], [sflag:$0x1] =	stream.indirect.gather [hbm4b:s5+s6], $0x20, s2, s6, $0xb8;
	[tilespmem:$0x80E8] =	vst v63  }
0x79: {  	_ =	swait.ge [sflag:s7], $0x7D00  }
.Ltmp1:
0x7a: {  	[sflag:s7] =	ssyncset.done $0x0;
	(pc) =	sbr.rel @p0 .LBB2_1-.Ltmp1, $4  }
0x7b: {  	[sflag:s7] =	ssyncadd.s32 $0xFFFF8300  }
0x7c: {  	[hbm4b:s18+s9] =	stream.strided.scatter [tilespmem:s6], [sflag:$0x2], $0x7D00, s10, s9, $0x38;
	[tilespmem:$0x80E8] =	vst v63  }
0x7d: {  	_ =	swait.ge [sflag:s3], $0x7D00  }
0x7e: {  	[sflag:s3] =	ssyncset.done $0x0  }
.LBB2_2:
0x7f: {  	[sflag:s3] =	ssyncadd.s32 $0xFFFF8300  }
0x80: {  	_ =	sfence.sel $0x180000  }
0x81: {  	[bflag:$0x0] =	sbarrier.arrive $0xFFFF  }
0x82: {  	p0 =	sne.s32 s0, $0x0;
	_ =	strace $0x9000004D  }
0x83: {  	s0 =	sadd.s32 @!p0 $0x100000, s1;
	[bflag:$0x2] =	sbarrier.arrive $0xFFFF  }
0x84: {  	[sflag:s0] =	ssyncadd.tile.s32 @!p0 $0x1;
	_ =	shalt  }
.Lfunc_end2:
_tile_overlayer_lowered:
.L_overlay_start_2:
0x85: {  	(tag) =	ssettag $0x2  }
0x86: {  	s0 =	rddreg [dreg:$0x0];
	s2 =	stileid.u32  }
0x87: {  	s1 =	rddreg [dreg:$0x1];
	p0 =	sne.s32 s2, $0x0  }
0x88: {  	s3 =	rddreg [dreg:$0x2];
	[bflag:$0x3] =	sbarrier.arrive $0xFFFF;
	s2 =	simm.s32 @!p0 $0x1C02  }
0x89: {  	[timem:s3], [sflag:s2] =	dma.local @!p0 [hbm:s0], s1  }
0x8a: {  	s0 =	simm.s32 @!p0 $0x2  }
0x8b: {  	_ =	swait.ge @!p0 [sflag:s0], s1  }
0x8c: {  	s1 =	ssub.s32 @!p0 $0x0, s1;
	[sflag:s0] =	ssyncset.done @!p0 $0x0  }
0x8d: {  	[sflag:s0] =	ssyncadd.s32 @!p0 s1  }
0x8e: {  	[bflag:$0x3] =	sbarrier.arrive $0xFFFF  }
0x8f: {  	_ =	shalt  }

// kernel: kernel.20.cloned.1.call-start
scs
__scs_entry_jumppad:
0x0: {  	(pc) =	sbr.rel $0x88, $3  }
0x1: {  	(tag) =	ssettag $0x0;
	lr =	simm.s32 $0x1  }
0x2: {  	[smem:$0x3F94] =	sst lr;
	_ =	strace $0xD0000000  }
0x3: {  	_ = 	snop  }
0x4: {  	_ = 	snop  }
0x5: {  	_ = 	snop  }
0x6: {  	_ = 	snop  }
0x7: {  	_ = 	snop  }
__scs_overlays_trampoline_lowered:
0x8: {  	[smem:$0x3FA3] =	sst s0  }
0x9: {  	[smem:$0x3FA4] =	sst s1  }
0xa: {  	[smem:$0x3FA5] =	sst s2  }
0xb: {  	[smem:$0x3FA6] =	sst s3  }
0xc: {  	[smem:$0x3FA7] =	sst s4  }
0xd: {  	[smem:$0x3FA8] =	sst s5  }
0xe: {  	[smem:$0x3FA9] =	sst s6  }
0xf: {  	[smem:$0x3FAA] =	sst s7  }
0x10: {  	[smem:$0x3FAB] =	sst s8  }
0x11: {  	[smem:$0x3FAC] =	sst s9;
	s0 =	simm.s32 @!p0 $0x0  }
0x12: {  	s1 =	sld [smem:$0x3F92];
	s0 =	simm.s32 @p0 $0x1  }
0x13: {  	[smem:$0x3FAD] =	sst s0;
	s0 =	simm.s32 @!p1 $0x0  }
0x14: {  	s2 =	sld [smem:$0x3F91];
	s0 =	simm.s32 @p1 $0x1  }
0x15: {  	[smem:$0x3FAE] =	sst s0;
	s0 =	simm.s32 @!p2 $0x0  }
0x16: {  	s3 =	sld [smem:$0x3FDB];
	s0 =	simm.s32 @p2 $0x1  }
0x17: {  	s4 =	simm.s32 $0x1BF5;
	[smem:$0x3FB0] =	sst s0  }
0x18: {  	s0 =	sld [smem:$0x3F93];
	_ =	swait.ge [sflag:s4], $0x0  }
0x19: {  	s7 =	sld [smem:$0x3F94]  }
0x1a: {  	s8 =	sadd.s32 $0xFFFFE003, lr  }
0x1b: {  	s9 =	sadd.s32 $0xFFFFFEF7, lr;
	s5 =	simm.s32 $0xFFFFFFFF;
	p2 =	slt.u32 s8, $0xFFFFF086  }
0x1c: {  	p1 =	slt.u32 s9, $0xF7A;
	s5 =	simm.s32 @!p2 $0x0  }
0x1d: {  	s5 =	simm.s32 @p1 $0x1;
	p0 =	seq.s32 s7, s2  }
0x1e: {  	s7 =	smul.u32 @!p0 $0xF7A, s2;
	p2 =	seq.s32 @!p0 s5, $0x0  }
0x1f: {  	s9 =	smul.u32 $0xF7A, s1;
	s8 =	simm.s32 @!p0 $0x1BF5;
	p2 =	por !p2, p0  }
0x20: {  	[sflag:s8] =	ssyncset.s32 @!p0 $0xFFFFF086;
	s6 =	sadd.s32 @!p0 s3, s7;
	s7 =	simm.s32 @!p0 $0x108  }
0x21: {  	s3 =	sadd.s32 s3, s9;
	s6 =	sadd.s32 @!p0 $0x88, s6;
	s7 =	simm.s32 @p2 $0x1082  }
0x22: {  	[simem:s7], [sflag:s8] =	dma.local @!p0 [hbm:s6], $0xF7A  }
0x23: {  	s9 =	sor.u32 $0xD0000000, s2;
	s6 =	simm.s32 $0x108;
	_ =	swait.ge @!p0 [sflag:s8], $0x0  }
0x24: {  	s3 =	sadd.s32 $0x88, s3;
	s6 =	simm.s32 @!p1 $0x1082;
	[sflag:s4] =	ssyncset.s32 $0xFFFFF086  }
0x25: {  	[simem:s6], [sflag:s4] =	dma.local [hbm:s3], $0xF7A  }
0x26: {  	[smem:$0x3F94] =	sst s1;
	(tag) =	ssettag s2;
	_ =	strace s9  }
0x27: {  	s1 =	sld [smem:$0x3FA4]  }
0x28: {  	s2 =	sld [smem:$0x3FA5]  }
0x29: {  	s4 =	sld [smem:$0x3FA7]  }
0x2a: {  	p0 =	seq.s32 s5, $0x0;
	s5 =	sld [smem:$0x3FA8]  }
0x2b: {  	s6 =	sld [smem:$0x3FA9]  }
0x2c: {  	s7 =	sld [smem:$0x3FAA]  }
0x2d: {  	s3 =	simm.s32 $0x108;
	s8 =	sld [smem:$0x3FAB]  }
0x2e: {  	s3 =	simm.s32 @!p0 $0x1082;
	s9 =	sld [smem:$0x3FAC]  }
0x2f: {  	lr =	sadd.s32 s0, s3;
	s0 =	sld [smem:$0x3FA3]  }
0x30: {  	s3 =	sld [smem:$0x3FA6]  }
0x31: {  	[smem:$0x3FAF] =	sst s10  }
0x32: {  	s10 =	sld [smem:$0x3FAD];
	_ =	sdelay $0x3  }
0x33: {  	p0 =	seq.s32 s10, $0x1;
	s10 =	sld [smem:$0x3FAF];
	_ =	sdelay $0x3  }
0x34: {  	[smem:$0x3FAF] =	sst s10  }
0x35: {  	s10 =	sld [smem:$0x3FAE];
	_ =	sdelay $0x3  }
0x36: {  	p1 =	seq.s32 s10, $0x1;
	s10 =	sld [smem:$0x3FAF];
	_ =	sdelay $0x3  }
0x37: {  	[smem:$0x3FAF] =	sst s10  }
0x38: {  	s10 =	sld [smem:$0x3FB0]  }
0x39: {  	_ = 	snop;
	(pc) =	sbr.ind lr, $3  }
0x3a: {  	_ = 	snop  }
0x3b: {  	_ = 	snop  }
0x3c: {  	p2 =	seq.s32 s10, $0x1;
	s10 =	sld [smem:$0x3FAF]  }
0x3d: {  	_ =	shalt  }
0x3e: {  	_ =	shalt  }
0x3f: {  	_ =	shalt  }
0x40: {  	_ =	shalt  }
0x41: {  	_ =	shalt  }
0x42: {  	_ =	shalt  }
0x43: {  	_ =	shalt  }
0x44: {  	_ =	shalt  }
0x45: {  	_ =	shalt  }
0x46: {  	_ =	shalt  }
0x47: {  	_ =	shalt  }
0x48: {  	_ =	shalt  }
0x49: {  	_ =	shalt  }
0x4a: {  	_ =	shalt  }
0x4b: {  	_ =	shalt  }
0x4c: {  	_ =	shalt  }
0x4d: {  	_ =	shalt  }
0x4e: {  	_ =	shalt  }
0x4f: {  	_ =	shalt  }
0x50: {  	_ =	shalt  }
0x51: {  	_ =	shalt  }
0x52: {  	_ =	shalt  }
0x53: {  	_ =	shalt  }
0x54: {  	_ =	shalt  }
0x55: {  	_ =	shalt  }
0x56: {  	_ =	shalt  }
0x57: {  	_ =	shalt  }
0x58: {  	_ =	shalt  }
0x59: {  	_ =	shalt  }
0x5a: {  	_ =	shalt  }
0x5b: {  	_ =	shalt  }
0x5c: {  	_ =	shalt  }
0x5d: {  	_ =	shalt  }
0x5e: {  	_ =	shalt  }
0x5f: {  	_ =	shalt  }
0x60: {  	_ =	shalt  }
0x61: {  	_ =	shalt  }
0x62: {  	_ =	shalt  }
0x63: {  	_ =	shalt  }
0x64: {  	_ =	shalt  }
0x65: {  	_ =	shalt  }
0x66: {  	_ =	shalt  }
0x67: {  	_ =	shalt  }
0x68: {  	_ =	shalt  }
0x69: {  	_ =	shalt  }
0x6a: {  	_ =	shalt  }
0x6b: {  	_ =	shalt  }
0x6c: {  	_ =	shalt  }
0x6d: {  	_ =	shalt  }
0x6e: {  	_ =	shalt  }
0x6f: {  	_ =	shalt  }
0x70: {  	_ =	shalt  }
0x71: {  	_ =	shalt  }
0x72: {  	_ =	shalt  }
0x73: {  	_ =	shalt  }
0x74: {  	_ =	shalt  }
0x75: {  	_ =	shalt  }
0x76: {  	_ =	shalt  }
0x77: {  	_ =	shalt  }
0x78: {  	_ =	shalt  }
0x79: {  	_ =	shalt  }
0x7a: {  	_ =	shalt  }
0x7b: {  	_ =	shalt  }
0x7c: {  	_ =	shalt  }
0x7d: {  	_ =	shalt  }
0x7e: {  	_ =	shalt  }
0x7f: {  	_ =	shalt  }
0x80: {  	_ =	shalt  }
0x81: {  	_ =	shalt  }
0x82: {  	_ =	shalt  }
0x83: {  	_ =	shalt  }
0x84: {  	_ =	shalt  }
0x85: {  	_ =	shalt  }
0x86: {  	_ =	shalt  }
0x87: {  	_ =	shalt  }
.Lfunc_end0:
.L_simem_size_0:
called_computation.3_lowered:
.L_overlay_start_0:
0x88: {  	s2 =	sld [smem:$0x3FD9]  }
0x89: {  	s3 =	sld [smem:$0x3FFE];
	_ =	sdelay $0x1  }
0x8a: {  	s1 =	srdreg.scid  }
0x8b: {  	s0 =	sand.u32 $0x1, s1  }
0x8c: {  	s17 =	sshll.u32 s0, $0xA;
	s2 =	sadd.s32 s3, s2  }
0x8d: {  	s2 =	sadd.s32 s2, s17  }
0x8e: {  	[smem:$0x3FBB] =	sst s2  }
0x8f: {  	_ = 	snop  }
0x90: {  	s2 =	sld [smem:$0x3FD0];
	(tm) =	ssettm $0x1  }
0x91: {  	s18 =	sld [smem:$0x3FFB];
	_ =	sdelay $0x3  }
0x92: {  	_ =	strace s18  }
0x93: {  	s3 =	sld [smem:$0x3FFC];
	_ =	sdelay $0x3  }
0x94: {  	_ =	strace s3  }
0x95: {  	s3 =	sld [smem:$0x3FFD];
	_ =	sdelay $0x3  }
0x96: {  	_ =	strace s3  }
0x97: {  	_ =	strace $0x8FFFFFFF  }
0x98: {  	s19 =	sld [smem:$0x3FDB];
	_ =	sdelay $0x1  }
0x99: {  	s4 =	simm.s32 $_scs_section_size  }
0x9a: {  	s5 =	simm.s32 $_size__tile_overlayer_lowered;
	s6 =	simm.s32 $_tile_overlayer_lowered  }
0x9b: {  	s22 =	simm.s32 $0x1BFF;
	s21 =	sshll.u32 s6, $0x1;
	s3 =	sadd.s32 s4, s19  }
0x9c: {  	s7 =	simm.s32 $0x0;
	s20 =	sshll.u32 s5, $0x1;
	s5 =	sadd.s32 s21, s3  }
0x9d: {  	[timem:s7], [sflag:s22] =	dma.local [hbm:s5], s20  }
0x9e: {  	_ =	swait.ge [sflag:s22], s20  }
0x9f: {  	s4 =	ssub.s32 $0x0, s20;
	[sflag:s22] =	ssyncset.done $0x0  }
0xa0: {  	[sflag:s22] =	ssyncadd.s32 s4;
	_ =	sdelay $0x1  }
0xa1: {  	s23 =	simm.s32 $0x1B8B  }
0xa2: {  	_ =	swait.ge [sflag:s23], $0x1  }
0xa3: {  	[sflag:s23] =	ssyncset.done $0x0  }
0xa4: {  	s25 =	simm.s32 $0x1B8E;
	s24 =	sld [smem:$0x3FFE];
	[sflag:s23] =	ssyncadd.s32 $0xFFFFFFFF  }
0xa5: {  	s26 =	simm.s32 $execute0_lowered;
	[smem:$0x3FD2] =	sst s25  }
0xa6: {  	s5 =	sshll.u32 s26, $0x1;
	_ =	strace $0x8000004F;
	[dreg:$0x1] =	wrdreg $0xFFFFFFFF  }
0xa7: {  	s28 =	simm.s32 $_size_execute0_lowered;
	s3 =	sadd.s32 s3, s5;
	[dreg:$0x0] =	wrdreg $0x0  }
0xa8: {  	s5 =	sshll.u32 s28, $0x1;
	[dreg:$0x2] =	wrdreg s3  }
0xa9: {  	[dreg:$0x3] =	wrdreg s5  }
0xaa: {  	[dreg:$0x4] =	wrdreg $0xC0  }
0xab: {  	_ =	task [dreg:s7], $0x5FFFF  }
0xac: {  	[dreg:$0x1] =	wrdreg $0xFFFFFFFF  }
0xad: {  	[dreg:$0x0] =	wrdreg $0x60  }
0xae: {  	[dreg:$0x2] =	wrdreg s24  }
0xaf: {  	[dreg:$0x3] =	wrdreg s2  }
0xb0: {  	[dreg:$0x4] =	wrdreg $0x194100  }
0xb1: {  	[dreg:$0x5] =	wrdreg $0x9  }
0xb2: {  	_ =	task.clear_ibuf [dreg:s7], $0x6FFFF;
	_ =	strace $0x9000004F  }
0xb3: {  	s29 =	simm.s32 $0x9;
	_ =	strace $0x80000051  }
0xb4: {  	_ =	swait.ge [sflag:s29], $0x1  }
0xb5: {  	[sflag:s29] =	ssyncadd.s32 $0xFFFFFFFF  }
0xb6: {  	_ =	strace $0x90000051  }
0xb7: {  	_ =	sfence  }
0xb8: {  	s30 =	sld [smem:$0x0];
	_ =	sdelay $0x2  }
0xb9: {  	s31 =	sshll.u32 s1, $0xD;
	s1 =	sshrl.u32 s1, $0x2  }
0xba: {  	s3 =	sand.u32 $0x4000, s31;
	s1 =	sadd.s32 s1, s30  }
0xbb: {  	s0 =	sor.u32 s3, s0;
	s1 =	sshll.u32 s1, $0x11  }
0xbc: {  	s0 =	sor.u32 s1, s0  }
0xbd: {  	s0 =	sadd.s32 $0x8F2B, s0  }
0xbe: {  	[sflag:s0] =	ssyncadd.remote.s32 $0x1  }
0xbf: {  	_ =	sfence.sel $0xFFFF  }
0xc0: {  	[dreg:$0x0] =	wrdreg $0xFFFFFFFF;
	(pc) =	sbr.abs _section_cstart, $3  }
0xc1: {  	[dreg:$0x1] =	wrdreg $0xFFFFFFFF  }
0xc2: {  	_ =	task.clear_ibuf [dreg:s7], $0x2FFFF;
	_ =	strace $0x9FFFFFFF  }
0xc3: {  	(tm) =	ssettm $0x7FFFFFFF  }
tec
execute0_lowered:
.L_overlay_start_1:
0x0: {  	(tag) =	ssettag $0x1  }
0x1: {  	s1 =	srdreg.scid  }
0x2: {  	s0 =	rddreg [dreg:$0x0];
	s29 =	stileid.u32  }
0x3: {  	s30 =	simm.s32 $0xE100;
	s31 =	simm.s32 $0x30;
	s6 =	smul.u32 $0x2710, s29  }
0x4: {  	s3 =	sand.u32 $0x1, s1;
	s1 =	rddreg [dreg:$0x1];
	s20 =	smul.u32 $0x3AB0, s29  }
0x5: {  	s4 =	sadd.s32 $0x15200, s0;
	s7 =	sadd.s32 $0x8C00, s0;
	s11 =	smul.u32 $0x27100, s29  }
0x6: {  	p0 =	seq.s32 s29, $0xF;
	s2 =	ssub.s32 $0x2, s3;
	s3 =	smul.u32 $0x1388, s3  }
0x7: {  	s5 =	sshrl.u32 s2, $0x1;
	s16 =	sshrl.u32 s6, $0x3;
	s12 =	sadd.s32 $0x4B0, s6  }
0x8: {  	s13 =	sadd.s32 $0x960, s6;
	s19 =	sadd.s32 $0xE10, s6;
	s15 =	sadd.s32 $0x12C0, s6  }
0x9: {  	s11 =	sadd.s32 s4, s11;
	s2 =	ssub.s32 s2, s5;
	s5 =	sadd.s32 s7, s16  }
0xa: {  	s17 =	sshrl.u32 s12, $0x3;
	s8 =	sshrl.u32 s13, $0x3;
	s16 =	sadd.s32 $0x1770, s6  }
0xb: {  	s21 =	sshrl.u32 s19, $0x3;
	s9 =	sshrl.u32 s15, $0x3;
	s14 =	sshll.u32 s12, $0x4  }
0xc: {  	s13 =	sshll.u32 s13, $0x4;
	[dreg:$0x4] =	wrdreg s5;
	s5 =	sadd.s32 s7, s17  }
0xd: {  	s18 =	sadd.s32 s7, s8;
	s10 =	sshrl.u32 s16, $0x3;
	s8 =	sadd.s32 s7, s21  }
0xe: {  	s22 =	sadd.s32 s7, s9;
	s17 =	sadd.s32 $0x1C20, s6;
	[dreg:$0x5] =	wrdreg s5  }
0xf: {  	s12 =	sadd.s32 s4, s14;
	s13 =	sadd.s32 s4, s13;
	[dreg:$0x6] =	wrdreg s18  }
0x10: {  	s21 =	sshll.u32 s16, $0x4;
	s28 =	smax.u32 s2, $0x1;
	[dreg:$0x7] =	wrdreg s8  }
0x11: {  	s2 =	simm.s32 $0xE5B0;
	[dreg:$0x8] =	wrdreg s22;
	s23 =	sadd.s32 s7, s10  }
0x12: {  	s18 =	sadd.s32 $0x20D0, s6;
	s6 =	sadd.s32 $0x2580, s6;
	s24 =	sshrl.u32 s17, $0x3  }
0x13: {  	s10 =	simm.s32 $0x0;
	s5 =	sshll.u32 s19, $0x4;
	s19 =	sshll.u32 s15, $0x4  }
0x14: {  	s17 =	sshll.u32 s17, $0x4;
	s16 =	sadd.s32 s4, s21;
	s21 =	rddreg [dreg:$0x2]  }
0x15: {  	[dreg:$0x9] =	wrdreg s23;
	s25 =	sshrl.u32 s18, $0x3;
	s26 =	sshrl.u32 s6, $0x3  }
0x16: {  	s8 =	sadd.s32 s7, s24;
	s14 =	sadd.s32 s4, s5;
	s15 =	sadd.s32 s4, s19  }
0x17: {  	s17 =	sadd.s32 s4, s17;
	s22 =	sshll.u32 s18, $0x4;
	[smem:$0x7FF] =	sst s10  }
0x18: {  	s6 =	sshll.u32 s6, $0x4;
	s23 =	smul.u32 $0x139, s29;
	[dreg:$0xa] =	wrdreg s8  }
0x19: {  	s9 =	sadd.s32 s7, s25;
	s18 =	sadd.s32 s4, s22;
	s19 =	sadd.s32 s4, s6  }
0x1a: {  	s25 =	sshrl.u32 s20, $0x3;
	[dreg:$0xb] =	wrdreg s9;
	s9 =	sadd.s32 s7, s26  }
0x1b: {  	s24 =	sadd.s32 s23, s3;
	s5 =	sadd.s32 s25, s0;
	s23 =	sadd.s32 s20, s21  }
.Ltmp0:
0x1c: {  	s26 =	sshll.u32 s29, $0x6;
	s29 =	simm.s32 $0x1;
	(pc) =	sbr.rel .LBB2_1-.Ltmp0, $4  }
0x1d: {  	v0 =	vmov s3;
	s20 =	simm.s32 $0x80;
	s3 =	simm.s32 $0x16CF0;
	s4 =	sshll.u32 s24, $0x2  }
0x1e: {  	_ =	strace $0x80000050;
	s24 =	sadd.s32 $0xDC00, s5;
	s25 =	sor.u32 $0x1C01, s26  }
0x1f: {  	s0 =	sadd.s32 s4, s0;
	s22 =	sadd.s32 s1, s4;
	s1 =	simm.s32 $0x130B0  }
0x20: {  	s4 =	simm.s32 $0x0;
	s26 =	sadd.s32 $0x286200, s0;
	s0 =	simm.s32 $0x4B0  }
.LBB2_22:
0x21: {  	v1 =	vmax.f32 v1, $1.000000000e+00  }
0x22: {  	(erf) = vrcp.f32 v1;
	_ =	sdelay $0x4  }
0x23: {  	v1 =	vld [tilespmem:s5+$0xFFFFFFE0]  }
0x24: {  	s6 =	sshra.s32 s6, $0x2  }
0x25: {  	v2 =	vld [tilespmem:s6+$0x16CF0];
	_ =	sdelay $0x1  }
0x26: {  	v3 =	vpop (erf)  }
0x27: {  	v1 =	vmul.f32 v3, v1;
	_ =	sdelay $0x1  }
0x28: {  	v1 =	vadd.f32 v1, v2;
	_ =	sdelay $0x1  }
0x29: {  	v1 =	vmax.f32 v1, $0.0e+00  }
0x2a: {  	[tilespmem:s6+$0x16CF0] =	vst v1  }
0x2b: {  	v1 =	vld [tilespmem:s5+$0xFFFFFFF0];
	_ =	sdelay $0x1  }
0x2c: {  	v2 =	vld [tilespmem:s6+$0x16D00];
	_ =	sdelay $0x2  }
0x2d: {  	v1 =	vmul.f32 v1, v3;
	_ =	sdelay $0x1  }
0x2e: {  	v1 =	vadd.f32 v2, v1;
	_ =	sdelay $0x1  }
0x2f: {  	v1 =	vmax.f32 v1, $0.0e+00  }
0x30: {  	[tilespmem:s6+$0x16D00] =	vst v1  }
0x31: {  	[hbm4b:s26+s10] =	stream.linear.scatter [tilespmem:s3], [sflag:$0x1], $0x2720, $0x38;
	[tilespmem:$0x1CEC0] =	vst v63  }
0x32: {  	_ =	swait.ge [sflag:s29], $0x2720  }
0x33: {  	[sflag:s29] =	ssyncset.done $0x0  }
0x34: {  	[sflag:s29] =	ssyncadd.s32 $0xFFFFD8E0  }
.LBB2_26:
0x35: {  	s4 =	sadd.s32 $0x1, s4  }
0x36: {  	p1 =	sne.s32 s4, s28  }
.Ltmp1:
0x37: {  	_ = 	snop;
	(pc) =	sbr.rel @!p1 .LBB2_27-.Ltmp1, $1  }
0x38: {  	_ =	sdelay $0x3  }
.LBB2_1:
0x39: {  	s5 =	sshrl.u32 s23, $0x3  }
0x3a: {  	[spmem:s5], [sflag:s25] =	dma.local [hbm:s24], $0x756  }
0x3b: {  	_ =	swait.ge [sflag:s29], $0x756  }
0x3c: {  	[sflag:s29] =	ssyncset.done $0x0  }
0x3d: {  	[sflag:s29] =	ssyncadd.s32 $0xFFFFF8AA  }
0x3e: {  	[bflag:$0x0] =	sbarrier.arrive $0xFFFF  }
0x3f: {  	s8 =	rddreg [dreg:$0x4]  }
0x40: {  	[tilespmem:s30], [sflag:$0x1] =	stream.linear.gather [hbm4b:s8+s10], $0x4B0, $0x38;
	[tilespmem:$0x1CEC0] =	vst v63  }
0x41: {  	_ =	swait.ge [sflag:s29], $0x4B0  }
0x42: {  	[sflag:s29] =	ssyncset.done $0x0  }
0x43: {  	[sflag:s29] =	ssyncadd.s32 $0xFFFFFB50  }
0x44: {  	[tilespmem:s10], [sflag:$0x1] =	stream.strided.gather [hbm4b:s11+s31], $0xE100, s20, s31, $0x38;
	[tilespmem:$0x1CEC0] =	vst v63  }
0x45: {  	_ =	swait.ge [sflag:s29], $0xE100  }
0x46: {  	[sflag:s29] =	ssyncset.done $0x0  }
0x47: {  	s6 =	simm.s32 $0x40;
	s5 =	simm.s32 $0x0;
	[sflag:s29] =	ssyncadd.s32 $0xFFFF1F00  }
.LBB2_2:
0x48: {  	p1 =	sne.s32 s6, $0x1280;
	v1 =	vld [tilespmem:s5+$0xE100];
	_ =	sdelay $0x3  }
.Ltmp2:
0x49: {  	(pc) =	sbr.rel @p1 .LBB2_2-.Ltmp2, $4  }
0x4a: {  	v2 =	vsub.s32 v1, v0;
	v1 =	vand.u32 $0x7, v1  }
0x4b: {  	vm0 =	vlt.u32 v2, $0x1388;
	v1 =	vor.u32 $0x1388, v1  }
0x4c: {  	v1 =	vsel vm0, v2, v1  }
0x4d: {  	[tilespmem:s5+$0xE100] =	vst v1;
	s5 =	sshra.s32 s6, $0x2;
	s6 =	sadd.s32 $0x40, s6  }
0x4e: {  	v1 =	vld [tilespmem:s5+$0xE100];
	_ =	sdelay $0x4  }
0x4f: {  	v2 =	vsub.s32 v1, v0;
	v1 =	vand.u32 $0x7, v1  }
0x50: {  	vm0 =	vlt.u32 v2, $0x1388;
	v1 =	vor.u32 $0x1388, v1  }
0x51: {  	v1 =	vsel vm0, v2, v1  }
0x52: {  	s8 =	simm.s32 $0x0;
	[tilespmem:s5+$0xE100] =	vst v1  }
0x53: {  	[spmem:s21] =	stream.indirect.scatter.add.f32 [tilespmem:s8], [sflag:$0x1], $0x30, s30, s0, $0xb8;
	[tilespmem:$0x1CEC0] =	vst v63  }
0x54: {  	_ =	swait.ge [sflag:s29], $0xE100  }
0x55: {  	[sflag:s29] =	ssyncset.done $0x0  }
0x56: {  	s6 =	rddreg [dreg:$0x5];
	[sflag:s29] =	ssyncadd.s32 $0xFFFF1F00  }
0x57: {  	[tilespmem:s30], [sflag:$0x1] =	stream.linear.gather [hbm4b:s6+s8], $0x4B0, $0x38;
	[tilespmem:$0x1CEC0] =	vst v63  }
0x58: {  	_ =	swait.ge [sflag:s29], $0x4B0  }
0x59: {  	[sflag:s29] =	ssyncset.done $0x0  }
0x5a: {  	[sflag:s29] =	ssyncadd.s32 $0xFFFFFB50  }
0x5b: {  	[tilespmem:s8], [sflag:$0x1] =	stream.strided.gather [hbm4b:s12+s31], $0xE100, s20, s31, $0x38;
	[tilespmem:$0x1CEC0] =	vst v63  }
0x5c: {  	_ =	swait.ge [sflag:s29], $0xE100  }
0x5d: {  	[sflag:s29] =	ssyncset.done $0x0  }
0x5e: {  	s5 =	simm.s32 $0x0;
	s6 =	simm.s32 $0x40;
	[sflag:s29] =	ssyncadd.s32 $0xFFFF1F00  }
.LBB2_4:
0x5f: {  	p1 =	sne.s32 s6, $0x1280;
	v1 =	vld [tilespmem:s5+$0xE100];
	_ =	sdelay $0x3  }
.Ltmp3:
0x60: {  	(pc) =	sbr.rel @p1 .LBB2_4-.Ltmp3, $4  }
0x61: {  	v2 =	vsub.s32 v1, v0;
	v1 =	vand.u32 $0x7, v1  }
0x62: {  	vm0 =	vlt.u32 v2, $0x1388;
	v1 =	vor.u32 $0x1388, v1  }
0x63: {  	v1 =	vsel vm0, v2, v1  }
0x64: {  	[tilespmem:s5+$0xE100] =	vst v1;
	s5 =	sshra.s32 s6, $0x2;
	s6 =	sadd.s32 $0x40, s6  }
0x65: {  	v1 =	vld [tilespmem:s5+$0xE100];
	_ =	sdelay $0x4  }
0x66: {  	v2 =	vsub.s32 v1, v0;
	v1 =	vand.u32 $0x7, v1  }
0x67: {  	vm0 =	vlt.u32 v2, $0x1388;
	v1 =	vor.u32 $0x1388, v1  }
0x68: {  	v1 =	vsel vm0, v2, v1  }
0x69: {  	s8 =	simm.s32 $0x0;
	[tilespmem:s5+$0xE100] =	vst v1  }
0x6a: {  	[spmem:s21] =	stream.indirect.scatter.add.f32 [tilespmem:s8], [sflag:$0x1], $0x30, s30, s0, $0xb8;
	[tilespmem:$0x1CEC0] =	vst v63  }
0x6b: {  	_ =	swait.ge [sflag:s29], $0xE100  }
0x6c: {  	[sflag:s29] =	ssyncset.done $0x0  }
0x6d: {  	s6 =	rddreg [dreg:$0x6];
	[sflag:s29] =	ssyncadd.s32 $0xFFFF1F00  }
0x6e: {  	[tilespmem:s30], [sflag:$0x1] =	stream.linear.gather [hbm4b:s6+s8], $0x4B0, $0x38;
	[tilespmem:$0x1CEC0] =	vst v63  }
0x6f: {  	_ =	swait.ge [sflag:s29], $0x4B0  }
0x70: {  	[sflag:s29] =	ssyncset.done $0x0  }
0x71: {  	[sflag:s29] =	ssyncadd.s32 $0xFFFFFB50  }
0x72: {  	[tilespmem:s8], [sflag:$0x1] =	stream.strided.gather [hbm4b:s13+s31], $0xE100, s20, s31, $0x38;
	[tilespmem:$0x1CEC0] =	vst v63  }
0x73: {  	_ =	swait.ge [sflag:s29], $0xE100  }
0x74: {  	[sflag:s29] =	ssyncset.done $0x0  }
0x75: {  	s5 =	simm.s32 $0x0;
	s6 =	simm.s32 $0x40;
	[sflag:s29] =	ssyncadd.s32 $0xFFFF1F00  }
.LBB2_6:
0x76: {  	p1 =	sne.s32 s6, $0x1280;
	v1 =	vld [tilespmem:s5+$0xE100];
	_ =	sdelay $0x3  }
.Ltmp4:
0x77: {  	(pc) =	sbr.rel @p1 .LBB2_6-.Ltmp4, $4  }
0x78: {  	v2 =	vsub.s32 v1, v0;
	v1 =	vand.u32 $0x7, v1  }
0x79: {  	vm0 =	vlt.u32 v2, $0x1388;
	v1 =	vor.u32 $0x1388, v1  }
0x7a: {  	v1 =	vsel vm0, v2, v1  }
0x7b: {  	[tilespmem:s5+$0xE100] =	vst v1;
	s5 =	sshra.s32 s6, $0x2;
	s6 =	sadd.s32 $0x40, s6  }
0x7c: {  	v1 =	vld [tilespmem:s5+$0xE100];
	_ =	sdelay $0x4  }
0x7d: {  	v2 =	vsub.s32 v1, v0;
	v1 =	vand.u32 $0x7, v1  }
0x7e: {  	vm0 =	vlt.u32 v2, $0x1388;
	v1 =	vor.u32 $0x1388, v1  }
0x7f: {  	v1 =	vsel vm0, v2, v1  }
0x80: {  	s8 =	simm.s32 $0x0;
	[tilespmem:s5+$0xE100] =	vst v1  }
0x81: {  	[spmem:s21] =	stream.indirect.scatter.add.f32 [tilespmem:s8], [sflag:$0x1], $0x30, s30, s0, $0xb8;
	[tilespmem:$0x1CEC0] =	vst v63  }
0x82: {  	_ =	swait.ge [sflag:s29], $0xE100  }
0x83: {  	[sflag:s29] =	ssyncset.done $0x0  }
0x84: {  	s6 =	rddreg [dreg:$0x7];
	[sflag:s29] =	ssyncadd.s32 $0xFFFF1F00  }
0x85: {  	[tilespmem:s30], [sflag:$0x1] =	stream.linear.gather [hbm4b:s6+s8], $0x4B0, $0x38;
	[tilespmem:$0x1CEC0] =	vst v63  }
0x86: {  	_ =	swait.ge [sflag:s29], $0x4B0  }
0x87: {  	[sflag:s29] =	ssyncset.done $0x0  }
0x88: {  	[sflag:s29] =	ssyncadd.s32 $0xFFFFFB50  }
0x89: {  	[tilespmem:s8], [sflag:$0x1] =	stream.strided.gather [hbm4b:s14+s31], $0xE100, s20, s31, $0x38;
	[tilespmem:$0x1CEC0] =	vst v63  }
0x8a: {  	_ =	swait.ge [sflag:s29], $0xE100  }
0x8b: {  	[sflag:s29] =	ssyncset.done $0x0  }
0x8c: {  	s5 =	simm.s32 $0x0;
	s6 =	simm.s32 $0x40;
	[sflag:s29] =	ssyncadd.s32 $0xFFFF1F00  }
.LBB2_8:
0x8d: {  	p1 =	sne.s32 s6, $0x1280;
	v1 =	vld [tilespmem:s5+$0xE100];
	_ =	sdelay $0x3  }
.Ltmp5:
0x8e: {  	(pc) =	sbr.rel @p1 .LBB2_8-.Ltmp5, $4  }
0x8f: {  	v2 =	vsub.s32 v1, v0;
	v1 =	vand.u32 $0x7, v1  }
0x90: {  	vm0 =	vlt.u32 v2, $0x1388;
	v1 =	vor.u32 $0x1388, v1  }
0x91: {  	v1 =	vsel vm0, v2, v1  }
0x92: {  	[tilespmem:s5+$0xE100] =	vst v1;
	s5 =	sshra.s32 s6, $0x2;
	s6 =	sadd.s32 $0x40, s6  }
0x93: {  	v1 =	vld [tilespmem:s5+$0xE100];
	_ =	sdelay $0x4  }
0x94: {  	v2 =	vsub.s32 v1, v0;
	v1 =	vand.u32 $0x7, v1  }
0x95: {  	vm0 =	vlt.u32 v2, $0x1388;
	v1 =	vor.u32 $0x1388, v1  }
0x96: {  	v1 =	vsel vm0, v2, v1  }
0x97: {  	s8 =	simm.s32 $0x0;
	[tilespmem:s5+$0xE100] =	vst v1  }
0x98: {  	[spmem:s21] =	stream.indirect.scatter.add.f32 [tilespmem:s8], [sflag:$0x1], $0x30, s30, s0, $0xb8;
	[tilespmem:$0x1CEC0] =	vst v63  }
0x99: {  	_ =	swait.ge [sflag:s29], $0xE100  }
0x9a: {  	[sflag:s29] =	ssyncset.done $0x0  }
0x9b: {  	s6 =	rddreg [dreg:$0x8];
	[sflag:s29] =	ssyncadd.s32 $0xFFFF1F00  }
0x9c: {  	[tilespmem:s30], [sflag:$0x1] =	stream.linear.gather [hbm4b:s6+s8], $0x4B0, $0x38;
	[tilespmem:$0x1CEC0] =	vst v63  }
0x9d: {  	_ =	swait.ge [sflag:s29], $0x4B0  }
0x9e: {  	[sflag:s29] =	ssyncset.done $0x0  }
0x9f: {  	[sflag:s29] =	ssyncadd.s32 $0xFFFFFB50  }
0xa0: {  	[tilespmem:s8], [sflag:$0x1] =	stream.strided.gather [hbm4b:s15+s31], $0xE100, s20, s31, $0x38;
	[tilespmem:$0x1CEC0] =	vst v63  }
0xa1: {  	_ =	swait.ge [sflag:s29], $0xE100  }
0xa2: {  	[sflag:s29] =	ssyncset.done $0x0  }
0xa3: {  	s5 =	simm.s32 $0x0;
	s6 =	simm.s32 $0x40;
	[sflag:s29] =	ssyncadd.s32 $0xFFFF1F00  }
.LBB2_10:
0xa4: {  	p1 =	sne.s32 s6, $0x1280;
	v1 =	vld [tilespmem:s5+$0xE100];
	_ =	sdelay $0x3  }
.Ltmp6:
0xa5: {  	(pc) =	sbr.rel @p1 .LBB2_10-.Ltmp6, $4  }
0xa6: {  	v2 =	vsub.s32 v1, v0;
	v1 =	vand.u32 $0x7, v1  }
0xa7: {  	vm0 =	vlt.u32 v2, $0x1388;
	v1 =	vor.u32 $0x1388, v1  }
0xa8: {  	v1 =	vsel vm0, v2, v1  }
0xa9: {  	[tilespmem:s5+$0xE100] =	vst v1;
	s5 =	sshra.s32 s6, $0x2;
	s6 =	sadd.s32 $0x40, s6  }
0xaa: {  	v1 =	vld [tilespmem:s5+$0xE100];
	_ =	sdelay $0x4  }
0xab: {  	v2 =	vsub.s32 v1, v0;
	v1 =	vand.u32 $0x7, v1  }
0xac: {  	vm0 =	vlt.u32 v2, $0x1388;
	v1 =	vor.u32 $0x1388, v1  }
0xad: {  	v1 =	vsel vm0, v2, v1  }
0xae: {  	s8 =	simm.s32 $0x0;
	[tilespmem:s5+$0xE100] =	vst v1  }
0xaf: {  	[spmem:s21] =	stream.indirect.scatter.add.f32 [tilespmem:s8], [sflag:$0x1], $0x30, s30, s0, $0xb8;
	[tilespmem:$0x1CEC0] =	vst v63  }
0xb0: {  	_ =	swait.ge [sflag:s29], $0xE100  }
0xb1: {  	[sflag:s29] =	ssyncset.done $0x0  }
0xb2: {  	s6 =	rddreg [dreg:$0x9];
	[sflag:s29] =	ssyncadd.s32 $0xFFFF1F00  }
0xb3: {  	[tilespmem:s30], [sflag:$0x1] =	stream.linear.gather [hbm4b:s6+s8], $0x4B0, $0x38;
	[tilespmem:$0x1CEC0] =	vst v63  }
0xb4: {  	_ =	swait.ge [sflag:s29], $0x4B0  }
0xb5: {  	[sflag:s29] =	ssyncset.done $0x0  }
0xb6: {  	[sflag:s29] =	ssyncadd.s32 $0xFFFFFB50  }
0xb7: {  	[tilespmem:s8], [sflag:$0x1] =	stream.strided.gather [hbm4b:s16+s31], $0xE100, s20, s31, $0x38;
	[tilespmem:$0x1CEC0] =	vst v63  }
0xb8: {  	_ =	swait.ge [sflag:s29], $0xE100  }
0xb9: {  	[sflag:s29] =	ssyncset.done $0x0  }
0xba: {  	s5 =	simm.s32 $0x0;
	s6 =	simm.s32 $0x40;
	[sflag:s29] =	ssyncadd.s32 $0xFFFF1F00  }
.LBB2_12:
0xbb: {  	p1 =	sne.s32 s6, $0x1280;
	v1 =	vld [tilespmem:s5+$0xE100];
	_ =	sdelay $0x3  }
.Ltmp7:
0xbc: {  	(pc) =	sbr.rel @p1 .LBB2_12-.Ltmp7, $4  }
0xbd: {  	v2 =	vsub.s32 v1, v0;
	v1 =	vand.u32 $0x7, v1  }
0xbe: {  	vm0 =	vlt.u32 v2, $0x1388;
	v1 =	vor.u32 $0x1388, v1  }
0xbf: {  	v1 =	vsel vm0, v2, v1  }
0xc0: {  	[tilespmem:s5+$0xE100] =	vst v1;
	s5 =	sshra.s32 s6, $0x2;
	s6 =	sadd.s32 $0x40, s6  }
0xc1: {  	v1 =	vld [tilespmem:s5+$0xE100];
	_ =	sdelay $0x4  }
0xc2: {  	v2 =	vsub.s32 v1, v0;
	v1 =	vand.u32 $0x7, v1  }
0xc3: {  	vm0 =	vlt.u32 v2, $0x1388;
	v1 =	vor.u32 $0x1388, v1  }
0xc4: {  	v1 =	vsel vm0, v2, v1  }
0xc5: {  	s8 =	simm.s32 $0x0;
	[tilespmem:s5+$0xE100] =	vst v1  }
0xc6: {  	[spmem:s21] =	stream.indirect.scatter.add.f32 [tilespmem:s8], [sflag:$0x1], $0x30, s30, s0, $0xb8;
	[tilespmem:$0x1CEC0] =	vst v63  }
0xc7: {  	_ =	swait.ge [sflag:s29], $0xE100  }
0xc8: {  	[sflag:s29] =	ssyncset.done $0x0  }
0xc9: {  	s6 =	rddreg [dreg:$0xa];
	[sflag:s29] =	ssyncadd.s32 $0xFFFF1F00  }
0xca: {  	[tilespmem:s30], [sflag:$0x1] =	stream.linear.gather [hbm4b:s6+s8], $0x4B0, $0x38;
	[tilespmem:$0x1CEC0] =	vst v63  }
0xcb: {  	_ =	swait.ge [sflag:s29], $0x4B0  }
0xcc: {  	[sflag:s29] =	ssyncset.done $0x0  }
0xcd: {  	[sflag:s29] =	ssyncadd.s32 $0xFFFFFB50  }
0xce: {  	[tilespmem:s8], [sflag:$0x1] =	stream.strided.gather [hbm4b:s17+s31], $0xE100, s20, s31, $0x38;
	[tilespmem:$0x1CEC0] =	vst v63  }
0xcf: {  	_ =	swait.ge [sflag:s29], $0xE100  }
0xd0: {  	[sflag:s29] =	ssyncset.done $0x0  }
0xd1: {  	s5 =	simm.s32 $0x0;
	s6 =	simm.s32 $0x40;
	[sflag:s29] =	ssyncadd.s32 $0xFFFF1F00  }
.LBB2_14:
0xd2: {  	p1 =	sne.s32 s6, $0x1280;
	v1 =	vld [tilespmem:s5+$0xE100];
	_ =	sdelay $0x3  }
.Ltmp8:
0xd3: {  	(pc) =	sbr.rel @p1 .LBB2_14-.Ltmp8, $4  }
0xd4: {  	v2 =	vsub.s32 v1, v0;
	v1 =	vand.u32 $0x7, v1  }
0xd5: {  	vm0 =	vlt.u32 v2, $0x1388;
	v1 =	vor.u32 $0x1388, v1  }
0xd6: {  	v1 =	vsel vm0, v2, v1  }
0xd7: {  	[tilespmem:s5+$0xE100] =	vst v1;
	s5 =	sshra.s32 s6, $0x2;
	s6 =	sadd.s32 $0x40, s6  }
0xd8: {  	v1 =	vld [tilespmem:s5+$0xE100];
	_ =	sdelay $0x4  }
0xd9: {  	v2 =	vsub.s32 v1, v0;
	v1 =	vand.u32 $0x7, v1  }
0xda: {  	vm0 =	vlt.u32 v2, $0x1388;
	v1 =	vor.u32 $0x1388, v1  }
0xdb: {  	v1 =	vsel vm0, v2, v1  }
0xdc: {  	s8 =	simm.s32 $0x0;
	[tilespmem:s5+$0xE100] =	vst v1  }
0xdd: {  	[spmem:s21] =	stream.indirect.scatter.add.f32 [tilespmem:s8], [sflag:$0x1], $0x30, s30, s0, $0xb8;
	[tilespmem:$0x1CEC0] =	vst v63  }
0xde: {  	_ =	swait.ge [sflag:s29], $0xE100  }
0xdf: {  	[sflag:s29] =	ssyncset.done $0x0  }
0xe0: {  	s6 =	rddreg [dreg:$0xb];
	[sflag:s29] =	ssyncadd.s32 $0xFFFF1F00  }
0xe1: {  	[tilespmem:s30], [sflag:$0x1] =	stream.linear.gather [hbm4b:s6+s8], $0x4B0, $0x38;
	[tilespmem:$0x1CEC0] =	vst v63  }
0xe2: {  	_ =	swait.ge [sflag:s29], $0x4B0  }
0xe3: {  	[sflag:s29] =	ssyncset.done $0x0  }
0xe4: {  	[sflag:s29] =	ssyncadd.s32 $0xFFFFFB50  }
0xe5: {  	[tilespmem:s8], [sflag:$0x1] =	stream.strided.gather [hbm4b:s18+s31], $0xE100, s20, s31, $0x38;
	[tilespmem:$0x1CEC0] =	vst v63  }
0xe6: {  	_ =	swait.ge [sflag:s29], $0xE100  }
0xe7: {  	[sflag:s29] =	ssyncset.done $0x0  }
0xe8: {  	s5 =	simm.s32 $0x0;
	s6 =	simm.s32 $0x40;
	[sflag:s29] =	ssyncadd.s32 $0xFFFF1F00  }
.LBB2_16:
0xe9: {  	p1 =	sne.s32 s6, $0x1280;
	v1 =	vld [tilespmem:s5+$0xE100];
	_ =	sdelay $0x3  }
.Ltmp9:
0xea: {  	(pc) =	sbr.rel @p1 .LBB2_16-.Ltmp9, $4  }
0xeb: {  	v2 =	vsub.s32 v1, v0;
	v1 =	vand.u32 $0x7, v1  }
0xec: {  	vm0 =	vlt.u32 v2, $0x1388;
	v1 =	vor.u32 $0x1388, v1  }
0xed: {  	v1 =	vsel vm0, v2, v1  }
0xee: {  	[tilespmem:s5+$0xE100] =	vst v1;
	s5 =	sshra.s32 s6, $0x2;
	s6 =	sadd.s32 $0x40, s6  }
0xef: {  	v1 =	vld [tilespmem:s5+$0xE100];
	_ =	sdelay $0x4  }
0xf0: {  	v2 =	vsub.s32 v1, v0;
	v1 =	vand.u32 $0x7, v1  }
0xf1: {  	vm0 =	vlt.u32 v2, $0x1388;
	v1 =	vor.u32 $0x1388, v1  }
0xf2: {  	v1 =	vsel vm0, v2, v1  }
0xf3: {  	s8 =	simm.s32 $0x0;
	[tilespmem:s5+$0xE100] =	vst v1  }
0xf4: {  	[spmem:s21] =	stream.indirect.scatter.add.f32 [tilespmem:s8], [sflag:$0x1], $0x30, s30, s0, $0xb8;
	[tilespmem:$0x1CEC0] =	vst v63  }
0xf5: {  	_ =	swait.ge [sflag:s29], $0xE100  }
0xf6: {  	[sflag:s29] =	ssyncset.done $0x0  }
0xf7: {  	[sflag:s29] =	ssyncadd.s32 $0xFFFF1F00  }
0xf8: {  	[tilespmem:s1], [sflag:$0x1] =	stream.linear.gather [hbm4b:s9+s8], $0x190, $0x38;
	[tilespmem:$0x1CEC0] =	vst v63  }
0xf9: {  	_ =	swait.ge [sflag:s29], $0x190  }
0xfa: {  	[sflag:s29] =	ssyncset.done $0x0  }
0xfb: {  	[sflag:s29] =	ssyncadd.s32 $0xFFFFFE70  }
0xfc: {  	[tilespmem:s2], [sflag:$0x1] =	stream.strided.gather [hbm4b:s19+s31], $0x4B00, s20, s31, $0x38;
	[tilespmem:$0x1CEC0] =	vst v63  }
0xfd: {  	_ =	swait.ge [sflag:s29], $0x4B00  }
0xfe: {  	[sflag:s29] =	ssyncset.done $0x0  }
0xff: {  	s6 =	simm.s32 $0x40;
	s5 =	simm.s32 $0x0;
	[sflag:s29] =	ssyncadd.s32 $0xFFFFB500  }
.LBB2_18:
0x100: {  	p1 =	sne.s32 s6, $0x600;
	v1 =	vld [tilespmem:s5+$0x130B0];
	_ =	sdelay $0x3  }
.Ltmp10:
0x101: {  	(pc) =	sbr.rel @p1 .LBB2_18-.Ltmp10, $4  }
0x102: {  	v2 =	vsub.s32 v1, v0;
	v1 =	vand.u32 $0x7, v1  }
0x103: {  	vm0 =	vlt.u32 v2, $0x1388;
	v1 =	vor.u32 $0x1388, v1  }
0x104: {  	v1 =	vsel vm0, v2, v1  }
0x105: {  	[tilespmem:s5+$0x130B0] =	vst v1;
	s5 =	sshra.s32 s6, $0x2;
	s6 =	sadd.s32 $0x40, s6  }
0x106: {  	v1 =	vld [tilespmem:s5+$0x130B0];
	_ =	sdelay $0x4  }
0x107: {  	v2 =	vsub.s32 v1, v0;
	v1 =	vand.u32 $0x7, v1  }
0x108: {  	vm0 =	vlt.u32 v2, $0x1388;
	v1 =	vor.u32 $0x1388, v1  }
0x109: {  	v1 =	vsel vm0, v2, v1  }
0x10a: {  	s7 =	simm.s32 $0x190;
	[tilespmem:s5+$0x130B0] =	vst v1  }
0x10b: {  	[spmem:s21] =	stream.indirect.scatter.add.f32 [tilespmem:s2], [sflag:$0x1], $0x30, s1, s7, $0xb8;
	[tilespmem:$0x1CEC0] =	vst v63  }
0x10c: {  	_ =	swait.ge [sflag:s29], $0x4B00  }
0x10d: {  	[sflag:s29] =	ssyncset.done $0x0  }
0x10e: {  	[sflag:s29] =	ssyncadd.s32 $0xFFFFB500  }
.Ltmp11:
0x10f: {  	s8 =	simm.s32 $0x13240;
	[bflag:$0x0] =	sbarrier.arrive $0xFFFF;
	(pc) =	sbr.rel @!p0 .LBB2_20-.Ltmp11, $4  }
0x110: {  	[tilespmem:s8], [sflag:$0x1] =	stream.linear.gather [spmem:s23], $0x3AB0, $0x38;
	[tilespmem:$0x1CEC0] =	vst v63  }
0x111: {  	_ =	swait.ge [sflag:s29], $0x3AB0  }
0x112: {  	[sflag:s29] =	ssyncset.done $0x0  }
0x113: {  	s6 =	simm.s32 $0x0;
	[sflag:s29] =	ssyncadd.s32 $0xFFFFC550  }
0x114: {  	[tilespmem:s3], [sflag:$0x1] =	stream.linear.gather [hbm4b:s22+s6], $0x2620, $0x38;
	[tilespmem:$0x1CEC0] =	vst v63  }
0x115: {  	_ =	swait.ge [sflag:s29], $0x2620  }
0x116: {  	[sflag:s29] =	ssyncset.done $0x0  }
0x117: {  	s5 =	simm.s32 $0x13260;
	[sflag:s29] =	ssyncadd.s32 $0xFFFFD9E0  }
0x118: {  	s7 =	simm.s32 $0x80;
	v1 =	vld [tilespmem:s5+$0x0]  }
.LBB2_24:
0x119: {  	p1 =	sne.s32 s7, $0x9800;
	v2 =	vld [tilespmem:s5+$0xFFFFFFE0];
	_ =	sdelay $0x3  }
0x11a: {  	v1 =	vmax.f32 v1, $1.000000000e+00  }
0x11b: {  	(erf) = vrcp.f32 v1;
	_ =	sdelay $0x5  }
0x11c: {  	s8 =	sshra.s32 s6, $0x2;
	s6 =	smov.u32 s7  }
0x11d: {  	v1 =	vld [tilespmem:s8+$0x16CF0];
	_ =	sdelay $0x1  }
0x11e: {  	v3 =	vpop (erf)  }
0x11f: {  	v2 =	vmul.f32 v3, v2;
	_ =	sdelay $0x1  }
0x120: {  	v1 =	vadd.f32 v2, v1;
	_ =	sdelay $0x1  }
0x121: {  	v1 =	vmax.f32 v1, $0.0e+00  }
0x122: {  	[tilespmem:s8+$0x16CF0] =	vst v1  }
0x123: {  	v1 =	vld [tilespmem:s5+$0xFFFFFFF0];
	_ =	sdelay $0x1  }
0x124: {  	v2 =	vld [tilespmem:s8+$0x16D00];
	_ =	sdelay $0x2  }
0x125: {  	v1 =	vmul.f32 v1, v3;
	_ =	sdelay $0x1  }
.Ltmp12:
0x126: {  	v1 =	vadd.f32 v2, v1;
	(pc) =	sbr.rel @p1 .LBB2_24-.Ltmp12, $4  }
0x127: {  	_ = 	snop  }
0x128: {  	v1 =	vmax.f32 v1, $0.0e+00  }
0x129: {  	s5 =	sadd.s32 $0x30, s5;
	[tilespmem:s8+$0x16D00] =	vst v1  }
0x12a: {  	s7 =	sadd.s32 $0x80, s7;
	v1 =	vld [tilespmem:s5+$0x0]  }
0x12b: {  	_ =	sdelay $0x3  }
0x12c: {  	v1 =	vmax.f32 v1, $1.000000000e+00  }
0x12d: {  	(erf) = vrcp.f32 v1;
	_ =	sdelay $0x4  }
0x12e: {  	v1 =	vld [tilespmem:s5+$0xFFFFFFE0]  }
0x12f: {  	s6 =	sshra.s32 s6, $0x2  }
0x130: {  	v2 =	vld [tilespmem:s6+$0x16CF0];
	_ =	sdelay $0x1  }
0x131: {  	v3 =	vpop (erf)  }
0x132: {  	v1 =	vmul.f32 v3, v1;
	_ =	sdelay $0x1  }
0x133: {  	v1 =	vadd.f32 v1, v2;
	_ =	sdelay $0x1  }
0x134: {  	v1 =	vmax.f32 v1, $0.0e+00  }
0x135: {  	[tilespmem:s6+$0x16CF0] =	vst v1  }
0x136: {  	v1 =	vld [tilespmem:s5+$0xFFFFFFF0];
	_ =	sdelay $0x1  }
0x137: {  	v2 =	vld [tilespmem:s6+$0x16D00];
	_ =	sdelay $0x2  }
0x138: {  	v1 =	vmul.f32 v1, v3;
	_ =	sdelay $0x1  }
0x139: {  	v1 =	vadd.f32 v2, v1;
	_ =	sdelay $0x1  }
0x13a: {  	v1 =	vmax.f32 v1, $0.0e+00  }
.Ltmp13:
0x13b: {  	[tilespmem:s6+$0x16D00] =	vst v1;
	(pc) =	sbr.rel .LBB2_26-.Ltmp13, $4  }
0x13c: {  	[hbm4b:s26+s10] =	stream.linear.scatter [tilespmem:s3], [sflag:$0x1], $0x2620, $0x38;
	[tilespmem:$0x1CEC0] =	vst v63  }
0x13d: {  	_ =	swait.ge [sflag:s29], $0x2620  }
0x13e: {  	[sflag:s29] =	ssyncset.done $0x0  }
0x13f: {  	[sflag:s29] =	ssyncadd.s32 $0xFFFFD9E0  }
.LBB2_20:
0x140: {  	[tilespmem:s3], [sflag:$0x1] =	stream.linear.gather [hbm4b:s22+s6], $0x2720, $0x38;
	[tilespmem:$0x1CEC0] =	vst v63  }
0x141: {  	_ =	swait.ge [sflag:s29], $0x2720  }
0x142: {  	[sflag:s29] =	ssyncset.done $0x0  }
0x143: {  	s5 =	simm.s32 $0x13260;
	[sflag:s29] =	ssyncadd.s32 $0xFFFFD8E0  }
0x144: {  	s7 =	simm.s32 $0x80;
	v1 =	vld [tilespmem:s5+$0x0]  }
.LBB2_21:
0x145: {  	p1 =	sne.s32 s7, $0x9C00;
	v2 =	vld [tilespmem:s5+$0xFFFFFFE0];
	_ =	sdelay $0x3  }
0x146: {  	v1 =	vmax.f32 v1, $1.000000000e+00  }
0x147: {  	(erf) = vrcp.f32 v1;
	_ =	sdelay $0x5  }
0x148: {  	s8 =	sshra.s32 s6, $0x2;
	s6 =	smov.u32 s7  }
0x149: {  	v1 =	vld [tilespmem:s8+$0x16CF0];
	_ =	sdelay $0x1  }
0x14a: {  	v3 =	vpop (erf)  }
0x14b: {  	v2 =	vmul.f32 v3, v2;
	_ =	sdelay $0x1  }
0x14c: {  	v1 =	vadd.f32 v2, v1;
	_ =	sdelay $0x1  }
0x14d: {  	v1 =	vmax.f32 v1, $0.0e+00  }
0x14e: {  	[tilespmem:s8+$0x16CF0] =	vst v1  }
0x14f: {  	v1 =	vld [tilespmem:s5+$0xFFFFFFF0];
	_ =	sdelay $0x1  }
0x150: {  	v2 =	vld [tilespmem:s8+$0x16D00];
	_ =	sdelay $0x2  }
0x151: {  	v1 =	vmul.f32 v1, v3;
	_ =	sdelay $0x1  }
.Ltmp14:
0x152: {  	v1 =	vadd.f32 v2, v1;
	(pc) =	sbr.rel @p1 .LBB2_21-.Ltmp14, $4  }
0x153: {  	_ = 	snop  }
0x154: {  	v1 =	vmax.f32 v1, $0.0e+00  }
0x155: {  	s5 =	sadd.s32 $0x30, s5;
	[tilespmem:s8+$0x16D00] =	vst v1  }
0x156: {  	s7 =	sadd.s32 $0x80, s7;
	v1 =	vld [tilespmem:s5+$0x0]  }
.Ltmp15:
0x157: {  	_ = 	snop;
	(pc) =	sbr.rel .LBB2_22-.Ltmp15, $1  }
0x158: {  	_ =	sdelay $0x3  }
.LBB2_27:
0x159: {  	_ =	sfence.sel $0x180000  }
0x15a: {  	[bflag:$0x0] =	sbarrier.arrive $0xFFFF  }
0x15b: {  	_ =	strace $0x90000050  }
0x15c: {  	s0 =	stileid.u32;
	[bflag:$0x2] =	sbarrier.arrive $0xFFFF  }
0x15d: {  	p0 =	sne.s32 s0, $0x0;
	s0 =	rddreg [dreg:$0x3]  }
0x15e: {  	s0 =	sadd.s32 @!p0 $0x100000, s0  }
0x15f: {  	[sflag:s0] =	ssyncadd.tile.s32 @!p0 $0x1;
	_ =	shalt  }
.Lfunc_end2:
_tile_overlayer_lowered:
.L_overlay_start_2:
0x160: {  	(tag) =	ssettag $0x2  }
0x161: {  	s0 =	rddreg [dreg:$0x0];
	s2 =	stileid.u32  }
0x162: {  	s1 =	rddreg [dreg:$0x1];
	p0 =	sne.s32 s2, $0x0  }
0x163: {  	s3 =	rddreg [dreg:$0x2];
	[bflag:$0x3] =	sbarrier.arrive $0xFFFF;
	s2 =	simm.s32 @!p0 $0x1C01  }
0x164: {  	[timem:s3], [sflag:s2] =	dma.local @!p0 [hbm:s0], s1  }
0x165: {  	s0 =	simm.s32 @!p0 $0x1  }
0x166: {  	_ =	swait.ge @!p0 [sflag:s0], s1  }
0x167: {  	s1 =	ssub.s32 @!p0 $0x0, s1;
	[sflag:s0] =	ssyncset.done @!p0 $0x0  }
0x168: {  	[sflag:s0] =	ssyncadd.s32 @!p0 s1  }
0x169: {  	[bflag:$0x3] =	sbarrier.arrive $0xFFFF  }
0x16a: {  	_ =	shalt  }

</sc_bundles>
